<compile_context>
chip_gen: v7x
topology: tpu7x:2x2x1
jax: 0.10.2.dev20260603
libtpu: 0.0.44.dev20260713+nightly
codegen_flags: <defaults>
</compile_context>

<pallas_src>
import functools
import math

import numpy as np
import jax
import jax.numpy as jnp
from jax import lax
from jax.experimental import pallas as pl
from jax.experimental.pallas import tpu as pltpu
from jax.experimental.pallas import tpu_sc as plsc

DIM = 1024
NUM_HEADS = 16
HEAD_DIM = 64
KN = 32
SEQ = 2048
CQ = 8
NW = 32
HALF = 512
HPH = 8
SCALE = 1.0 / math.sqrt(HEAD_DIM)



def _cantor_coords_np(seq_len: int, depth: int = 8) -> np.ndarray:
    pos = np.arange(seq_len, dtype=np.float32)
    x = pos / np.float32(max(1, seq_len - 1))
    x = np.clip(x, np.float32(1e-06), np.float32(1.0 - 1e-06)).astype(np.float32)
    val = np.zeros_like(x)
    factor = np.float32(0.5)
    for _ in range(depth):
        xs = (x * np.float32(3.0)).astype(np.float32)
        digit = np.floor(xs).astype(np.int32)
        x = (xs - digit.astype(np.float32)).astype(np.float32)
        val = (val + (digit == 2).astype(np.float32) * factor).astype(np.float32)
        factor = np.float32(factor * np.float32(0.5))
    return np.clip(val, np.float32(0.0), np.float32(1.0))


@functools.lru_cache(maxsize=None)
def _task_table(seq_len: int, k: int):
    coords = _cantor_coords_np(seq_len)
    dist = np.abs(coords[:, None] - coords[None, :])
    routes = np.argsort(dist, axis=-1, kind="stable")[:, :k].astype(np.int32)

    _, inv = np.unique(coords, return_inverse=True)
    ngroups = int(inv.max()) + 1
    task_kv, task_q = [], []
    for g in range(ngroups):
        members = np.where(inv == g)[0].astype(np.int32)
        rg = routes[members[0]]
        for c0 in range(0, len(members), CQ):
            chunk = members[c0:c0 + CQ]
            if len(chunk) < CQ:
                chunk = np.concatenate(
                    [chunk, np.full(CQ - len(chunk), chunk[0], np.int32)])
            task_kv.append(rg)
            task_q.append(chunk)
    task_kv = np.stack(task_kv).astype(np.int32)
    task_q = np.stack(task_q).astype(np.int32)
    return task_kv, task_q



_BM = 256
_BN = 256


def _qkv_body(x_ref, w_ref, b_ref, o_ref):
    s = pl.program_id(0)
    j = pl.program_id(2)
    acc = jnp.dot(x_ref[...], w_ref[...], preferred_element_type=jnp.float32,
                  precision=lax.Precision.DEFAULT)
    acc = acc + b_ref[s, pl.ds(j * _BN, _BN)][None, :]
    scale = jnp.where(s == 0, jnp.float32(SCALE), jnp.float32(1.0))
    o_ref[...] = (acc * scale)[None]


def _qkv_proj(x, Wqkv, bqkv):
    nj = DIM // _BN
    b2 = bqkv.reshape(3, DIM)
    return pl.pallas_call(
        _qkv_body,
        grid=(3, SEQ // _BM, nj),
        in_specs=[
            pl.BlockSpec((_BM, DIM), lambda s, i, j: (i, 0)),
            pl.BlockSpec((DIM, _BN), lambda s, i, j: (0, s * nj + j)),
            pl.BlockSpec((3, DIM), lambda s, i, j: (0, 0)),
        ],
        out_specs=pl.BlockSpec(
            (1, _BM, _BN), lambda s, i, j: (s * 2 + j // 2, i, j % 2)),
        out_shape=jax.ShapeDtypeStruct((6, SEQ, HALF), jnp.float32),
    )(x, Wqkv, b2)


def _proj_body(a0_ref, a1_ref, w_ref, b_ref, o_ref):
    acc = jnp.dot(a0_ref[...], w_ref[0:HALF, :],
                  preferred_element_type=jnp.float32,
                  precision=lax.Precision.DEFAULT)
    acc = acc + jnp.dot(a1_ref[...], w_ref[HALF:DIM, :],
                        preferred_element_type=jnp.float32,
                        precision=lax.Precision.DEFAULT)
    o_ref[...] = acc + b_ref[...]


def _out_proj(attn0, attn1, Wout, bout):
    return pl.pallas_call(
        _proj_body,
        grid=(SEQ // _BM, DIM // _BN),
        in_specs=[
            pl.BlockSpec((_BM, HALF), lambda i, j: (i, 0)),
            pl.BlockSpec((_BM, HALF), lambda i, j: (i, 0)),
            pl.BlockSpec((DIM, _BN), lambda i, j: (0, j)),
            pl.BlockSpec((1, _BN), lambda i, j: (0, j)),
        ],
        out_specs=pl.BlockSpec((_BM, _BN), lambda i, j: (i, j)),
        out_shape=jax.ShapeDtypeStruct((SEQ, DIM), jnp.float32),
    )(attn0, attn1, Wout, bout.reshape(1, DIM))



def _sc_attention(qkv6, tkv, tq, n_tasks):
    mesh = plsc.VectorSubcoreMesh(core_axis_name="c", subcore_axis_name="s")
    npairs = (n_tasks + NW - 1) // NW

    f32 = jnp.float32
    i32 = jnp.int32

    @functools.partial(
        pl.kernel,
        out_type=[jax.ShapeDtypeStruct((SEQ, HALF), f32),
                  jax.ShapeDtypeStruct((SEQ, HALF), f32)],
        mesh=mesh,
        compiler_params=pltpu.CompilerParams(
            use_tc_tiling_on_sc=False, needs_layout_passes=False),
        scratch_types=[
            pltpu.VMEM((KN, HALF), f32), pltpu.VMEM((KN, HALF), f32),
            pltpu.VMEM((KN, HALF), f32), pltpu.VMEM((KN, HALF), f32),
            pltpu.VMEM((CQ, HALF), f32), pltpu.VMEM((CQ, HALF), f32),
            pltpu.VMEM((CQ, HALF), f32), pltpu.VMEM((CQ, HALF), f32),
            pltpu.VMEM((CQ, KN), f32),
            pltpu.VMEM((HALF * 33,), f32),
            pltpu.VMEM((KN,), i32), pltpu.VMEM((KN,), i32),
            pltpu.VMEM((CQ,), i32), pltpu.VMEM((CQ,), i32),
            pltpu.VMEM((CQ,), i32), pltpu.VMEM((CQ,), i32),
            pltpu.SemaphoreType.DMA, pltpu.SemaphoreType.DMA,
            pltpu.SemaphoreType.DMA, pltpu.SemaphoreType.DMA,
        ],
    )
    def kern(q0_h, q1_h, k0_h, k1_h, v0_h, v1_h, tkv_h, tq_h,
             out0_h, out1_h,
             kb0, kb1, vb0, vb1, qb0, qb1, ob0, ob1, wbuf, ktr,
             kvi0, kvi1, qi0, qi1, oqi0, oqi1, si0, si1, so0, so1):
        wid = lax.axis_index("s") * 2 + lax.axis_index("c")
        jv0 = lax.iota(i32, 16)
        jv1 = jv0 + 16

        q_h = (q0_h, q1_h)
        k_h = (k0_h, k1_h)
        v_h = (v0_h, v1_h)
        out_h = (out0_h, out1_h)
        kb = (kb0, kb1)
        vb = (vb0, vb1)
        qb = (qb0, qb1)
        ob = (ob0, ob1)
        kvi = (kvi0, kvi1)
        qi = (qi0, qi1)
        oqi = (oqi0, oqi1)
        si = (si0, si1)
        so = (so0, so1)

        ntask_me = (n_tasks - wid + NW - 1) // NW

        def issue_in(p, t):
            pltpu.sync_copy(tkv_h.at[t], kvi[p])
            pltpu.sync_copy(tq_h.at[t], qi[p])
            pltpu.async_copy(k_h[p].at[kvi[p]], kb[p], si[p])
            pltpu.async_copy(v_h[p].at[kvi[p]], vb[p], si[p])
            pltpu.async_copy(q_h[p].at[qi[p]], qb[p], si[p])

        def drain_in(p):
            pltpu.make_async_copy(k_h[p].at[kvi[p]], kb[p], si[p]).wait()
            pltpu.make_async_copy(v_h[p].at[kvi[p]], vb[p], si[p]).wait()
            pltpu.make_async_copy(q_h[p].at[qi[p]], qb[p], si[p]).wait()

        def drain_out(p):
            pltpu.make_async_copy(ob[p], out_h[p].at[oqi[p]], so[p]).wait()

        dl33 = lax.iota(i32, 16) * 33

        def compute(p):
            kbuf, vbuf, qbuf, obuf = kb[p], vb[p], qb[p], ob[p]

            def tr_body(j, carry):
                for c in range(KN):
                    vec = kbuf[j, pl.ds(c * 16, 16)]
                    plsc.store_scatter(ktr, [dl33 + (c * 528 + j)], vec)
                return carry

            lax.fori_loop(0, KN, tr_body, 0)

            def head_body(h, hcarry):
                base = h * HEAD_DIM

                def d_body(d, carry):
                    col33 = carry[0]
                    col = base + d
                    cvec = jnp.full((16,), col, i32)
                    kd0 = ktr[pl.ds(col33, 16)]
                    kd1 = ktr[pl.ds(col33 + 16, 16)]
                    acc = carry[1:]
                    new = [col33 + 33]
                    for q_ in range(CQ):
                        qs = plsc.load_gather(
                            qbuf, [jnp.full((16,), q_, i32), cvec])
                        new.append(acc[2 * q_] + kd0 * qs)
                        new.append(acc[2 * q_ + 1] + kd1 * qs)
                    return tuple(new)

                zero16 = jnp.zeros((16,), f32)
                carry = lax.fori_loop(
                    0, HEAD_DIM, d_body,
                    (base * 33,) + tuple(zero16 for _ in range(2 * CQ)))
                acc = carry[1:]

                ms = [jnp.maximum(jnp.max(acc[2 * q_]), jnp.max(acc[2 * q_ + 1]))
                      for q_ in range(CQ)]
                es = [(jnp.exp(acc[2 * q_] - ms[q_]),
                       jnp.exp(acc[2 * q_ + 1] - ms[q_]))
                      for q_ in range(CQ)]
                sums = [jnp.sum(e0) + jnp.sum(e1) for (e0, e1) in es]
                ones = jnp.full((16,), 1.0, f32)
                rs = [ones / (ones * sums[q_]) for q_ in range(CQ)]
                for q_ in range(CQ):
                    wbuf[q_, 0:16] = es[q_][0] * rs[q_]
                    wbuf[q_, 16:32] = es[q_][1] * rs[q_]

                def j_body(j, oacc):
                    vj = [vbuf[j, pl.ds(base + 16 * c, 16)] for c in range(4)]
                    jvec = jnp.full((16,), j, i32)
                    new = list(oacc)
                    for q_ in range(CQ):
                        ws = plsc.load_gather(
                            wbuf, [jnp.full((16,), q_, i32), jvec])
                        for c in range(4):
                            new[4 * q_ + c] = new[4 * q_ + c] + vj[c] * ws
                    return tuple(new)

                oacc = lax.fori_loop(0, KN, j_body,
                                     tuple(zero16 for _ in range(4 * CQ)))
                for q_ in range(CQ):
                    for c in range(4):
                        obuf[q_, pl.ds(base + 16 * c, 16)] = oacc[4 * q_ + c]
                return hcarry

            lax.fori_loop(0, HPH, head_body, 0)

        def pair_body(i2, carry):
            t = i2 * NW + wid
            tn = t + NW
            real = i2 < ntask_me

            @pl.when(real)
            def _():
                drain_in(0)

            @pl.when(real)
            def _():
                issue_in(1, t)

            @pl.when(real)
            def _():
                @pl.when(i2 >= 1)
                def _():
                    drain_out(0)
                compute(0)
                pltpu.sync_copy(tq_h.at[t], oqi[0])
                pltpu.async_copy(ob[0], out_h[0].at[oqi[0]], so[0])

            @pl.when(real)
            def _():
                drain_in(1)

            @pl.when(i2 + 1 < ntask_me)
            def _():
                issue_in(0, tn)

            @pl.when(real)
            def _():
                @pl.when(i2 >= 1)
                def _():
                    drain_out(1)
                compute(1)
                pltpu.sync_copy(tq_h.at[t], oqi[1])
                pltpu.async_copy(ob[1], out_h[1].at[oqi[1]], so[1])

            return carry

        issue_in(0, wid)
        lax.fori_loop(0, npairs, pair_body, 0)
        drain_out(0)
        drain_out(1)

    return kern(qkv6[0], qkv6[1], qkv6[2], qkv6[3], qkv6[4], qkv6[5], tkv, tq)



def kernel(x, Wqkv, bqkv, Wout, bout):
    batch, seq_len, dim = x.shape
    tkv_np, tq_np = _task_table(seq_len, KN)
    n_tasks = tkv_np.shape[0]
    tkv = jnp.asarray(tkv_np)
    tq = jnp.asarray(tq_np)

    qkv6 = _qkv_proj(x.reshape(seq_len, dim), Wqkv, bqkv)
    attn0, attn1 = _sc_attention(qkv6, tkv, tq, n_tasks)
    out = _out_proj(attn0, attn1, Wout, bout)
    return out.reshape(batch, seq_len, dim)

# --- scband reference (transcript-rebuilt; emitter-appended) ---
"""Pipeline reference for scband-organized-scale-fusion-21028159881495 (READ-ONLY COPY).

The authoritative reference and input builder live on the scoring server;
editing this copy changes nothing except your own understanding.
"""

import jax, jax.numpy as jnp
import numpy as np
import math

DIM = 1024
NUM_HEADS = 16
HEAD_DIM = 64
K_NEIGHBORS = 32
BATCH = 1
SEQ_LEN = 2048


def _compute_cantor_coord_vectorized(positions, seq_len, depth=8):
    x = positions.astype(jnp.float32) / max(1, seq_len - 1)
    x = jnp.clip(x, 1e-06, 1.0 - 1e-06)
    cantor_val = jnp.zeros_like(x)
    factor = 0.5
    for _ in range(depth):
        x_scaled = x * 3.0
        digit = jnp.floor(x_scaled).astype(jnp.int32)
        x_frac = x_scaled - digit.astype(jnp.float32)
        middle_bit = (digit == 2).astype(jnp.float32)
        cantor_val = cantor_val + middle_bit * factor
        x = x_frac
        factor = factor * 0.5
    return jnp.clip(cantor_val, 0.0, 1.0)


def _build_positional_routes(seq_len, k):
    positions = jnp.arange(seq_len)
    coords = _compute_cantor_coord_vectorized(positions, seq_len)
    distances = jnp.abs(coords[:, None] - coords[None, :])
    # topk smallest == topk largest of negated distances
    _, routes = jax.lax.top_k(-distances, k)
    return routes.astype(jnp.int32)


def setup_inputs(seed: int = 0) -> dict:
    key = jax.random.key(seed)
    k1, k2, k3, k4, k5 = jax.random.split(key, 5)
    x = jax.random.normal(k1, (BATCH, SEQ_LEN, DIM), dtype=jnp.float32)
    Wqkv = jax.random.normal(k2, (DIM, 3 * DIM), dtype=jnp.float32) * 0.02
    bqkv = jnp.zeros((3 * DIM,), dtype=jnp.float32)
    Wout = jax.random.normal(k3, (DIM, DIM), dtype=jnp.float32) * 0.02
    bout = jnp.zeros((DIM,), dtype=jnp.float32)
    return {"x": x, "Wqkv": Wqkv, "bqkv": bqkv, "Wout": Wout, "bout": bout}


def reference(x, Wqkv, bqkv, Wout, bout):
    batch_size, seq_len, dim = x.shape
    num_heads = NUM_HEADS
    head_dim = HEAD_DIM
    scale = 1.0 / math.sqrt(head_dim)

    routes = _build_positional_routes(seq_len, K_NEIGHBORS)  # [S, K] int32

    qkv = x @ Wqkv + bqkv  # [B, S, 3*dim]
    qkv = qkv.reshape(batch_size, seq_len, 3, num_heads, head_dim)
    qkv = jnp.transpose(qkv, (2, 0, 3, 1, 4))  # [3, B, H, S, hd]
    q, k_, v = qkv[0], qkv[1], qkv[2]

    # gather routed keys/values: [B, H, S, K, hd]
    k_gathered = jnp.take(k_, routes, axis=2)
    v_gathered = jnp.take(v_, routes, axis=2) if False else jnp.take(v, routes, axis=2)

    scores = jnp.einsum('bhqd,bhqkd->bhqk', q, k_gathered) * scale
    attn_weights = jax.nn.softmax(scores, axis=-1)
    output = jnp.einsum('bhqk,bhqkd->bhqd', attn_weights, v_gathered)

    output = jnp.transpose(output, (0, 2, 1, 3)).reshape(batch_size, seq_len, dim)
    output = output @ Wout + bout
    return output

if __name__ == "__main__":
    import jax
    _d = setup_inputs()
    print(jax.jit(kernel)(*tuple(_d.values())))

</pallas_src>

<mosaic_0001>
#map = affine_map<(d0, d1) -> (0, 0)>
module attributes {stable_mosaic.version = 14 : i64} {
  func.func @kern(%arg0: i32, %arg1: i32, %arg2: memref<2048x512xf32, #tpu.memory_space<hbm>>, %arg3: memref<2048x512xf32, #tpu.memory_space<hbm>>, %arg4: memref<2048x512xf32, #tpu.memory_space<hbm>>, %arg5: memref<2048x512xf32, #tpu.memory_space<hbm>>, %arg6: memref<2048x512xf32, #tpu.memory_space<hbm>>, %arg7: memref<2048x512xf32, #tpu.memory_space<hbm>>, %arg8: memref<391x32xi32, #tpu.memory_space<hbm>>, %arg9: memref<391x8xi32, #tpu.memory_space<hbm>>, %arg10: memref<2048x512xf32, #tpu.memory_space<hbm>>, %arg11: memref<2048x512xf32, #tpu.memory_space<hbm>>, %arg12: memref<32x512xf32, #tpu.memory_space<vmem>>, %arg13: memref<32x512xf32, #tpu.memory_space<vmem>>, %arg14: memref<32x512xf32, #tpu.memory_space<vmem>>, %arg15: memref<32x512xf32, #tpu.memory_space<vmem>>, %arg16: memref<8x512xf32, #tpu.memory_space<vmem>>, %arg17: memref<8x512xf32, #tpu.memory_space<vmem>>, %arg18: memref<8x512xf32, #tpu.memory_space<vmem>>, %arg19: memref<8x512xf32, #tpu.memory_space<vmem>>, %arg20: memref<8x32xf32, #tpu.memory_space<vmem>>, %arg21: memref<16896xf32, #tpu.memory_space<vmem>>, %arg22: memref<32xi32, #tpu.memory_space<vmem>>, %arg23: memref<32xi32, #tpu.memory_space<vmem>>, %arg24: memref<8xi32, #tpu.memory_space<vmem>>, %arg25: memref<8xi32, #tpu.memory_space<vmem>>, %arg26: memref<8xi32, #tpu.memory_space<vmem>>, %arg27: memref<8xi32, #tpu.memory_space<vmem>>, %arg28: memref<!tpu.dma_semaphore, #tpu.memory_space<semaphore_mem>>, %arg29: memref<!tpu.dma_semaphore, #tpu.memory_space<semaphore_mem>>, %arg30: memref<!tpu.dma_semaphore, #tpu.memory_space<semaphore_mem>>, %arg31: memref<!tpu.dma_semaphore, #tpu.memory_space<semaphore_mem>>) attributes {dimension_semantics = [#tpu.dimension_semantics<core_parallel>, #tpu.dimension_semantics<subcore_parallel>], iteration_bounds = array<i64: 2, 16>, scalar_prefetch = 0 : i64, scratch_operands = 20 : i64, tpu.core_type = #tpu.core_type<sc_vector_subcore>, window_params = [{transform_indices = #map}, {transform_indices = #map}, {transform_indices = #map}, {transform_indices = #map}, {transform_indices = #map}, {transform_indices = #map}, {transform_indices = #map}, {transform_indices = #map}, {transform_indices = #map}, {transform_indices = #map}]} {
    %mul3A = arith.constant 2 : i32
    %mul3A_0 = arith.muli %arg1, %mul3A : i32
    %add3A = arith.addi %mul3A_0, %arg0 : i32
    %iota3A = tpu.iota {dimensions = array<i32: 0>} : vector<16xi32>
    %add3A_1 = arith.constant 16 : i32
    %add3A_2 = vector.broadcast %add3A_1 : i32 to vector<16xi32>
    %add3A_3 = arith.addi %iota3A, %add3A_2 : vector<16xi32>
    %sub3A = arith.constant 391 : i32
    %sub3A_4 = arith.subi %sub3A, %add3A : i32
    %add3A_5 = arith.constant 32 : i32
    %add3A_6 = arith.addi %sub3A_4, %add3A_5 : i32
    %sub3A_7 = arith.constant 1 : i32
    %sub3A_8 = arith.subi %add3A_6, %sub3A_7 : i32
    %jit3A = arith.constant 32 : i32
    %div3A = arith.divsi %sub3A_8, %jit3A : i32
    %sign3A = arith.constant 0 : i32
    %sign3A_9 = arith.cmpi sgt, %sub3A_8, %sign3A : i32
    %sign3A_10 = arith.extui %sign3A_9 : i1 to i32
    %sign3A_11 = arith.constant 0 : i32
    %sign3A_12 = arith.cmpi slt, %sub3A_8, %sign3A_11 : i32
    %sign3A_13 = arith.extui %sign3A_12 : i1 to i32
    %sign3A_14 = arith.subi %sign3A_10, %sign3A_13 : i32
    %sign3A_15 = arith.constant 0 : i32
    %sign3A_16 = arith.cmpi sgt, %jit3A, %sign3A_15 : i32
    %sign3A_17 = arith.extui %sign3A_16 : i1 to i32
    %sign3A_18 = arith.constant 0 : i32
    %sign3A_19 = arith.cmpi slt, %jit3A, %sign3A_18 : i32
    %sign3A_20 = arith.extui %sign3A_19 : i1 to i32
    %sign3A_21 = arith.subi %sign3A_17, %sign3A_20 : i32
    %ne3A = arith.cmpi ne, %sign3A_14, %sign3A_21 : i32
    %rem3A = arith.remsi %sub3A_8, %jit3A : i32
    %ne3A_22 = arith.constant 0 : i32
    %ne3A_23 = arith.cmpi ne, %rem3A, %ne3A_22 : i32
    %and3A = arith.andi %ne3A, %ne3A_23 : i1
    %sub3A_24 = arith.constant 1 : i32
    %sub3A_25 = arith.subi %div3A, %sub3A_24 : i32
    %select_n3A = arith.select %and3A, %sub3A_25, %div3A : i32
    %iota3A_26 = tpu.iota {dimensions = array<i32: 0>} : vector<16xi32>
    %mul3A_27 = arith.constant 33 : i32
    %mul3A_28 = vector.broadcast %mul3A_27 : i32 to vector<16xi32>
    %mul3A_29 = arith.muli %iota3A_26, %mul3A_28 : vector<16xi32>
    "tpu.region"() ({
      %run_scoped3A = tpu.sem_alloc : memref<!tpu.dma_semaphore, #tpu.memory_space<semaphore_mem>>
      %dma_start3A_48 = arith.constant 0 : i32
      %dma_start3A_49 = tpu.memref_slice %arg8[%add3A, %dma_start3A_48] : memref<391x32xi32, #tpu.memory_space<hbm>> -> memref<1x32xi32, #tpu.memory_space<hbm>>
      %dma_start3A_50 = tpu.memref_squeeze %dma_start3A_49 : memref<1x32xi32, #tpu.memory_space<hbm>> -> memref<32xi32, #tpu.memory_space<hbm>>
      %dma_start3A_51 = arith.constant 0 : i32
      %dma_start3A_52 = tpu.memref_slice %arg8[%add3A, %dma_start3A_51] : memref<391x32xi32, #tpu.memory_space<hbm>> -> memref<1x32xi32, #tpu.memory_space<hbm>>
      %dma_start3A_53 = tpu.memref_squeeze %dma_start3A_52 : memref<1x32xi32, #tpu.memory_space<hbm>> -> memref<32xi32, #tpu.memory_space<hbm>>
      tpu.enqueue_dma source(%dma_start3A_53 : memref<32xi32, #tpu.memory_space<hbm>>) target(%arg22 : memref<32xi32, #tpu.memory_space<vmem>>) target_semaphore(%run_scoped3A : memref<!tpu.dma_semaphore, #tpu.memory_space<semaphore_mem>>)
      %dma_wait3A_54 = arith.constant 0 : i32
      %dma_wait3A_55 = tpu.memref_slice %arg8[%add3A, %dma_wait3A_54] : memref<391x32xi32, #tpu.memory_space<hbm>> -> memref<1x32xi32, #tpu.memory_space<hbm>>
      %dma_wait3A_56 = tpu.memref_squeeze %dma_wait3A_55 : memref<1x32xi32, #tpu.memory_space<hbm>> -> memref<32xi32, #tpu.memory_space<hbm>>
      %dma_wait3A_57 = arith.constant 0 : i32
      %dma_wait3A_58 = tpu.memref_slice %arg8[%add3A, %dma_wait3A_57] : memref<391x32xi32, #tpu.memory_space<hbm>> -> memref<1x32xi32, #tpu.memory_space<hbm>>
      %dma_wait3A_59 = tpu.memref_squeeze %dma_wait3A_58 : memref<1x32xi32, #tpu.memory_space<hbm>> -> memref<32xi32, #tpu.memory_space<hbm>>
      tpu.wait_dma2 semaphore(%run_scoped3A : memref<!tpu.dma_semaphore, #tpu.memory_space<semaphore_mem>>) src(%dma_wait3A_59 : memref<32xi32, #tpu.memory_space<hbm>>) dst(%arg22 : memref<32xi32, #tpu.memory_space<vmem>>)
      tpu.yield
    }) : () -> ()
    "tpu.region"() ({
      %run_scoped3A = tpu.sem_alloc : memref<!tpu.dma_semaphore, #tpu.memory_space<semaphore_mem>>
      %dma_start3A_48 = arith.constant 0 : i32
      %dma_start3A_49 = tpu.memref_slice %arg9[%add3A, %dma_start3A_48] : memref<391x8xi32, #tpu.memory_space<hbm>> -> memref<1x8xi32, #tpu.memory_space<hbm>>
      %dma_start3A_50 = tpu.memref_squeeze %dma_start3A_49 : memref<1x8xi32, #tpu.memory_space<hbm>> -> memref<8xi32, #tpu.memory_space<hbm>>
      %dma_start3A_51 = arith.constant 0 : i32
      %dma_start3A_52 = tpu.memref_slice %arg9[%add3A, %dma_start3A_51] : memref<391x8xi32, #tpu.memory_space<hbm>> -> memref<1x8xi32, #tpu.memory_space<hbm>>
      %dma_start3A_53 = tpu.memref_squeeze %dma_start3A_52 : memref<1x8xi32, #tpu.memory_space<hbm>> -> memref<8xi32, #tpu.memory_space<hbm>>
      tpu.enqueue_dma source(%dma_start3A_53 : memref<8xi32, #tpu.memory_space<hbm>>) target(%arg24 : memref<8xi32, #tpu.memory_space<vmem>>) target_semaphore(%run_scoped3A : memref<!tpu.dma_semaphore, #tpu.memory_space<semaphore_mem>>)
      %dma_wait3A_54 = arith.constant 0 : i32
      %dma_wait3A_55 = tpu.memref_slice %arg9[%add3A, %dma_wait3A_54] : memref<391x8xi32, #tpu.memory_space<hbm>> -> memref<1x8xi32, #tpu.memory_space<hbm>>
      %dma_wait3A_56 = tpu.memref_squeeze %dma_wait3A_55 : memref<1x8xi32, #tpu.memory_space<hbm>> -> memref<8xi32, #tpu.memory_space<hbm>>
      %dma_wait3A_57 = arith.constant 0 : i32
      %dma_wait3A_58 = tpu.memref_slice %arg9[%add3A, %dma_wait3A_57] : memref<391x8xi32, #tpu.memory_space<hbm>> -> memref<1x8xi32, #tpu.memory_space<hbm>>
      %dma_wait3A_59 = tpu.memref_squeeze %dma_wait3A_58 : memref<1x8xi32, #tpu.memory_space<hbm>> -> memref<8xi32, #tpu.memory_space<hbm>>
      tpu.wait_dma2 semaphore(%run_scoped3A : memref<!tpu.dma_semaphore, #tpu.memory_space<semaphore_mem>>) src(%dma_wait3A_59 : memref<8xi32, #tpu.memory_space<hbm>>) dst(%arg24 : memref<8xi32, #tpu.memory_space<vmem>>)
      tpu.yield
    }) : () -> ()
    %dma_start3A = arith.constant 0 : i32
    %dma_start3A_30 = arith.constant 0 : i32
    %dma_start3A_31 = tpu.memref_slice %arg4[%dma_start3A, %dma_start3A_30] : memref<2048x512xf32, #tpu.memory_space<hbm>> -> memref<2048x512xf32, #tpu.memory_space<hbm>>
    tpu.enqueue_indirect_dma source(%dma_start3A_31 : memref<2048x512xf32, #tpu.memory_space<hbm>>) target(%arg12 : memref<32x512xf32, #tpu.memory_space<vmem>>) offsets(%arg22 : memref<32xi32, #tpu.memory_space<vmem>>) semaphore(%arg28 : memref<!tpu.dma_semaphore, #tpu.memory_space<semaphore_mem>>)
    %dma_start3A_32 = arith.constant 0 : i32
    %dma_start3A_33 = arith.constant 0 : i32
    %dma_start3A_34 = tpu.memref_slice %arg6[%dma_start3A_32, %dma_start3A_33] : memref<2048x512xf32, #tpu.memory_space<hbm>> -> memref<2048x512xf32, #tpu.memory_space<hbm>>
    tpu.enqueue_indirect_dma source(%dma_start3A_34 : memref<2048x512xf32, #tpu.memory_space<hbm>>) target(%arg14 : memref<32x512xf32, #tpu.memory_space<vmem>>) offsets(%arg22 : memref<32xi32, #tpu.memory_space<vmem>>) semaphore(%arg28 : memref<!tpu.dma_semaphore, #tpu.memory_space<semaphore_mem>>)
    %dma_start3A_35 = arith.constant 0 : i32
    %dma_start3A_36 = arith.constant 0 : i32
    %dma_start3A_37 = tpu.memref_slice %arg2[%dma_start3A_35, %dma_start3A_36] : memref<2048x512xf32, #tpu.memory_space<hbm>> -> memref<2048x512xf32, #tpu.memory_space<hbm>>
    tpu.enqueue_indirect_dma source(%dma_start3A_37 : memref<2048x512xf32, #tpu.memory_space<hbm>>) target(%arg16 : memref<8x512xf32, #tpu.memory_space<vmem>>) offsets(%arg24 : memref<8xi32, #tpu.memory_space<vmem>>) semaphore(%arg28 : memref<!tpu.dma_semaphore, #tpu.memory_space<semaphore_mem>>)
    %scan3A = arith.constant 0 : i32
    %scan3A_38 = arith.constant 0 : i32
    %scan3A_39 = arith.constant 13 : i32
    %scan3A_40 = arith.addi %scan3A_38, %scan3A_39 : i32
    %scan3A_41 = arith.constant 1 : i32
    scf.for %scan3A_48 = %scan3A_38 to %scan3A_40 step %scan3A_41  : i32 {
      %mul3A_49 = arith.constant 32 : i32
      %mul3A_50 = arith.muli %scan3A_48, %mul3A_49 : i32
      %add3A_51 = arith.addi %mul3A_50, %add3A : i32
      %add3A_52 = arith.constant 32 : i32
      %add3A_53 = arith.addi %add3A_51, %add3A_52 : i32
      %lt3A = arith.cmpi slt, %scan3A_48, %select_n3A : i32
      %convert_element_type3A = arith.extui %lt3A : i1 to i32
      %cond3A = arith.constant 0 : i32
      %cond3A_54 = arith.cmpi ne, %convert_element_type3A, %cond3A : i32
      scf.if %cond3A_54 {
        %dma_wait3A_73 = arith.constant 0 : i32
        %dma_wait3A_74 = arith.constant 0 : i32
        %dma_wait3A_75 = tpu.memref_slice %arg4[%dma_wait3A_73, %dma_wait3A_74] : memref<2048x512xf32, #tpu.memory_space<hbm>> -> memref<2048x512xf32, #tpu.memory_space<hbm>>
        tpu.wait_indirect_dma semaphore(%arg28 : memref<!tpu.dma_semaphore, #tpu.memory_space<semaphore_mem>>) src(%dma_wait3A_75 : memref<2048x512xf32, #tpu.memory_space<hbm>>) dst(%arg12 : memref<32x512xf32, #tpu.memory_space<vmem>>)
        %dma_wait3A_76 = arith.constant 0 : i32
        %dma_wait3A_77 = arith.constant 0 : i32
        %dma_wait3A_78 = tpu.memref_slice %arg6[%dma_wait3A_76, %dma_wait3A_77] : memref<2048x512xf32, #tpu.memory_space<hbm>> -> memref<2048x512xf32, #tpu.memory_space<hbm>>
        tpu.wait_indirect_dma semaphore(%arg28 : memref<!tpu.dma_semaphore, #tpu.memory_space<semaphore_mem>>) src(%dma_wait3A_78 : memref<2048x512xf32, #tpu.memory_space<hbm>>) dst(%arg14 : memref<32x512xf32, #tpu.memory_space<vmem>>)
        %dma_wait3A_79 = arith.constant 0 : i32
        %dma_wait3A_80 = arith.constant 0 : i32
        %dma_wait3A_81 = tpu.memref_slice %arg2[%dma_wait3A_79, %dma_wait3A_80] : memref<2048x512xf32, #tpu.memory_space<hbm>> -> memref<2048x512xf32, #tpu.memory_space<hbm>>
        tpu.wait_indirect_dma semaphore(%arg28 : memref<!tpu.dma_semaphore, #tpu.memory_space<semaphore_mem>>) src(%dma_wait3A_81 : memref<2048x512xf32, #tpu.memory_space<hbm>>) dst(%arg16 : memref<8x512xf32, #tpu.memory_space<vmem>>)
      } else {
      }
      %convert_element_type3A_55 = arith.extui %lt3A : i1 to i32
      %cond3A_56 = arith.constant 0 : i32
      %cond3A_57 = arith.cmpi ne, %convert_element_type3A_55, %cond3A_56 : i32
      scf.if %cond3A_57 {
        "tpu.region"() ({
          %run_scoped3A = tpu.sem_alloc : memref<!tpu.dma_semaphore, #tpu.memory_space<semaphore_mem>>
          %dma_start3A_82 = arith.constant 0 : i32
          %dma_start3A_83 = tpu.memref_slice %arg8[%add3A_51, %dma_start3A_82] : memref<391x32xi32, #tpu.memory_space<hbm>> -> memref<1x32xi32, #tpu.memory_space<hbm>>
          %dma_start3A_84 = tpu.memref_squeeze %dma_start3A_83 : memref<1x32xi32, #tpu.memory_space<hbm>> -> memref<32xi32, #tpu.memory_space<hbm>>
          %dma_start3A_85 = arith.constant 0 : i32
          %dma_start3A_86 = tpu.memref_slice %arg8[%add3A_51, %dma_start3A_85] : memref<391x32xi32, #tpu.memory_space<hbm>> -> memref<1x32xi32, #tpu.memory_space<hbm>>
          %dma_start3A_87 = tpu.memref_squeeze %dma_start3A_86 : memref<1x32xi32, #tpu.memory_space<hbm>> -> memref<32xi32, #tpu.memory_space<hbm>>
          tpu.enqueue_dma source(%dma_start3A_87 : memref<32xi32, #tpu.memory_space<hbm>>) target(%arg23 : memref<32xi32, #tpu.memory_space<vmem>>) target_semaphore(%run_scoped3A : memref<!tpu.dma_semaphore, #tpu.memory_space<semaphore_mem>>)
          %dma_wait3A_88 = arith.constant 0 : i32
          %dma_wait3A_89 = tpu.memref_slice %arg8[%add3A_51, %dma_wait3A_88] : memref<391x32xi32, #tpu.memory_space<hbm>> -> memref<1x32xi32, #tpu.memory_space<hbm>>
          %dma_wait3A_90 = tpu.memref_squeeze %dma_wait3A_89 : memref<1x32xi32, #tpu.memory_space<hbm>> -> memref<32xi32, #tpu.memory_space<hbm>>
          %dma_wait3A_91 = arith.constant 0 : i32
          %dma_wait3A_92 = tpu.memref_slice %arg8[%add3A_51, %dma_wait3A_91] : memref<391x32xi32, #tpu.memory_space<hbm>> -> memref<1x32xi32, #tpu.memory_space<hbm>>
          %dma_wait3A_93 = tpu.memref_squeeze %dma_wait3A_92 : memref<1x32xi32, #tpu.memory_space<hbm>> -> memref<32xi32, #tpu.memory_space<hbm>>
          tpu.wait_dma2 semaphore(%run_scoped3A : memref<!tpu.dma_semaphore, #tpu.memory_space<semaphore_mem>>) src(%dma_wait3A_93 : memref<32xi32, #tpu.memory_space<hbm>>) dst(%arg23 : memref<32xi32, #tpu.memory_space<vmem>>)
          tpu.yield
        }) : () -> ()
        "tpu.region"() ({
          %run_scoped3A = tpu.sem_alloc : memref<!tpu.dma_semaphore, #tpu.memory_space<semaphore_mem>>
          %dma_start3A_82 = arith.constant 0 : i32
          %dma_start3A_83 = tpu.memref_slice %arg9[%add3A_51, %dma_start3A_82] : memref<391x8xi32, #tpu.memory_space<hbm>> -> memref<1x8xi32, #tpu.memory_space<hbm>>
          %dma_start3A_84 = tpu.memref_squeeze %dma_start3A_83 : memref<1x8xi32, #tpu.memory_space<hbm>> -> memref<8xi32, #tpu.memory_space<hbm>>
          %dma_start3A_85 = arith.constant 0 : i32
          %dma_start3A_86 = tpu.memref_slice %arg9[%add3A_51, %dma_start3A_85] : memref<391x8xi32, #tpu.memory_space<hbm>> -> memref<1x8xi32, #tpu.memory_space<hbm>>
          %dma_start3A_87 = tpu.memref_squeeze %dma_start3A_86 : memref<1x8xi32, #tpu.memory_space<hbm>> -> memref<8xi32, #tpu.memory_space<hbm>>
          tpu.enqueue_dma source(%dma_start3A_87 : memref<8xi32, #tpu.memory_space<hbm>>) target(%arg25 : memref<8xi32, #tpu.memory_space<vmem>>) target_semaphore(%run_scoped3A : memref<!tpu.dma_semaphore, #tpu.memory_space<semaphore_mem>>)
          %dma_wait3A_88 = arith.constant 0 : i32
          %dma_wait3A_89 = tpu.memref_slice %arg9[%add3A_51, %dma_wait3A_88] : memref<391x8xi32, #tpu.memory_space<hbm>> -> memref<1x8xi32, #tpu.memory_space<hbm>>
          %dma_wait3A_90 = tpu.memref_squeeze %dma_wait3A_89 : memref<1x8xi32, #tpu.memory_space<hbm>> -> memref<8xi32, #tpu.memory_space<hbm>>
          %dma_wait3A_91 = arith.constant 0 : i32
          %dma_wait3A_92 = tpu.memref_slice %arg9[%add3A_51, %dma_wait3A_91] : memref<391x8xi32, #tpu.memory_space<hbm>> -> memref<1x8xi32, #tpu.memory_space<hbm>>
          %dma_wait3A_93 = tpu.memref_squeeze %dma_wait3A_92 : memref<1x8xi32, #tpu.memory_space<hbm>> -> memref<8xi32, #tpu.memory_space<hbm>>
          tpu.wait_dma2 semaphore(%run_scoped3A : memref<!tpu.dma_semaphore, #tpu.memory_space<semaphore_mem>>) src(%dma_wait3A_93 : memref<8xi32, #tpu.memory_space<hbm>>) dst(%arg25 : memref<8xi32, #tpu.memory_space<vmem>>)
          tpu.yield
        }) : () -> ()
        %dma_start3A_73 = arith.constant 0 : i32
        %dma_start3A_74 = arith.constant 0 : i32
        %dma_start3A_75 = tpu.memref_slice %arg5[%dma_start3A_73, %dma_start3A_74] : memref<2048x512xf32, #tpu.memory_space<hbm>> -> memref<2048x512xf32, #tpu.memory_space<hbm>>
        tpu.enqueue_indirect_dma source(%dma_start3A_75 : memref<2048x512xf32, #tpu.memory_space<hbm>>) target(%arg13 : memref<32x512xf32, #tpu.memory_space<vmem>>) offsets(%arg23 : memref<32xi32, #tpu.memory_space<vmem>>) semaphore(%arg29 : memref<!tpu.dma_semaphore, #tpu.memory_space<semaphore_mem>>)
        %dma_start3A_76 = arith.constant 0 : i32
        %dma_start3A_77 = arith.constant 0 : i32
        %dma_start3A_78 = tpu.memref_slice %arg7[%dma_start3A_76, %dma_start3A_77] : memref<2048x512xf32, #tpu.memory_space<hbm>> -> memref<2048x512xf32, #tpu.memory_space<hbm>>
        tpu.enqueue_indirect_dma source(%dma_start3A_78 : memref<2048x512xf32, #tpu.memory_space<hbm>>) target(%arg15 : memref<32x512xf32, #tpu.memory_space<vmem>>) offsets(%arg23 : memref<32xi32, #tpu.memory_space<vmem>>) semaphore(%arg29 : memref<!tpu.dma_semaphore, #tpu.memory_space<semaphore_mem>>)
        %dma_start3A_79 = arith.constant 0 : i32
        %dma_start3A_80 = arith.constant 0 : i32
        %dma_start3A_81 = tpu.memref_slice %arg3[%dma_start3A_79, %dma_start3A_80] : memref<2048x512xf32, #tpu.memory_space<hbm>> -> memref<2048x512xf32, #tpu.memory_space<hbm>>
        tpu.enqueue_indirect_dma source(%dma_start3A_81 : memref<2048x512xf32, #tpu.memory_space<hbm>>) target(%arg17 : memref<8x512xf32, #tpu.memory_space<vmem>>) offsets(%arg25 : memref<8xi32, #tpu.memory_space<vmem>>) semaphore(%arg29 : memref<!tpu.dma_semaphore, #tpu.memory_space<semaphore_mem>>)
      } else {
      }
      %convert_element_type3A_58 = arith.extui %lt3A : i1 to i32
      %cond3A_59 = arith.constant 0 : i32
      %cond3A_60 = arith.cmpi ne, %convert_element_type3A_58, %cond3A_59 : i32
      scf.if %cond3A_60 {
        %ge3A = arith.constant 1 : i32
        %ge3A_73 = arith.cmpi sge, %scan3A_48, %ge3A : i32
        %convert_element_type3A_74 = arith.extui %ge3A_73 : i1 to i32
        %cond3A_75 = arith.constant 0 : i32
        %cond3A_76 = arith.cmpi ne, %convert_element_type3A_74, %cond3A_75 : i32
        scf.if %cond3A_76 {
          %dma_wait3A_92 = arith.constant 0 : i32
          %dma_wait3A_93 = arith.constant 0 : i32
          %dma_wait3A_94 = tpu.memref_slice %arg10[%dma_wait3A_92, %dma_wait3A_93] : memref<2048x512xf32, #tpu.memory_space<hbm>> -> memref<2048x512xf32, #tpu.memory_space<hbm>>
          tpu.wait_indirect_dma semaphore(%arg30 : memref<!tpu.dma_semaphore, #tpu.memory_space<semaphore_mem>>) src(%arg18 : memref<8x512xf32, #tpu.memory_space<vmem>>) dst(%dma_wait3A_94 : memref<2048x512xf32, #tpu.memory_space<hbm>>)
        } else {
        }
        %scan3A_77 = arith.constant 0 : i32
        %scan3A_78 = arith.constant 0 : i32
        %scan3A_79 = arith.constant 32 : i32
        %scan3A_80 = arith.addi %scan3A_78, %scan3A_79 : i32
        %scan3A_81 = arith.constant 1 : i32
        scf.for %scan3A_92 = %scan3A_78 to %scan3A_80 step %scan3A_81  : i32 {
          %get3A = arith.index_cast %scan3A_92 : i32 to index
          %get3A_93 = arith.constant 0 : index
          %get3A_94 = tpu.vector_load %arg12[%get3A, %get3A_93] {strides = array<i32>} : memref<32x512xf32, #tpu.memory_space<vmem>>, vector<16xf32>,
          %add3A_95 = arith.constant 0 : i32
          %add3A_96 = arith.addi %add3A_95, %scan3A_92 : i32
          %add3A_97 = vector.broadcast %add3A_96 : i32 to vector<16xi32>
          %add3A_98 = arith.addi %mul3A_29, %add3A_97 : vector<16xi32>
          tpu.vector_store_idx %arg21[%add3A_98], %get3A_94 : memref<16896xf32, #tpu.memory_space<vmem>>[vector<16xi32>], vector<16xf32>,
          %get3A_99 = arith.index_cast %scan3A_92 : i32 to index
          %get3A_100 = arith.constant 16 : index
          %get3A_101 = tpu.vector_load %arg12[%get3A_99, %get3A_100] {strides = array<i32>} : memref<32x512xf32, #tpu.memory_space<vmem>>, vector<16xf32>,
          %add3A_102 = arith.constant 528 : i32
          %add3A_103 = arith.addi %add3A_102, %scan3A_92 : i32
          %add3A_104 = vector.broadcast %add3A_103 : i32 to vector<16xi32>
          %add3A_105 = arith.addi %mul3A_29, %add3A_104 : vector<16xi32>
          tpu.vector_store_idx %arg21[%add3A_105], %get3A_101 : memref<16896xf32, #tpu.memory_space<vmem>>[vector<16xi32>], vector<16xf32>,
          %get3A_106 = arith.index_cast %scan3A_92 : i32 to index
          %get3A_107 = arith.constant 32 : index
          %get3A_108 = tpu.vector_load %arg12[%get3A_106, %get3A_107] {strides = array<i32>} : memref<32x512xf32, #tpu.memory_space<vmem>>, vector<16xf32>,
          %add3A_109 = arith.constant 1056 : i32
          %add3A_110 = arith.addi %add3A_109, %scan3A_92 : i32
          %add3A_111 = vector.broadcast %add3A_110 : i32 to vector<16xi32>
          %add3A_112 = arith.addi %mul3A_29, %add3A_111 : vector<16xi32>
          tpu.vector_store_idx %arg21[%add3A_112], %get3A_108 : memref<16896xf32, #tpu.memory_space<vmem>>[vector<16xi32>], vector<16xf32>,
          %get3A_113 = arith.index_cast %scan3A_92 : i32 to index
          %get3A_114 = arith.constant 48 : index
          %get3A_115 = tpu.vector_load %arg12[%get3A_113, %get3A_114] {strides = array<i32>} : memref<32x512xf32, #tpu.memory_space<vmem>>, vector<16xf32>,
          %add3A_116 = arith.constant 1584 : i32
          %add3A_117 = arith.addi %add3A_116, %scan3A_92 : i32
          %add3A_118 = vector.broadcast %add3A_117 : i32 to vector<16xi32>
          %add3A_119 = arith.addi %mul3A_29, %add3A_118 : vector<16xi32>
          tpu.vector_store_idx %arg21[%add3A_119], %get3A_115 : memref<16896xf32, #tpu.memory_space<vmem>>[vector<16xi32>], vector<16xf32>,
          %get3A_120 = arith.index_cast %scan3A_92 : i32 to index
          %get3A_121 = arith.constant 64 : index
          %get3A_122 = tpu.vector_load %arg12[%get3A_120, %get3A_121] {strides = array<i32>} : memref<32x512xf32, #tpu.memory_space<vmem>>, vector<16xf32>,
          %add3A_123 = arith.constant 2112 : i32
          %add3A_124 = arith.addi %add3A_123, %scan3A_92 : i32
          %add3A_125 = vector.broadcast %add3A_124 : i32 to vector<16xi32>
          %add3A_126 = arith.addi %mul3A_29, %add3A_125 : vector<16xi32>
          tpu.vector_store_idx %arg21[%add3A_126], %get3A_122 : memref<16896xf32, #tpu.memory_space<vmem>>[vector<16xi32>], vector<16xf32>,
          %get3A_127 = arith.index_cast %scan3A_92 : i32 to index
          %get3A_128 = arith.constant 80 : index
          %get3A_129 = tpu.vector_load %arg12[%get3A_127, %get3A_128] {strides = array<i32>} : memref<32x512xf32, #tpu.memory_space<vmem>>, vector<16xf32>,
          %add3A_130 = arith.constant 2640 : i32
          %add3A_131 = arith.addi %add3A_130, %scan3A_92 : i32
          %add3A_132 = vector.broadcast %add3A_131 : i32 to vector<16xi32>
          %add3A_133 = arith.addi %mul3A_29, %add3A_132 : vector<16xi32>
          tpu.vector_store_idx %arg21[%add3A_133], %get3A_129 : memref<16896xf32, #tpu.memory_space<vmem>>[vector<16xi32>], vector<16xf32>,
          %get3A_134 = arith.index_cast %scan3A_92 : i32 to index
          %get3A_135 = arith.constant 96 : index
          %get3A_136 = tpu.vector_load %arg12[%get3A_134, %get3A_135] {strides = array<i32>} : memref<32x512xf32, #tpu.memory_space<vmem>>, vector<16xf32>,
          %add3A_137 = arith.constant 3168 : i32
          %add3A_138 = arith.addi %add3A_137, %scan3A_92 : i32
          %add3A_139 = vector.broadcast %add3A_138 : i32 to vector<16xi32>
          %add3A_140 = arith.addi %mul3A_29, %add3A_139 : vector<16xi32>
          tpu.vector_store_idx %arg21[%add3A_140], %get3A_136 : memref<16896xf32, #tpu.memory_space<vmem>>[vector<16xi32>], vector<16xf32>,
          %get3A_141 = arith.index_cast %scan3A_92 : i32 to index
          %get3A_142 = arith.constant 112 : index
          %get3A_143 = tpu.vector_load %arg12[%get3A_141, %get3A_142] {strides = array<i32>} : memref<32x512xf32, #tpu.memory_space<vmem>>, vector<16xf32>,
          %add3A_144 = arith.constant 3696 : i32
          %add3A_145 = arith.addi %add3A_144, %scan3A_92 : i32
          %add3A_146 = vector.broadcast %add3A_145 : i32 to vector<16xi32>
          %add3A_147 = arith.addi %mul3A_29, %add3A_146 : vector<16xi32>
          tpu.vector_store_idx %arg21[%add3A_147], %get3A_143 : memref<16896xf32, #tpu.memory_space<vmem>>[vector<16xi32>], vector<16xf32>,
          %get3A_148 = arith.index_cast %scan3A_92 : i32 to index
          %get3A_149 = arith.constant 128 : index
          %get3A_150 = tpu.vector_load %arg12[%get3A_148, %get3A_149] {strides = array<i32>} : memref<32x512xf32, #tpu.memory_space<vmem>>, vector<16xf32>,
          %add3A_151 = arith.constant 4224 : i32
          %add3A_152 = arith.addi %add3A_151, %scan3A_92 : i32
          %add3A_153 = vector.broadcast %add3A_152 : i32 to vector<16xi32>
          %add3A_154 = arith.addi %mul3A_29, %add3A_153 : vector<16xi32>
          tpu.vector_store_idx %arg21[%add3A_154], %get3A_150 : memref<16896xf32, #tpu.memory_space<vmem>>[vector<16xi32>], vector<16xf32>,
          %get3A_155 = arith.index_cast %scan3A_92 : i32 to index
          %get3A_156 = arith.constant 144 : index
          %get3A_157 = tpu.vector_load %arg12[%get3A_155, %get3A_156] {strides = array<i32>} : memref<32x512xf32, #tpu.memory_space<vmem>>, vector<16xf32>,
          %add3A_158 = arith.constant 4752 : i32
          %add3A_159 = arith.addi %add3A_158, %scan3A_92 : i32
          %add3A_160 = vector.broadcast %add3A_159 : i32 to vector<16xi32>
          %add3A_161 = arith.addi %mul3A_29, %add3A_160 : vector<16xi32>
          tpu.vector_store_idx %arg21[%add3A_161], %get3A_157 : memref<16896xf32, #tpu.memory_space<vmem>>[vector<16xi32>], vector<16xf32>,
          %get3A_162 = arith.index_cast %scan3A_92 : i32 to index
          %get3A_163 = arith.constant 160 : index
          %get3A_164 = tpu.vector_load %arg12[%get3A_162, %get3A_163] {strides = array<i32>} : memref<32x512xf32, #tpu.memory_space<vmem>>, vector<16xf32>,
          %add3A_165 = arith.constant 5280 : i32
          %add3A_166 = arith.addi %add3A_165, %scan3A_92 : i32
          %add3A_167 = vector.broadcast %add3A_166 : i32 to vector<16xi32>
          %add3A_168 = arith.addi %mul3A_29, %add3A_167 : vector<16xi32>
          tpu.vector_store_idx %arg21[%add3A_168], %get3A_164 : memref<16896xf32, #tpu.memory_space<vmem>>[vector<16xi32>], vector<16xf32>,
          %get3A_169 = arith.index_cast %scan3A_92 : i32 to index
          %get3A_170 = arith.constant 176 : index
          %get3A_171 = tpu.vector_load %arg12[%get3A_169, %get3A_170] {strides = array<i32>} : memref<32x512xf32, #tpu.memory_space<vmem>>, vector<16xf32>,
          %add3A_172 = arith.constant 5808 : i32
          %add3A_173 = arith.addi %add3A_172, %scan3A_92 : i32
          %add3A_174 = vector.broadcast %add3A_173 : i32 to vector<16xi32>
          %add3A_175 = arith.addi %mul3A_29, %add3A_174 : vector<16xi32>
          tpu.vector_store_idx %arg21[%add3A_175], %get3A_171 : memref<16896xf32, #tpu.memory_space<vmem>>[vector<16xi32>], vector<16xf32>,
          %get3A_176 = arith.index_cast %scan3A_92 : i32 to index
          %get3A_177 = arith.constant 192 : index
          %get3A_178 = tpu.vector_load %arg12[%get3A_176, %get3A_177] {strides = array<i32>} : memref<32x512xf32, #tpu.memory_space<vmem>>, vector<16xf32>,
          %add3A_179 = arith.constant 6336 : i32
          %add3A_180 = arith.addi %add3A_179, %scan3A_92 : i32
          %add3A_181 = vector.broadcast %add3A_180 : i32 to vector<16xi32>
          %add3A_182 = arith.addi %mul3A_29, %add3A_181 : vector<16xi32>
          tpu.vector_store_idx %arg21[%add3A_182], %get3A_178 : memref<16896xf32, #tpu.memory_space<vmem>>[vector<16xi32>], vector<16xf32>,
          %get3A_183 = arith.index_cast %scan3A_92 : i32 to index
          %get3A_184 = arith.constant 208 : index
          %get3A_185 = tpu.vector_load %arg12[%get3A_183, %get3A_184] {strides = array<i32>} : memref<32x512xf32, #tpu.memory_space<vmem>>, vector<16xf32>,
          %add3A_186 = arith.constant 6864 : i32
          %add3A_187 = arith.addi %add3A_186, %scan3A_92 : i32
          %add3A_188 = vector.broadcast %add3A_187 : i32 to vector<16xi32>
          %add3A_189 = arith.addi %mul3A_29, %add3A_188 : vector<16xi32>
          tpu.vector_store_idx %arg21[%add3A_189], %get3A_185 : memref<16896xf32, #tpu.memory_space<vmem>>[vector<16xi32>], vector<16xf32>,
          %get3A_190 = arith.index_cast %scan3A_92 : i32 to index
          %get3A_191 = arith.constant 224 : index
          %get3A_192 = tpu.vector_load %arg12[%get3A_190, %get3A_191] {strides = array<i32>} : memref<32x512xf32, #tpu.memory_space<vmem>>, vector<16xf32>,
          %add3A_193 = arith.constant 7392 : i32
          %add3A_194 = arith.addi %add3A_193, %scan3A_92 : i32
          %add3A_195 = vector.broadcast %add3A_194 : i32 to vector<16xi32>
          %add3A_196 = arith.addi %mul3A_29, %add3A_195 : vector<16xi32>
          tpu.vector_store_idx %arg21[%add3A_196], %get3A_192 : memref<16896xf32, #tpu.memory_space<vmem>>[vector<16xi32>], vector<16xf32>,
          %get3A_197 = arith.index_cast %scan3A_92 : i32 to index
          %get3A_198 = arith.constant 240 : index
          %get3A_199 = tpu.vector_load %arg12[%get3A_197, %get3A_198] {strides = array<i32>} : memref<32x512xf32, #tpu.memory_space<vmem>>, vector<16xf32>,
          %add3A_200 = arith.constant 7920 : i32
          %add3A_201 = arith.addi %add3A_200, %scan3A_92 : i32
          %add3A_202 = vector.broadcast %add3A_201 : i32 to vector<16xi32>
          %add3A_203 = arith.addi %mul3A_29, %add3A_202 : vector<16xi32>
          tpu.vector_store_idx %arg21[%add3A_203], %get3A_199 : memref<16896xf32, #tpu.memory_space<vmem>>[vector<16xi32>], vector<16xf32>,
          %get3A_204 = arith.index_cast %scan3A_92 : i32 to index
          %get3A_205 = arith.constant 256 : index
          %get3A_206 = tpu.vector_load %arg12[%get3A_204, %get3A_205] {strides = array<i32>} : memref<32x512xf32, #tpu.memory_space<vmem>>, vector<16xf32>,
          %add3A_207 = arith.constant 8448 : i32
          %add3A_208 = arith.addi %add3A_207, %scan3A_92 : i32
          %add3A_209 = vector.broadcast %add3A_208 : i32 to vector<16xi32>
          %add3A_210 = arith.addi %mul3A_29, %add3A_209 : vector<16xi32>
          tpu.vector_store_idx %arg21[%add3A_210], %get3A_206 : memref<16896xf32, #tpu.memory_space<vmem>>[vector<16xi32>], vector<16xf32>,
          %get3A_211 = arith.index_cast %scan3A_92 : i32 to index
          %get3A_212 = arith.constant 272 : index
          %get3A_213 = tpu.vector_load %arg12[%get3A_211, %get3A_212] {strides = array<i32>} : memref<32x512xf32, #tpu.memory_space<vmem>>, vector<16xf32>,
          %add3A_214 = arith.constant 8976 : i32
          %add3A_215 = arith.addi %add3A_214, %scan3A_92 : i32
          %add3A_216 = vector.broadcast %add3A_215 : i32 to vector<16xi32>
          %add3A_217 = arith.addi %mul3A_29, %add3A_216 : vector<16xi32>
          tpu.vector_store_idx %arg21[%add3A_217], %get3A_213 : memref<16896xf32, #tpu.memory_space<vmem>>[vector<16xi32>], vector<16xf32>,
          %get3A_218 = arith.index_cast %scan3A_92 : i32 to index
          %get3A_219 = arith.constant 288 : index
          %get3A_220 = tpu.vector_load %arg12[%get3A_218, %get3A_219] {strides = array<i32>} : memref<32x512xf32, #tpu.memory_space<vmem>>, vector<16xf32>,
          %add3A_221 = arith.constant 9504 : i32
          %add3A_222 = arith.addi %add3A_221, %scan3A_92 : i32
          %add3A_223 = vector.broadcast %add3A_222 : i32 to vector<16xi32>
          %add3A_224 = arith.addi %mul3A_29, %add3A_223 : vector<16xi32>
          tpu.vector_store_idx %arg21[%add3A_224], %get3A_220 : memref<16896xf32, #tpu.memory_space<vmem>>[vector<16xi32>], vector<16xf32>,
          %get3A_225 = arith.index_cast %scan3A_92 : i32 to index
          %get3A_226 = arith.constant 304 : index
          %get3A_227 = tpu.vector_load %arg12[%get3A_225, %get3A_226] {strides = array<i32>} : memref<32x512xf32, #tpu.memory_space<vmem>>, vector<16xf32>,
          %add3A_228 = arith.constant 10032 : i32
          %add3A_229 = arith.addi %add3A_228, %scan3A_92 : i32
          %add3A_230 = vector.broadcast %add3A_229 : i32 to vector<16xi32>
          %add3A_231 = arith.addi %mul3A_29, %add3A_230 : vector<16xi32>
          tpu.vector_store_idx %arg21[%add3A_231], %get3A_227 : memref<16896xf32, #tpu.memory_space<vmem>>[vector<16xi32>], vector<16xf32>,
          %get3A_232 = arith.index_cast %scan3A_92 : i32 to index
          %get3A_233 = arith.constant 320 : index
          %get3A_234 = tpu.vector_load %arg12[%get3A_232, %get3A_233] {strides = array<i32>} : memref<32x512xf32, #tpu.memory_space<vmem>>, vector<16xf32>,
          %add3A_235 = arith.constant 10560 : i32
          %add3A_236 = arith.addi %add3A_235, %scan3A_92 : i32
          %add3A_237 = vector.broadcast %add3A_236 : i32 to vector<16xi32>
          %add3A_238 = arith.addi %mul3A_29, %add3A_237 : vector<16xi32>
          tpu.vector_store_idx %arg21[%add3A_238], %get3A_234 : memref<16896xf32, #tpu.memory_space<vmem>>[vector<16xi32>], vector<16xf32>,
          %get3A_239 = arith.index_cast %scan3A_92 : i32 to index
          %get3A_240 = arith.constant 336 : index
          %get3A_241 = tpu.vector_load %arg12[%get3A_239, %get3A_240] {strides = array<i32>} : memref<32x512xf32, #tpu.memory_space<vmem>>, vector<16xf32>,
          %add3A_242 = arith.constant 11088 : i32
          %add3A_243 = arith.addi %add3A_242, %scan3A_92 : i32
          %add3A_244 = vector.broadcast %add3A_243 : i32 to vector<16xi32>
          %add3A_245 = arith.addi %mul3A_29, %add3A_244 : vector<16xi32>
          tpu.vector_store_idx %arg21[%add3A_245], %get3A_241 : memref<16896xf32, #tpu.memory_space<vmem>>[vector<16xi32>], vector<16xf32>,
          %get3A_246 = arith.index_cast %scan3A_92 : i32 to index
          %get3A_247 = arith.constant 352 : index
          %get3A_248 = tpu.vector_load %arg12[%get3A_246, %get3A_247] {strides = array<i32>} : memref<32x512xf32, #tpu.memory_space<vmem>>, vector<16xf32>,
          %add3A_249 = arith.constant 11616 : i32
          %add3A_250 = arith.addi %add3A_249, %scan3A_92 : i32
          %add3A_251 = vector.broadcast %add3A_250 : i32 to vector<16xi32>
          %add3A_252 = arith.addi %mul3A_29, %add3A_251 : vector<16xi32>
          tpu.vector_store_idx %arg21[%add3A_252], %get3A_248 : memref<16896xf32, #tpu.memory_space<vmem>>[vector<16xi32>], vector<16xf32>,
          %get3A_253 = arith.index_cast %scan3A_92 : i32 to index
          %get3A_254 = arith.constant 368 : index
          %get3A_255 = tpu.vector_load %arg12[%get3A_253, %get3A_254] {strides = array<i32>} : memref<32x512xf32, #tpu.memory_space<vmem>>, vector<16xf32>,
          %add3A_256 = arith.constant 12144 : i32
          %add3A_257 = arith.addi %add3A_256, %scan3A_92 : i32
          %add3A_258 = vector.broadcast %add3A_257 : i32 to vector<16xi32>
          %add3A_259 = arith.addi %mul3A_29, %add3A_258 : vector<16xi32>
          tpu.vector_store_idx %arg21[%add3A_259], %get3A_255 : memref<16896xf32, #tpu.memory_space<vmem>>[vector<16xi32>], vector<16xf32>,
          %get3A_260 = arith.index_cast %scan3A_92 : i32 to index
          %get3A_261 = arith.constant 384 : index
          %get3A_262 = tpu.vector_load %arg12[%get3A_260, %get3A_261] {strides = array<i32>} : memref<32x512xf32, #tpu.memory_space<vmem>>, vector<16xf32>,
          %add3A_263 = arith.constant 12672 : i32
          %add3A_264 = arith.addi %add3A_263, %scan3A_92 : i32
          %add3A_265 = vector.broadcast %add3A_264 : i32 to vector<16xi32>
          %add3A_266 = arith.addi %mul3A_29, %add3A_265 : vector<16xi32>
          tpu.vector_store_idx %arg21[%add3A_266], %get3A_262 : memref<16896xf32, #tpu.memory_space<vmem>>[vector<16xi32>], vector<16xf32>,
          %get3A_267 = arith.index_cast %scan3A_92 : i32 to index
          %get3A_268 = arith.constant 400 : index
          %get3A_269 = tpu.vector_load %arg12[%get3A_267, %get3A_268] {strides = array<i32>} : memref<32x512xf32, #tpu.memory_space<vmem>>, vector<16xf32>,
          %add3A_270 = arith.constant 13200 : i32
          %add3A_271 = arith.addi %add3A_270, %scan3A_92 : i32
          %add3A_272 = vector.broadcast %add3A_271 : i32 to vector<16xi32>
          %add3A_273 = arith.addi %mul3A_29, %add3A_272 : vector<16xi32>
          tpu.vector_store_idx %arg21[%add3A_273], %get3A_269 : memref<16896xf32, #tpu.memory_space<vmem>>[vector<16xi32>], vector<16xf32>,
          %get3A_274 = arith.index_cast %scan3A_92 : i32 to index
          %get3A_275 = arith.constant 416 : index
          %get3A_276 = tpu.vector_load %arg12[%get3A_274, %get3A_275] {strides = array<i32>} : memref<32x512xf32, #tpu.memory_space<vmem>>, vector<16xf32>,
          %add3A_277 = arith.constant 13728 : i32
          %add3A_278 = arith.addi %add3A_277, %scan3A_92 : i32
          %add3A_279 = vector.broadcast %add3A_278 : i32 to vector<16xi32>
          %add3A_280 = arith.addi %mul3A_29, %add3A_279 : vector<16xi32>
          tpu.vector_store_idx %arg21[%add3A_280], %get3A_276 : memref<16896xf32, #tpu.memory_space<vmem>>[vector<16xi32>], vector<16xf32>,
          %get3A_281 = arith.index_cast %scan3A_92 : i32 to index
          %get3A_282 = arith.constant 432 : index
          %get3A_283 = tpu.vector_load %arg12[%get3A_281, %get3A_282] {strides = array<i32>} : memref<32x512xf32, #tpu.memory_space<vmem>>, vector<16xf32>,
          %add3A_284 = arith.constant 14256 : i32
          %add3A_285 = arith.addi %add3A_284, %scan3A_92 : i32
          %add3A_286 = vector.broadcast %add3A_285 : i32 to vector<16xi32>
          %add3A_287 = arith.addi %mul3A_29, %add3A_286 : vector<16xi32>
          tpu.vector_store_idx %arg21[%add3A_287], %get3A_283 : memref<16896xf32, #tpu.memory_space<vmem>>[vector<16xi32>], vector<16xf32>,
          %get3A_288 = arith.index_cast %scan3A_92 : i32 to index
          %get3A_289 = arith.constant 448 : index
          %get3A_290 = tpu.vector_load %arg12[%get3A_288, %get3A_289] {strides = array<i32>} : memref<32x512xf32, #tpu.memory_space<vmem>>, vector<16xf32>,
          %add3A_291 = arith.constant 14784 : i32
          %add3A_292 = arith.addi %add3A_291, %scan3A_92 : i32
          %add3A_293 = vector.broadcast %add3A_292 : i32 to vector<16xi32>
          %add3A_294 = arith.addi %mul3A_29, %add3A_293 : vector<16xi32>
          tpu.vector_store_idx %arg21[%add3A_294], %get3A_290 : memref<16896xf32, #tpu.memory_space<vmem>>[vector<16xi32>], vector<16xf32>,
          %get3A_295 = arith.index_cast %scan3A_92 : i32 to index
          %get3A_296 = arith.constant 464 : index
          %get3A_297 = tpu.vector_load %arg12[%get3A_295, %get3A_296] {strides = array<i32>} : memref<32x512xf32, #tpu.memory_space<vmem>>, vector<16xf32>,
          %add3A_298 = arith.constant 15312 : i32
          %add3A_299 = arith.addi %add3A_298, %scan3A_92 : i32
          %add3A_300 = vector.broadcast %add3A_299 : i32 to vector<16xi32>
          %add3A_301 = arith.addi %mul3A_29, %add3A_300 : vector<16xi32>
          tpu.vector_store_idx %arg21[%add3A_301], %get3A_297 : memref<16896xf32, #tpu.memory_space<vmem>>[vector<16xi32>], vector<16xf32>,
          %get3A_302 = arith.index_cast %scan3A_92 : i32 to index
          %get3A_303 = arith.constant 480 : index
          %get3A_304 = tpu.vector_load %arg12[%get3A_302, %get3A_303] {strides = array<i32>} : memref<32x512xf32, #tpu.memory_space<vmem>>, vector<16xf32>,
          %add3A_305 = arith.constant 15840 : i32
          %add3A_306 = arith.addi %add3A_305, %scan3A_92 : i32
          %add3A_307 = vector.broadcast %add3A_306 : i32 to vector<16xi32>
          %add3A_308 = arith.addi %mul3A_29, %add3A_307 : vector<16xi32>
          tpu.vector_store_idx %arg21[%add3A_308], %get3A_304 : memref<16896xf32, #tpu.memory_space<vmem>>[vector<16xi32>], vector<16xf32>,
          %get3A_309 = arith.index_cast %scan3A_92 : i32 to index
          %get3A_310 = arith.constant 496 : index
          %get3A_311 = tpu.vector_load %arg12[%get3A_309, %get3A_310] {strides = array<i32>} : memref<32x512xf32, #tpu.memory_space<vmem>>, vector<16xf32>,
          %add3A_312 = arith.constant 16368 : i32
          %add3A_313 = arith.addi %add3A_312, %scan3A_92 : i32
          %add3A_314 = vector.broadcast %add3A_313 : i32 to vector<16xi32>
          %add3A_315 = arith.addi %mul3A_29, %add3A_314 : vector<16xi32>
          tpu.vector_store_idx %arg21[%add3A_315], %get3A_311 : memref<16896xf32, #tpu.memory_space<vmem>>[vector<16xi32>], vector<16xf32>,
        }
        %scan3A_82 = arith.constant 32 : i32
        %scan3A_83 = arith.constant 0 : i32
        %scan3A_84 = arith.constant 0 : i32
        %scan3A_85 = arith.constant 8 : i32
        %scan3A_86 = arith.addi %scan3A_84, %scan3A_85 : i32
        %scan3A_87 = arith.constant 1 : i32
        scf.for %scan3A_92 = %scan3A_84 to %scan3A_86 step %scan3A_87  : i32 {
          %mul3A_93 = arith.constant 64 : i32
          %mul3A_94 = arith.muli %scan3A_92, %mul3A_93 : i32
          %broadcast_in_dim3A = arith.constant 0.000000e+00 : f32
          %broadcast_in_dim3A_95 = vector.broadcast %broadcast_in_dim3A : f32 to vector<16xf32>
          %mul3A_96 = arith.constant 33 : i32
          %mul3A_97 = arith.muli %mul3A_94, %mul3A_96 : i32
          %scan3A_98 = arith.constant 0 : i32
          %scan3A_99 = arith.constant 64 : i32
          %scan3A_100 = arith.addi %scan3A_98, %scan3A_99 : i32
          %scan3A_101 = arith.constant 1 : i32
          %scan3A_102:17 = scf.for %scan3A_595 = %scan3A_98 to %scan3A_100 step %scan3A_101 iter_args(%scan3A_596 = %mul3A_97, %scan3A_597 = %broadcast_in_dim3A_95, %scan3A_598 = %broadcast_in_dim3A_95, %scan3A_599 = %broadcast_in_dim3A_95, %scan3A_600 = %broadcast_in_dim3A_95, %scan3A_601 = %broadcast_in_dim3A_95, %scan3A_602 = %broadcast_in_dim3A_95, %scan3A_603 = %broadcast_in_dim3A_95, %scan3A_604 = %broadcast_in_dim3A_95, %scan3A_605 = %broadcast_in_dim3A_95, %scan3A_606 = %broadcast_in_dim3A_95, %scan3A_607 = %broadcast_in_dim3A_95, %scan3A_608 = %broadcast_in_dim3A_95, %scan3A_609 = %broadcast_in_dim3A_95, %scan3A_610 = %broadcast_in_dim3A_95, %scan3A_611 = %broadcast_in_dim3A_95, %scan3A_612 = %broadcast_in_dim3A_95) -> (i32, vector<16xf32>, vector<16xf32>, vector<16xf32>, vector<16xf32>, vector<16xf32>, vector<16xf32>, vector<16xf32>, vector<16xf32>, vector<16xf32>, vector<16xf32>, vector<16xf32>, vector<16xf32>, vector<16xf32>, vector<16xf32>, vector<16xf32>, vector<16xf32>)  : i32 {
            %add3A_613 = arith.addi %mul3A_94, %scan3A_595 : i32
            %broadcast_in_dim3A_614 = vector.broadcast %add3A_613 : i32 to vector<16xi32>
            %get3A = arith.index_cast %scan3A_596 : i32 to index
            %get3A_615 = tpu.vector_load %arg21[%get3A] {strides = array<i32>} : memref<16896xf32, #tpu.memory_space<vmem>>, vector<16xf32>,
            %add3A_616 = arith.constant 16 : i32
            %add3A_617 = arith.addi %scan3A_596, %add3A_616 : i32
            %get3A_618 = arith.index_cast %add3A_617 : i32 to index
            %get3A_619 = tpu.vector_load %arg21[%get3A_618] {strides = array<i32>} : memref<16896xf32, #tpu.memory_space<vmem>>, vector<16xf32>,
            %add3A_620 = arith.constant 33 : i32
            %add3A_621 = arith.addi %scan3A_596, %add3A_620 : i32
            %broadcast_in_dim3A_622 = arith.constant 0 : i32
            %broadcast_in_dim3A_623 = vector.broadcast %broadcast_in_dim3A_622 : i32 to vector<16xi32>
            %gather3A = tpu.vector_load_idx %arg16[%broadcast_in_dim3A_623, %broadcast_in_dim3A_614] : memref<8x512xf32, #tpu.memory_space<vmem>>[vector<16xi32>, vector<16xi32>], vector<16xf32>,
            %mul3A_624 = arith.mulf %get3A_615, %gather3A : vector<16xf32>
            %add3A_625 = arith.addf %scan3A_597, %mul3A_624 : vector<16xf32>
            %mul3A_626 = arith.mulf %get3A_619, %gather3A : vector<16xf32>
            %add3A_627 = arith.addf %scan3A_598, %mul3A_626 : vector<16xf32>
            %broadcast_in_dim3A_628 = arith.constant 1 : i32
            %broadcast_in_dim3A_629 = vector.broadcast %broadcast_in_dim3A_628 : i32 to vector<16xi32>
            %gather3A_630 = tpu.vector_load_idx %arg16[%broadcast_in_dim3A_629, %broadcast_in_dim3A_614] : memref<8x512xf32, #tpu.memory_space<vmem>>[vector<16xi32>, vector<16xi32>], vector<16xf32>,
            %mul3A_631 = arith.mulf %get3A_615, %gather3A_630 : vector<16xf32>
            %add3A_632 = arith.addf %scan3A_599, %mul3A_631 : vector<16xf32>
            %mul3A_633 = arith.mulf %get3A_619, %gather3A_630 : vector<16xf32>
            %add3A_634 = arith.addf %scan3A_600, %mul3A_633 : vector<16xf32>
            %broadcast_in_dim3A_635 = arith.constant 2 : i32
            %broadcast_in_dim3A_636 = vector.broadcast %broadcast_in_dim3A_635 : i32 to vector<16xi32>
            %gather3A_637 = tpu.vector_load_idx %arg16[%broadcast_in_dim3A_636, %broadcast_in_dim3A_614] : memref<8x512xf32, #tpu.memory_space<vmem>>[vector<16xi32>, vector<16xi32>], vector<16xf32>,
            %mul3A_638 = arith.mulf %get3A_615, %gather3A_637 : vector<16xf32>
            %add3A_639 = arith.addf %scan3A_601, %mul3A_638 : vector<16xf32>
            %mul3A_640 = arith.mulf %get3A_619, %gather3A_637 : vector<16xf32>
            %add3A_641 = arith.addf %scan3A_602, %mul3A_640 : vector<16xf32>
            %broadcast_in_dim3A_642 = arith.constant 3 : i32
            %broadcast_in_dim3A_643 = vector.broadcast %broadcast_in_dim3A_642 : i32 to vector<16xi32>
            %gather3A_644 = tpu.vector_load_idx %arg16[%broadcast_in_dim3A_643, %broadcast_in_dim3A_614] : memref<8x512xf32, #tpu.memory_space<vmem>>[vector<16xi32>, vector<16xi32>], vector<16xf32>,
            %mul3A_645 = arith.mulf %get3A_615, %gather3A_644 : vector<16xf32>
            %add3A_646 = arith.addf %scan3A_603, %mul3A_645 : vector<16xf32>
            %mul3A_647 = arith.mulf %get3A_619, %gather3A_644 : vector<16xf32>
            %add3A_648 = arith.addf %scan3A_604, %mul3A_647 : vector<16xf32>
            %broadcast_in_dim3A_649 = arith.constant 4 : i32
            %broadcast_in_dim3A_650 = vector.broadcast %broadcast_in_dim3A_649 : i32 to vector<16xi32>
            %gather3A_651 = tpu.vector_load_idx %arg16[%broadcast_in_dim3A_650, %broadcast_in_dim3A_614] : memref<8x512xf32, #tpu.memory_space<vmem>>[vector<16xi32>, vector<16xi32>], vector<16xf32>,
            %mul3A_652 = arith.mulf %get3A_615, %gather3A_651 : vector<16xf32>
            %add3A_653 = arith.addf %scan3A_605, %mul3A_652 : vector<16xf32>
            %mul3A_654 = arith.mulf %get3A_619, %gather3A_651 : vector<16xf32>
            %add3A_655 = arith.addf %scan3A_606, %mul3A_654 : vector<16xf32>
            %broadcast_in_dim3A_656 = arith.constant 5 : i32
            %broadcast_in_dim3A_657 = vector.broadcast %broadcast_in_dim3A_656 : i32 to vector<16xi32>
            %gather3A_658 = tpu.vector_load_idx %arg16[%broadcast_in_dim3A_657, %broadcast_in_dim3A_614] : memref<8x512xf32, #tpu.memory_space<vmem>>[vector<16xi32>, vector<16xi32>], vector<16xf32>,
            %mul3A_659 = arith.mulf %get3A_615, %gather3A_658 : vector<16xf32>
            %add3A_660 = arith.addf %scan3A_607, %mul3A_659 : vector<16xf32>
            %mul3A_661 = arith.mulf %get3A_619, %gather3A_658 : vector<16xf32>
            %add3A_662 = arith.addf %scan3A_608, %mul3A_661 : vector<16xf32>
            %broadcast_in_dim3A_663 = arith.constant 6 : i32
            %broadcast_in_dim3A_664 = vector.broadcast %broadcast_in_dim3A_663 : i32 to vector<16xi32>
            %gather3A_665 = tpu.vector_load_idx %arg16[%broadcast_in_dim3A_664, %broadcast_in_dim3A_614] : memref<8x512xf32, #tpu.memory_space<vmem>>[vector<16xi32>, vector<16xi32>], vector<16xf32>,
            %mul3A_666 = arith.mulf %get3A_615, %gather3A_665 : vector<16xf32>
            %add3A_667 = arith.addf %scan3A_609, %mul3A_666 : vector<16xf32>
            %mul3A_668 = arith.mulf %get3A_619, %gather3A_665 : vector<16xf32>
            %add3A_669 = arith.addf %scan3A_610, %mul3A_668 : vector<16xf32>
            %broadcast_in_dim3A_670 = arith.constant 7 : i32
            %broadcast_in_dim3A_671 = vector.broadcast %broadcast_in_dim3A_670 : i32 to vector<16xi32>
            %gather3A_672 = tpu.vector_load_idx %arg16[%broadcast_in_dim3A_671, %broadcast_in_dim3A_614] : memref<8x512xf32, #tpu.memory_space<vmem>>[vector<16xi32>, vector<16xi32>], vector<16xf32>,
            %mul3A_673 = arith.mulf %get3A_615, %gather3A_672 : vector<16xf32>
            %add3A_674 = arith.addf %scan3A_611, %mul3A_673 : vector<16xf32>
            %mul3A_675 = arith.mulf %get3A_619, %gather3A_672 : vector<16xf32>
            %add3A_676 = arith.addf %scan3A_612, %mul3A_675 : vector<16xf32>
            scf.yield %add3A_621, %add3A_625, %add3A_627, %add3A_632, %add3A_634, %add3A_639, %add3A_641, %add3A_646, %add3A_648, %add3A_653, %add3A_655, %add3A_660, %add3A_662, %add3A_667, %add3A_669, %add3A_674, %add3A_676 : i32, vector<16xf32>, vector<16xf32>, vector<16xf32>, vector<16xf32>, vector<16xf32>, vector<16xf32>, vector<16xf32>, vector<16xf32>, vector<16xf32>, vector<16xf32>, vector<16xf32>, vector<16xf32>, vector<16xf32>, vector<16xf32>, vector<16xf32>, vector<16xf32>
          }
          %scan3A_103 = arith.constant 64 : i32
          %reduce_max3A = arith.constant true
          %reduce_max3A_104 = vector.broadcast %reduce_max3A : i1 to vector<16xi1>
          %reduce_max3A_105 = tpu.scan <max>, %scan3A_102#1 masked %reduce_max3A_104 : vector<16xf32>, vector<16xi1> -> vector<16xf32>
          %reduce_max3A_106 = vector.extract %reduce_max3A_105[15] : f32 from vector<16xf32>
          %reduce_max3A_107 = arith.constant true
          %reduce_max3A_108 = vector.broadcast %reduce_max3A_107 : i1 to vector<16xi1>
          %reduce_max3A_109 = tpu.scan <max>, %scan3A_102#2 masked %reduce_max3A_108 : vector<16xf32>, vector<16xi1> -> vector<16xf32>
          %reduce_max3A_110 = vector.extract %reduce_max3A_109[15] : f32 from vector<16xf32>
          %max3A = arith.maximumf %reduce_max3A_106, %reduce_max3A_110 : f32
          %reduce_max3A_111 = arith.constant true
          %reduce_max3A_112 = vector.broadcast %reduce_max3A_111 : i1 to vector<16xi1>
          %reduce_max3A_113 = tpu.scan <max>, %scan3A_102#3 masked %reduce_max3A_112 : vector<16xf32>, vector<16xi1> -> vector<16xf32>
          %reduce_max3A_114 = vector.extract %reduce_max3A_113[15] : f32 from vector<16xf32>
          %reduce_max3A_115 = arith.constant true
          %reduce_max3A_116 = vector.broadcast %reduce_max3A_115 : i1 to vector<16xi1>
          %reduce_max3A_117 = tpu.scan <max>, %scan3A_102#4 masked %reduce_max3A_116 : vector<16xf32>, vector<16xi1> -> vector<16xf32>
          %reduce_max3A_118 = vector.extract %reduce_max3A_117[15] : f32 from vector<16xf32>
          %max3A_119 = arith.maximumf %reduce_max3A_114, %reduce_max3A_118 : f32
          %reduce_max3A_120 = arith.constant true
          %reduce_max3A_121 = vector.broadcast %reduce_max3A_120 : i1 to vector<16xi1>
          %reduce_max3A_122 = tpu.scan <max>, %scan3A_102#5 masked %reduce_max3A_121 : vector<16xf32>, vector<16xi1> -> vector<16xf32>
          %reduce_max3A_123 = vector.extract %reduce_max3A_122[15] : f32 from vector<16xf32>
          %reduce_max3A_124 = arith.constant true
          %reduce_max3A_125 = vector.broadcast %reduce_max3A_124 : i1 to vector<16xi1>
          %reduce_max3A_126 = tpu.scan <max>, %scan3A_102#6 masked %reduce_max3A_125 : vector<16xf32>, vector<16xi1> -> vector<16xf32>
          %reduce_max3A_127 = vector.extract %reduce_max3A_126[15] : f32 from vector<16xf32>
          %max3A_128 = arith.maximumf %reduce_max3A_123, %reduce_max3A_127 : f32
          %reduce_max3A_129 = arith.constant true
          %reduce_max3A_130 = vector.broadcast %reduce_max3A_129 : i1 to vector<16xi1>
          %reduce_max3A_131 = tpu.scan <max>, %scan3A_102#7 masked %reduce_max3A_130 : vector<16xf32>, vector<16xi1> -> vector<16xf32>
          %reduce_max3A_132 = vector.extract %reduce_max3A_131[15] : f32 from vector<16xf32>
          %reduce_max3A_133 = arith.constant true
          %reduce_max3A_134 = vector.broadcast %reduce_max3A_133 : i1 to vector<16xi1>
          %reduce_max3A_135 = tpu.scan <max>, %scan3A_102#8 masked %reduce_max3A_134 : vector<16xf32>, vector<16xi1> -> vector<16xf32>
          %reduce_max3A_136 = vector.extract %reduce_max3A_135[15] : f32 from vector<16xf32>
          %max3A_137 = arith.maximumf %reduce_max3A_132, %reduce_max3A_136 : f32
          %reduce_max3A_138 = arith.constant true
          %reduce_max3A_139 = vector.broadcast %reduce_max3A_138 : i1 to vector<16xi1>
          %reduce_max3A_140 = tpu.scan <max>, %scan3A_102#9 masked %reduce_max3A_139 : vector<16xf32>, vector<16xi1> -> vector<16xf32>
          %reduce_max3A_141 = vector.extract %reduce_max3A_140[15] : f32 from vector<16xf32>
          %reduce_max3A_142 = arith.constant true
          %reduce_max3A_143 = vector.broadcast %reduce_max3A_142 : i1 to vector<16xi1>
          %reduce_max3A_144 = tpu.scan <max>, %scan3A_102#10 masked %reduce_max3A_143 : vector<16xf32>, vector<16xi1> -> vector<16xf32>
          %reduce_max3A_145 = vector.extract %reduce_max3A_144[15] : f32 from vector<16xf32>
          %max3A_146 = arith.maximumf %reduce_max3A_141, %reduce_max3A_145 : f32
          %reduce_max3A_147 = arith.constant true
          %reduce_max3A_148 = vector.broadcast %reduce_max3A_147 : i1 to vector<16xi1>
          %reduce_max3A_149 = tpu.scan <max>, %scan3A_102#11 masked %reduce_max3A_148 : vector<16xf32>, vector<16xi1> -> vector<16xf32>
          %reduce_max3A_150 = vector.extract %reduce_max3A_149[15] : f32 from vector<16xf32>
          %reduce_max3A_151 = arith.constant true
          %reduce_max3A_152 = vector.broadcast %reduce_max3A_151 : i1 to vector<16xi1>
          %reduce_max3A_153 = tpu.scan <max>, %scan3A_102#12 masked %reduce_max3A_152 : vector<16xf32>, vector<16xi1> -> vector<16xf32>
          %reduce_max3A_154 = vector.extract %reduce_max3A_153[15] : f32 from vector<16xf32>
          %max3A_155 = arith.maximumf %reduce_max3A_150, %reduce_max3A_154 : f32
          %reduce_max3A_156 = arith.constant true
          %reduce_max3A_157 = vector.broadcast %reduce_max3A_156 : i1 to vector<16xi1>
          %reduce_max3A_158 = tpu.scan <max>, %scan3A_102#13 masked %reduce_max3A_157 : vector<16xf32>, vector<16xi1> -> vector<16xf32>
          %reduce_max3A_159 = vector.extract %reduce_max3A_158[15] : f32 from vector<16xf32>
          %reduce_max3A_160 = arith.constant true
          %reduce_max3A_161 = vector.broadcast %reduce_max3A_160 : i1 to vector<16xi1>
          %reduce_max3A_162 = tpu.scan <max>, %scan3A_102#14 masked %reduce_max3A_161 : vector<16xf32>, vector<16xi1> -> vector<16xf32>
          %reduce_max3A_163 = vector.extract %reduce_max3A_162[15] : f32 from vector<16xf32>
          %max3A_164 = arith.maximumf %reduce_max3A_159, %reduce_max3A_163 : f32
          %reduce_max3A_165 = arith.constant true
          %reduce_max3A_166 = vector.broadcast %reduce_max3A_165 : i1 to vector<16xi1>
          %reduce_max3A_167 = tpu.scan <max>, %scan3A_102#15 masked %reduce_max3A_166 : vector<16xf32>, vector<16xi1> -> vector<16xf32>
          %reduce_max3A_168 = vector.extract %reduce_max3A_167[15] : f32 from vector<16xf32>
          %reduce_max3A_169 = arith.constant true
          %reduce_max3A_170 = vector.broadcast %reduce_max3A_169 : i1 to vector<16xi1>
          %reduce_max3A_171 = tpu.scan <max>, %scan3A_102#16 masked %reduce_max3A_170 : vector<16xf32>, vector<16xi1> -> vector<16xf32>
          %reduce_max3A_172 = vector.extract %reduce_max3A_171[15] : f32 from vector<16xf32>
          %max3A_173 = arith.maximumf %reduce_max3A_168, %reduce_max3A_172 : f32
          %sub3A_174 = vector.broadcast %max3A : f32 to vector<16xf32>
          %sub3A_175 = arith.subf %scan3A_102#1, %sub3A_174 : vector<16xf32>
          %exp3A = math.exp %sub3A_175 : vector<16xf32>
          %sub3A_176 = vector.broadcast %max3A : f32 to vector<16xf32>
          %sub3A_177 = arith.subf %scan3A_102#2, %sub3A_176 : vector<16xf32>
          %exp3A_178 = math.exp %sub3A_177 : vector<16xf32>
          %sub3A_179 = vector.broadcast %max3A_119 : f32 to vector<16xf32>
          %sub3A_180 = arith.subf %scan3A_102#3, %sub3A_179 : vector<16xf32>
          %exp3A_181 = math.exp %sub3A_180 : vector<16xf32>
          %sub3A_182 = vector.broadcast %max3A_119 : f32 to vector<16xf32>
          %sub3A_183 = arith.subf %scan3A_102#4, %sub3A_182 : vector<16xf32>
          %exp3A_184 = math.exp %sub3A_183 : vector<16xf32>
          %sub3A_185 = vector.broadcast %max3A_128 : f32 to vector<16xf32>
          %sub3A_186 = arith.subf %scan3A_102#5, %sub3A_185 : vector<16xf32>
          %exp3A_187 = math.exp %sub3A_186 : vector<16xf32>
          %sub3A_188 = vector.broadcast %max3A_128 : f32 to vector<16xf32>
          %sub3A_189 = arith.subf %scan3A_102#6, %sub3A_188 : vector<16xf32>
          %exp3A_190 = math.exp %sub3A_189 : vector<16xf32>
          %sub3A_191 = vector.broadcast %max3A_137 : f32 to vector<16xf32>
          %sub3A_192 = arith.subf %scan3A_102#7, %sub3A_191 : vector<16xf32>
          %exp3A_193 = math.exp %sub3A_192 : vector<16xf32>
          %sub3A_194 = vector.broadcast %max3A_137 : f32 to vector<16xf32>
          %sub3A_195 = arith.subf %scan3A_102#8, %sub3A_194 : vector<16xf32>
          %exp3A_196 = math.exp %sub3A_195 : vector<16xf32>
          %sub3A_197 = vector.broadcast %max3A_146 : f32 to vector<16xf32>
          %sub3A_198 = arith.subf %scan3A_102#9, %sub3A_197 : vector<16xf32>
          %exp3A_199 = math.exp %sub3A_198 : vector<16xf32>
          %sub3A_200 = vector.broadcast %max3A_146 : f32 to vector<16xf32>
          %sub3A_201 = arith.subf %scan3A_102#10, %sub3A_200 : vector<16xf32>
          %exp3A_202 = math.exp %sub3A_201 : vector<16xf32>
          %sub3A_203 = vector.broadcast %max3A_155 : f32 to vector<16xf32>
          %sub3A_204 = arith.subf %scan3A_102#11, %sub3A_203 : vector<16xf32>
          %exp3A_205 = math.exp %sub3A_204 : vector<16xf32>
          %sub3A_206 = vector.broadcast %max3A_155 : f32 to vector<16xf32>
          %sub3A_207 = arith.subf %scan3A_102#12, %sub3A_206 : vector<16xf32>
          %exp3A_208 = math.exp %sub3A_207 : vector<16xf32>
          %sub3A_209 = vector.broadcast %max3A_164 : f32 to vector<16xf32>
          %sub3A_210 = arith.subf %scan3A_102#13, %sub3A_209 : vector<16xf32>
          %exp3A_211 = math.exp %sub3A_210 : vector<16xf32>
          %sub3A_212 = vector.broadcast %max3A_164 : f32 to vector<16xf32>
          %sub3A_213 = arith.subf %scan3A_102#14, %sub3A_212 : vector<16xf32>
          %exp3A_214 = math.exp %sub3A_213 : vector<16xf32>
          %sub3A_215 = vector.broadcast %max3A_173 : f32 to vector<16xf32>
          %sub3A_216 = arith.subf %scan3A_102#15, %sub3A_215 : vector<16xf32>
          %exp3A_217 = math.exp %sub3A_216 : vector<16xf32>
          %sub3A_218 = vector.broadcast %max3A_173 : f32 to vector<16xf32>
          %sub3A_219 = arith.subf %scan3A_102#16, %sub3A_218 : vector<16xf32>
          %exp3A_220 = math.exp %sub3A_219 : vector<16xf32>
          %reduce_sum3A = arith.constant true
          %reduce_sum3A_221 = vector.broadcast %reduce_sum3A : i1 to vector<16xi1>
          %reduce_sum3A_222 = tpu.scan <sum>, %exp3A masked %reduce_sum3A_221 : vector<16xf32>, vector<16xi1> -> vector<16xf32>
          %reduce_sum3A_223 = vector.extract %reduce_sum3A_222[15] : f32 from vector<16xf32>
          %reduce_sum3A_224 = arith.constant true
          %reduce_sum3A_225 = vector.broadcast %reduce_sum3A_224 : i1 to vector<16xi1>
          %reduce_sum3A_226 = tpu.scan <sum>, %exp3A_178 masked %reduce_sum3A_225 : vector<16xf32>, vector<16xi1> -> vector<16xf32>
          %reduce_sum3A_227 = vector.extract %reduce_sum3A_226[15] : f32 from vector<16xf32>
          %add3A_228 = arith.addf %reduce_sum3A_223, %reduce_sum3A_227 : f32
          %reduce_sum3A_229 = arith.constant true
          %reduce_sum3A_230 = vector.broadcast %reduce_sum3A_229 : i1 to vector<16xi1>
          %reduce_sum3A_231 = tpu.scan <sum>, %exp3A_181 masked %reduce_sum3A_230 : vector<16xf32>, vector<16xi1> -> vector<16xf32>
          %reduce_sum3A_232 = vector.extract %reduce_sum3A_231[15] : f32 from vector<16xf32>
          %reduce_sum3A_233 = arith.constant true
          %reduce_sum3A_234 = vector.broadcast %reduce_sum3A_233 : i1 to vector<16xi1>
          %reduce_sum3A_235 = tpu.scan <sum>, %exp3A_184 masked %reduce_sum3A_234 : vector<16xf32>, vector<16xi1> -> vector<16xf32>
          %reduce_sum3A_236 = vector.extract %reduce_sum3A_235[15] : f32 from vector<16xf32>
          %add3A_237 = arith.addf %reduce_sum3A_232, %reduce_sum3A_236 : f32
          %reduce_sum3A_238 = arith.constant true
          %reduce_sum3A_239 = vector.broadcast %reduce_sum3A_238 : i1 to vector<16xi1>
          %reduce_sum3A_240 = tpu.scan <sum>, %exp3A_187 masked %reduce_sum3A_239 : vector<16xf32>, vector<16xi1> -> vector<16xf32>
          %reduce_sum3A_241 = vector.extract %reduce_sum3A_240[15] : f32 from vector<16xf32>
          %reduce_sum3A_242 = arith.constant true
          %reduce_sum3A_243 = vector.broadcast %reduce_sum3A_242 : i1 to vector<16xi1>
          %reduce_sum3A_244 = tpu.scan <sum>, %exp3A_190 masked %reduce_sum3A_243 : vector<16xf32>, vector<16xi1> -> vector<16xf32>
          %reduce_sum3A_245 = vector.extract %reduce_sum3A_244[15] : f32 from vector<16xf32>
          %add3A_246 = arith.addf %reduce_sum3A_241, %reduce_sum3A_245 : f32
          %reduce_sum3A_247 = arith.constant true
          %reduce_sum3A_248 = vector.broadcast %reduce_sum3A_247 : i1 to vector<16xi1>
          %reduce_sum3A_249 = tpu.scan <sum>, %exp3A_193 masked %reduce_sum3A_248 : vector<16xf32>, vector<16xi1> -> vector<16xf32>
          %reduce_sum3A_250 = vector.extract %reduce_sum3A_249[15] : f32 from vector<16xf32>
          %reduce_sum3A_251 = arith.constant true
          %reduce_sum3A_252 = vector.broadcast %reduce_sum3A_251 : i1 to vector<16xi1>
          %reduce_sum3A_253 = tpu.scan <sum>, %exp3A_196 masked %reduce_sum3A_252 : vector<16xf32>, vector<16xi1> -> vector<16xf32>
          %reduce_sum3A_254 = vector.extract %reduce_sum3A_253[15] : f32 from vector<16xf32>
          %add3A_255 = arith.addf %reduce_sum3A_250, %reduce_sum3A_254 : f32
          %reduce_sum3A_256 = arith.constant true
          %reduce_sum3A_257 = vector.broadcast %reduce_sum3A_256 : i1 to vector<16xi1>
          %reduce_sum3A_258 = tpu.scan <sum>, %exp3A_199 masked %reduce_sum3A_257 : vector<16xf32>, vector<16xi1> -> vector<16xf32>
          %reduce_sum3A_259 = vector.extract %reduce_sum3A_258[15] : f32 from vector<16xf32>
          %reduce_sum3A_260 = arith.constant true
          %reduce_sum3A_261 = vector.broadcast %reduce_sum3A_260 : i1 to vector<16xi1>
          %reduce_sum3A_262 = tpu.scan <sum>, %exp3A_202 masked %reduce_sum3A_261 : vector<16xf32>, vector<16xi1> -> vector<16xf32>
          %reduce_sum3A_263 = vector.extract %reduce_sum3A_262[15] : f32 from vector<16xf32>
          %add3A_264 = arith.addf %reduce_sum3A_259, %reduce_sum3A_263 : f32
          %reduce_sum3A_265 = arith.constant true
          %reduce_sum3A_266 = vector.broadcast %reduce_sum3A_265 : i1 to vector<16xi1>
          %reduce_sum3A_267 = tpu.scan <sum>, %exp3A_205 masked %reduce_sum3A_266 : vector<16xf32>, vector<16xi1> -> vector<16xf32>
          %reduce_sum3A_268 = vector.extract %reduce_sum3A_267[15] : f32 from vector<16xf32>
          %reduce_sum3A_269 = arith.constant true
          %reduce_sum3A_270 = vector.broadcast %reduce_sum3A_269 : i1 to vector<16xi1>
          %reduce_sum3A_271 = tpu.scan <sum>, %exp3A_208 masked %reduce_sum3A_270 : vector<16xf32>, vector<16xi1> -> vector<16xf32>
          %reduce_sum3A_272 = vector.extract %reduce_sum3A_271[15] : f32 from vector<16xf32>
          %add3A_273 = arith.addf %reduce_sum3A_268, %reduce_sum3A_272 : f32
          %reduce_sum3A_274 = arith.constant true
          %reduce_sum3A_275 = vector.broadcast %reduce_sum3A_274 : i1 to vector<16xi1>
          %reduce_sum3A_276 = tpu.scan <sum>, %exp3A_211 masked %reduce_sum3A_275 : vector<16xf32>, vector<16xi1> -> vector<16xf32>
          %reduce_sum3A_277 = vector.extract %reduce_sum3A_276[15] : f32 from vector<16xf32>
          %reduce_sum3A_278 = arith.constant true
          %reduce_sum3A_279 = vector.broadcast %reduce_sum3A_278 : i1 to vector<16xi1>
          %reduce_sum3A_280 = tpu.scan <sum>, %exp3A_214 masked %reduce_sum3A_279 : vector<16xf32>, vector<16xi1> -> vector<16xf32>
          %reduce_sum3A_281 = vector.extract %reduce_sum3A_280[15] : f32 from vector<16xf32>
          %add3A_282 = arith.addf %reduce_sum3A_277, %reduce_sum3A_281 : f32
          %reduce_sum3A_283 = arith.constant true
          %reduce_sum3A_284 = vector.broadcast %reduce_sum3A_283 : i1 to vector<16xi1>
          %reduce_sum3A_285 = tpu.scan <sum>, %exp3A_217 masked %reduce_sum3A_284 : vector<16xf32>, vector<16xi1> -> vector<16xf32>
          %reduce_sum3A_286 = vector.extract %reduce_sum3A_285[15] : f32 from vector<16xf32>
          %reduce_sum3A_287 = arith.constant true
          %reduce_sum3A_288 = vector.broadcast %reduce_sum3A_287 : i1 to vector<16xi1>
          %reduce_sum3A_289 = tpu.scan <sum>, %exp3A_220 masked %reduce_sum3A_288 : vector<16xf32>, vector<16xi1> -> vector<16xf32>
          %reduce_sum3A_290 = vector.extract %reduce_sum3A_289[15] : f32 from vector<16xf32>
          %add3A_291 = arith.addf %reduce_sum3A_286, %reduce_sum3A_290 : f32
          %broadcast_in_dim3A_292 = arith.constant 1.000000e+00 : f32
          %broadcast_in_dim3A_293 = vector.broadcast %broadcast_in_dim3A_292 : f32 to vector<16xf32>
          %mul3A_294 = vector.broadcast %add3A_228 : f32 to vector<16xf32>
          %mul3A_295 = arith.mulf %broadcast_in_dim3A_293, %mul3A_294 : vector<16xf32>
          %div3A_296 = arith.divf %broadcast_in_dim3A_293, %mul3A_295 : vector<16xf32>
          %mul3A_297 = vector.broadcast %add3A_237 : f32 to vector<16xf32>
          %mul3A_298 = arith.mulf %broadcast_in_dim3A_293, %mul3A_297 : vector<16xf32>
          %div3A_299 = arith.divf %broadcast_in_dim3A_293, %mul3A_298 : vector<16xf32>
          %mul3A_300 = vector.broadcast %add3A_246 : f32 to vector<16xf32>
          %mul3A_301 = arith.mulf %broadcast_in_dim3A_293, %mul3A_300 : vector<16xf32>
          %div3A_302 = arith.divf %broadcast_in_dim3A_293, %mul3A_301 : vector<16xf32>
          %mul3A_303 = vector.broadcast %add3A_255 : f32 to vector<16xf32>
          %mul3A_304 = arith.mulf %broadcast_in_dim3A_293, %mul3A_303 : vector<16xf32>
          %div3A_305 = arith.divf %broadcast_in_dim3A_293, %mul3A_304 : vector<16xf32>
          %mul3A_306 = vector.broadcast %add3A_264 : f32 to vector<16xf32>
          %mul3A_307 = arith.mulf %broadcast_in_dim3A_293, %mul3A_306 : vector<16xf32>
          %div3A_308 = arith.divf %broadcast_in_dim3A_293, %mul3A_307 : vector<16xf32>
          %mul3A_309 = vector.broadcast %add3A_273 : f32 to vector<16xf32>
          %mul3A_310 = arith.mulf %broadcast_in_dim3A_293, %mul3A_309 : vector<16xf32>
          %div3A_311 = arith.divf %broadcast_in_dim3A_293, %mul3A_310 : vector<16xf32>
          %mul3A_312 = vector.broadcast %add3A_282 : f32 to vector<16xf32>
          %mul3A_313 = arith.mulf %broadcast_in_dim3A_293, %mul3A_312 : vector<16xf32>
          %div3A_314 = arith.divf %broadcast_in_dim3A_293, %mul3A_313 : vector<16xf32>
          %mul3A_315 = vector.broadcast %add3A_291 : f32 to vector<16xf32>
          %mul3A_316 = arith.mulf %broadcast_in_dim3A_293, %mul3A_315 : vector<16xf32>
          %div3A_317 = arith.divf %broadcast_in_dim3A_293, %mul3A_316 : vector<16xf32>
          %mul3A_318 = arith.mulf %exp3A, %div3A_296 : vector<16xf32>
          %swap3A = arith.constant 0 : i32
          %swap3A_319 = arith.index_cast %swap3A : i32 to index
          %swap3A_320 = arith.constant 0 : index
          %swap3A_321 = tpu.vector_load %arg20[%swap3A_319, %swap3A_320] {strides = array<i32>} : memref<8x32xf32, #tpu.memory_space<vmem>>, vector<16xf32>,
          tpu.vector_store %arg20[%swap3A_319, %swap3A_320], %mul3A_318 {strides = array<i32>} : memref<8x32xf32, #tpu.memory_space<vmem>>, vector<16xf32>,
          %mul3A_322 = arith.mulf %exp3A_178, %div3A_296 : vector<16xf32>
          %swap3A_323 = arith.constant 0 : i32
          %swap3A_324 = arith.index_cast %swap3A_323 : i32 to index
          %swap3A_325 = arith.constant 16 : index
          %swap3A_326 = tpu.vector_load %arg20[%swap3A_324, %swap3A_325] {strides = array<i32>} : memref<8x32xf32, #tpu.memory_space<vmem>>, vector<16xf32>,
          tpu.vector_store %arg20[%swap3A_324, %swap3A_325], %mul3A_322 {strides = array<i32>} : memref<8x32xf32, #tpu.memory_space<vmem>>, vector<16xf32>,
          %mul3A_327 = arith.mulf %exp3A_181, %div3A_299 : vector<16xf32>
          %swap3A_328 = arith.constant 1 : i32
          %swap3A_329 = arith.index_cast %swap3A_328 : i32 to index
          %swap3A_330 = arith.constant 0 : index
          %swap3A_331 = tpu.vector_load %arg20[%swap3A_329, %swap3A_330] {strides = array<i32>} : memref<8x32xf32, #tpu.memory_space<vmem>>, vector<16xf32>,
          tpu.vector_store %arg20[%swap3A_329, %swap3A_330], %mul3A_327 {strides = array<i32>} : memref<8x32xf32, #tpu.memory_space<vmem>>, vector<16xf32>,
          %mul3A_332 = arith.mulf %exp3A_184, %div3A_299 : vector<16xf32>
          %swap3A_333 = arith.constant 1 : i32
          %swap3A_334 = arith.index_cast %swap3A_333 : i32 to index
          %swap3A_335 = arith.constant 16 : index
          %swap3A_336 = tpu.vector_load %arg20[%swap3A_334, %swap3A_335] {strides = array<i32>} : memref<8x32xf32, #tpu.memory_space<vmem>>, vector<16xf32>,
          tpu.vector_store %arg20[%swap3A_334, %swap3A_335], %mul3A_332 {strides = array<i32>} : memref<8x32xf32, #tpu.memory_space<vmem>>, vector<16xf32>,
          %mul3A_337 = arith.mulf %exp3A_187, %div3A_302 : vector<16xf32>
          %swap3A_338 = arith.constant 2 : i32
          %swap3A_339 = arith.index_cast %swap3A_338 : i32 to index
          %swap3A_340 = arith.constant 0 : index
          %swap3A_341 = tpu.vector_load %arg20[%swap3A_339, %swap3A_340] {strides = array<i32>} : memref<8x32xf32, #tpu.memory_space<vmem>>, vector<16xf32>,
          tpu.vector_store %arg20[%swap3A_339, %swap3A_340], %mul3A_337 {strides = array<i32>} : memref<8x32xf32, #tpu.memory_space<vmem>>, vector<16xf32>,
          %mul3A_342 = arith.mulf %exp3A_190, %div3A_302 : vector<16xf32>
          %swap3A_343 = arith.constant 2 : i32
          %swap3A_344 = arith.index_cast %swap3A_343 : i32 to index
          %swap3A_345 = arith.constant 16 : index
          %swap3A_346 = tpu.vector_load %arg20[%swap3A_344, %swap3A_345] {strides = array<i32>} : memref<8x32xf32, #tpu.memory_space<vmem>>, vector<16xf32>,
          tpu.vector_store %arg20[%swap3A_344, %swap3A_345], %mul3A_342 {strides = array<i32>} : memref<8x32xf32, #tpu.memory_space<vmem>>, vector<16xf32>,
          %mul3A_347 = arith.mulf %exp3A_193, %div3A_305 : vector<16xf32>
          %swap3A_348 = arith.constant 3 : i32
          %swap3A_349 = arith.index_cast %swap3A_348 : i32 to index
          %swap3A_350 = arith.constant 0 : index
          %swap3A_351 = tpu.vector_load %arg20[%swap3A_349, %swap3A_350] {strides = array<i32>} : memref<8x32xf32, #tpu.memory_space<vmem>>, vector<16xf32>,
          tpu.vector_store %arg20[%swap3A_349, %swap3A_350], %mul3A_347 {strides = array<i32>} : memref<8x32xf32, #tpu.memory_space<vmem>>, vector<16xf32>,
          %mul3A_352 = arith.mulf %exp3A_196, %div3A_305 : vector<16xf32>
          %swap3A_353 = arith.constant 3 : i32
          %swap3A_354 = arith.index_cast %swap3A_353 : i32 to index
          %swap3A_355 = arith.constant 16 : index
          %swap3A_356 = tpu.vector_load %arg20[%swap3A_354, %swap3A_355] {strides = array<i32>} : memref<8x32xf32, #tpu.memory_space<vmem>>, vector<16xf32>,
          tpu.vector_store %arg20[%swap3A_354, %swap3A_355], %mul3A_352 {strides = array<i32>} : memref<8x32xf32, #tpu.memory_space<vmem>>, vector<16xf32>,
          %mul3A_357 = arith.mulf %exp3A_199, %div3A_308 : vector<16xf32>
          %swap3A_358 = arith.constant 4 : i32
          %swap3A_359 = arith.index_cast %swap3A_358 : i32 to index
          %swap3A_360 = arith.constant 0 : index
          %swap3A_361 = tpu.vector_load %arg20[%swap3A_359, %swap3A_360] {strides = array<i32>} : memref<8x32xf32, #tpu.memory_space<vmem>>, vector<16xf32>,
          tpu.vector_store %arg20[%swap3A_359, %swap3A_360], %mul3A_357 {strides = array<i32>} : memref<8x32xf32, #tpu.memory_space<vmem>>, vector<16xf32>,
          %mul3A_362 = arith.mulf %exp3A_202, %div3A_308 : vector<16xf32>
          %swap3A_363 = arith.constant 4 : i32
          %swap3A_364 = arith.index_cast %swap3A_363 : i32 to index
          %swap3A_365 = arith.constant 16 : index
          %swap3A_366 = tpu.vector_load %arg20[%swap3A_364, %swap3A_365] {strides = array<i32>} : memref<8x32xf32, #tpu.memory_space<vmem>>, vector<16xf32>,
          tpu.vector_store %arg20[%swap3A_364, %swap3A_365], %mul3A_362 {strides = array<i32>} : memref<8x32xf32, #tpu.memory_space<vmem>>, vector<16xf32>,
          %mul3A_367 = arith.mulf %exp3A_205, %div3A_311 : vector<16xf32>
          %swap3A_368 = arith.constant 5 : i32
          %swap3A_369 = arith.index_cast %swap3A_368 : i32 to index
          %swap3A_370 = arith.constant 0 : index
          %swap3A_371 = tpu.vector_load %arg20[%swap3A_369, %swap3A_370] {strides = array<i32>} : memref<8x32xf32, #tpu.memory_space<vmem>>, vector<16xf32>,
          tpu.vector_store %arg20[%swap3A_369, %swap3A_370], %mul3A_367 {strides = array<i32>} : memref<8x32xf32, #tpu.memory_space<vmem>>, vector<16xf32>,
          %mul3A_372 = arith.mulf %exp3A_208, %div3A_311 : vector<16xf32>
          %swap3A_373 = arith.constant 5 : i32
          %swap3A_374 = arith.index_cast %swap3A_373 : i32 to index
          %swap3A_375 = arith.constant 16 : index
          %swap3A_376 = tpu.vector_load %arg20[%swap3A_374, %swap3A_375] {strides = array<i32>} : memref<8x32xf32, #tpu.memory_space<vmem>>, vector<16xf32>,
          tpu.vector_store %arg20[%swap3A_374, %swap3A_375], %mul3A_372 {strides = array<i32>} : memref<8x32xf32, #tpu.memory_space<vmem>>, vector<16xf32>,
          %mul3A_377 = arith.mulf %exp3A_211, %div3A_314 : vector<16xf32>
          %swap3A_378 = arith.constant 6 : i32
          %swap3A_379 = arith.index_cast %swap3A_378 : i32 to index
          %swap3A_380 = arith.constant 0 : index
          %swap3A_381 = tpu.vector_load %arg20[%swap3A_379, %swap3A_380] {strides = array<i32>} : memref<8x32xf32, #tpu.memory_space<vmem>>, vector<16xf32>,
          tpu.vector_store %arg20[%swap3A_379, %swap3A_380], %mul3A_377 {strides = array<i32>} : memref<8x32xf32, #tpu.memory_space<vmem>>, vector<16xf32>,
          %mul3A_382 = arith.mulf %exp3A_214, %div3A_314 : vector<16xf32>
          %swap3A_383 = arith.constant 6 : i32
          %swap3A_384 = arith.index_cast %swap3A_383 : i32 to index
          %swap3A_385 = arith.constant 16 : index
          %swap3A_386 = tpu.vector_load %arg20[%swap3A_384, %swap3A_385] {strides = array<i32>} : memref<8x32xf32, #tpu.memory_space<vmem>>, vector<16xf32>,
          tpu.vector_store %arg20[%swap3A_384, %swap3A_385], %mul3A_382 {strides = array<i32>} : memref<8x32xf32, #tpu.memory_space<vmem>>, vector<16xf32>,
          %mul3A_387 = arith.mulf %exp3A_217, %div3A_317 : vector<16xf32>
          %swap3A_388 = arith.constant 7 : i32
          %swap3A_389 = arith.index_cast %swap3A_388 : i32 to index
          %swap3A_390 = arith.constant 0 : index
          %swap3A_391 = tpu.vector_load %arg20[%swap3A_389, %swap3A_390] {strides = array<i32>} : memref<8x32xf32, #tpu.memory_space<vmem>>, vector<16xf32>,
          tpu.vector_store %arg20[%swap3A_389, %swap3A_390], %mul3A_387 {strides = array<i32>} : memref<8x32xf32, #tpu.memory_space<vmem>>, vector<16xf32>,
          %mul3A_392 = arith.mulf %exp3A_220, %div3A_317 : vector<16xf32>
          %swap3A_393 = arith.constant 7 : i32
          %swap3A_394 = arith.index_cast %swap3A_393 : i32 to index
          %swap3A_395 = arith.constant 16 : index
          %swap3A_396 = tpu.vector_load %arg20[%swap3A_394, %swap3A_395] {strides = array<i32>} : memref<8x32xf32, #tpu.memory_space<vmem>>, vector<16xf32>,
          tpu.vector_store %arg20[%swap3A_394, %swap3A_395], %mul3A_392 {strides = array<i32>} : memref<8x32xf32, #tpu.memory_space<vmem>>, vector<16xf32>,
          %scan3A_397 = arith.constant 0 : i32
          %scan3A_398 = arith.constant 32 : i32
          %scan3A_399 = arith.addi %scan3A_397, %scan3A_398 : i32
          %scan3A_400 = arith.constant 1 : i32
          %scan3A_401:32 = scf.for %scan3A_595 = %scan3A_397 to %scan3A_399 step %scan3A_400 iter_args(%scan3A_596 = %broadcast_in_dim3A_95, %scan3A_597 = %broadcast_in_dim3A_95, %scan3A_598 = %broadcast_in_dim3A_95, %scan3A_599 = %broadcast_in_dim3A_95, %scan3A_600 = %broadcast_in_dim3A_95, %scan3A_601 = %broadcast_in_dim3A_95, %scan3A_602 = %broadcast_in_dim3A_95, %scan3A_603 = %broadcast_in_dim3A_95, %scan3A_604 = %broadcast_in_dim3A_95, %scan3A_605 = %broadcast_in_dim3A_95, %scan3A_606 = %broadcast_in_dim3A_95, %scan3A_607 = %broadcast_in_dim3A_95, %scan3A_608 = %broadcast_in_dim3A_95, %scan3A_609 = %broadcast_in_dim3A_95, %scan3A_610 = %broadcast_in_dim3A_95, %scan3A_611 = %broadcast_in_dim3A_95, %scan3A_612 = %broadcast_in_dim3A_95, %scan3A_613 = %broadcast_in_dim3A_95, %scan3A_614 = %broadcast_in_dim3A_95, %scan3A_615 = %broadcast_in_dim3A_95, %scan3A_616 = %broadcast_in_dim3A_95, %scan3A_617 = %broadcast_in_dim3A_95, %scan3A_618 = %broadcast_in_dim3A_95, %scan3A_619 = %broadcast_in_dim3A_95, %scan3A_620 = %broadcast_in_dim3A_95, %scan3A_621 = %broadcast_in_dim3A_95, %scan3A_622 = %broadcast_in_dim3A_95, %scan3A_623 = %broadcast_in_dim3A_95, %scan3A_624 = %broadcast_in_dim3A_95, %scan3A_625 = %broadcast_in_dim3A_95, %scan3A_626 = %broadcast_in_dim3A_95, %scan3A_627 = %broadcast_in_dim3A_95) -> (vector<16xf32>, vector<16xf32>, vector<16xf32>, vector<16xf32>, vector<16xf32>, vector<16xf32>, vector<16xf32>, vector<16xf32>, vector<16xf32>, vector<16xf32>, vector<16xf32>, vector<16xf32>, vector<16xf32>, vector<16xf32>, vector<16xf32>, vector<16xf32>, vector<16xf32>, vector<16xf32>, vector<16xf32>, vector<16xf32>, vector<16xf32>, vector<16xf32>, vector<16xf32>, vector<16xf32>, vector<16xf32>, vector<16xf32>, vector<16xf32>, vector<16xf32>, vector<16xf32>, vector<16xf32>, vector<16xf32>, vector<16xf32>)  : i32 {
            %add3A_628 = arith.constant 0 : i32
            %add3A_629 = arith.addi %mul3A_94, %add3A_628 : i32
            %get3A = arith.index_cast %scan3A_595 : i32 to index
            %get3A_630 = arith.index_cast %add3A_629 : i32 to index
            %get3A_631 = tpu.vector_load %arg14[%get3A, %get3A_630] {strides = array<i32>} : memref<32x512xf32, #tpu.memory_space<vmem>>, vector<16xf32>,
            %add3A_632 = arith.constant 16 : i32
            %add3A_633 = arith.addi %mul3A_94, %add3A_632 : i32
            %get3A_634 = arith.index_cast %scan3A_595 : i32 to index
            %get3A_635 = arith.index_cast %add3A_633 : i32 to index
            %get3A_636 = tpu.vector_load %arg14[%get3A_634, %get3A_635] {strides = array<i32>} : memref<32x512xf32, #tpu.memory_space<vmem>>, vector<16xf32>,
            %add3A_637 = arith.constant 32 : i32
            %add3A_638 = arith.addi %mul3A_94, %add3A_637 : i32
            %get3A_639 = arith.index_cast %scan3A_595 : i32 to index
            %get3A_640 = arith.index_cast %add3A_638 : i32 to index
            %get3A_641 = tpu.vector_load %arg14[%get3A_639, %get3A_640] {strides = array<i32>} : memref<32x512xf32, #tpu.memory_space<vmem>>, vector<16xf32>,
            %add3A_642 = arith.constant 48 : i32
            %add3A_643 = arith.addi %mul3A_94, %add3A_642 : i32
            %get3A_644 = arith.index_cast %scan3A_595 : i32 to index
            %get3A_645 = arith.index_cast %add3A_643 : i32 to index
            %get3A_646 = tpu.vector_load %arg14[%get3A_644, %get3A_645] {strides = array<i32>} : memref<32x512xf32, #tpu.memory_space<vmem>>, vector<16xf32>,
            %broadcast_in_dim3A_647 = vector.broadcast %scan3A_595 : i32 to vector<16xi32>
            %broadcast_in_dim3A_648 = arith.constant 0 : i32
            %broadcast_in_dim3A_649 = vector.broadcast %broadcast_in_dim3A_648 : i32 to vector<16xi32>
            %gather3A = tpu.vector_load_idx %arg20[%broadcast_in_dim3A_649, %broadcast_in_dim3A_647] : memref<8x32xf32, #tpu.memory_space<vmem>>[vector<16xi32>, vector<16xi32>], vector<16xf32>,
            %mul3A_650 = arith.mulf %get3A_631, %gather3A : vector<16xf32>
            %add3A_651 = arith.addf %scan3A_596, %mul3A_650 : vector<16xf32>
            %mul3A_652 = arith.mulf %get3A_636, %gather3A : vector<16xf32>
            %add3A_653 = arith.addf %scan3A_597, %mul3A_652 : vector<16xf32>
            %mul3A_654 = arith.mulf %get3A_641, %gather3A : vector<16xf32>
            %add3A_655 = arith.addf %scan3A_598, %mul3A_654 : vector<16xf32>
            %mul3A_656 = arith.mulf %get3A_646, %gather3A : vector<16xf32>
            %add3A_657 = arith.addf %scan3A_599, %mul3A_656 : vector<16xf32>
            %broadcast_in_dim3A_658 = arith.constant 1 : i32
            %broadcast_in_dim3A_659 = vector.broadcast %broadcast_in_dim3A_658 : i32 to vector<16xi32>
            %gather3A_660 = tpu.vector_load_idx %arg20[%broadcast_in_dim3A_659, %broadcast_in_dim3A_647] : memref<8x32xf32, #tpu.memory_space<vmem>>[vector<16xi32>, vector<16xi32>], vector<16xf32>,
            %mul3A_661 = arith.mulf %get3A_631, %gather3A_660 : vector<16xf32>
            %add3A_662 = arith.addf %scan3A_600, %mul3A_661 : vector<16xf32>
            %mul3A_663 = arith.mulf %get3A_636, %gather3A_660 : vector<16xf32>
            %add3A_664 = arith.addf %scan3A_601, %mul3A_663 : vector<16xf32>
            %mul3A_665 = arith.mulf %get3A_641, %gather3A_660 : vector<16xf32>
            %add3A_666 = arith.addf %scan3A_602, %mul3A_665 : vector<16xf32>
            %mul3A_667 = arith.mulf %get3A_646, %gather3A_660 : vector<16xf32>
            %add3A_668 = arith.addf %scan3A_603, %mul3A_667 : vector<16xf32>
            %broadcast_in_dim3A_669 = arith.constant 2 : i32
            %broadcast_in_dim3A_670 = vector.broadcast %broadcast_in_dim3A_669 : i32 to vector<16xi32>
            %gather3A_671 = tpu.vector_load_idx %arg20[%broadcast_in_dim3A_670, %broadcast_in_dim3A_647] : memref<8x32xf32, #tpu.memory_space<vmem>>[vector<16xi32>, vector<16xi32>], vector<16xf32>,
            %mul3A_672 = arith.mulf %get3A_631, %gather3A_671 : vector<16xf32>
            %add3A_673 = arith.addf %scan3A_604, %mul3A_672 : vector<16xf32>
            %mul3A_674 = arith.mulf %get3A_636, %gather3A_671 : vector<16xf32>
            %add3A_675 = arith.addf %scan3A_605, %mul3A_674 : vector<16xf32>
            %mul3A_676 = arith.mulf %get3A_641, %gather3A_671 : vector<16xf32>
            %add3A_677 = arith.addf %scan3A_606, %mul3A_676 : vector<16xf32>
            %mul3A_678 = arith.mulf %get3A_646, %gather3A_671 : vector<16xf32>
            %add3A_679 = arith.addf %scan3A_607, %mul3A_678 : vector<16xf32>
            %broadcast_in_dim3A_680 = arith.constant 3 : i32
            %broadcast_in_dim3A_681 = vector.broadcast %broadcast_in_dim3A_680 : i32 to vector<16xi32>
            %gather3A_682 = tpu.vector_load_idx %arg20[%broadcast_in_dim3A_681, %broadcast_in_dim3A_647] : memref<8x32xf32, #tpu.memory_space<vmem>>[vector<16xi32>, vector<16xi32>], vector<16xf32>,
            %mul3A_683 = arith.mulf %get3A_631, %gather3A_682 : vector<16xf32>
            %add3A_684 = arith.addf %scan3A_608, %mul3A_683 : vector<16xf32>
            %mul3A_685 = arith.mulf %get3A_636, %gather3A_682 : vector<16xf32>
            %add3A_686 = arith.addf %scan3A_609, %mul3A_685 : vector<16xf32>
            %mul3A_687 = arith.mulf %get3A_641, %gather3A_682 : vector<16xf32>
            %add3A_688 = arith.addf %scan3A_610, %mul3A_687 : vector<16xf32>
            %mul3A_689 = arith.mulf %get3A_646, %gather3A_682 : vector<16xf32>
            %add3A_690 = arith.addf %scan3A_611, %mul3A_689 : vector<16xf32>
            %broadcast_in_dim3A_691 = arith.constant 4 : i32
            %broadcast_in_dim3A_692 = vector.broadcast %broadcast_in_dim3A_691 : i32 to vector<16xi32>
            %gather3A_693 = tpu.vector_load_idx %arg20[%broadcast_in_dim3A_692, %broadcast_in_dim3A_647] : memref<8x32xf32, #tpu.memory_space<vmem>>[vector<16xi32>, vector<16xi32>], vector<16xf32>,
            %mul3A_694 = arith.mulf %get3A_631, %gather3A_693 : vector<16xf32>
            %add3A_695 = arith.addf %scan3A_612, %mul3A_694 : vector<16xf32>
            %mul3A_696 = arith.mulf %get3A_636, %gather3A_693 : vector<16xf32>
            %add3A_697 = arith.addf %scan3A_613, %mul3A_696 : vector<16xf32>
            %mul3A_698 = arith.mulf %get3A_641, %gather3A_693 : vector<16xf32>
            %add3A_699 = arith.addf %scan3A_614, %mul3A_698 : vector<16xf32>
            %mul3A_700 = arith.mulf %get3A_646, %gather3A_693 : vector<16xf32>
            %add3A_701 = arith.addf %scan3A_615, %mul3A_700 : vector<16xf32>
            %broadcast_in_dim3A_702 = arith.constant 5 : i32
            %broadcast_in_dim3A_703 = vector.broadcast %broadcast_in_dim3A_702 : i32 to vector<16xi32>
            %gather3A_704 = tpu.vector_load_idx %arg20[%broadcast_in_dim3A_703, %broadcast_in_dim3A_647] : memref<8x32xf32, #tpu.memory_space<vmem>>[vector<16xi32>, vector<16xi32>], vector<16xf32>,
            %mul3A_705 = arith.mulf %get3A_631, %gather3A_704 : vector<16xf32>
            %add3A_706 = arith.addf %scan3A_616, %mul3A_705 : vector<16xf32>
            %mul3A_707 = arith.mulf %get3A_636, %gather3A_704 : vector<16xf32>
            %add3A_708 = arith.addf %scan3A_617, %mul3A_707 : vector<16xf32>
            %mul3A_709 = arith.mulf %get3A_641, %gather3A_704 : vector<16xf32>
            %add3A_710 = arith.addf %scan3A_618, %mul3A_709 : vector<16xf32>
            %mul3A_711 = arith.mulf %get3A_646, %gather3A_704 : vector<16xf32>
            %add3A_712 = arith.addf %scan3A_619, %mul3A_711 : vector<16xf32>
            %broadcast_in_dim3A_713 = arith.constant 6 : i32
            %broadcast_in_dim3A_714 = vector.broadcast %broadcast_in_dim3A_713 : i32 to vector<16xi32>
            %gather3A_715 = tpu.vector_load_idx %arg20[%broadcast_in_dim3A_714, %broadcast_in_dim3A_647] : memref<8x32xf32, #tpu.memory_space<vmem>>[vector<16xi32>, vector<16xi32>], vector<16xf32>,
            %mul3A_716 = arith.mulf %get3A_631, %gather3A_715 : vector<16xf32>
            %add3A_717 = arith.addf %scan3A_620, %mul3A_716 : vector<16xf32>
            %mul3A_718 = arith.mulf %get3A_636, %gather3A_715 : vector<16xf32>
            %add3A_719 = arith.addf %scan3A_621, %mul3A_718 : vector<16xf32>
            %mul3A_720 = arith.mulf %get3A_641, %gather3A_715 : vector<16xf32>
            %add3A_721 = arith.addf %scan3A_622, %mul3A_720 : vector<16xf32>
            %mul3A_722 = arith.mulf %get3A_646, %gather3A_715 : vector<16xf32>
            %add3A_723 = arith.addf %scan3A_623, %mul3A_722 : vector<16xf32>
            %broadcast_in_dim3A_724 = arith.constant 7 : i32
            %broadcast_in_dim3A_725 = vector.broadcast %broadcast_in_dim3A_724 : i32 to vector<16xi32>
            %gather3A_726 = tpu.vector_load_idx %arg20[%broadcast_in_dim3A_725, %broadcast_in_dim3A_647] : memref<8x32xf32, #tpu.memory_space<vmem>>[vector<16xi32>, vector<16xi32>], vector<16xf32>,
            %mul3A_727 = arith.mulf %get3A_631, %gather3A_726 : vector<16xf32>
            %add3A_728 = arith.addf %scan3A_624, %mul3A_727 : vector<16xf32>
            %mul3A_729 = arith.mulf %get3A_636, %gather3A_726 : vector<16xf32>
            %add3A_730 = arith.addf %scan3A_625, %mul3A_729 : vector<16xf32>
            %mul3A_731 = arith.mulf %get3A_641, %gather3A_726 : vector<16xf32>
            %add3A_732 = arith.addf %scan3A_626, %mul3A_731 : vector<16xf32>
            %mul3A_733 = arith.mulf %get3A_646, %gather3A_726 : vector<16xf32>
            %add3A_734 = arith.addf %scan3A_627, %mul3A_733 : vector<16xf32>
            scf.yield %add3A_651, %add3A_653, %add3A_655, %add3A_657, %add3A_662, %add3A_664, %add3A_666, %add3A_668, %add3A_673, %add3A_675, %add3A_677, %add3A_679, %add3A_684, %add3A_686, %add3A_688, %add3A_690, %add3A_695, %add3A_697, %add3A_699, %add3A_701, %add3A_706, %add3A_708, %add3A_710, %add3A_712, %add3A_717, %add3A_719, %add3A_721, %add3A_723, %add3A_728, %add3A_730, %add3A_732, %add3A_734 : vector<16xf32>, vector<16xf32>, vector<16xf32>, vector<16xf32>, vector<16xf32>, vector<16xf32>, vector<16xf32>, vector<16xf32>, vector<16xf32>, vector<16xf32>, vector<16xf32>, vector<16xf32>, vector<16xf32>, vector<16xf32>, vector<16xf32>, vector<16xf32>, vector<16xf32>, vector<16xf32>, vector<16xf32>, vector<16xf32>, vector<16xf32>, vector<16xf32>, vector<16xf32>, vector<16xf32>, vector<16xf32>, vector<16xf32>, vector<16xf32>, vector<16xf32>, vector<16xf32>, vector<16xf32>, vector<16xf32>, vector<16xf32>
          }
          %scan3A_402 = arith.constant 32 : i32
          %add3A_403 = arith.constant 0 : i32
          %add3A_404 = arith.addi %mul3A_94, %add3A_403 : i32
          %swap3A_405 = arith.constant 0 : i32
          %swap3A_406 = arith.index_cast %swap3A_405 : i32 to index
          %swap3A_407 = arith.index_cast %add3A_404 : i32 to index
          %swap3A_408 = tpu.vector_load %arg18[%swap3A_406, %swap3A_407] {strides = array<i32>} : memref<8x512xf32, #tpu.memory_space<vmem>>, vector<16xf32>,
          tpu.vector_store %arg18[%swap3A_406, %swap3A_407], %scan3A_401#0 {strides = array<i32>} : memref<8x512xf32, #tpu.memory_space<vmem>>, vector<16xf32>,
          %add3A_409 = arith.constant 16 : i32
          %add3A_410 = arith.addi %mul3A_94, %add3A_409 : i32
          %swap3A_411 = arith.constant 0 : i32
          %swap3A_412 = arith.index_cast %swap3A_411 : i32 to index
          %swap3A_413 = arith.index_cast %add3A_410 : i32 to index
          %swap3A_414 = tpu.vector_load %arg18[%swap3A_412, %swap3A_413] {strides = array<i32>} : memref<8x512xf32, #tpu.memory_space<vmem>>, vector<16xf32>,
          tpu.vector_store %arg18[%swap3A_412, %swap3A_413], %scan3A_401#1 {strides = array<i32>} : memref<8x512xf32, #tpu.memory_space<vmem>>, vector<16xf32>,
          %add3A_415 = arith.constant 32 : i32
          %add3A_416 = arith.addi %mul3A_94, %add3A_415 : i32
          %swap3A_417 = arith.constant 0 : i32
          %swap3A_418 = arith.index_cast %swap3A_417 : i32 to index
          %swap3A_419 = arith.index_cast %add3A_416 : i32 to index
          %swap3A_420 = tpu.vector_load %arg18[%swap3A_418, %swap3A_419] {strides = array<i32>} : memref<8x512xf32, #tpu.memory_space<vmem>>, vector<16xf32>,
          tpu.vector_store %arg18[%swap3A_418, %swap3A_419], %scan3A_401#2 {strides = array<i32>} : memref<8x512xf32, #tpu.memory_space<vmem>>, vector<16xf32>,
          %add3A_421 = arith.constant 48 : i32
          %add3A_422 = arith.addi %mul3A_94, %add3A_421 : i32
          %swap3A_423 = arith.constant 0 : i32
          %swap3A_424 = arith.index_cast %swap3A_423 : i32 to index
          %swap3A_425 = arith.index_cast %add3A_422 : i32 to index
          %swap3A_426 = tpu.vector_load %arg18[%swap3A_424, %swap3A_425] {strides = array<i32>} : memref<8x512xf32, #tpu.memory_space<vmem>>, vector<16xf32>,
          tpu.vector_store %arg18[%swap3A_424, %swap3A_425], %scan3A_401#3 {strides = array<i32>} : memref<8x512xf32, #tpu.memory_space<vmem>>, vector<16xf32>,
          %add3A_427 = arith.constant 0 : i32
          %add3A_428 = arith.addi %mul3A_94, %add3A_427 : i32
          %swap3A_429 = arith.constant 1 : i32
          %swap3A_430 = arith.index_cast %swap3A_429 : i32 to index
          %swap3A_431 = arith.index_cast %add3A_428 : i32 to index
          %swap3A_432 = tpu.vector_load %arg18[%swap3A_430, %swap3A_431] {strides = array<i32>} : memref<8x512xf32, #tpu.memory_space<vmem>>, vector<16xf32>,
          tpu.vector_store %arg18[%swap3A_430, %swap3A_431], %scan3A_401#4 {strides = array<i32>} : memref<8x512xf32, #tpu.memory_space<vmem>>, vector<16xf32>,
          %add3A_433 = arith.constant 16 : i32
          %add3A_434 = arith.addi %mul3A_94, %add3A_433 : i32
          %swap3A_435 = arith.constant 1 : i32
          %swap3A_436 = arith.index_cast %swap3A_435 : i32 to index
          %swap3A_437 = arith.index_cast %add3A_434 : i32 to index
          %swap3A_438 = tpu.vector_load %arg18[%swap3A_436, %swap3A_437] {strides = array<i32>} : memref<8x512xf32, #tpu.memory_space<vmem>>, vector<16xf32>,
          tpu.vector_store %arg18[%swap3A_436, %swap3A_437], %scan3A_401#5 {strides = array<i32>} : memref<8x512xf32, #tpu.memory_space<vmem>>, vector<16xf32>,
          %add3A_439 = arith.constant 32 : i32
          %add3A_440 = arith.addi %mul3A_94, %add3A_439 : i32
          %swap3A_441 = arith.constant 1 : i32
          %swap3A_442 = arith.index_cast %swap3A_441 : i32 to index
          %swap3A_443 = arith.index_cast %add3A_440 : i32 to index
          %swap3A_444 = tpu.vector_load %arg18[%swap3A_442, %swap3A_443] {strides = array<i32>} : memref<8x512xf32, #tpu.memory_space<vmem>>, vector<16xf32>,
          tpu.vector_store %arg18[%swap3A_442, %swap3A_443], %scan3A_401#6 {strides = array<i32>} : memref<8x512xf32, #tpu.memory_space<vmem>>, vector<16xf32>,
          %add3A_445 = arith.constant 48 : i32
          %add3A_446 = arith.addi %mul3A_94, %add3A_445 : i32
          %swap3A_447 = arith.constant 1 : i32
          %swap3A_448 = arith.index_cast %swap3A_447 : i32 to index
          %swap3A_449 = arith.index_cast %add3A_446 : i32 to index
          %swap3A_450 = tpu.vector_load %arg18[%swap3A_448, %swap3A_449] {strides = array<i32>} : memref<8x512xf32, #tpu.memory_space<vmem>>, vector<16xf32>,
          tpu.vector_store %arg18[%swap3A_448, %swap3A_449], %scan3A_401#7 {strides = array<i32>} : memref<8x512xf32, #tpu.memory_space<vmem>>, vector<16xf32>,
          %add3A_451 = arith.constant 0 : i32
          %add3A_452 = arith.addi %mul3A_94, %add3A_451 : i32
          %swap3A_453 = arith.constant 2 : i32
          %swap3A_454 = arith.index_cast %swap3A_453 : i32 to index
          %swap3A_455 = arith.index_cast %add3A_452 : i32 to index
          %swap3A_456 = tpu.vector_load %arg18[%swap3A_454, %swap3A_455] {strides = array<i32>} : memref<8x512xf32, #tpu.memory_space<vmem>>, vector<16xf32>,
          tpu.vector_store %arg18[%swap3A_454, %swap3A_455], %scan3A_401#8 {strides = array<i32>} : memref<8x512xf32, #tpu.memory_space<vmem>>, vector<16xf32>,
          %add3A_457 = arith.constant 16 : i32
          %add3A_458 = arith.addi %mul3A_94, %add3A_457 : i32
          %swap3A_459 = arith.constant 2 : i32
          %swap3A_460 = arith.index_cast %swap3A_459 : i32 to index
          %swap3A_461 = arith.index_cast %add3A_458 : i32 to index
          %swap3A_462 = tpu.vector_load %arg18[%swap3A_460, %swap3A_461] {strides = array<i32>} : memref<8x512xf32, #tpu.memory_space<vmem>>, vector<16xf32>,
          tpu.vector_store %arg18[%swap3A_460, %swap3A_461], %scan3A_401#9 {strides = array<i32>} : memref<8x512xf32, #tpu.memory_space<vmem>>, vector<16xf32>,
          %add3A_463 = arith.constant 32 : i32
          %add3A_464 = arith.addi %mul3A_94, %add3A_463 : i32
          %swap3A_465 = arith.constant 2 : i32
          %swap3A_466 = arith.index_cast %swap3A_465 : i32 to index
          %swap3A_467 = arith.index_cast %add3A_464 : i32 to index
          %swap3A_468 = tpu.vector_load %arg18[%swap3A_466, %swap3A_467] {strides = array<i32>} : memref<8x512xf32, #tpu.memory_space<vmem>>, vector<16xf32>,
          tpu.vector_store %arg18[%swap3A_466, %swap3A_467], %scan3A_401#10 {strides = array<i32>} : memref<8x512xf32, #tpu.memory_space<vmem>>, vector<16xf32>,
          %add3A_469 = arith.constant 48 : i32
          %add3A_470 = arith.addi %mul3A_94, %add3A_469 : i32
          %swap3A_471 = arith.constant 2 : i32
          %swap3A_472 = arith.index_cast %swap3A_471 : i32 to index
          %swap3A_473 = arith.index_cast %add3A_470 : i32 to index
          %swap3A_474 = tpu.vector_load %arg18[%swap3A_472, %swap3A_473] {strides = array<i32>} : memref<8x512xf32, #tpu.memory_space<vmem>>, vector<16xf32>,
          tpu.vector_store %arg18[%swap3A_472, %swap3A_473], %scan3A_401#11 {strides = array<i32>} : memref<8x512xf32, #tpu.memory_space<vmem>>, vector<16xf32>,
          %add3A_475 = arith.constant 0 : i32
          %add3A_476 = arith.addi %mul3A_94, %add3A_475 : i32
          %swap3A_477 = arith.constant 3 : i32
          %swap3A_478 = arith.index_cast %swap3A_477 : i32 to index
          %swap3A_479 = arith.index_cast %add3A_476 : i32 to index
          %swap3A_480 = tpu.vector_load %arg18[%swap3A_478, %swap3A_479] {strides = array<i32>} : memref<8x512xf32, #tpu.memory_space<vmem>>, vector<16xf32>,
          tpu.vector_store %arg18[%swap3A_478, %swap3A_479], %scan3A_401#12 {strides = array<i32>} : memref<8x512xf32, #tpu.memory_space<vmem>>, vector<16xf32>,
          %add3A_481 = arith.constant 16 : i32
          %add3A_482 = arith.addi %mul3A_94, %add3A_481 : i32
          %swap3A_483 = arith.constant 3 : i32
          %swap3A_484 = arith.index_cast %swap3A_483 : i32 to index
          %swap3A_485 = arith.index_cast %add3A_482 : i32 to index
          %swap3A_486 = tpu.vector_load %arg18[%swap3A_484, %swap3A_485] {strides = array<i32>} : memref<8x512xf32, #tpu.memory_space<vmem>>, vector<16xf32>,
          tpu.vector_store %arg18[%swap3A_484, %swap3A_485], %scan3A_401#13 {strides = array<i32>} : memref<8x512xf32, #tpu.memory_space<vmem>>, vector<16xf32>,
          %add3A_487 = arith.constant 32 : i32
          %add3A_488 = arith.addi %mul3A_94, %add3A_487 : i32
          %swap3A_489 = arith.constant 3 : i32
          %swap3A_490 = arith.index_cast %swap3A_489 : i32 to index
          %swap3A_491 = arith.index_cast %add3A_488 : i32 to index
          %swap3A_492 = tpu.vector_load %arg18[%swap3A_490, %swap3A_491] {strides = array<i32>} : memref<8x512xf32, #tpu.memory_space<vmem>>, vector<16xf32>,
          tpu.vector_store %arg18[%swap3A_490, %swap3A_491], %scan3A_401#14 {strides = array<i32>} : memref<8x512xf32, #tpu.memory_space<vmem>>, vector<16xf32>,
          %add3A_493 = arith.constant 48 : i32
          %add3A_494 = arith.addi %mul3A_94, %add3A_493 : i32
          %swap3A_495 = arith.constant 3 : i32
          %swap3A_496 = arith.index_cast %swap3A_495 : i32 to index
          %swap3A_497 = arith.index_cast %add3A_494 : i32 to index
          %swap3A_498 = tpu.vector_load %arg18[%swap3A_496, %swap3A_497] {strides = array<i32>} : memref<8x512xf32, #tpu.memory_space<vmem>>, vector<16xf32>,
          tpu.vector_store %arg18[%swap3A_496, %swap3A_497], %scan3A_401#15 {strides = array<i32>} : memref<8x512xf32, #tpu.memory_space<vmem>>, vector<16xf32>,
          %add3A_499 = arith.constant 0 : i32
          %add3A_500 = arith.addi %mul3A_94, %add3A_499 : i32
          %swap3A_501 = arith.constant 4 : i32
          %swap3A_502 = arith.index_cast %swap3A_501 : i32 to index
          %swap3A_503 = arith.index_cast %add3A_500 : i32 to index
          %swap3A_504 = tpu.vector_load %arg18[%swap3A_502, %swap3A_503] {strides = array<i32>} : memref<8x512xf32, #tpu.memory_space<vmem>>, vector<16xf32>,
          tpu.vector_store %arg18[%swap3A_502, %swap3A_503], %scan3A_401#16 {strides = array<i32>} : memref<8x512xf32, #tpu.memory_space<vmem>>, vector<16xf32>,
          %add3A_505 = arith.constant 16 : i32
          %add3A_506 = arith.addi %mul3A_94, %add3A_505 : i32
          %swap3A_507 = arith.constant 4 : i32
          %swap3A_508 = arith.index_cast %swap3A_507 : i32 to index
          %swap3A_509 = arith.index_cast %add3A_506 : i32 to index
          %swap3A_510 = tpu.vector_load %arg18[%swap3A_508, %swap3A_509] {strides = array<i32>} : memref<8x512xf32, #tpu.memory_space<vmem>>, vector<16xf32>,
          tpu.vector_store %arg18[%swap3A_508, %swap3A_509], %scan3A_401#17 {strides = array<i32>} : memref<8x512xf32, #tpu.memory_space<vmem>>, vector<16xf32>,
          %add3A_511 = arith.constant 32 : i32
          %add3A_512 = arith.addi %mul3A_94, %add3A_511 : i32
          %swap3A_513 = arith.constant 4 : i32
          %swap3A_514 = arith.index_cast %swap3A_513 : i32 to index
          %swap3A_515 = arith.index_cast %add3A_512 : i32 to index
          %swap3A_516 = tpu.vector_load %arg18[%swap3A_514, %swap3A_515] {strides = array<i32>} : memref<8x512xf32, #tpu.memory_space<vmem>>, vector<16xf32>,
          tpu.vector_store %arg18[%swap3A_514, %swap3A_515], %scan3A_401#18 {strides = array<i32>} : memref<8x512xf32, #tpu.memory_space<vmem>>, vector<16xf32>,
          %add3A_517 = arith.constant 48 : i32
          %add3A_518 = arith.addi %mul3A_94, %add3A_517 : i32
          %swap3A_519 = arith.constant 4 : i32
          %swap3A_520 = arith.index_cast %swap3A_519 : i32 to index
          %swap3A_521 = arith.index_cast %add3A_518 : i32 to index
          %swap3A_522 = tpu.vector_load %arg18[%swap3A_520, %swap3A_521] {strides = array<i32>} : memref<8x512xf32, #tpu.memory_space<vmem>>, vector<16xf32>,
          tpu.vector_store %arg18[%swap3A_520, %swap3A_521], %scan3A_401#19 {strides = array<i32>} : memref<8x512xf32, #tpu.memory_space<vmem>>, vector<16xf32>,
          %add3A_523 = arith.constant 0 : i32
          %add3A_524 = arith.addi %mul3A_94, %add3A_523 : i32
          %swap3A_525 = arith.constant 5 : i32
          %swap3A_526 = arith.index_cast %swap3A_525 : i32 to index
          %swap3A_527 = arith.index_cast %add3A_524 : i32 to index
          %swap3A_528 = tpu.vector_load %arg18[%swap3A_526, %swap3A_527] {strides = array<i32>} : memref<8x512xf32, #tpu.memory_space<vmem>>, vector<16xf32>,
          tpu.vector_store %arg18[%swap3A_526, %swap3A_527], %scan3A_401#20 {strides = array<i32>} : memref<8x512xf32, #tpu.memory_space<vmem>>, vector<16xf32>,
          %add3A_529 = arith.constant 16 : i32
          %add3A_530 = arith.addi %mul3A_94, %add3A_529 : i32
          %swap3A_531 = arith.constant 5 : i32
          %swap3A_532 = arith.index_cast %swap3A_531 : i32 to index
          %swap3A_533 = arith.index_cast %add3A_530 : i32 to index
          %swap3A_534 = tpu.vector_load %arg18[%swap3A_532, %swap3A_533] {strides = array<i32>} : memref<8x512xf32, #tpu.memory_space<vmem>>, vector<16xf32>,
          tpu.vector_store %arg18[%swap3A_532, %swap3A_533], %scan3A_401#21 {strides = array<i32>} : memref<8x512xf32, #tpu.memory_space<vmem>>, vector<16xf32>,
          %add3A_535 = arith.constant 32 : i32
          %add3A_536 = arith.addi %mul3A_94, %add3A_535 : i32
          %swap3A_537 = arith.constant 5 : i32
          %swap3A_538 = arith.index_cast %swap3A_537 : i32 to index
          %swap3A_539 = arith.index_cast %add3A_536 : i32 to index
          %swap3A_540 = tpu.vector_load %arg18[%swap3A_538, %swap3A_539] {strides = array<i32>} : memref<8x512xf32, #tpu.memory_space<vmem>>, vector<16xf32>,
          tpu.vector_store %arg18[%swap3A_538, %swap3A_539], %scan3A_401#22 {strides = array<i32>} : memref<8x512xf32, #tpu.memory_space<vmem>>, vector<16xf32>,
          %add3A_541 = arith.constant 48 : i32
          %add3A_542 = arith.addi %mul3A_94, %add3A_541 : i32
          %swap3A_543 = arith.constant 5 : i32
          %swap3A_544 = arith.index_cast %swap3A_543 : i32 to index
          %swap3A_545 = arith.index_cast %add3A_542 : i32 to index
          %swap3A_546 = tpu.vector_load %arg18[%swap3A_544, %swap3A_545] {strides = array<i32>} : memref<8x512xf32, #tpu.memory_space<vmem>>, vector<16xf32>,
          tpu.vector_store %arg18[%swap3A_544, %swap3A_545], %scan3A_401#23 {strides = array<i32>} : memref<8x512xf32, #tpu.memory_space<vmem>>, vector<16xf32>,
          %add3A_547 = arith.constant 0 : i32
          %add3A_548 = arith.addi %mul3A_94, %add3A_547 : i32
          %swap3A_549 = arith.constant 6 : i32
          %swap3A_550 = arith.index_cast %swap3A_549 : i32 to index
          %swap3A_551 = arith.index_cast %add3A_548 : i32 to index
          %swap3A_552 = tpu.vector_load %arg18[%swap3A_550, %swap3A_551] {strides = array<i32>} : memref<8x512xf32, #tpu.memory_space<vmem>>, vector<16xf32>,
          tpu.vector_store %arg18[%swap3A_550, %swap3A_551], %scan3A_401#24 {strides = array<i32>} : memref<8x512xf32, #tpu.memory_space<vmem>>, vector<16xf32>,
          %add3A_553 = arith.constant 16 : i32
          %add3A_554 = arith.addi %mul3A_94, %add3A_553 : i32
          %swap3A_555 = arith.constant 6 : i32
          %swap3A_556 = arith.index_cast %swap3A_555 : i32 to index
          %swap3A_557 = arith.index_cast %add3A_554 : i32 to index
          %swap3A_558 = tpu.vector_load %arg18[%swap3A_556, %swap3A_557] {strides = array<i32>} : memref<8x512xf32, #tpu.memory_space<vmem>>, vector<16xf32>,
          tpu.vector_store %arg18[%swap3A_556, %swap3A_557], %scan3A_401#25 {strides = array<i32>} : memref<8x512xf32, #tpu.memory_space<vmem>>, vector<16xf32>,
          %add3A_559 = arith.constant 32 : i32
          %add3A_560 = arith.addi %mul3A_94, %add3A_559 : i32
          %swap3A_561 = arith.constant 6 : i32
          %swap3A_562 = arith.index_cast %swap3A_561 : i32 to index
          %swap3A_563 = arith.index_cast %add3A_560 : i32 to index
          %swap3A_564 = tpu.vector_load %arg18[%swap3A_562, %swap3A_563] {strides = array<i32>} : memref<8x512xf32, #tpu.memory_space<vmem>>, vector<16xf32>,
          tpu.vector_store %arg18[%swap3A_562, %swap3A_563], %scan3A_401#26 {strides = array<i32>} : memref<8x512xf32, #tpu.memory_space<vmem>>, vector<16xf32>,
          %add3A_565 = arith.constant 48 : i32
          %add3A_566 = arith.addi %mul3A_94, %add3A_565 : i32
          %swap3A_567 = arith.constant 6 : i32
          %swap3A_568 = arith.index_cast %swap3A_567 : i32 to index
          %swap3A_569 = arith.index_cast %add3A_566 : i32 to index
          %swap3A_570 = tpu.vector_load %arg18[%swap3A_568, %swap3A_569] {strides = array<i32>} : memref<8x512xf32, #tpu.memory_space<vmem>>, vector<16xf32>,
          tpu.vector_store %arg18[%swap3A_568, %swap3A_569], %scan3A_401#27 {strides = array<i32>} : memref<8x512xf32, #tpu.memory_space<vmem>>, vector<16xf32>,
          %add3A_571 = arith.constant 0 : i32
          %add3A_572 = arith.addi %mul3A_94, %add3A_571 : i32
          %swap3A_573 = arith.constant 7 : i32
          %swap3A_574 = arith.index_cast %swap3A_573 : i32 to index
          %swap3A_575 = arith.index_cast %add3A_572 : i32 to index
          %swap3A_576 = tpu.vector_load %arg18[%swap3A_574, %swap3A_575] {strides = array<i32>} : memref<8x512xf32, #tpu.memory_space<vmem>>, vector<16xf32>,
          tpu.vector_store %arg18[%swap3A_574, %swap3A_575], %scan3A_401#28 {strides = array<i32>} : memref<8x512xf32, #tpu.memory_space<vmem>>, vector<16xf32>,
          %add3A_577 = arith.constant 16 : i32
          %add3A_578 = arith.addi %mul3A_94, %add3A_577 : i32
          %swap3A_579 = arith.constant 7 : i32
          %swap3A_580 = arith.index_cast %swap3A_579 : i32 to index
          %swap3A_581 = arith.index_cast %add3A_578 : i32 to index
          %swap3A_582 = tpu.vector_load %arg18[%swap3A_580, %swap3A_581] {strides = array<i32>} : memref<8x512xf32, #tpu.memory_space<vmem>>, vector<16xf32>,
          tpu.vector_store %arg18[%swap3A_580, %swap3A_581], %scan3A_401#29 {strides = array<i32>} : memref<8x512xf32, #tpu.memory_space<vmem>>, vector<16xf32>,
          %add3A_583 = arith.constant 32 : i32
          %add3A_584 = arith.addi %mul3A_94, %add3A_583 : i32
          %swap3A_585 = arith.constant 7 : i32
          %swap3A_586 = arith.index_cast %swap3A_585 : i32 to index
          %swap3A_587 = arith.index_cast %add3A_584 : i32 to index
          %swap3A_588 = tpu.vector_load %arg18[%swap3A_586, %swap3A_587] {strides = array<i32>} : memref<8x512xf32, #tpu.memory_space<vmem>>, vector<16xf32>,
          tpu.vector_store %arg18[%swap3A_586, %swap3A_587], %scan3A_401#30 {strides = array<i32>} : memref<8x512xf32, #tpu.memory_space<vmem>>, vector<16xf32>,
          %add3A_589 = arith.constant 48 : i32
          %add3A_590 = arith.addi %mul3A_94, %add3A_589 : i32
          %swap3A_591 = arith.constant 7 : i32
          %swap3A_592 = arith.index_cast %swap3A_591 : i32 to index
          %swap3A_593 = arith.index_cast %add3A_590 : i32 to index
          %swap3A_594 = tpu.vector_load %arg18[%swap3A_592, %swap3A_593] {strides = array<i32>} : memref<8x512xf32, #tpu.memory_space<vmem>>, vector<16xf32>,
          tpu.vector_store %arg18[%swap3A_592, %swap3A_593], %scan3A_401#31 {strides = array<i32>} : memref<8x512xf32, #tpu.memory_space<vmem>>, vector<16xf32>,
        }
        %scan3A_88 = arith.constant 8 : i32
        "tpu.region"() ({
          %run_scoped3A = tpu.sem_alloc : memref<!tpu.dma_semaphore, #tpu.memory_space<semaphore_mem>>
          %dma_start3A_92 = arith.constant 0 : i32
          %dma_start3A_93 = tpu.memref_slice %arg9[%add3A_51, %dma_start3A_92] : memref<391x8xi32, #tpu.memory_space<hbm>> -> memref<1x8xi32, #tpu.memory_space<hbm>>
          %dma_start3A_94 = tpu.memref_squeeze %dma_start3A_93 : memref<1x8xi32, #tpu.memory_space<hbm>> -> memref<8xi32, #tpu.memory_space<hbm>>
          %dma_start3A_95 = arith.constant 0 : i32
          %dma_start3A_96 = tpu.memref_slice %arg9[%add3A_51, %dma_start3A_95] : memref<391x8xi32, #tpu.memory_space<hbm>> -> memref<1x8xi32, #tpu.memory_space<hbm>>
          %dma_start3A_97 = tpu.memref_squeeze %dma_start3A_96 : memref<1x8xi32, #tpu.memory_space<hbm>> -> memref<8xi32, #tpu.memory_space<hbm>>
          tpu.enqueue_dma source(%dma_start3A_97 : memref<8xi32, #tpu.memory_space<hbm>>) target(%arg26 : memref<8xi32, #tpu.memory_space<vmem>>) target_semaphore(%run_scoped3A : memref<!tpu.dma_semaphore, #tpu.memory_space<semaphore_mem>>)
          %dma_wait3A_98 = arith.constant 0 : i32
          %dma_wait3A_99 = tpu.memref_slice %arg9[%add3A_51, %dma_wait3A_98] : memref<391x8xi32, #tpu.memory_space<hbm>> -> memref<1x8xi32, #tpu.memory_space<hbm>>
          %dma_wait3A_100 = tpu.memref_squeeze %dma_wait3A_99 : memref<1x8xi32, #tpu.memory_space<hbm>> -> memref<8xi32, #tpu.memory_space<hbm>>
          %dma_wait3A_101 = arith.constant 0 : i32
          %dma_wait3A_102 = tpu.memref_slice %arg9[%add3A_51, %dma_wait3A_101] : memref<391x8xi32, #tpu.memory_space<hbm>> -> memref<1x8xi32, #tpu.memory_space<hbm>>
          %dma_wait3A_103 = tpu.memref_squeeze %dma_wait3A_102 : memref<1x8xi32, #tpu.memory_space<hbm>> -> memref<8xi32, #tpu.memory_space<hbm>>
          tpu.wait_dma2 semaphore(%run_scoped3A : memref<!tpu.dma_semaphore, #tpu.memory_space<semaphore_mem>>) src(%dma_wait3A_103 : memref<8xi32, #tpu.memory_space<hbm>>) dst(%arg26 : memref<8xi32, #tpu.memory_space<vmem>>)
          tpu.yield
        }) : () -> ()
        %dma_start3A_89 = arith.constant 0 : i32
        %dma_start3A_90 = arith.constant 0 : i32
        %dma_start3A_91 = tpu.memref_slice %arg10[%dma_start3A_89, %dma_start3A_90] : memref<2048x512xf32, #tpu.memory_space<hbm>> -> memref<2048x512xf32, #tpu.memory_space<hbm>>
        tpu.enqueue_indirect_dma source(%arg18 : memref<8x512xf32, #tpu.memory_space<vmem>>) target(%dma_start3A_91 : memref<2048x512xf32, #tpu.memory_space<hbm>>) offsets(%arg26 : memref<8xi32, #tpu.memory_space<vmem>>) semaphore(%arg30 : memref<!tpu.dma_semaphore, #tpu.memory_space<semaphore_mem>>)
      } else {
      }
      %convert_element_type3A_61 = arith.extui %lt3A : i1 to i32
      %cond3A_62 = arith.constant 0 : i32
      %cond3A_63 = arith.cmpi ne, %convert_element_type3A_61, %cond3A_62 : i32
      scf.if %cond3A_63 {
        %dma_wait3A_73 = arith.constant 0 : i32
        %dma_wait3A_74 = arith.constant 0 : i32
        %dma_wait3A_75 = tpu.memref_slice %arg5[%dma_wait3A_73, %dma_wait3A_74] : memref<2048x512xf32, #tpu.memory_space<hbm>> -> memref<2048x512xf32, #tpu.memory_space<hbm>>
        tpu.wait_indirect_dma semaphore(%arg29 : memref<!tpu.dma_semaphore, #tpu.memory_space<semaphore_mem>>) src(%dma_wait3A_75 : memref<2048x512xf32, #tpu.memory_space<hbm>>) dst(%arg13 : memref<32x512xf32, #tpu.memory_space<vmem>>)
        %dma_wait3A_76 = arith.constant 0 : i32
        %dma_wait3A_77 = arith.constant 0 : i32
        %dma_wait3A_78 = tpu.memref_slice %arg7[%dma_wait3A_76, %dma_wait3A_77] : memref<2048x512xf32, #tpu.memory_space<hbm>> -> memref<2048x512xf32, #tpu.memory_space<hbm>>
        tpu.wait_indirect_dma semaphore(%arg29 : memref<!tpu.dma_semaphore, #tpu.memory_space<semaphore_mem>>) src(%dma_wait3A_78 : memref<2048x512xf32, #tpu.memory_space<hbm>>) dst(%arg15 : memref<32x512xf32, #tpu.memory_space<vmem>>)
        %dma_wait3A_79 = arith.constant 0 : i32
        %dma_wait3A_80 = arith.constant 0 : i32
        %dma_wait3A_81 = tpu.memref_slice %arg3[%dma_wait3A_79, %dma_wait3A_80] : memref<2048x512xf32, #tpu.memory_space<hbm>> -> memref<2048x512xf32, #tpu.memory_space<hbm>>
        tpu.wait_indirect_dma semaphore(%arg29 : memref<!tpu.dma_semaphore, #tpu.memory_space<semaphore_mem>>) src(%dma_wait3A_81 : memref<2048x512xf32, #tpu.memory_space<hbm>>) dst(%arg17 : memref<8x512xf32, #tpu.memory_space<vmem>>)
      } else {
      }
      %add3A_64 = arith.constant 1 : i32
      %add3A_65 = arith.addi %scan3A_48, %add3A_64 : i32
      %lt3A_66 = arith.cmpi slt, %add3A_65, %select_n3A : i32
      %convert_element_type3A_67 = arith.extui %lt3A_66 : i1 to i32
      %cond3A_68 = arith.constant 0 : i32
      %cond3A_69 = arith.cmpi ne, %convert_element_type3A_67, %cond3A_68 : i32
      scf.if %cond3A_69 {
        "tpu.region"() ({
          %run_scoped3A = tpu.sem_alloc : memref<!tpu.dma_semaphore, #tpu.memory_space<semaphore_mem>>
          %dma_start3A_82 = arith.constant 0 : i32
          %dma_start3A_83 = tpu.memref_slice %arg8[%add3A_53, %dma_start3A_82] : memref<391x32xi32, #tpu.memory_space<hbm>> -> memref<1x32xi32, #tpu.memory_space<hbm>>
          %dma_start3A_84 = tpu.memref_squeeze %dma_start3A_83 : memref<1x32xi32, #tpu.memory_space<hbm>> -> memref<32xi32, #tpu.memory_space<hbm>>
          %dma_start3A_85 = arith.constant 0 : i32
          %dma_start3A_86 = tpu.memref_slice %arg8[%add3A_53, %dma_start3A_85] : memref<391x32xi32, #tpu.memory_space<hbm>> -> memref<1x32xi32, #tpu.memory_space<hbm>>
          %dma_start3A_87 = tpu.memref_squeeze %dma_start3A_86 : memref<1x32xi32, #tpu.memory_space<hbm>> -> memref<32xi32, #tpu.memory_space<hbm>>
          tpu.enqueue_dma source(%dma_start3A_87 : memref<32xi32, #tpu.memory_space<hbm>>) target(%arg22 : memref<32xi32, #tpu.memory_space<vmem>>) target_semaphore(%run_scoped3A : memref<!tpu.dma_semaphore, #tpu.memory_space<semaphore_mem>>)
          %dma_wait3A_88 = arith.constant 0 : i32
          %dma_wait3A_89 = tpu.memref_slice %arg8[%add3A_53, %dma_wait3A_88] : memref<391x32xi32, #tpu.memory_space<hbm>> -> memref<1x32xi32, #tpu.memory_space<hbm>>
          %dma_wait3A_90 = tpu.memref_squeeze %dma_wait3A_89 : memref<1x32xi32, #tpu.memory_space<hbm>> -> memref<32xi32, #tpu.memory_space<hbm>>
          %dma_wait3A_91 = arith.constant 0 : i32
          %dma_wait3A_92 = tpu.memref_slice %arg8[%add3A_53, %dma_wait3A_91] : memref<391x32xi32, #tpu.memory_space<hbm>> -> memref<1x32xi32, #tpu.memory_space<hbm>>
          %dma_wait3A_93 = tpu.memref_squeeze %dma_wait3A_92 : memref<1x32xi32, #tpu.memory_space<hbm>> -> memref<32xi32, #tpu.memory_space<hbm>>
          tpu.wait_dma2 semaphore(%run_scoped3A : memref<!tpu.dma_semaphore, #tpu.memory_space<semaphore_mem>>) src(%dma_wait3A_93 : memref<32xi32, #tpu.memory_space<hbm>>) dst(%arg22 : memref<32xi32, #tpu.memory_space<vmem>>)
          tpu.yield
        }) : () -> ()
        "tpu.region"() ({
          %run_scoped3A = tpu.sem_alloc : memref<!tpu.dma_semaphore, #tpu.memory_space<semaphore_mem>>
          %dma_start3A_82 = arith.constant 0 : i32
          %dma_start3A_83 = tpu.memref_slice %arg9[%add3A_53, %dma_start3A_82] : memref<391x8xi32, #tpu.memory_space<hbm>> -> memref<1x8xi32, #tpu.memory_space<hbm>>
          %dma_start3A_84 = tpu.memref_squeeze %dma_start3A_83 : memref<1x8xi32, #tpu.memory_space<hbm>> -> memref<8xi32, #tpu.memory_space<hbm>>
          %dma_start3A_85 = arith.constant 0 : i32
          %dma_start3A_86 = tpu.memref_slice %arg9[%add3A_53, %dma_start3A_85] : memref<391x8xi32, #tpu.memory_space<hbm>> -> memref<1x8xi32, #tpu.memory_space<hbm>>
          %dma_start3A_87 = tpu.memref_squeeze %dma_start3A_86 : memref<1x8xi32, #tpu.memory_space<hbm>> -> memref<8xi32, #tpu.memory_space<hbm>>
          tpu.enqueue_dma source(%dma_start3A_87 : memref<8xi32, #tpu.memory_space<hbm>>) target(%arg24 : memref<8xi32, #tpu.memory_space<vmem>>) target_semaphore(%run_scoped3A : memref<!tpu.dma_semaphore, #tpu.memory_space<semaphore_mem>>)
          %dma_wait3A_88 = arith.constant 0 : i32
          %dma_wait3A_89 = tpu.memref_slice %arg9[%add3A_53, %dma_wait3A_88] : memref<391x8xi32, #tpu.memory_space<hbm>> -> memref<1x8xi32, #tpu.memory_space<hbm>>
          %dma_wait3A_90 = tpu.memref_squeeze %dma_wait3A_89 : memref<1x8xi32, #tpu.memory_space<hbm>> -> memref<8xi32, #tpu.memory_space<hbm>>
          %dma_wait3A_91 = arith.constant 0 : i32
          %dma_wait3A_92 = tpu.memref_slice %arg9[%add3A_53, %dma_wait3A_91] : memref<391x8xi32, #tpu.memory_space<hbm>> -> memref<1x8xi32, #tpu.memory_space<hbm>>
          %dma_wait3A_93 = tpu.memref_squeeze %dma_wait3A_92 : memref<1x8xi32, #tpu.memory_space<hbm>> -> memref<8xi32, #tpu.memory_space<hbm>>
          tpu.wait_dma2 semaphore(%run_scoped3A : memref<!tpu.dma_semaphore, #tpu.memory_space<semaphore_mem>>) src(%dma_wait3A_93 : memref<8xi32, #tpu.memory_space<hbm>>) dst(%arg24 : memref<8xi32, #tpu.memory_space<vmem>>)
          tpu.yield
        }) : () -> ()
        %dma_start3A_73 = arith.constant 0 : i32
        %dma_start3A_74 = arith.constant 0 : i32
        %dma_start3A_75 = tpu.memref_slice %arg4[%dma_start3A_73, %dma_start3A_74] : memref<2048x512xf32, #tpu.memory_space<hbm>> -> memref<2048x512xf32, #tpu.memory_space<hbm>>
        tpu.enqueue_indirect_dma source(%dma_start3A_75 : memref<2048x512xf32, #tpu.memory_space<hbm>>) target(%arg12 : memref<32x512xf32, #tpu.memory_space<vmem>>) offsets(%arg22 : memref<32xi32, #tpu.memory_space<vmem>>) semaphore(%arg28 : memref<!tpu.dma_semaphore, #tpu.memory_space<semaphore_mem>>)
        %dma_start3A_76 = arith.constant 0 : i32
        %dma_start3A_77 = arith.constant 0 : i32
        %dma_start3A_78 = tpu.memref_slice %arg6[%dma_start3A_76, %dma_start3A_77] : memref<2048x512xf32, #tpu.memory_space<hbm>> -> memref<2048x512xf32, #tpu.memory_space<hbm>>
        tpu.enqueue_indirect_dma source(%dma_start3A_78 : memref<2048x512xf32, #tpu.memory_space<hbm>>) target(%arg14 : memref<32x512xf32, #tpu.memory_space<vmem>>) offsets(%arg22 : memref<32xi32, #tpu.memory_space<vmem>>) semaphore(%arg28 : memref<!tpu.dma_semaphore, #tpu.memory_space<semaphore_mem>>)
        %dma_start3A_79 = arith.constant 0 : i32
        %dma_start3A_80 = arith.constant 0 : i32
        %dma_start3A_81 = tpu.memref_slice %arg2[%dma_start3A_79, %dma_start3A_80] : memref<2048x512xf32, #tpu.memory_space<hbm>> -> memref<2048x512xf32, #tpu.memory_space<hbm>>
        tpu.enqueue_indirect_dma source(%dma_start3A_81 : memref<2048x512xf32, #tpu.memory_space<hbm>>) target(%arg16 : memref<8x512xf32, #tpu.memory_space<vmem>>) offsets(%arg24 : memref<8xi32, #tpu.memory_space<vmem>>) semaphore(%arg28 : memref<!tpu.dma_semaphore, #tpu.memory_space<semaphore_mem>>)
      } else {
      }
      %convert_element_type3A_70 = arith.extui %lt3A : i1 to i32
      %cond3A_71 = arith.constant 0 : i32
      %cond3A_72 = arith.cmpi ne, %convert_element_type3A_70, %cond3A_71 : i32
      scf.if %cond3A_72 {
        %ge3A = arith.constant 1 : i32
        %ge3A_73 = arith.cmpi sge, %scan3A_48, %ge3A : i32
        %convert_element_type3A_74 = arith.extui %ge3A_73 : i1 to i32
        %cond3A_75 = arith.constant 0 : i32
        %cond3A_76 = arith.cmpi ne, %convert_element_type3A_74, %cond3A_75 : i32
        scf.if %cond3A_76 {
          %dma_wait3A_92 = arith.constant 0 : i32
          %dma_wait3A_93 = arith.constant 0 : i32
          %dma_wait3A_94 = tpu.memref_slice %arg11[%dma_wait3A_92, %dma_wait3A_93] : memref<2048x512xf32, #tpu.memory_space<hbm>> -> memref<2048x512xf32, #tpu.memory_space<hbm>>
          tpu.wait_indirect_dma semaphore(%arg31 : memref<!tpu.dma_semaphore, #tpu.memory_space<semaphore_mem>>) src(%arg19 : memref<8x512xf32, #tpu.memory_space<vmem>>) dst(%dma_wait3A_94 : memref<2048x512xf32, #tpu.memory_space<hbm>>)
        } else {
        }
        %scan3A_77 = arith.constant 0 : i32
        %scan3A_78 = arith.constant 0 : i32
        %scan3A_79 = arith.constant 32 : i32
        %scan3A_80 = arith.addi %scan3A_78, %scan3A_79 : i32
        %scan3A_81 = arith.constant 1 : i32
        scf.for %scan3A_92 = %scan3A_78 to %scan3A_80 step %scan3A_81  : i32 {
          %get3A = arith.index_cast %scan3A_92 : i32 to index
          %get3A_93 = arith.constant 0 : index
          %get3A_94 = tpu.vector_load %arg13[%get3A, %get3A_93] {strides = array<i32>} : memref<32x512xf32, #tpu.memory_space<vmem>>, vector<16xf32>,
          %add3A_95 = arith.constant 0 : i32
          %add3A_96 = arith.addi %add3A_95, %scan3A_92 : i32
          %add3A_97 = vector.broadcast %add3A_96 : i32 to vector<16xi32>
          %add3A_98 = arith.addi %mul3A_29, %add3A_97 : vector<16xi32>
          tpu.vector_store_idx %arg21[%add3A_98], %get3A_94 : memref<16896xf32, #tpu.memory_space<vmem>>[vector<16xi32>], vector<16xf32>,
          %get3A_99 = arith.index_cast %scan3A_92 : i32 to index
          %get3A_100 = arith.constant 16 : index
          %get3A_101 = tpu.vector_load %arg13[%get3A_99, %get3A_100] {strides = array<i32>} : memref<32x512xf32, #tpu.memory_space<vmem>>, vector<16xf32>,
          %add3A_102 = arith.constant 528 : i32
          %add3A_103 = arith.addi %add3A_102, %scan3A_92 : i32
          %add3A_104 = vector.broadcast %add3A_103 : i32 to vector<16xi32>
          %add3A_105 = arith.addi %mul3A_29, %add3A_104 : vector<16xi32>
          tpu.vector_store_idx %arg21[%add3A_105], %get3A_101 : memref<16896xf32, #tpu.memory_space<vmem>>[vector<16xi32>], vector<16xf32>,
          %get3A_106 = arith.index_cast %scan3A_92 : i32 to index
          %get3A_107 = arith.constant 32 : index
          %get3A_108 = tpu.vector_load %arg13[%get3A_106, %get3A_107] {strides = array<i32>} : memref<32x512xf32, #tpu.memory_space<vmem>>, vector<16xf32>,
          %add3A_109 = arith.constant 1056 : i32
          %add3A_110 = arith.addi %add3A_109, %scan3A_92 : i32
          %add3A_111 = vector.broadcast %add3A_110 : i32 to vector<16xi32>
          %add3A_112 = arith.addi %mul3A_29, %add3A_111 : vector<16xi32>
          tpu.vector_store_idx %arg21[%add3A_112], %get3A_108 : memref<16896xf32, #tpu.memory_space<vmem>>[vector<16xi32>], vector<16xf32>,
          %get3A_113 = arith.index_cast %scan3A_92 : i32 to index
          %get3A_114 = arith.constant 48 : index
          %get3A_115 = tpu.vector_load %arg13[%get3A_113, %get3A_114] {strides = array<i32>} : memref<32x512xf32, #tpu.memory_space<vmem>>, vector<16xf32>,
          %add3A_116 = arith.constant 1584 : i32
          %add3A_117 = arith.addi %add3A_116, %scan3A_92 : i32
          %add3A_118 = vector.broadcast %add3A_117 : i32 to vector<16xi32>
          %add3A_119 = arith.addi %mul3A_29, %add3A_118 : vector<16xi32>
          tpu.vector_store_idx %arg21[%add3A_119], %get3A_115 : memref<16896xf32, #tpu.memory_space<vmem>>[vector<16xi32>], vector<16xf32>,
          %get3A_120 = arith.index_cast %scan3A_92 : i32 to index
          %get3A_121 = arith.constant 64 : index
          %get3A_122 = tpu.vector_load %arg13[%get3A_120, %get3A_121] {strides = array<i32>} : memref<32x512xf32, #tpu.memory_space<vmem>>, vector<16xf32>,
          %add3A_123 = arith.constant 2112 : i32
          %add3A_124 = arith.addi %add3A_123, %scan3A_92 : i32
          %add3A_125 = vector.broadcast %add3A_124 : i32 to vector<16xi32>
          %add3A_126 = arith.addi %mul3A_29, %add3A_125 : vector<16xi32>
          tpu.vector_store_idx %arg21[%add3A_126], %get3A_122 : memref<16896xf32, #tpu.memory_space<vmem>>[vector<16xi32>], vector<16xf32>,
          %get3A_127 = arith.index_cast %scan3A_92 : i32 to index
          %get3A_128 = arith.constant 80 : index
          %get3A_129 = tpu.vector_load %arg13[%get3A_127, %get3A_128] {strides = array<i32>} : memref<32x512xf32, #tpu.memory_space<vmem>>, vector<16xf32>,
          %add3A_130 = arith.constant 2640 : i32
          %add3A_131 = arith.addi %add3A_130, %scan3A_92 : i32
          %add3A_132 = vector.broadcast %add3A_131 : i32 to vector<16xi32>
          %add3A_133 = arith.addi %mul3A_29, %add3A_132 : vector<16xi32>
          tpu.vector_store_idx %arg21[%add3A_133], %get3A_129 : memref<16896xf32, #tpu.memory_space<vmem>>[vector<16xi32>], vector<16xf32>,
          %get3A_134 = arith.index_cast %scan3A_92 : i32 to index
          %get3A_135 = arith.constant 96 : index
          %get3A_136 = tpu.vector_load %arg13[%get3A_134, %get3A_135] {strides = array<i32>} : memref<32x512xf32, #tpu.memory_space<vmem>>, vector<16xf32>,
          %add3A_137 = arith.constant 3168 : i32
          %add3A_138 = arith.addi %add3A_137, %scan3A_92 : i32
          %add3A_139 = vector.broadcast %add3A_138 : i32 to vector<16xi32>
          %add3A_140 = arith.addi %mul3A_29, %add3A_139 : vector<16xi32>
          tpu.vector_store_idx %arg21[%add3A_140], %get3A_136 : memref<16896xf32, #tpu.memory_space<vmem>>[vector<16xi32>], vector<16xf32>,
          %get3A_141 = arith.index_cast %scan3A_92 : i32 to index
          %get3A_142 = arith.constant 112 : index
          %get3A_143 = tpu.vector_load %arg13[%get3A_141, %get3A_142] {strides = array<i32>} : memref<32x512xf32, #tpu.memory_space<vmem>>, vector<16xf32>,
          %add3A_144 = arith.constant 3696 : i32
          %add3A_145 = arith.addi %add3A_144, %scan3A_92 : i32
          %add3A_146 = vector.broadcast %add3A_145 : i32 to vector<16xi32>
          %add3A_147 = arith.addi %mul3A_29, %add3A_146 : vector<16xi32>
          tpu.vector_store_idx %arg21[%add3A_147], %get3A_143 : memref<16896xf32, #tpu.memory_space<vmem>>[vector<16xi32>], vector<16xf32>,
          %get3A_148 = arith.index_cast %scan3A_92 : i32 to index
          %get3A_149 = arith.constant 128 : index
          %get3A_150 = tpu.vector_load %arg13[%get3A_148, %get3A_149] {strides = array<i32>} : memref<32x512xf32, #tpu.memory_space<vmem>>, vector<16xf32>,
          %add3A_151 = arith.constant 4224 : i32
          %add3A_152 = arith.addi %add3A_151, %scan3A_92 : i32
          %add3A_153 = vector.broadcast %add3A_152 : i32 to vector<16xi32>
          %add3A_154 = arith.addi %mul3A_29, %add3A_153 : vector<16xi32>
          tpu.vector_store_idx %arg21[%add3A_154], %get3A_150 : memref<16896xf32, #tpu.memory_space<vmem>>[vector<16xi32>], vector<16xf32>,
          %get3A_155 = arith.index_cast %scan3A_92 : i32 to index
          %get3A_156 = arith.constant 144 : index
          %get3A_157 = tpu.vector_load %arg13[%get3A_155, %get3A_156] {strides = array<i32>} : memref<32x512xf32, #tpu.memory_space<vmem>>, vector<16xf32>,
          %add3A_158 = arith.constant 4752 : i32
          %add3A_159 = arith.addi %add3A_158, %scan3A_92 : i32
          %add3A_160 = vector.broadcast %add3A_159 : i32 to vector<16xi32>
          %add3A_161 = arith.addi %mul3A_29, %add3A_160 : vector<16xi32>
          tpu.vector_store_idx %arg21[%add3A_161], %get3A_157 : memref<16896xf32, #tpu.memory_space<vmem>>[vector<16xi32>], vector<16xf32>,
          %get3A_162 = arith.index_cast %scan3A_92 : i32 to index
          %get3A_163 = arith.constant 160 : index
          %get3A_164 = tpu.vector_load %arg13[%get3A_162, %get3A_163] {strides = array<i32>} : memref<32x512xf32, #tpu.memory_space<vmem>>, vector<16xf32>,
          %add3A_165 = arith.constant 5280 : i32
          %add3A_166 = arith.addi %add3A_165, %scan3A_92 : i32
          %add3A_167 = vector.broadcast %add3A_166 : i32 to vector<16xi32>
          %add3A_168 = arith.addi %mul3A_29, %add3A_167 : vector<16xi32>
          tpu.vector_store_idx %arg21[%add3A_168], %get3A_164 : memref<16896xf32, #tpu.memory_space<vmem>>[vector<16xi32>], vector<16xf32>,
          %get3A_169 = arith.index_cast %scan3A_92 : i32 to index
          %get3A_170 = arith.constant 176 : index
          %get3A_171 = tpu.vector_load %arg13[%get3A_169, %get3A_170] {strides = array<i32>} : memref<32x512xf32, #tpu.memory_space<vmem>>, vector<16xf32>,
          %add3A_172 = arith.constant 5808 : i32
          %add3A_173 = arith.addi %add3A_172, %scan3A_92 : i32
          %add3A_174 = vector.broadcast %add3A_173 : i32 to vector<16xi32>
          %add3A_175 = arith.addi %mul3A_29, %add3A_174 : vector<16xi32>
          tpu.vector_store_idx %arg21[%add3A_175], %get3A_171 : memref<16896xf32, #tpu.memory_space<vmem>>[vector<16xi32>], vector<16xf32>,
          %get3A_176 = arith.index_cast %scan3A_92 : i32 to index
          %get3A_177 = arith.constant 192 : index
          %get3A_178 = tpu.vector_load %arg13[%get3A_176, %get3A_177] {strides = array<i32>} : memref<32x512xf32, #tpu.memory_space<vmem>>, vector<16xf32>,
          %add3A_179 = arith.constant 6336 : i32
          %add3A_180 = arith.addi %add3A_179, %scan3A_92 : i32
          %add3A_181 = vector.broadcast %add3A_180 : i32 to vector<16xi32>
          %add3A_182 = arith.addi %mul3A_29, %add3A_181 : vector<16xi32>
          tpu.vector_store_idx %arg21[%add3A_182], %get3A_178 : memref<16896xf32, #tpu.memory_space<vmem>>[vector<16xi32>], vector<16xf32>,
          %get3A_183 = arith.index_cast %scan3A_92 : i32 to index
          %get3A_184 = arith.constant 208 : index
          %get3A_185 = tpu.vector_load %arg13[%get3A_183, %get3A_184] {strides = array<i32>} : memref<32x512xf32, #tpu.memory_space<vmem>>, vector<16xf32>,
          %add3A_186 = arith.constant 6864 : i32
          %add3A_187 = arith.addi %add3A_186, %scan3A_92 : i32
          %add3A_188 = vector.broadcast %add3A_187 : i32 to vector<16xi32>
          %add3A_189 = arith.addi %mul3A_29, %add3A_188 : vector<16xi32>
          tpu.vector_store_idx %arg21[%add3A_189], %get3A_185 : memref<16896xf32, #tpu.memory_space<vmem>>[vector<16xi32>], vector<16xf32>,
          %get3A_190 = arith.index_cast %scan3A_92 : i32 to index
          %get3A_191 = arith.constant 224 : index
          %get3A_192 = tpu.vector_load %arg13[%get3A_190, %get3A_191] {strides = array<i32>} : memref<32x512xf32, #tpu.memory_space<vmem>>, vector<16xf32>,
          %add3A_193 = arith.constant 7392 : i32
          %add3A_194 = arith.addi %add3A_193, %scan3A_92 : i32
          %add3A_195 = vector.broadcast %add3A_194 : i32 to vector<16xi32>
          %add3A_196 = arith.addi %mul3A_29, %add3A_195 : vector<16xi32>
          tpu.vector_store_idx %arg21[%add3A_196], %get3A_192 : memref<16896xf32, #tpu.memory_space<vmem>>[vector<16xi32>], vector<16xf32>,
          %get3A_197 = arith.index_cast %scan3A_92 : i32 to index
          %get3A_198 = arith.constant 240 : index
          %get3A_199 = tpu.vector_load %arg13[%get3A_197, %get3A_198] {strides = array<i32>} : memref<32x512xf32, #tpu.memory_space<vmem>>, vector<16xf32>,
          %add3A_200 = arith.constant 7920 : i32
          %add3A_201 = arith.addi %add3A_200, %scan3A_92 : i32
          %add3A_202 = vector.broadcast %add3A_201 : i32 to vector<16xi32>
          %add3A_203 = arith.addi %mul3A_29, %add3A_202 : vector<16xi32>
          tpu.vector_store_idx %arg21[%add3A_203], %get3A_199 : memref<16896xf32, #tpu.memory_space<vmem>>[vector<16xi32>], vector<16xf32>,
          %get3A_204 = arith.index_cast %scan3A_92 : i32 to index
          %get3A_205 = arith.constant 256 : index
          %get3A_206 = tpu.vector_load %arg13[%get3A_204, %get3A_205] {strides = array<i32>} : memref<32x512xf32, #tpu.memory_space<vmem>>, vector<16xf32>,
          %add3A_207 = arith.constant 8448 : i32
          %add3A_208 = arith.addi %add3A_207, %scan3A_92 : i32
          %add3A_209 = vector.broadcast %add3A_208 : i32 to vector<16xi32>
          %add3A_210 = arith.addi %mul3A_29, %add3A_209 : vector<16xi32>
          tpu.vector_store_idx %arg21[%add3A_210], %get3A_206 : memref<16896xf32, #tpu.memory_space<vmem>>[vector<16xi32>], vector<16xf32>,
          %get3A_211 = arith.index_cast %scan3A_92 : i32 to index
          %get3A_212 = arith.constant 272 : index
          %get3A_213 = tpu.vector_load %arg13[%get3A_211, %get3A_212] {strides = array<i32>} : memref<32x512xf32, #tpu.memory_space<vmem>>, vector<16xf32>,
          %add3A_214 = arith.constant 8976 : i32
          %add3A_215 = arith.addi %add3A_214, %scan3A_92 : i32
          %add3A_216 = vector.broadcast %add3A_215 : i32 to vector<16xi32>
          %add3A_217 = arith.addi %mul3A_29, %add3A_216 : vector<16xi32>
          tpu.vector_store_idx %arg21[%add3A_217], %get3A_213 : memref<16896xf32, #tpu.memory_space<vmem>>[vector<16xi32>], vector<16xf32>,
          %get3A_218 = arith.index_cast %scan3A_92 : i32 to index
          %get3A_219 = arith.constant 288 : index
          %get3A_220 = tpu.vector_load %arg13[%get3A_218, %get3A_219] {strides = array<i32>} : memref<32x512xf32, #tpu.memory_space<vmem>>, vector<16xf32>,
          %add3A_221 = arith.constant 9504 : i32
          %add3A_222 = arith.addi %add3A_221, %scan3A_92 : i32
          %add3A_223 = vector.broadcast %add3A_222 : i32 to vector<16xi32>
          %add3A_224 = arith.addi %mul3A_29, %add3A_223 : vector<16xi32>
          tpu.vector_store_idx %arg21[%add3A_224], %get3A_220 : memref<16896xf32, #tpu.memory_space<vmem>>[vector<16xi32>], vector<16xf32>,
          %get3A_225 = arith.index_cast %scan3A_92 : i32 to index
          %get3A_226 = arith.constant 304 : index
          %get3A_227 = tpu.vector_load %arg13[%get3A_225, %get3A_226] {strides = array<i32>} : memref<32x512xf32, #tpu.memory_space<vmem>>, vector<16xf32>,
          %add3A_228 = arith.constant 10032 : i32
          %add3A_229 = arith.addi %add3A_228, %scan3A_92 : i32
          %add3A_230 = vector.broadcast %add3A_229 : i32 to vector<16xi32>
          %add3A_231 = arith.addi %mul3A_29, %add3A_230 : vector<16xi32>
          tpu.vector_store_idx %arg21[%add3A_231], %get3A_227 : memref<16896xf32, #tpu.memory_space<vmem>>[vector<16xi32>], vector<16xf32>,
          %get3A_232 = arith.index_cast %scan3A_92 : i32 to index
          %get3A_233 = arith.constant 320 : index
          %get3A_234 = tpu.vector_load %arg13[%get3A_232, %get3A_233] {strides = array<i32>} : memref<32x512xf32, #tpu.memory_space<vmem>>, vector<16xf32>,
          %add3A_235 = arith.constant 10560 : i32
          %add3A_236 = arith.addi %add3A_235, %scan3A_92 : i32
          %add3A_237 = vector.broadcast %add3A_236 : i32 to vector<16xi32>
          %add3A_238 = arith.addi %mul3A_29, %add3A_237 : vector<16xi32>
          tpu.vector_store_idx %arg21[%add3A_238], %get3A_234 : memref<16896xf32, #tpu.memory_space<vmem>>[vector<16xi32>], vector<16xf32>,
          %get3A_239 = arith.index_cast %scan3A_92 : i32 to index
          %get3A_240 = arith.constant 336 : index
          %get3A_241 = tpu.vector_load %arg13[%get3A_239, %get3A_240] {strides = array<i32>} : memref<32x512xf32, #tpu.memory_space<vmem>>, vector<16xf32>,
          %add3A_242 = arith.constant 11088 : i32
          %add3A_243 = arith.addi %add3A_242, %scan3A_92 : i32
          %add3A_244 = vector.broadcast %add3A_243 : i32 to vector<16xi32>
          %add3A_245 = arith.addi %mul3A_29, %add3A_244 : vector<16xi32>
          tpu.vector_store_idx %arg21[%add3A_245], %get3A_241 : memref<16896xf32, #tpu.memory_space<vmem>>[vector<16xi32>], vector<16xf32>,
          %get3A_246 = arith.index_cast %scan3A_92 : i32 to index
          %get3A_247 = arith.constant 352 : index
          %get3A_248 = tpu.vector_load %arg13[%get3A_246, %get3A_247] {strides = array<i32>} : memref<32x512xf32, #tpu.memory_space<vmem>>, vector<16xf32>,
          %add3A_249 = arith.constant 11616 : i32
          %add3A_250 = arith.addi %add3A_249, %scan3A_92 : i32
          %add3A_251 = vector.broadcast %add3A_250 : i32 to vector<16xi32>
          %add3A_252 = arith.addi %mul3A_29, %add3A_251 : vector<16xi32>
          tpu.vector_store_idx %arg21[%add3A_252], %get3A_248 : memref<16896xf32, #tpu.memory_space<vmem>>[vector<16xi32>], vector<16xf32>,
          %get3A_253 = arith.index_cast %scan3A_92 : i32 to index
          %get3A_254 = arith.constant 368 : index
          %get3A_255 = tpu.vector_load %arg13[%get3A_253, %get3A_254] {strides = array<i32>} : memref<32x512xf32, #tpu.memory_space<vmem>>, vector<16xf32>,
          %add3A_256 = arith.constant 12144 : i32
          %add3A_257 = arith.addi %add3A_256, %scan3A_92 : i32
          %add3A_258 = vector.broadcast %add3A_257 : i32 to vector<16xi32>
          %add3A_259 = arith.addi %mul3A_29, %add3A_258 : vector<16xi32>
          tpu.vector_store_idx %arg21[%add3A_259], %get3A_255 : memref<16896xf32, #tpu.memory_space<vmem>>[vector<16xi32>], vector<16xf32>,
          %get3A_260 = arith.index_cast %scan3A_92 : i32 to index
          %get3A_261 = arith.constant 384 : index
          %get3A_262 = tpu.vector_load %arg13[%get3A_260, %get3A_261] {strides = array<i32>} : memref<32x512xf32, #tpu.memory_space<vmem>>, vector<16xf32>,
          %add3A_263 = arith.constant 12672 : i32
          %add3A_264 = arith.addi %add3A_263, %scan3A_92 : i32
          %add3A_265 = vector.broadcast %add3A_264 : i32 to vector<16xi32>
          %add3A_266 = arith.addi %mul3A_29, %add3A_265 : vector<16xi32>
          tpu.vector_store_idx %arg21[%add3A_266], %get3A_262 : memref<16896xf32, #tpu.memory_space<vmem>>[vector<16xi32>], vector<16xf32>,
          %get3A_267 = arith.index_cast %scan3A_92 : i32 to index
          %get3A_268 = arith.constant 400 : index
          %get3A_269 = tpu.vector_load %arg13[%get3A_267, %get3A_268] {strides = array<i32>} : memref<32x512xf32, #tpu.memory_space<vmem>>, vector<16xf32>,
          %add3A_270 = arith.constant 13200 : i32
          %add3A_271 = arith.addi %add3A_270, %scan3A_92 : i32
          %add3A_272 = vector.broadcast %add3A_271 : i32 to vector<16xi32>
          %add3A_273 = arith.addi %mul3A_29, %add3A_272 : vector<16xi32>
          tpu.vector_store_idx %arg21[%add3A_273], %get3A_269 : memref<16896xf32, #tpu.memory_space<vmem>>[vector<16xi32>], vector<16xf32>,
          %get3A_274 = arith.index_cast %scan3A_92 : i32 to index
          %get3A_275 = arith.constant 416 : index
          %get3A_276 = tpu.vector_load %arg13[%get3A_274, %get3A_275] {strides = array<i32>} : memref<32x512xf32, #tpu.memory_space<vmem>>, vector<16xf32>,
          %add3A_277 = arith.constant 13728 : i32
          %add3A_278 = arith.addi %add3A_277, %scan3A_92 : i32
          %add3A_279 = vector.broadcast %add3A_278 : i32 to vector<16xi32>
          %add3A_280 = arith.addi %mul3A_29, %add3A_279 : vector<16xi32>
          tpu.vector_store_idx %arg21[%add3A_280], %get3A_276 : memref<16896xf32, #tpu.memory_space<vmem>>[vector<16xi32>], vector<16xf32>,
          %get3A_281 = arith.index_cast %scan3A_92 : i32 to index
          %get3A_282 = arith.constant 432 : index
          %get3A_283 = tpu.vector_load %arg13[%get3A_281, %get3A_282] {strides = array<i32>} : memref<32x512xf32, #tpu.memory_space<vmem>>, vector<16xf32>,
          %add3A_284 = arith.constant 14256 : i32
          %add3A_285 = arith.addi %add3A_284, %scan3A_92 : i32
          %add3A_286 = vector.broadcast %add3A_285 : i32 to vector<16xi32>
          %add3A_287 = arith.addi %mul3A_29, %add3A_286 : vector<16xi32>
          tpu.vector_store_idx %arg21[%add3A_287], %get3A_283 : memref<16896xf32, #tpu.memory_space<vmem>>[vector<16xi32>], vector<16xf32>,
          %get3A_288 = arith.index_cast %scan3A_92 : i32 to index
          %get3A_289 = arith.constant 448 : index
          %get3A_290 = tpu.vector_load %arg13[%get3A_288, %get3A_289] {strides = array<i32>} : memref<32x512xf32, #tpu.memory_space<vmem>>, vector<16xf32>,
          %add3A_291 = arith.constant 14784 : i32
          %add3A_292 = arith.addi %add3A_291, %scan3A_92 : i32
          %add3A_293 = vector.broadcast %add3A_292 : i32 to vector<16xi32>
          %add3A_294 = arith.addi %mul3A_29, %add3A_293 : vector<16xi32>
          tpu.vector_store_idx %arg21[%add3A_294], %get3A_290 : memref<16896xf32, #tpu.memory_space<vmem>>[vector<16xi32>], vector<16xf32>,
          %get3A_295 = arith.index_cast %scan3A_92 : i32 to index
          %get3A_296 = arith.constant 464 : index
          %get3A_297 = tpu.vector_load %arg13[%get3A_295, %get3A_296] {strides = array<i32>} : memref<32x512xf32, #tpu.memory_space<vmem>>, vector<16xf32>,
          %add3A_298 = arith.constant 15312 : i32
          %add3A_299 = arith.addi %add3A_298, %scan3A_92 : i32
          %add3A_300 = vector.broadcast %add3A_299 : i32 to vector<16xi32>
          %add3A_301 = arith.addi %mul3A_29, %add3A_300 : vector<16xi32>
          tpu.vector_store_idx %arg21[%add3A_301], %get3A_297 : memref<16896xf32, #tpu.memory_space<vmem>>[vector<16xi32>], vector<16xf32>,
          %get3A_302 = arith.index_cast %scan3A_92 : i32 to index
          %get3A_303 = arith.constant 480 : index
          %get3A_304 = tpu.vector_load %arg13[%get3A_302, %get3A_303] {strides = array<i32>} : memref<32x512xf32, #tpu.memory_space<vmem>>, vector<16xf32>,
          %add3A_305 = arith.constant 15840 : i32
          %add3A_306 = arith.addi %add3A_305, %scan3A_92 : i32
          %add3A_307 = vector.broadcast %add3A_306 : i32 to vector<16xi32>
          %add3A_308 = arith.addi %mul3A_29, %add3A_307 : vector<16xi32>
          tpu.vector_store_idx %arg21[%add3A_308], %get3A_304 : memref<16896xf32, #tpu.memory_space<vmem>>[vector<16xi32>], vector<16xf32>,
          %get3A_309 = arith.index_cast %scan3A_92 : i32 to index
          %get3A_310 = arith.constant 496 : index
          %get3A_311 = tpu.vector_load %arg13[%get3A_309, %get3A_310] {strides = array<i32>} : memref<32x512xf32, #tpu.memory_space<vmem>>, vector<16xf32>,
          %add3A_312 = arith.constant 16368 : i32
          %add3A_313 = arith.addi %add3A_312, %scan3A_92 : i32
          %add3A_314 = vector.broadcast %add3A_313 : i32 to vector<16xi32>
          %add3A_315 = arith.addi %mul3A_29, %add3A_314 : vector<16xi32>
          tpu.vector_store_idx %arg21[%add3A_315], %get3A_311 : memref<16896xf32, #tpu.memory_space<vmem>>[vector<16xi32>], vector<16xf32>,
        }
        %scan3A_82 = arith.constant 32 : i32
        %scan3A_83 = arith.constant 0 : i32
        %scan3A_84 = arith.constant 0 : i32
        %scan3A_85 = arith.constant 8 : i32
        %scan3A_86 = arith.addi %scan3A_84, %scan3A_85 : i32
        %scan3A_87 = arith.constant 1 : i32
        scf.for %scan3A_92 = %scan3A_84 to %scan3A_86 step %scan3A_87  : i32 {
          %mul3A_93 = arith.constant 64 : i32
          %mul3A_94 = arith.muli %scan3A_92, %mul3A_93 : i32
          %broadcast_in_dim3A = arith.constant 0.000000e+00 : f32
          %broadcast_in_dim3A_95 = vector.broadcast %broadcast_in_dim3A : f32 to vector<16xf32>
          %mul3A_96 = arith.constant 33 : i32
          %mul3A_97 = arith.muli %mul3A_94, %mul3A_96 : i32
          %scan3A_98 = arith.constant 0 : i32
          %scan3A_99 = arith.constant 64 : i32
          %scan3A_100 = arith.addi %scan3A_98, %scan3A_99 : i32
          %scan3A_101 = arith.constant 1 : i32
          %scan3A_102:17 = scf.for %scan3A_595 = %scan3A_98 to %scan3A_100 step %scan3A_101 iter_args(%scan3A_596 = %mul3A_97, %scan3A_597 = %broadcast_in_dim3A_95, %scan3A_598 = %broadcast_in_dim3A_95, %scan3A_599 = %broadcast_in_dim3A_95, %scan3A_600 = %broadcast_in_dim3A_95, %scan3A_601 = %broadcast_in_dim3A_95, %scan3A_602 = %broadcast_in_dim3A_95, %scan3A_603 = %broadcast_in_dim3A_95, %scan3A_604 = %broadcast_in_dim3A_95, %scan3A_605 = %broadcast_in_dim3A_95, %scan3A_606 = %broadcast_in_dim3A_95, %scan3A_607 = %broadcast_in_dim3A_95, %scan3A_608 = %broadcast_in_dim3A_95, %scan3A_609 = %broadcast_in_dim3A_95, %scan3A_610 = %broadcast_in_dim3A_95, %scan3A_611 = %broadcast_in_dim3A_95, %scan3A_612 = %broadcast_in_dim3A_95) -> (i32, vector<16xf32>, vector<16xf32>, vector<16xf32>, vector<16xf32>, vector<16xf32>, vector<16xf32>, vector<16xf32>, vector<16xf32>, vector<16xf32>, vector<16xf32>, vector<16xf32>, vector<16xf32>, vector<16xf32>, vector<16xf32>, vector<16xf32>, vector<16xf32>)  : i32 {
            %add3A_613 = arith.addi %mul3A_94, %scan3A_595 : i32
            %broadcast_in_dim3A_614 = vector.broadcast %add3A_613 : i32 to vector<16xi32>
            %get3A = arith.index_cast %scan3A_596 : i32 to index
            %get3A_615 = tpu.vector_load %arg21[%get3A] {strides = array<i32>} : memref<16896xf32, #tpu.memory_space<vmem>>, vector<16xf32>,
            %add3A_616 = arith.constant 16 : i32
            %add3A_617 = arith.addi %scan3A_596, %add3A_616 : i32
            %get3A_618 = arith.index_cast %add3A_617 : i32 to index
            %get3A_619 = tpu.vector_load %arg21[%get3A_618] {strides = array<i32>} : memref<16896xf32, #tpu.memory_space<vmem>>, vector<16xf32>,
            %add3A_620 = arith.constant 33 : i32
            %add3A_621 = arith.addi %scan3A_596, %add3A_620 : i32
            %broadcast_in_dim3A_622 = arith.constant 0 : i32
            %broadcast_in_dim3A_623 = vector.broadcast %broadcast_in_dim3A_622 : i32 to vector<16xi32>
            %gather3A = tpu.vector_load_idx %arg17[%broadcast_in_dim3A_623, %broadcast_in_dim3A_614] : memref<8x512xf32, #tpu.memory_space<vmem>>[vector<16xi32>, vector<16xi32>], vector<16xf32>,
            %mul3A_624 = arith.mulf %get3A_615, %gather3A : vector<16xf32>
            %add3A_625 = arith.addf %scan3A_597, %mul3A_624 : vector<16xf32>
            %mul3A_626 = arith.mulf %get3A_619, %gather3A : vector<16xf32>
            %add3A_627 = arith.addf %scan3A_598, %mul3A_626 : vector<16xf32>
            %broadcast_in_dim3A_628 = arith.constant 1 : i32
            %broadcast_in_dim3A_629 = vector.broadcast %broadcast_in_dim3A_628 : i32 to vector<16xi32>
            %gather3A_630 = tpu.vector_load_idx %arg17[%broadcast_in_dim3A_629, %broadcast_in_dim3A_614] : memref<8x512xf32, #tpu.memory_space<vmem>>[vector<16xi32>, vector<16xi32>], vector<16xf32>,
            %mul3A_631 = arith.mulf %get3A_615, %gather3A_630 : vector<16xf32>
            %add3A_632 = arith.addf %scan3A_599, %mul3A_631 : vector<16xf32>
            %mul3A_633 = arith.mulf %get3A_619, %gather3A_630 : vector<16xf32>
            %add3A_634 = arith.addf %scan3A_600, %mul3A_633 : vector<16xf32>
            %broadcast_in_dim3A_635 = arith.constant 2 : i32
            %broadcast_in_dim3A_636 = vector.broadcast %broadcast_in_dim3A_635 : i32 to vector<16xi32>
            %gather3A_637 = tpu.vector_load_idx %arg17[%broadcast_in_dim3A_636, %broadcast_in_dim3A_614] : memref<8x512xf32, #tpu.memory_space<vmem>>[vector<16xi32>, vector<16xi32>], vector<16xf32>,
            %mul3A_638 = arith.mulf %get3A_615, %gather3A_637 : vector<16xf32>
            %add3A_639 = arith.addf %scan3A_601, %mul3A_638 : vector<16xf32>
            %mul3A_640 = arith.mulf %get3A_619, %gather3A_637 : vector<16xf32>
            %add3A_641 = arith.addf %scan3A_602, %mul3A_640 : vector<16xf32>
            %broadcast_in_dim3A_642 = arith.constant 3 : i32
            %broadcast_in_dim3A_643 = vector.broadcast %broadcast_in_dim3A_642 : i32 to vector<16xi32>
            %gather3A_644 = tpu.vector_load_idx %arg17[%broadcast_in_dim3A_643, %broadcast_in_dim3A_614] : memref<8x512xf32, #tpu.memory_space<vmem>>[vector<16xi32>, vector<16xi32>], vector<16xf32>,
            %mul3A_645 = arith.mulf %get3A_615, %gather3A_644 : vector<16xf32>
            %add3A_646 = arith.addf %scan3A_603, %mul3A_645 : vector<16xf32>
            %mul3A_647 = arith.mulf %get3A_619, %gather3A_644 : vector<16xf32>
            %add3A_648 = arith.addf %scan3A_604, %mul3A_647 : vector<16xf32>
            %broadcast_in_dim3A_649 = arith.constant 4 : i32
            %broadcast_in_dim3A_650 = vector.broadcast %broadcast_in_dim3A_649 : i32 to vector<16xi32>
            %gather3A_651 = tpu.vector_load_idx %arg17[%broadcast_in_dim3A_650, %broadcast_in_dim3A_614] : memref<8x512xf32, #tpu.memory_space<vmem>>[vector<16xi32>, vector<16xi32>], vector<16xf32>,
            %mul3A_652 = arith.mulf %get3A_615, %gather3A_651 : vector<16xf32>
            %add3A_653 = arith.addf %scan3A_605, %mul3A_652 : vector<16xf32>
            %mul3A_654 = arith.mulf %get3A_619, %gather3A_651 : vector<16xf32>
            %add3A_655 = arith.addf %scan3A_606, %mul3A_654 : vector<16xf32>
            %broadcast_in_dim3A_656 = arith.constant 5 : i32
            %broadcast_in_dim3A_657 = vector.broadcast %broadcast_in_dim3A_656 : i32 to vector<16xi32>
            %gather3A_658 = tpu.vector_load_idx %arg17[%broadcast_in_dim3A_657, %broadcast_in_dim3A_614] : memref<8x512xf32, #tpu.memory_space<vmem>>[vector<16xi32>, vector<16xi32>], vector<16xf32>,
            %mul3A_659 = arith.mulf %get3A_615, %gather3A_658 : vector<16xf32>
            %add3A_660 = arith.addf %scan3A_607, %mul3A_659 : vector<16xf32>
            %mul3A_661 = arith.mulf %get3A_619, %gather3A_658 : vector<16xf32>
            %add3A_662 = arith.addf %scan3A_608, %mul3A_661 : vector<16xf32>
            %broadcast_in_dim3A_663 = arith.constant 6 : i32
            %broadcast_in_dim3A_664 = vector.broadcast %broadcast_in_dim3A_663 : i32 to vector<16xi32>
            %gather3A_665 = tpu.vector_load_idx %arg17[%broadcast_in_dim3A_664, %broadcast_in_dim3A_614] : memref<8x512xf32, #tpu.memory_space<vmem>>[vector<16xi32>, vector<16xi32>], vector<16xf32>,
            %mul3A_666 = arith.mulf %get3A_615, %gather3A_665 : vector<16xf32>
            %add3A_667 = arith.addf %scan3A_609, %mul3A_666 : vector<16xf32>
            %mul3A_668 = arith.mulf %get3A_619, %gather3A_665 : vector<16xf32>
            %add3A_669 = arith.addf %scan3A_610, %mul3A_668 : vector<16xf32>
            %broadcast_in_dim3A_670 = arith.constant 7 : i32
            %broadcast_in_dim3A_671 = vector.broadcast %broadcast_in_dim3A_670 : i32 to vector<16xi32>
            %gather3A_672 = tpu.vector_load_idx %arg17[%broadcast_in_dim3A_671, %broadcast_in_dim3A_614] : memref<8x512xf32, #tpu.memory_space<vmem>>[vector<16xi32>, vector<16xi32>], vector<16xf32>,
            %mul3A_673 = arith.mulf %get3A_615, %gather3A_672 : vector<16xf32>
            %add3A_674 = arith.addf %scan3A_611, %mul3A_673 : vector<16xf32>
            %mul3A_675 = arith.mulf %get3A_619, %gather3A_672 : vector<16xf32>
            %add3A_676 = arith.addf %scan3A_612, %mul3A_675 : vector<16xf32>
            scf.yield %add3A_621, %add3A_625, %add3A_627, %add3A_632, %add3A_634, %add3A_639, %add3A_641, %add3A_646, %add3A_648, %add3A_653, %add3A_655, %add3A_660, %add3A_662, %add3A_667, %add3A_669, %add3A_674, %add3A_676 : i32, vector<16xf32>, vector<16xf32>, vector<16xf32>, vector<16xf32>, vector<16xf32>, vector<16xf32>, vector<16xf32>, vector<16xf32>, vector<16xf32>, vector<16xf32>, vector<16xf32>, vector<16xf32>, vector<16xf32>, vector<16xf32>, vector<16xf32>, vector<16xf32>
          }
          %scan3A_103 = arith.constant 64 : i32
          %reduce_max3A = arith.constant true
          %reduce_max3A_104 = vector.broadcast %reduce_max3A : i1 to vector<16xi1>
          %reduce_max3A_105 = tpu.scan <max>, %scan3A_102#1 masked %reduce_max3A_104 : vector<16xf32>, vector<16xi1> -> vector<16xf32>
          %reduce_max3A_106 = vector.extract %reduce_max3A_105[15] : f32 from vector<16xf32>
          %reduce_max3A_107 = arith.constant true
          %reduce_max3A_108 = vector.broadcast %reduce_max3A_107 : i1 to vector<16xi1>
          %reduce_max3A_109 = tpu.scan <max>, %scan3A_102#2 masked %reduce_max3A_108 : vector<16xf32>, vector<16xi1> -> vector<16xf32>
          %reduce_max3A_110 = vector.extract %reduce_max3A_109[15] : f32 from vector<16xf32>
          %max3A = arith.maximumf %reduce_max3A_106, %reduce_max3A_110 : f32
          %reduce_max3A_111 = arith.constant true
          %reduce_max3A_112 = vector.broadcast %reduce_max3A_111 : i1 to vector<16xi1>
          %reduce_max3A_113 = tpu.scan <max>, %scan3A_102#3 masked %reduce_max3A_112 : vector<16xf32>, vector<16xi1> -> vector<16xf32>
          %reduce_max3A_114 = vector.extract %reduce_max3A_113[15] : f32 from vector<16xf32>
          %reduce_max3A_115 = arith.constant true
          %reduce_max3A_116 = vector.broadcast %reduce_max3A_115 : i1 to vector<16xi1>
          %reduce_max3A_117 = tpu.scan <max>, %scan3A_102#4 masked %reduce_max3A_116 : vector<16xf32>, vector<16xi1> -> vector<16xf32>
          %reduce_max3A_118 = vector.extract %reduce_max3A_117[15] : f32 from vector<16xf32>
          %max3A_119 = arith.maximumf %reduce_max3A_114, %reduce_max3A_118 : f32
          %reduce_max3A_120 = arith.constant true
          %reduce_max3A_121 = vector.broadcast %reduce_max3A_120 : i1 to vector<16xi1>
          %reduce_max3A_122 = tpu.scan <max>, %scan3A_102#5 masked %reduce_max3A_121 : vector<16xf32>, vector<16xi1> -> vector<16xf32>
          %reduce_max3A_123 = vector.extract %reduce_max3A_122[15] : f32 from vector<16xf32>
          %reduce_max3A_124 = arith.constant true
          %reduce_max3A_125 = vector.broadcast %reduce_max3A_124 : i1 to vector<16xi1>
          %reduce_max3A_126 = tpu.scan <max>, %scan3A_102#6 masked %reduce_max3A_125 : vector<16xf32>, vector<16xi1> -> vector<16xf32>
          %reduce_max3A_127 = vector.extract %reduce_max3A_126[15] : f32 from vector<16xf32>
          %max3A_128 = arith.maximumf %reduce_max3A_123, %reduce_max3A_127 : f32
          %reduce_max3A_129 = arith.constant true
          %reduce_max3A_130 = vector.broadcast %reduce_max3A_129 : i1 to vector<16xi1>
          %reduce_max3A_131 = tpu.scan <max>, %scan3A_102#7 masked %reduce_max3A_130 : vector<16xf32>, vector<16xi1> -> vector<16xf32>
          %reduce_max3A_132 = vector.extract %reduce_max3A_131[15] : f32 from vector<16xf32>
          %reduce_max3A_133 = arith.constant true
          %reduce_max3A_134 = vector.broadcast %reduce_max3A_133 : i1 to vector<16xi1>
          %reduce_max3A_135 = tpu.scan <max>, %scan3A_102#8 masked %reduce_max3A_134 : vector<16xf32>, vector<16xi1> -> vector<16xf32>
          %reduce_max3A_136 = vector.extract %reduce_max3A_135[15] : f32 from vector<16xf32>
          %max3A_137 = arith.maximumf %reduce_max3A_132, %reduce_max3A_136 : f32
          %reduce_max3A_138 = arith.constant true
          %reduce_max3A_139 = vector.broadcast %reduce_max3A_138 : i1 to vector<16xi1>
          %reduce_max3A_140 = tpu.scan <max>, %scan3A_102#9 masked %reduce_max3A_139 : vector<16xf32>, vector<16xi1> -> vector<16xf32>
          %reduce_max3A_141 = vector.extract %reduce_max3A_140[15] : f32 from vector<16xf32>
          %reduce_max3A_142 = arith.constant true
          %reduce_max3A_143 = vector.broadcast %reduce_max3A_142 : i1 to vector<16xi1>
          %reduce_max3A_144 = tpu.scan <max>, %scan3A_102#10 masked %reduce_max3A_143 : vector<16xf32>, vector<16xi1> -> vector<16xf32>
          %reduce_max3A_145 = vector.extract %reduce_max3A_144[15] : f32 from vector<16xf32>
          %max3A_146 = arith.maximumf %reduce_max3A_141, %reduce_max3A_145 : f32
          %reduce_max3A_147 = arith.constant true
          %reduce_max3A_148 = vector.broadcast %reduce_max3A_147 : i1 to vector<16xi1>
          %reduce_max3A_149 = tpu.scan <max>, %scan3A_102#11 masked %reduce_max3A_148 : vector<16xf32>, vector<16xi1> -> vector<16xf32>
          %reduce_max3A_150 = vector.extract %reduce_max3A_149[15] : f32 from vector<16xf32>
          %reduce_max3A_151 = arith.constant true
          %reduce_max3A_152 = vector.broadcast %reduce_max3A_151 : i1 to vector<16xi1>
          %reduce_max3A_153 = tpu.scan <max>, %scan3A_102#12 masked %reduce_max3A_152 : vector<16xf32>, vector<16xi1> -> vector<16xf32>
          %reduce_max3A_154 = vector.extract %reduce_max3A_153[15] : f32 from vector<16xf32>
          %max3A_155 = arith.maximumf %reduce_max3A_150, %reduce_max3A_154 : f32
          %reduce_max3A_156 = arith.constant true
          %reduce_max3A_157 = vector.broadcast %reduce_max3A_156 : i1 to vector<16xi1>
          %reduce_max3A_158 = tpu.scan <max>, %scan3A_102#13 masked %reduce_max3A_157 : vector<16xf32>, vector<16xi1> -> vector<16xf32>
          %reduce_max3A_159 = vector.extract %reduce_max3A_158[15] : f32 from vector<16xf32>
          %reduce_max3A_160 = arith.constant true
          %reduce_max3A_161 = vector.broadcast %reduce_max3A_160 : i1 to vector<16xi1>
          %reduce_max3A_162 = tpu.scan <max>, %scan3A_102#14 masked %reduce_max3A_161 : vector<16xf32>, vector<16xi1> -> vector<16xf32>
          %reduce_max3A_163 = vector.extract %reduce_max3A_162[15] : f32 from vector<16xf32>
          %max3A_164 = arith.maximumf %reduce_max3A_159, %reduce_max3A_163 : f32
          %reduce_max3A_165 = arith.constant true
          %reduce_max3A_166 = vector.broadcast %reduce_max3A_165 : i1 to vector<16xi1>
          %reduce_max3A_167 = tpu.scan <max>, %scan3A_102#15 masked %reduce_max3A_166 : vector<16xf32>, vector<16xi1> -> vector<16xf32>
          %reduce_max3A_168 = vector.extract %reduce_max3A_167[15] : f32 from vector<16xf32>
          %reduce_max3A_169 = arith.constant true
          %reduce_max3A_170 = vector.broadcast %reduce_max3A_169 : i1 to vector<16xi1>
          %reduce_max3A_171 = tpu.scan <max>, %scan3A_102#16 masked %reduce_max3A_170 : vector<16xf32>, vector<16xi1> -> vector<16xf32>
          %reduce_max3A_172 = vector.extract %reduce_max3A_171[15] : f32 from vector<16xf32>
          %max3A_173 = arith.maximumf %reduce_max3A_168, %reduce_max3A_172 : f32
          %sub3A_174 = vector.broadcast %max3A : f32 to vector<16xf32>
          %sub3A_175 = arith.subf %scan3A_102#1, %sub3A_174 : vector<16xf32>
          %exp3A = math.exp %sub3A_175 : vector<16xf32>
          %sub3A_176 = vector.broadcast %max3A : f32 to vector<16xf32>
          %sub3A_177 = arith.subf %scan3A_102#2, %sub3A_176 : vector<16xf32>
          %exp3A_178 = math.exp %sub3A_177 : vector<16xf32>
          %sub3A_179 = vector.broadcast %max3A_119 : f32 to vector<16xf32>
          %sub3A_180 = arith.subf %scan3A_102#3, %sub3A_179 : vector<16xf32>
          %exp3A_181 = math.exp %sub3A_180 : vector<16xf32>
          %sub3A_182 = vector.broadcast %max3A_119 : f32 to vector<16xf32>
          %sub3A_183 = arith.subf %scan3A_102#4, %sub3A_182 : vector<16xf32>
          %exp3A_184 = math.exp %sub3A_183 : vector<16xf32>
          %sub3A_185 = vector.broadcast %max3A_128 : f32 to vector<16xf32>
          %sub3A_186 = arith.subf %scan3A_102#5, %sub3A_185 : vector<16xf32>
          %exp3A_187 = math.exp %sub3A_186 : vector<16xf32>
          %sub3A_188 = vector.broadcast %max3A_128 : f32 to vector<16xf32>
          %sub3A_189 = arith.subf %scan3A_102#6, %sub3A_188 : vector<16xf32>
          %exp3A_190 = math.exp %sub3A_189 : vector<16xf32>
          %sub3A_191 = vector.broadcast %max3A_137 : f32 to vector<16xf32>
          %sub3A_192 = arith.subf %scan3A_102#7, %sub3A_191 : vector<16xf32>
          %exp3A_193 = math.exp %sub3A_192 : vector<16xf32>
          %sub3A_194 = vector.broadcast %max3A_137 : f32 to vector<16xf32>
          %sub3A_195 = arith.subf %scan3A_102#8, %sub3A_194 : vector<16xf32>
          %exp3A_196 = math.exp %sub3A_195 : vector<16xf32>
          %sub3A_197 = vector.broadcast %max3A_146 : f32 to vector<16xf32>
          %sub3A_198 = arith.subf %scan3A_102#9, %sub3A_197 : vector<16xf32>
          %exp3A_199 = math.exp %sub3A_198 : vector<16xf32>
          %sub3A_200 = vector.broadcast %max3A_146 : f32 to vector<16xf32>
          %sub3A_201 = arith.subf %scan3A_102#10, %sub3A_200 : vector<16xf32>
          %exp3A_202 = math.exp %sub3A_201 : vector<16xf32>
          %sub3A_203 = vector.broadcast %max3A_155 : f32 to vector<16xf32>
          %sub3A_204 = arith.subf %scan3A_102#11, %sub3A_203 : vector<16xf32>
          %exp3A_205 = math.exp %sub3A_204 : vector<16xf32>
          %sub3A_206 = vector.broadcast %max3A_155 : f32 to vector<16xf32>
          %sub3A_207 = arith.subf %scan3A_102#12, %sub3A_206 : vector<16xf32>
          %exp3A_208 = math.exp %sub3A_207 : vector<16xf32>
          %sub3A_209 = vector.broadcast %max3A_164 : f32 to vector<16xf32>
          %sub3A_210 = arith.subf %scan3A_102#13, %sub3A_209 : vector<16xf32>
          %exp3A_211 = math.exp %sub3A_210 : vector<16xf32>
          %sub3A_212 = vector.broadcast %max3A_164 : f32 to vector<16xf32>
          %sub3A_213 = arith.subf %scan3A_102#14, %sub3A_212 : vector<16xf32>
          %exp3A_214 = math.exp %sub3A_213 : vector<16xf32>
          %sub3A_215 = vector.broadcast %max3A_173 : f32 to vector<16xf32>
          %sub3A_216 = arith.subf %scan3A_102#15, %sub3A_215 : vector<16xf32>
          %exp3A_217 = math.exp %sub3A_216 : vector<16xf32>
          %sub3A_218 = vector.broadcast %max3A_173 : f32 to vector<16xf32>
          %sub3A_219 = arith.subf %scan3A_102#16, %sub3A_218 : vector<16xf32>
          %exp3A_220 = math.exp %sub3A_219 : vector<16xf32>
          %reduce_sum3A = arith.constant true
          %reduce_sum3A_221 = vector.broadcast %reduce_sum3A : i1 to vector<16xi1>
          %reduce_sum3A_222 = tpu.scan <sum>, %exp3A masked %reduce_sum3A_221 : vector<16xf32>, vector<16xi1> -> vector<16xf32>
          %reduce_sum3A_223 = vector.extract %reduce_sum3A_222[15] : f32 from vector<16xf32>
          %reduce_sum3A_224 = arith.constant true
          %reduce_sum3A_225 = vector.broadcast %reduce_sum3A_224 : i1 to vector<16xi1>
          %reduce_sum3A_226 = tpu.scan <sum>, %exp3A_178 masked %reduce_sum3A_225 : vector<16xf32>, vector<16xi1> -> vector<16xf32>
          %reduce_sum3A_227 = vector.extract %reduce_sum3A_226[15] : f32 from vector<16xf32>
          %add3A_228 = arith.addf %reduce_sum3A_223, %reduce_sum3A_227 : f32
          %reduce_sum3A_229 = arith.constant true
          %reduce_sum3A_230 = vector.broadcast %reduce_sum3A_229 : i1 to vector<16xi1>
          %reduce_sum3A_231 = tpu.scan <sum>, %exp3A_181 masked %reduce_sum3A_230 : vector<16xf32>, vector<16xi1> -> vector<16xf32>
          %reduce_sum3A_232 = vector.extract %reduce_sum3A_231[15] : f32 from vector<16xf32>
          %reduce_sum3A_233 = arith.constant true
          %reduce_sum3A_234 = vector.broadcast %reduce_sum3A_233 : i1 to vector<16xi1>
          %reduce_sum3A_235 = tpu.scan <sum>, %exp3A_184 masked %reduce_sum3A_234 : vector<16xf32>, vector<16xi1> -> vector<16xf32>
          %reduce_sum3A_236 = vector.extract %reduce_sum3A_235[15] : f32 from vector<16xf32>
          %add3A_237 = arith.addf %reduce_sum3A_232, %reduce_sum3A_236 : f32
          %reduce_sum3A_238 = arith.constant true
          %reduce_sum3A_239 = vector.broadcast %reduce_sum3A_238 : i1 to vector<16xi1>
          %reduce_sum3A_240 = tpu.scan <sum>, %exp3A_187 masked %reduce_sum3A_239 : vector<16xf32>, vector<16xi1> -> vector<16xf32>
          %reduce_sum3A_241 = vector.extract %reduce_sum3A_240[15] : f32 from vector<16xf32>
          %reduce_sum3A_242 = arith.constant true
          %reduce_sum3A_243 = vector.broadcast %reduce_sum3A_242 : i1 to vector<16xi1>
          %reduce_sum3A_244 = tpu.scan <sum>, %exp3A_190 masked %reduce_sum3A_243 : vector<16xf32>, vector<16xi1> -> vector<16xf32>
          %reduce_sum3A_245 = vector.extract %reduce_sum3A_244[15] : f32 from vector<16xf32>
          %add3A_246 = arith.addf %reduce_sum3A_241, %reduce_sum3A_245 : f32
          %reduce_sum3A_247 = arith.constant true
          %reduce_sum3A_248 = vector.broadcast %reduce_sum3A_247 : i1 to vector<16xi1>
          %reduce_sum3A_249 = tpu.scan <sum>, %exp3A_193 masked %reduce_sum3A_248 : vector<16xf32>, vector<16xi1> -> vector<16xf32>
          %reduce_sum3A_250 = vector.extract %reduce_sum3A_249[15] : f32 from vector<16xf32>
          %reduce_sum3A_251 = arith.constant true
          %reduce_sum3A_252 = vector.broadcast %reduce_sum3A_251 : i1 to vector<16xi1>
          %reduce_sum3A_253 = tpu.scan <sum>, %exp3A_196 masked %reduce_sum3A_252 : vector<16xf32>, vector<16xi1> -> vector<16xf32>
          %reduce_sum3A_254 = vector.extract %reduce_sum3A_253[15] : f32 from vector<16xf32>
          %add3A_255 = arith.addf %reduce_sum3A_250, %reduce_sum3A_254 : f32
          %reduce_sum3A_256 = arith.constant true
          %reduce_sum3A_257 = vector.broadcast %reduce_sum3A_256 : i1 to vector<16xi1>
          %reduce_sum3A_258 = tpu.scan <sum>, %exp3A_199 masked %reduce_sum3A_257 : vector<16xf32>, vector<16xi1> -> vector<16xf32>
          %reduce_sum3A_259 = vector.extract %reduce_sum3A_258[15] : f32 from vector<16xf32>
          %reduce_sum3A_260 = arith.constant true
          %reduce_sum3A_261 = vector.broadcast %reduce_sum3A_260 : i1 to vector<16xi1>
          %reduce_sum3A_262 = tpu.scan <sum>, %exp3A_202 masked %reduce_sum3A_261 : vector<16xf32>, vector<16xi1> -> vector<16xf32>
          %reduce_sum3A_263 = vector.extract %reduce_sum3A_262[15] : f32 from vector<16xf32>
          %add3A_264 = arith.addf %reduce_sum3A_259, %reduce_sum3A_263 : f32
          %reduce_sum3A_265 = arith.constant true
          %reduce_sum3A_266 = vector.broadcast %reduce_sum3A_265 : i1 to vector<16xi1>
          %reduce_sum3A_267 = tpu.scan <sum>, %exp3A_205 masked %reduce_sum3A_266 : vector<16xf32>, vector<16xi1> -> vector<16xf32>
          %reduce_sum3A_268 = vector.extract %reduce_sum3A_267[15] : f32 from vector<16xf32>
          %reduce_sum3A_269 = arith.constant true
          %reduce_sum3A_270 = vector.broadcast %reduce_sum3A_269 : i1 to vector<16xi1>
          %reduce_sum3A_271 = tpu.scan <sum>, %exp3A_208 masked %reduce_sum3A_270 : vector<16xf32>, vector<16xi1> -> vector<16xf32>
          %reduce_sum3A_272 = vector.extract %reduce_sum3A_271[15] : f32 from vector<16xf32>
          %add3A_273 = arith.addf %reduce_sum3A_268, %reduce_sum3A_272 : f32
          %reduce_sum3A_274 = arith.constant true
          %reduce_sum3A_275 = vector.broadcast %reduce_sum3A_274 : i1 to vector<16xi1>
          %reduce_sum3A_276 = tpu.scan <sum>, %exp3A_211 masked %reduce_sum3A_275 : vector<16xf32>, vector<16xi1> -> vector<16xf32>
          %reduce_sum3A_277 = vector.extract %reduce_sum3A_276[15] : f32 from vector<16xf32>
          %reduce_sum3A_278 = arith.constant true
          %reduce_sum3A_279 = vector.broadcast %reduce_sum3A_278 : i1 to vector<16xi1>
          %reduce_sum3A_280 = tpu.scan <sum>, %exp3A_214 masked %reduce_sum3A_279 : vector<16xf32>, vector<16xi1> -> vector<16xf32>
          %reduce_sum3A_281 = vector.extract %reduce_sum3A_280[15] : f32 from vector<16xf32>
          %add3A_282 = arith.addf %reduce_sum3A_277, %reduce_sum3A_281 : f32
          %reduce_sum3A_283 = arith.constant true
          %reduce_sum3A_284 = vector.broadcast %reduce_sum3A_283 : i1 to vector<16xi1>
          %reduce_sum3A_285 = tpu.scan <sum>, %exp3A_217 masked %reduce_sum3A_284 : vector<16xf32>, vector<16xi1> -> vector<16xf32>
          %reduce_sum3A_286 = vector.extract %reduce_sum3A_285[15] : f32 from vector<16xf32>
          %reduce_sum3A_287 = arith.constant true
          %reduce_sum3A_288 = vector.broadcast %reduce_sum3A_287 : i1 to vector<16xi1>
          %reduce_sum3A_289 = tpu.scan <sum>, %exp3A_220 masked %reduce_sum3A_288 : vector<16xf32>, vector<16xi1> -> vector<16xf32>
          %reduce_sum3A_290 = vector.extract %reduce_sum3A_289[15] : f32 from vector<16xf32>
          %add3A_291 = arith.addf %reduce_sum3A_286, %reduce_sum3A_290 : f32
          %broadcast_in_dim3A_292 = arith.constant 1.000000e+00 : f32
          %broadcast_in_dim3A_293 = vector.broadcast %broadcast_in_dim3A_292 : f32 to vector<16xf32>
          %mul3A_294 = vector.broadcast %add3A_228 : f32 to vector<16xf32>
          %mul3A_295 = arith.mulf %broadcast_in_dim3A_293, %mul3A_294 : vector<16xf32>
          %div3A_296 = arith.divf %broadcast_in_dim3A_293, %mul3A_295 : vector<16xf32>
          %mul3A_297 = vector.broadcast %add3A_237 : f32 to vector<16xf32>
          %mul3A_298 = arith.mulf %broadcast_in_dim3A_293, %mul3A_297 : vector<16xf32>
          %div3A_299 = arith.divf %broadcast_in_dim3A_293, %mul3A_298 : vector<16xf32>
          %mul3A_300 = vector.broadcast %add3A_246 : f32 to vector<16xf32>
          %mul3A_301 = arith.mulf %broadcast_in_dim3A_293, %mul3A_300 : vector<16xf32>
          %div3A_302 = arith.divf %broadcast_in_dim3A_293, %mul3A_301 : vector<16xf32>
          %mul3A_303 = vector.broadcast %add3A_255 : f32 to vector<16xf32>
          %mul3A_304 = arith.mulf %broadcast_in_dim3A_293, %mul3A_303 : vector<16xf32>
          %div3A_305 = arith.divf %broadcast_in_dim3A_293, %mul3A_304 : vector<16xf32>
          %mul3A_306 = vector.broadcast %add3A_264 : f32 to vector<16xf32>
          %mul3A_307 = arith.mulf %broadcast_in_dim3A_293, %mul3A_306 : vector<16xf32>
          %div3A_308 = arith.divf %broadcast_in_dim3A_293, %mul3A_307 : vector<16xf32>
          %mul3A_309 = vector.broadcast %add3A_273 : f32 to vector<16xf32>
          %mul3A_310 = arith.mulf %broadcast_in_dim3A_293, %mul3A_309 : vector<16xf32>
          %div3A_311 = arith.divf %broadcast_in_dim3A_293, %mul3A_310 : vector<16xf32>
          %mul3A_312 = vector.broadcast %add3A_282 : f32 to vector<16xf32>
          %mul3A_313 = arith.mulf %broadcast_in_dim3A_293, %mul3A_312 : vector<16xf32>
          %div3A_314 = arith.divf %broadcast_in_dim3A_293, %mul3A_313 : vector<16xf32>
          %mul3A_315 = vector.broadcast %add3A_291 : f32 to vector<16xf32>
          %mul3A_316 = arith.mulf %broadcast_in_dim3A_293, %mul3A_315 : vector<16xf32>
          %div3A_317 = arith.divf %broadcast_in_dim3A_293, %mul3A_316 : vector<16xf32>
          %mul3A_318 = arith.mulf %exp3A, %div3A_296 : vector<16xf32>
          %swap3A = arith.constant 0 : i32
          %swap3A_319 = arith.index_cast %swap3A : i32 to index
          %swap3A_320 = arith.constant 0 : index
          %swap3A_321 = tpu.vector_load %arg20[%swap3A_319, %swap3A_320] {strides = array<i32>} : memref<8x32xf32, #tpu.memory_space<vmem>>, vector<16xf32>,
          tpu.vector_store %arg20[%swap3A_319, %swap3A_320], %mul3A_318 {strides = array<i32>} : memref<8x32xf32, #tpu.memory_space<vmem>>, vector<16xf32>,
          %mul3A_322 = arith.mulf %exp3A_178, %div3A_296 : vector<16xf32>
          %swap3A_323 = arith.constant 0 : i32
          %swap3A_324 = arith.index_cast %swap3A_323 : i32 to index
          %swap3A_325 = arith.constant 16 : index
          %swap3A_326 = tpu.vector_load %arg20[%swap3A_324, %swap3A_325] {strides = array<i32>} : memref<8x32xf32, #tpu.memory_space<vmem>>, vector<16xf32>,
          tpu.vector_store %arg20[%swap3A_324, %swap3A_325], %mul3A_322 {strides = array<i32>} : memref<8x32xf32, #tpu.memory_space<vmem>>, vector<16xf32>,
          %mul3A_327 = arith.mulf %exp3A_181, %div3A_299 : vector<16xf32>
          %swap3A_328 = arith.constant 1 : i32
          %swap3A_329 = arith.index_cast %swap3A_328 : i32 to index
          %swap3A_330 = arith.constant 0 : index
          %swap3A_331 = tpu.vector_load %arg20[%swap3A_329, %swap3A_330] {strides = array<i32>} : memref<8x32xf32, #tpu.memory_space<vmem>>, vector<16xf32>,
          tpu.vector_store %arg20[%swap3A_329, %swap3A_330], %mul3A_327 {strides = array<i32>} : memref<8x32xf32, #tpu.memory_space<vmem>>, vector<16xf32>,
          %mul3A_332 = arith.mulf %exp3A_184, %div3A_299 : vector<16xf32>
          %swap3A_333 = arith.constant 1 : i32
          %swap3A_334 = arith.index_cast %swap3A_333 : i32 to index
          %swap3A_335 = arith.constant 16 : index
          %swap3A_336 = tpu.vector_load %arg20[%swap3A_334, %swap3A_335] {strides = array<i32>} : memref<8x32xf32, #tpu.memory_space<vmem>>, vector<16xf32>,
          tpu.vector_store %arg20[%swap3A_334, %swap3A_335], %mul3A_332 {strides = array<i32>} : memref<8x32xf32, #tpu.memory_space<vmem>>, vector<16xf32>,
          %mul3A_337 = arith.mulf %exp3A_187, %div3A_302 : vector<16xf32>
          %swap3A_338 = arith.constant 2 : i32
          %swap3A_339 = arith.index_cast %swap3A_338 : i32 to index
          %swap3A_340 = arith.constant 0 : index
          %swap3A_341 = tpu.vector_load %arg20[%swap3A_339, %swap3A_340] {strides = array<i32>} : memref<8x32xf32, #tpu.memory_space<vmem>>, vector<16xf32>,
          tpu.vector_store %arg20[%swap3A_339, %swap3A_340], %mul3A_337 {strides = array<i32>} : memref<8x32xf32, #tpu.memory_space<vmem>>, vector<16xf32>,
          %mul3A_342 = arith.mulf %exp3A_190, %div3A_302 : vector<16xf32>
          %swap3A_343 = arith.constant 2 : i32
          %swap3A_344 = arith.index_cast %swap3A_343 : i32 to index
          %swap3A_345 = arith.constant 16 : index
          %swap3A_346 = tpu.vector_load %arg20[%swap3A_344, %swap3A_345] {strides = array<i32>} : memref<8x32xf32, #tpu.memory_space<vmem>>, vector<16xf32>,
          tpu.vector_store %arg20[%swap3A_344, %swap3A_345], %mul3A_342 {strides = array<i32>} : memref<8x32xf32, #tpu.memory_space<vmem>>, vector<16xf32>,
          %mul3A_347 = arith.mulf %exp3A_193, %div3A_305 : vector<16xf32>
          %swap3A_348 = arith.constant 3 : i32
          %swap3A_349 = arith.index_cast %swap3A_348 : i32 to index
          %swap3A_350 = arith.constant 0 : index
          %swap3A_351 = tpu.vector_load %arg20[%swap3A_349, %swap3A_350] {strides = array<i32>} : memref<8x32xf32, #tpu.memory_space<vmem>>, vector<16xf32>,
          tpu.vector_store %arg20[%swap3A_349, %swap3A_350], %mul3A_347 {strides = array<i32>} : memref<8x32xf32, #tpu.memory_space<vmem>>, vector<16xf32>,
          %mul3A_352 = arith.mulf %exp3A_196, %div3A_305 : vector<16xf32>
          %swap3A_353 = arith.constant 3 : i32
          %swap3A_354 = arith.index_cast %swap3A_353 : i32 to index
          %swap3A_355 = arith.constant 16 : index
          %swap3A_356 = tpu.vector_load %arg20[%swap3A_354, %swap3A_355] {strides = array<i32>} : memref<8x32xf32, #tpu.memory_space<vmem>>, vector<16xf32>,
          tpu.vector_store %arg20[%swap3A_354, %swap3A_355], %mul3A_352 {strides = array<i32>} : memref<8x32xf32, #tpu.memory_space<vmem>>, vector<16xf32>,
          %mul3A_357 = arith.mulf %exp3A_199, %div3A_308 : vector<16xf32>
          %swap3A_358 = arith.constant 4 : i32
          %swap3A_359 = arith.index_cast %swap3A_358 : i32 to index
          %swap3A_360 = arith.constant 0 : index
          %swap3A_361 = tpu.vector_load %arg20[%swap3A_359, %swap3A_360] {strides = array<i32>} : memref<8x32xf32, #tpu.memory_space<vmem>>, vector<16xf32>,
          tpu.vector_store %arg20[%swap3A_359, %swap3A_360], %mul3A_357 {strides = array<i32>} : memref<8x32xf32, #tpu.memory_space<vmem>>, vector<16xf32>,
          %mul3A_362 = arith.mulf %exp3A_202, %div3A_308 : vector<16xf32>
          %swap3A_363 = arith.constant 4 : i32
          %swap3A_364 = arith.index_cast %swap3A_363 : i32 to index
          %swap3A_365 = arith.constant 16 : index
          %swap3A_366 = tpu.vector_load %arg20[%swap3A_364, %swap3A_365] {strides = array<i32>} : memref<8x32xf32, #tpu.memory_space<vmem>>, vector<16xf32>,
          tpu.vector_store %arg20[%swap3A_364, %swap3A_365], %mul3A_362 {strides = array<i32>} : memref<8x32xf32, #tpu.memory_space<vmem>>, vector<16xf32>,
          %mul3A_367 = arith.mulf %exp3A_205, %div3A_311 : vector<16xf32>
          %swap3A_368 = arith.constant 5 : i32
          %swap3A_369 = arith.index_cast %swap3A_368 : i32 to index
          %swap3A_370 = arith.constant 0 : index
          %swap3A_371 = tpu.vector_load %arg20[%swap3A_369, %swap3A_370] {strides = array<i32>} : memref<8x32xf32, #tpu.memory_space<vmem>>, vector<16xf32>,
          tpu.vector_store %arg20[%swap3A_369, %swap3A_370], %mul3A_367 {strides = array<i32>} : memref<8x32xf32, #tpu.memory_space<vmem>>, vector<16xf32>,
          %mul3A_372 = arith.mulf %exp3A_208, %div3A_311 : vector<16xf32>
          %swap3A_373 = arith.constant 5 : i32
          %swap3A_374 = arith.index_cast %swap3A_373 : i32 to index
          %swap3A_375 = arith.constant 16 : index
          %swap3A_376 = tpu.vector_load %arg20[%swap3A_374, %swap3A_375] {strides = array<i32>} : memref<8x32xf32, #tpu.memory_space<vmem>>, vector<16xf32>,
          tpu.vector_store %arg20[%swap3A_374, %swap3A_375], %mul3A_372 {strides = array<i32>} : memref<8x32xf32, #tpu.memory_space<vmem>>, vector<16xf32>,
          %mul3A_377 = arith.mulf %exp3A_211, %div3A_314 : vector<16xf32>
          %swap3A_378 = arith.constant 6 : i32
          %swap3A_379 = arith.index_cast %swap3A_378 : i32 to index
          %swap3A_380 = arith.constant 0 : index
          %swap3A_381 = tpu.vector_load %arg20[%swap3A_379, %swap3A_380] {strides = array<i32>} : memref<8x32xf32, #tpu.memory_space<vmem>>, vector<16xf32>,
          tpu.vector_store %arg20[%swap3A_379, %swap3A_380], %mul3A_377 {strides = array<i32>} : memref<8x32xf32, #tpu.memory_space<vmem>>, vector<16xf32>,
          %mul3A_382 = arith.mulf %exp3A_214, %div3A_314 : vector<16xf32>
          %swap3A_383 = arith.constant 6 : i32
          %swap3A_384 = arith.index_cast %swap3A_383 : i32 to index
          %swap3A_385 = arith.constant 16 : index
          %swap3A_386 = tpu.vector_load %arg20[%swap3A_384, %swap3A_385] {strides = array<i32>} : memref<8x32xf32, #tpu.memory_space<vmem>>, vector<16xf32>,
          tpu.vector_store %arg20[%swap3A_384, %swap3A_385], %mul3A_382 {strides = array<i32>} : memref<8x32xf32, #tpu.memory_space<vmem>>, vector<16xf32>,
          %mul3A_387 = arith.mulf %exp3A_217, %div3A_317 : vector<16xf32>
          %swap3A_388 = arith.constant 7 : i32
          %swap3A_389 = arith.index_cast %swap3A_388 : i32 to index
          %swap3A_390 = arith.constant 0 : index
          %swap3A_391 = tpu.vector_load %arg20[%swap3A_389, %swap3A_390] {strides = array<i32>} : memref<8x32xf32, #tpu.memory_space<vmem>>, vector<16xf32>,
          tpu.vector_store %arg20[%swap3A_389, %swap3A_390], %mul3A_387 {strides = array<i32>} : memref<8x32xf32, #tpu.memory_space<vmem>>, vector<16xf32>,
          %mul3A_392 = arith.mulf %exp3A_220, %div3A_317 : vector<16xf32>
          %swap3A_393 = arith.constant 7 : i32
          %swap3A_394 = arith.index_cast %swap3A_393 : i32 to index
          %swap3A_395 = arith.constant 16 : index
          %swap3A_396 = tpu.vector_load %arg20[%swap3A_394, %swap3A_395] {strides = array<i32>} : memref<8x32xf32, #tpu.memory_space<vmem>>, vector<16xf32>,
          tpu.vector_store %arg20[%swap3A_394, %swap3A_395], %mul3A_392 {strides = array<i32>} : memref<8x32xf32, #tpu.memory_space<vmem>>, vector<16xf32>,
          %scan3A_397 = arith.constant 0 : i32
          %scan3A_398 = arith.constant 32 : i32
          %scan3A_399 = arith.addi %scan3A_397, %scan3A_398 : i32
          %scan3A_400 = arith.constant 1 : i32
          %scan3A_401:32 = scf.for %scan3A_595 = %scan3A_397 to %scan3A_399 step %scan3A_400 iter_args(%scan3A_596 = %broadcast_in_dim3A_95, %scan3A_597 = %broadcast_in_dim3A_95, %scan3A_598 = %broadcast_in_dim3A_95, %scan3A_599 = %broadcast_in_dim3A_95, %scan3A_600 = %broadcast_in_dim3A_95, %scan3A_601 = %broadcast_in_dim3A_95, %scan3A_602 = %broadcast_in_dim3A_95, %scan3A_603 = %broadcast_in_dim3A_95, %scan3A_604 = %broadcast_in_dim3A_95, %scan3A_605 = %broadcast_in_dim3A_95, %scan3A_606 = %broadcast_in_dim3A_95, %scan3A_607 = %broadcast_in_dim3A_95, %scan3A_608 = %broadcast_in_dim3A_95, %scan3A_609 = %broadcast_in_dim3A_95, %scan3A_610 = %broadcast_in_dim3A_95, %scan3A_611 = %broadcast_in_dim3A_95, %scan3A_612 = %broadcast_in_dim3A_95, %scan3A_613 = %broadcast_in_dim3A_95, %scan3A_614 = %broadcast_in_dim3A_95, %scan3A_615 = %broadcast_in_dim3A_95, %scan3A_616 = %broadcast_in_dim3A_95, %scan3A_617 = %broadcast_in_dim3A_95, %scan3A_618 = %broadcast_in_dim3A_95, %scan3A_619 = %broadcast_in_dim3A_95, %scan3A_620 = %broadcast_in_dim3A_95, %scan3A_621 = %broadcast_in_dim3A_95, %scan3A_622 = %broadcast_in_dim3A_95, %scan3A_623 = %broadcast_in_dim3A_95, %scan3A_624 = %broadcast_in_dim3A_95, %scan3A_625 = %broadcast_in_dim3A_95, %scan3A_626 = %broadcast_in_dim3A_95, %scan3A_627 = %broadcast_in_dim3A_95) -> (vector<16xf32>, vector<16xf32>, vector<16xf32>, vector<16xf32>, vector<16xf32>, vector<16xf32>, vector<16xf32>, vector<16xf32>, vector<16xf32>, vector<16xf32>, vector<16xf32>, vector<16xf32>, vector<16xf32>, vector<16xf32>, vector<16xf32>, vector<16xf32>, vector<16xf32>, vector<16xf32>, vector<16xf32>, vector<16xf32>, vector<16xf32>, vector<16xf32>, vector<16xf32>, vector<16xf32>, vector<16xf32>, vector<16xf32>, vector<16xf32>, vector<16xf32>, vector<16xf32>, vector<16xf32>, vector<16xf32>, vector<16xf32>)  : i32 {
            %add3A_628 = arith.constant 0 : i32
            %add3A_629 = arith.addi %mul3A_94, %add3A_628 : i32
            %get3A = arith.index_cast %scan3A_595 : i32 to index
            %get3A_630 = arith.index_cast %add3A_629 : i32 to index
            %get3A_631 = tpu.vector_load %arg15[%get3A, %get3A_630] {strides = array<i32>} : memref<32x512xf32, #tpu.memory_space<vmem>>, vector<16xf32>,
            %add3A_632 = arith.constant 16 : i32
            %add3A_633 = arith.addi %mul3A_94, %add3A_632 : i32
            %get3A_634 = arith.index_cast %scan3A_595 : i32 to index
            %get3A_635 = arith.index_cast %add3A_633 : i32 to index
            %get3A_636 = tpu.vector_load %arg15[%get3A_634, %get3A_635] {strides = array<i32>} : memref<32x512xf32, #tpu.memory_space<vmem>>, vector<16xf32>,
            %add3A_637 = arith.constant 32 : i32
            %add3A_638 = arith.addi %mul3A_94, %add3A_637 : i32
            %get3A_639 = arith.index_cast %scan3A_595 : i32 to index
            %get3A_640 = arith.index_cast %add3A_638 : i32 to index
            %get3A_641 = tpu.vector_load %arg15[%get3A_639, %get3A_640] {strides = array<i32>} : memref<32x512xf32, #tpu.memory_space<vmem>>, vector<16xf32>,
            %add3A_642 = arith.constant 48 : i32
            %add3A_643 = arith.addi %mul3A_94, %add3A_642 : i32
            %get3A_644 = arith.index_cast %scan3A_595 : i32 to index
            %get3A_645 = arith.index_cast %add3A_643 : i32 to index
            %get3A_646 = tpu.vector_load %arg15[%get3A_644, %get3A_645] {strides = array<i32>} : memref<32x512xf32, #tpu.memory_space<vmem>>, vector<16xf32>,
            %broadcast_in_dim3A_647 = vector.broadcast %scan3A_595 : i32 to vector<16xi32>
            %broadcast_in_dim3A_648 = arith.constant 0 : i32
            %broadcast_in_dim3A_649 = vector.broadcast %broadcast_in_dim3A_648 : i32 to vector<16xi32>
            %gather3A = tpu.vector_load_idx %arg20[%broadcast_in_dim3A_649, %broadcast_in_dim3A_647] : memref<8x32xf32, #tpu.memory_space<vmem>>[vector<16xi32>, vector<16xi32>], vector<16xf32>,
            %mul3A_650 = arith.mulf %get3A_631, %gather3A : vector<16xf32>
            %add3A_651 = arith.addf %scan3A_596, %mul3A_650 : vector<16xf32>
            %mul3A_652 = arith.mulf %get3A_636, %gather3A : vector<16xf32>
            %add3A_653 = arith.addf %scan3A_597, %mul3A_652 : vector<16xf32>
            %mul3A_654 = arith.mulf %get3A_641, %gather3A : vector<16xf32>
            %add3A_655 = arith.addf %scan3A_598, %mul3A_654 : vector<16xf32>
            %mul3A_656 = arith.mulf %get3A_646, %gather3A : vector<16xf32>
            %add3A_657 = arith.addf %scan3A_599, %mul3A_656 : vector<16xf32>
            %broadcast_in_dim3A_658 = arith.constant 1 : i32
            %broadcast_in_dim3A_659 = vector.broadcast %broadcast_in_dim3A_658 : i32 to vector<16xi32>
            %gather3A_660 = tpu.vector_load_idx %arg20[%broadcast_in_dim3A_659, %broadcast_in_dim3A_647] : memref<8x32xf32, #tpu.memory_space<vmem>>[vector<16xi32>, vector<16xi32>], vector<16xf32>,
            %mul3A_661 = arith.mulf %get3A_631, %gather3A_660 : vector<16xf32>
            %add3A_662 = arith.addf %scan3A_600, %mul3A_661 : vector<16xf32>
            %mul3A_663 = arith.mulf %get3A_636, %gather3A_660 : vector<16xf32>
            %add3A_664 = arith.addf %scan3A_601, %mul3A_663 : vector<16xf32>
            %mul3A_665 = arith.mulf %get3A_641, %gather3A_660 : vector<16xf32>
            %add3A_666 = arith.addf %scan3A_602, %mul3A_665 : vector<16xf32>
            %mul3A_667 = arith.mulf %get3A_646, %gather3A_660 : vector<16xf32>
            %add3A_668 = arith.addf %scan3A_603, %mul3A_667 : vector<16xf32>
            %broadcast_in_dim3A_669 = arith.constant 2 : i32
            %broadcast_in_dim3A_670 = vector.broadcast %broadcast_in_dim3A_669 : i32 to vector<16xi32>
            %gather3A_671 = tpu.vector_load_idx %arg20[%broadcast_in_dim3A_670, %broadcast_in_dim3A_647] : memref<8x32xf32, #tpu.memory_space<vmem>>[vector<16xi32>, vector<16xi32>], vector<16xf32>,
            %mul3A_672 = arith.mulf %get3A_631, %gather3A_671 : vector<16xf32>
            %add3A_673 = arith.addf %scan3A_604, %mul3A_672 : vector<16xf32>
            %mul3A_674 = arith.mulf %get3A_636, %gather3A_671 : vector<16xf32>
            %add3A_675 = arith.addf %scan3A_605, %mul3A_674 : vector<16xf32>
            %mul3A_676 = arith.mulf %get3A_641, %gather3A_671 : vector<16xf32>
            %add3A_677 = arith.addf %scan3A_606, %mul3A_676 : vector<16xf32>
            %mul3A_678 = arith.mulf %get3A_646, %gather3A_671 : vector<16xf32>
            %add3A_679 = arith.addf %scan3A_607, %mul3A_678 : vector<16xf32>
            %broadcast_in_dim3A_680 = arith.constant 3 : i32
            %broadcast_in_dim3A_681 = vector.broadcast %broadcast_in_dim3A_680 : i32 to vector<16xi32>
            %gather3A_682 = tpu.vector_load_idx %arg20[%broadcast_in_dim3A_681, %broadcast_in_dim3A_647] : memref<8x32xf32, #tpu.memory_space<vmem>>[vector<16xi32>, vector<16xi32>], vector<16xf32>,
            %mul3A_683 = arith.mulf %get3A_631, %gather3A_682 : vector<16xf32>
            %add3A_684 = arith.addf %scan3A_608, %mul3A_683 : vector<16xf32>
            %mul3A_685 = arith.mulf %get3A_636, %gather3A_682 : vector<16xf32>
            %add3A_686 = arith.addf %scan3A_609, %mul3A_685 : vector<16xf32>
            %mul3A_687 = arith.mulf %get3A_641, %gather3A_682 : vector<16xf32>
            %add3A_688 = arith.addf %scan3A_610, %mul3A_687 : vector<16xf32>
            %mul3A_689 = arith.mulf %get3A_646, %gather3A_682 : vector<16xf32>
            %add3A_690 = arith.addf %scan3A_611, %mul3A_689 : vector<16xf32>
            %broadcast_in_dim3A_691 = arith.constant 4 : i32
            %broadcast_in_dim3A_692 = vector.broadcast %broadcast_in_dim3A_691 : i32 to vector<16xi32>
            %gather3A_693 = tpu.vector_load_idx %arg20[%broadcast_in_dim3A_692, %broadcast_in_dim3A_647] : memref<8x32xf32, #tpu.memory_space<vmem>>[vector<16xi32>, vector<16xi32>], vector<16xf32>,
            %mul3A_694 = arith.mulf %get3A_631, %gather3A_693 : vector<16xf32>
            %add3A_695 = arith.addf %scan3A_612, %mul3A_694 : vector<16xf32>
            %mul3A_696 = arith.mulf %get3A_636, %gather3A_693 : vector<16xf32>
            %add3A_697 = arith.addf %scan3A_613, %mul3A_696 : vector<16xf32>
            %mul3A_698 = arith.mulf %get3A_641, %gather3A_693 : vector<16xf32>
            %add3A_699 = arith.addf %scan3A_614, %mul3A_698 : vector<16xf32>
            %mul3A_700 = arith.mulf %get3A_646, %gather3A_693 : vector<16xf32>
            %add3A_701 = arith.addf %scan3A_615, %mul3A_700 : vector<16xf32>
            %broadcast_in_dim3A_702 = arith.constant 5 : i32
            %broadcast_in_dim3A_703 = vector.broadcast %broadcast_in_dim3A_702 : i32 to vector<16xi32>
            %gather3A_704 = tpu.vector_load_idx %arg20[%broadcast_in_dim3A_703, %broadcast_in_dim3A_647] : memref<8x32xf32, #tpu.memory_space<vmem>>[vector<16xi32>, vector<16xi32>], vector<16xf32>,
            %mul3A_705 = arith.mulf %get3A_631, %gather3A_704 : vector<16xf32>
            %add3A_706 = arith.addf %scan3A_616, %mul3A_705 : vector<16xf32>
            %mul3A_707 = arith.mulf %get3A_636, %gather3A_704 : vector<16xf32>
            %add3A_708 = arith.addf %scan3A_617, %mul3A_707 : vector<16xf32>
            %mul3A_709 = arith.mulf %get3A_641, %gather3A_704 : vector<16xf32>
            %add3A_710 = arith.addf %scan3A_618, %mul3A_709 : vector<16xf32>
            %mul3A_711 = arith.mulf %get3A_646, %gather3A_704 : vector<16xf32>
            %add3A_712 = arith.addf %scan3A_619, %mul3A_711 : vector<16xf32>
            %broadcast_in_dim3A_713 = arith.constant 6 : i32
            %broadcast_in_dim3A_714 = vector.broadcast %broadcast_in_dim3A_713 : i32 to vector<16xi32>
            %gather3A_715 = tpu.vector_load_idx %arg20[%broadcast_in_dim3A_714, %broadcast_in_dim3A_647] : memref<8x32xf32, #tpu.memory_space<vmem>>[vector<16xi32>, vector<16xi32>], vector<16xf32>,
            %mul3A_716 = arith.mulf %get3A_631, %gather3A_715 : vector<16xf32>
            %add3A_717 = arith.addf %scan3A_620, %mul3A_716 : vector<16xf32>
            %mul3A_718 = arith.mulf %get3A_636, %gather3A_715 : vector<16xf32>
            %add3A_719 = arith.addf %scan3A_621, %mul3A_718 : vector<16xf32>
            %mul3A_720 = arith.mulf %get3A_641, %gather3A_715 : vector<16xf32>
            %add3A_721 = arith.addf %scan3A_622, %mul3A_720 : vector<16xf32>
            %mul3A_722 = arith.mulf %get3A_646, %gather3A_715 : vector<16xf32>
            %add3A_723 = arith.addf %scan3A_623, %mul3A_722 : vector<16xf32>
            %broadcast_in_dim3A_724 = arith.constant 7 : i32
            %broadcast_in_dim3A_725 = vector.broadcast %broadcast_in_dim3A_724 : i32 to vector<16xi32>
            %gather3A_726 = tpu.vector_load_idx %arg20[%broadcast_in_dim3A_725, %broadcast_in_dim3A_647] : memref<8x32xf32, #tpu.memory_space<vmem>>[vector<16xi32>, vector<16xi32>], vector<16xf32>,
            %mul3A_727 = arith.mulf %get3A_631, %gather3A_726 : vector<16xf32>
            %add3A_728 = arith.addf %scan3A_624, %mul3A_727 : vector<16xf32>
            %mul3A_729 = arith.mulf %get3A_636, %gather3A_726 : vector<16xf32>
            %add3A_730 = arith.addf %scan3A_625, %mul3A_729 : vector<16xf32>
            %mul3A_731 = arith.mulf %get3A_641, %gather3A_726 : vector<16xf32>
            %add3A_732 = arith.addf %scan3A_626, %mul3A_731 : vector<16xf32>
            %mul3A_733 = arith.mulf %get3A_646, %gather3A_726 : vector<16xf32>
            %add3A_734 = arith.addf %scan3A_627, %mul3A_733 : vector<16xf32>
            scf.yield %add3A_651, %add3A_653, %add3A_655, %add3A_657, %add3A_662, %add3A_664, %add3A_666, %add3A_668, %add3A_673, %add3A_675, %add3A_677, %add3A_679, %add3A_684, %add3A_686, %add3A_688, %add3A_690, %add3A_695, %add3A_697, %add3A_699, %add3A_701, %add3A_706, %add3A_708, %add3A_710, %add3A_712, %add3A_717, %add3A_719, %add3A_721, %add3A_723, %add3A_728, %add3A_730, %add3A_732, %add3A_734 : vector<16xf32>, vector<16xf32>, vector<16xf32>, vector<16xf32>, vector<16xf32>, vector<16xf32>, vector<16xf32>, vector<16xf32>, vector<16xf32>, vector<16xf32>, vector<16xf32>, vector<16xf32>, vector<16xf32>, vector<16xf32>, vector<16xf32>, vector<16xf32>, vector<16xf32>, vector<16xf32>, vector<16xf32>, vector<16xf32>, vector<16xf32>, vector<16xf32>, vector<16xf32>, vector<16xf32>, vector<16xf32>, vector<16xf32>, vector<16xf32>, vector<16xf32>, vector<16xf32>, vector<16xf32>, vector<16xf32>, vector<16xf32>
          }
          %scan3A_402 = arith.constant 32 : i32
          %add3A_403 = arith.constant 0 : i32
          %add3A_404 = arith.addi %mul3A_94, %add3A_403 : i32
          %swap3A_405 = arith.constant 0 : i32
          %swap3A_406 = arith.index_cast %swap3A_405 : i32 to index
          %swap3A_407 = arith.index_cast %add3A_404 : i32 to index
          %swap3A_408 = tpu.vector_load %arg19[%swap3A_406, %swap3A_407] {strides = array<i32>} : memref<8x512xf32, #tpu.memory_space<vmem>>, vector<16xf32>,
          tpu.vector_store %arg19[%swap3A_406, %swap3A_407], %scan3A_401#0 {strides = array<i32>} : memref<8x512xf32, #tpu.memory_space<vmem>>, vector<16xf32>,
          %add3A_409 = arith.constant 16 : i32
          %add3A_410 = arith.addi %mul3A_94, %add3A_409 : i32
          %swap3A_411 = arith.constant 0 : i32
          %swap3A_412 = arith.index_cast %swap3A_411 : i32 to index
          %swap3A_413 = arith.index_cast %add3A_410 : i32 to index
          %swap3A_414 = tpu.vector_load %arg19[%swap3A_412, %swap3A_413] {strides = array<i32>} : memref<8x512xf32, #tpu.memory_space<vmem>>, vector<16xf32>,
          tpu.vector_store %arg19[%swap3A_412, %swap3A_413], %scan3A_401#1 {strides = array<i32>} : memref<8x512xf32, #tpu.memory_space<vmem>>, vector<16xf32>,
          %add3A_415 = arith.constant 32 : i32
          %add3A_416 = arith.addi %mul3A_94, %add3A_415 : i32
          %swap3A_417 = arith.constant 0 : i32
          %swap3A_418 = arith.index_cast %swap3A_417 : i32 to index
          %swap3A_419 = arith.index_cast %add3A_416 : i32 to index
          %swap3A_420 = tpu.vector_load %arg19[%swap3A_418, %swap3A_419] {strides = array<i32>} : memref<8x512xf32, #tpu.memory_space<vmem>>, vector<16xf32>,
          tpu.vector_store %arg19[%swap3A_418, %swap3A_419], %scan3A_401#2 {strides = array<i32>} : memref<8x512xf32, #tpu.memory_space<vmem>>, vector<16xf32>,
          %add3A_421 = arith.constant 48 : i32
          %add3A_422 = arith.addi %mul3A_94, %add3A_421 : i32
          %swap3A_423 = arith.constant 0 : i32
          %swap3A_424 = arith.index_cast %swap3A_423 : i32 to index
          %swap3A_425 = arith.index_cast %add3A_422 : i32 to index
          %swap3A_426 = tpu.vector_load %arg19[%swap3A_424, %swap3A_425] {strides = array<i32>} : memref<8x512xf32, #tpu.memory_space<vmem>>, vector<16xf32>,
          tpu.vector_store %arg19[%swap3A_424, %swap3A_425], %scan3A_401#3 {strides = array<i32>} : memref<8x512xf32, #tpu.memory_space<vmem>>, vector<16xf32>,
          %add3A_427 = arith.constant 0 : i32
          %add3A_428 = arith.addi %mul3A_94, %add3A_427 : i32
          %swap3A_429 = arith.constant 1 : i32
          %swap3A_430 = arith.index_cast %swap3A_429 : i32 to index
          %swap3A_431 = arith.index_cast %add3A_428 : i32 to index
          %swap3A_432 = tpu.vector_load %arg19[%swap3A_430, %swap3A_431] {strides = array<i32>} : memref<8x512xf32, #tpu.memory_space<vmem>>, vector<16xf32>,
          tpu.vector_store %arg19[%swap3A_430, %swap3A_431], %scan3A_401#4 {strides = array<i32>} : memref<8x512xf32, #tpu.memory_space<vmem>>, vector<16xf32>,
          %add3A_433 = arith.constant 16 : i32
          %add3A_434 = arith.addi %mul3A_94, %add3A_433 : i32
          %swap3A_435 = arith.constant 1 : i32
          %swap3A_436 = arith.index_cast %swap3A_435 : i32 to index
          %swap3A_437 = arith.index_cast %add3A_434 : i32 to index
          %swap3A_438 = tpu.vector_load %arg19[%swap3A_436, %swap3A_437] {strides = array<i32>} : memref<8x512xf32, #tpu.memory_space<vmem>>, vector<16xf32>,
          tpu.vector_store %arg19[%swap3A_436, %swap3A_437], %scan3A_401#5 {strides = array<i32>} : memref<8x512xf32, #tpu.memory_space<vmem>>, vector<16xf32>,
          %add3A_439 = arith.constant 32 : i32
          %add3A_440 = arith.addi %mul3A_94, %add3A_439 : i32
          %swap3A_441 = arith.constant 1 : i32
          %swap3A_442 = arith.index_cast %swap3A_441 : i32 to index
          %swap3A_443 = arith.index_cast %add3A_440 : i32 to index
          %swap3A_444 = tpu.vector_load %arg19[%swap3A_442, %swap3A_443] {strides = array<i32>} : memref<8x512xf32, #tpu.memory_space<vmem>>, vector<16xf32>,
          tpu.vector_store %arg19[%swap3A_442, %swap3A_443], %scan3A_401#6 {strides = array<i32>} : memref<8x512xf32, #tpu.memory_space<vmem>>, vector<16xf32>,
          %add3A_445 = arith.constant 48 : i32
          %add3A_446 = arith.addi %mul3A_94, %add3A_445 : i32
          %swap3A_447 = arith.constant 1 : i32
          %swap3A_448 = arith.index_cast %swap3A_447 : i32 to index
          %swap3A_449 = arith.index_cast %add3A_446 : i32 to index
          %swap3A_450 = tpu.vector_load %arg19[%swap3A_448, %swap3A_449] {strides = array<i32>} : memref<8x512xf32, #tpu.memory_space<vmem>>, vector<16xf32>,
          tpu.vector_store %arg19[%swap3A_448, %swap3A_449], %scan3A_401#7 {strides = array<i32>} : memref<8x512xf32, #tpu.memory_space<vmem>>, vector<16xf32>,
          %add3A_451 = arith.constant 0 : i32
          %add3A_452 = arith.addi %mul3A_94, %add3A_451 : i32
          %swap3A_453 = arith.constant 2 : i32
          %swap3A_454 = arith.index_cast %swap3A_453 : i32 to index
          %swap3A_455 = arith.index_cast %add3A_452 : i32 to index
          %swap3A_456 = tpu.vector_load %arg19[%swap3A_454, %swap3A_455] {strides = array<i32>} : memref<8x512xf32, #tpu.memory_space<vmem>>, vector<16xf32>,
          tpu.vector_store %arg19[%swap3A_454, %swap3A_455], %scan3A_401#8 {strides = array<i32>} : memref<8x512xf32, #tpu.memory_space<vmem>>, vector<16xf32>,
          %add3A_457 = arith.constant 16 : i32
          %add3A_458 = arith.addi %mul3A_94, %add3A_457 : i32
          %swap3A_459 = arith.constant 2 : i32
          %swap3A_460 = arith.index_cast %swap3A_459 : i32 to index
          %swap3A_461 = arith.index_cast %add3A_458 : i32 to index
          %swap3A_462 = tpu.vector_load %arg19[%swap3A_460, %swap3A_461] {strides = array<i32>} : memref<8x512xf32, #tpu.memory_space<vmem>>, vector<16xf32>,
          tpu.vector_store %arg19[%swap3A_460, %swap3A_461], %scan3A_401#9 {strides = array<i32>} : memref<8x512xf32, #tpu.memory_space<vmem>>, vector<16xf32>,
          %add3A_463 = arith.constant 32 : i32
          %add3A_464 = arith.addi %mul3A_94, %add3A_463 : i32
          %swap3A_465 = arith.constant 2 : i32
          %swap3A_466 = arith.index_cast %swap3A_465 : i32 to index
          %swap3A_467 = arith.index_cast %add3A_464 : i32 to index
          %swap3A_468 = tpu.vector_load %arg19[%swap3A_466, %swap3A_467] {strides = array<i32>} : memref<8x512xf32, #tpu.memory_space<vmem>>, vector<16xf32>,
          tpu.vector_store %arg19[%swap3A_466, %swap3A_467], %scan3A_401#10 {strides = array<i32>} : memref<8x512xf32, #tpu.memory_space<vmem>>, vector<16xf32>,
          %add3A_469 = arith.constant 48 : i32
          %add3A_470 = arith.addi %mul3A_94, %add3A_469 : i32
          %swap3A_471 = arith.constant 2 : i32
          %swap3A_472 = arith.index_cast %swap3A_471 : i32 to index
          %swap3A_473 = arith.index_cast %add3A_470 : i32 to index
          %swap3A_474 = tpu.vector_load %arg19[%swap3A_472, %swap3A_473] {strides = array<i32>} : memref<8x512xf32, #tpu.memory_space<vmem>>, vector<16xf32>,
          tpu.vector_store %arg19[%swap3A_472, %swap3A_473], %scan3A_401#11 {strides = array<i32>} : memref<8x512xf32, #tpu.memory_space<vmem>>, vector<16xf32>,
          %add3A_475 = arith.constant 0 : i32
          %add3A_476 = arith.addi %mul3A_94, %add3A_475 : i32
          %swap3A_477 = arith.constant 3 : i32
          %swap3A_478 = arith.index_cast %swap3A_477 : i32 to index
          %swap3A_479 = arith.index_cast %add3A_476 : i32 to index
          %swap3A_480 = tpu.vector_load %arg19[%swap3A_478, %swap3A_479] {strides = array<i32>} : memref<8x512xf32, #tpu.memory_space<vmem>>, vector<16xf32>,
          tpu.vector_store %arg19[%swap3A_478, %swap3A_479], %scan3A_401#12 {strides = array<i32>} : memref<8x512xf32, #tpu.memory_space<vmem>>, vector<16xf32>,
          %add3A_481 = arith.constant 16 : i32
          %add3A_482 = arith.addi %mul3A_94, %add3A_481 : i32
          %swap3A_483 = arith.constant 3 : i32
          %swap3A_484 = arith.index_cast %swap3A_483 : i32 to index
          %swap3A_485 = arith.index_cast %add3A_482 : i32 to index
          %swap3A_486 = tpu.vector_load %arg19[%swap3A_484, %swap3A_485] {strides = array<i32>} : memref<8x512xf32, #tpu.memory_space<vmem>>, vector<16xf32>,
          tpu.vector_store %arg19[%swap3A_484, %swap3A_485], %scan3A_401#13 {strides = array<i32>} : memref<8x512xf32, #tpu.memory_space<vmem>>, vector<16xf32>,
          %add3A_487 = arith.constant 32 : i32
          %add3A_488 = arith.addi %mul3A_94, %add3A_487 : i32
          %swap3A_489 = arith.constant 3 : i32
          %swap3A_490 = arith.index_cast %swap3A_489 : i32 to index
          %swap3A_491 = arith.index_cast %add3A_488 : i32 to index
          %swap3A_492 = tpu.vector_load %arg19[%swap3A_490, %swap3A_491] {strides = array<i32>} : memref<8x512xf32, #tpu.memory_space<vmem>>, vector<16xf32>,
          tpu.vector_store %arg19[%swap3A_490, %swap3A_491], %scan3A_401#14 {strides = array<i32>} : memref<8x512xf32, #tpu.memory_space<vmem>>, vector<16xf32>,
          %add3A_493 = arith.constant 48 : i32
          %add3A_494 = arith.addi %mul3A_94, %add3A_493 : i32
          %swap3A_495 = arith.constant 3 : i32
          %swap3A_496 = arith.index_cast %swap3A_495 : i32 to index
          %swap3A_497 = arith.index_cast %add3A_494 : i32 to index
          %swap3A_498 = tpu.vector_load %arg19[%swap3A_496, %swap3A_497] {strides = array<i32>} : memref<8x512xf32, #tpu.memory_space<vmem>>, vector<16xf32>,
          tpu.vector_store %arg19[%swap3A_496, %swap3A_497], %scan3A_401#15 {strides = array<i32>} : memref<8x512xf32, #tpu.memory_space<vmem>>, vector<16xf32>,
          %add3A_499 = arith.constant 0 : i32
          %add3A_500 = arith.addi %mul3A_94, %add3A_499 : i32
          %swap3A_501 = arith.constant 4 : i32
          %swap3A_502 = arith.index_cast %swap3A_501 : i32 to index
          %swap3A_503 = arith.index_cast %add3A_500 : i32 to index
          %swap3A_504 = tpu.vector_load %arg19[%swap3A_502, %swap3A_503] {strides = array<i32>} : memref<8x512xf32, #tpu.memory_space<vmem>>, vector<16xf32>,
          tpu.vector_store %arg19[%swap3A_502, %swap3A_503], %scan3A_401#16 {strides = array<i32>} : memref<8x512xf32, #tpu.memory_space<vmem>>, vector<16xf32>,
          %add3A_505 = arith.constant 16 : i32
          %add3A_506 = arith.addi %mul3A_94, %add3A_505 : i32
          %swap3A_507 = arith.constant 4 : i32
          %swap3A_508 = arith.index_cast %swap3A_507 : i32 to index
          %swap3A_509 = arith.index_cast %add3A_506 : i32 to index
          %swap3A_510 = tpu.vector_load %arg19[%swap3A_508, %swap3A_509] {strides = array<i32>} : memref<8x512xf32, #tpu.memory_space<vmem>>, vector<16xf32>,
          tpu.vector_store %arg19[%swap3A_508, %swap3A_509], %scan3A_401#17 {strides = array<i32>} : memref<8x512xf32, #tpu.memory_space<vmem>>, vector<16xf32>,
          %add3A_511 = arith.constant 32 : i32
          %add3A_512 = arith.addi %mul3A_94, %add3A_511 : i32
          %swap3A_513 = arith.constant 4 : i32
          %swap3A_514 = arith.index_cast %swap3A_513 : i32 to index
          %swap3A_515 = arith.index_cast %add3A_512 : i32 to index
          %swap3A_516 = tpu.vector_load %arg19[%swap3A_514, %swap3A_515] {strides = array<i32>} : memref<8x512xf32, #tpu.memory_space<vmem>>, vector<16xf32>,
          tpu.vector_store %arg19[%swap3A_514, %swap3A_515], %scan3A_401#18 {strides = array<i32>} : memref<8x512xf32, #tpu.memory_space<vmem>>, vector<16xf32>,
          %add3A_517 = arith.constant 48 : i32
          %add3A_518 = arith.addi %mul3A_94, %add3A_517 : i32
          %swap3A_519 = arith.constant 4 : i32
          %swap3A_520 = arith.index_cast %swap3A_519 : i32 to index
          %swap3A_521 = arith.index_cast %add3A_518 : i32 to index
          %swap3A_522 = tpu.vector_load %arg19[%swap3A_520, %swap3A_521] {strides = array<i32>} : memref<8x512xf32, #tpu.memory_space<vmem>>, vector<16xf32>,
          tpu.vector_store %arg19[%swap3A_520, %swap3A_521], %scan3A_401#19 {strides = array<i32>} : memref<8x512xf32, #tpu.memory_space<vmem>>, vector<16xf32>,
          %add3A_523 = arith.constant 0 : i32
          %add3A_524 = arith.addi %mul3A_94, %add3A_523 : i32
          %swap3A_525 = arith.constant 5 : i32
          %swap3A_526 = arith.index_cast %swap3A_525 : i32 to index
          %swap3A_527 = arith.index_cast %add3A_524 : i32 to index
          %swap3A_528 = tpu.vector_load %arg19[%swap3A_526, %swap3A_527] {strides = array<i32>} : memref<8x512xf32, #tpu.memory_space<vmem>>, vector<16xf32>,
          tpu.vector_store %arg19[%swap3A_526, %swap3A_527], %scan3A_401#20 {strides = array<i32>} : memref<8x512xf32, #tpu.memory_space<vmem>>, vector<16xf32>,
          %add3A_529 = arith.constant 16 : i32
          %add3A_530 = arith.addi %mul3A_94, %add3A_529 : i32
          %swap3A_531 = arith.constant 5 : i32
          %swap3A_532 = arith.index_cast %swap3A_531 : i32 to index
          %swap3A_533 = arith.index_cast %add3A_530 : i32 to index
          %swap3A_534 = tpu.vector_load %arg19[%swap3A_532, %swap3A_533] {strides = array<i32>} : memref<8x512xf32, #tpu.memory_space<vmem>>, vector<16xf32>,
          tpu.vector_store %arg19[%swap3A_532, %swap3A_533], %scan3A_401#21 {strides = array<i32>} : memref<8x512xf32, #tpu.memory_space<vmem>>, vector<16xf32>,
          %add3A_535 = arith.constant 32 : i32
          %add3A_536 = arith.addi %mul3A_94, %add3A_535 : i32
          %swap3A_537 = arith.constant 5 : i32
          %swap3A_538 = arith.index_cast %swap3A_537 : i32 to index
          %swap3A_539 = arith.index_cast %add3A_536 : i32 to index
          %swap3A_540 = tpu.vector_load %arg19[%swap3A_538, %swap3A_539] {strides = array<i32>} : memref<8x512xf32, #tpu.memory_space<vmem>>, vector<16xf32>,
          tpu.vector_store %arg19[%swap3A_538, %swap3A_539], %scan3A_401#22 {strides = array<i32>} : memref<8x512xf32, #tpu.memory_space<vmem>>, vector<16xf32>,
          %add3A_541 = arith.constant 48 : i32
          %add3A_542 = arith.addi %mul3A_94, %add3A_541 : i32
          %swap3A_543 = arith.constant 5 : i32
          %swap3A_544 = arith.index_cast %swap3A_543 : i32 to index
          %swap3A_545 = arith.index_cast %add3A_542 : i32 to index
          %swap3A_546 = tpu.vector_load %arg19[%swap3A_544, %swap3A_545] {strides = array<i32>} : memref<8x512xf32, #tpu.memory_space<vmem>>, vector<16xf32>,
          tpu.vector_store %arg19[%swap3A_544, %swap3A_545], %scan3A_401#23 {strides = array<i32>} : memref<8x512xf32, #tpu.memory_space<vmem>>, vector<16xf32>,
          %add3A_547 = arith.constant 0 : i32
          %add3A_548 = arith.addi %mul3A_94, %add3A_547 : i32
          %swap3A_549 = arith.constant 6 : i32
          %swap3A_550 = arith.index_cast %swap3A_549 : i32 to index
          %swap3A_551 = arith.index_cast %add3A_548 : i32 to index
          %swap3A_552 = tpu.vector_load %arg19[%swap3A_550, %swap3A_551] {strides = array<i32>} : memref<8x512xf32, #tpu.memory_space<vmem>>, vector<16xf32>,
          tpu.vector_store %arg19[%swap3A_550, %swap3A_551], %scan3A_401#24 {strides = array<i32>} : memref<8x512xf32, #tpu.memory_space<vmem>>, vector<16xf32>,
          %add3A_553 = arith.constant 16 : i32
          %add3A_554 = arith.addi %mul3A_94, %add3A_553 : i32
          %swap3A_555 = arith.constant 6 : i32
          %swap3A_556 = arith.index_cast %swap3A_555 : i32 to index
          %swap3A_557 = arith.index_cast %add3A_554 : i32 to index
          %swap3A_558 = tpu.vector_load %arg19[%swap3A_556, %swap3A_557] {strides = array<i32>} : memref<8x512xf32, #tpu.memory_space<vmem>>, vector<16xf32>,
          tpu.vector_store %arg19[%swap3A_556, %swap3A_557], %scan3A_401#25 {strides = array<i32>} : memref<8x512xf32, #tpu.memory_space<vmem>>, vector<16xf32>,
          %add3A_559 = arith.constant 32 : i32
          %add3A_560 = arith.addi %mul3A_94, %add3A_559 : i32
          %swap3A_561 = arith.constant 6 : i32
          %swap3A_562 = arith.index_cast %swap3A_561 : i32 to index
          %swap3A_563 = arith.index_cast %add3A_560 : i32 to index
          %swap3A_564 = tpu.vector_load %arg19[%swap3A_562, %swap3A_563] {strides = array<i32>} : memref<8x512xf32, #tpu.memory_space<vmem>>, vector<16xf32>,
          tpu.vector_store %arg19[%swap3A_562, %swap3A_563], %scan3A_401#26 {strides = array<i32>} : memref<8x512xf32, #tpu.memory_space<vmem>>, vector<16xf32>,
          %add3A_565 = arith.constant 48 : i32
          %add3A_566 = arith.addi %mul3A_94, %add3A_565 : i32
          %swap3A_567 = arith.constant 6 : i32
          %swap3A_568 = arith.index_cast %swap3A_567 : i32 to index
          %swap3A_569 = arith.index_cast %add3A_566 : i32 to index
          %swap3A_570 = tpu.vector_load %arg19[%swap3A_568, %swap3A_569] {strides = array<i32>} : memref<8x512xf32, #tpu.memory_space<vmem>>, vector<16xf32>,
          tpu.vector_store %arg19[%swap3A_568, %swap3A_569], %scan3A_401#27 {strides = array<i32>} : memref<8x512xf32, #tpu.memory_space<vmem>>, vector<16xf32>,
          %add3A_571 = arith.constant 0 : i32
          %add3A_572 = arith.addi %mul3A_94, %add3A_571 : i32
          %swap3A_573 = arith.constant 7 : i32
          %swap3A_574 = arith.index_cast %swap3A_573 : i32 to index
          %swap3A_575 = arith.index_cast %add3A_572 : i32 to index
          %swap3A_576 = tpu.vector_load %arg19[%swap3A_574, %swap3A_575] {strides = array<i32>} : memref<8x512xf32, #tpu.memory_space<vmem>>, vector<16xf32>,
          tpu.vector_store %arg19[%swap3A_574, %swap3A_575], %scan3A_401#28 {strides = array<i32>} : memref<8x512xf32, #tpu.memory_space<vmem>>, vector<16xf32>,
          %add3A_577 = arith.constant 16 : i32
          %add3A_578 = arith.addi %mul3A_94, %add3A_577 : i32
          %swap3A_579 = arith.constant 7 : i32
          %swap3A_580 = arith.index_cast %swap3A_579 : i32 to index
          %swap3A_581 = arith.index_cast %add3A_578 : i32 to index
          %swap3A_582 = tpu.vector_load %arg19[%swap3A_580, %swap3A_581] {strides = array<i32>} : memref<8x512xf32, #tpu.memory_space<vmem>>, vector<16xf32>,
          tpu.vector_store %arg19[%swap3A_580, %swap3A_581], %scan3A_401#29 {strides = array<i32>} : memref<8x512xf32, #tpu.memory_space<vmem>>, vector<16xf32>,
          %add3A_583 = arith.constant 32 : i32
          %add3A_584 = arith.addi %mul3A_94, %add3A_583 : i32
          %swap3A_585 = arith.constant 7 : i32
          %swap3A_586 = arith.index_cast %swap3A_585 : i32 to index
          %swap3A_587 = arith.index_cast %add3A_584 : i32 to index
          %swap3A_588 = tpu.vector_load %arg19[%swap3A_586, %swap3A_587] {strides = array<i32>} : memref<8x512xf32, #tpu.memory_space<vmem>>, vector<16xf32>,
          tpu.vector_store %arg19[%swap3A_586, %swap3A_587], %scan3A_401#30 {strides = array<i32>} : memref<8x512xf32, #tpu.memory_space<vmem>>, vector<16xf32>,
          %add3A_589 = arith.constant 48 : i32
          %add3A_590 = arith.addi %mul3A_94, %add3A_589 : i32
          %swap3A_591 = arith.constant 7 : i32
          %swap3A_592 = arith.index_cast %swap3A_591 : i32 to index
          %swap3A_593 = arith.index_cast %add3A_590 : i32 to index
          %swap3A_594 = tpu.vector_load %arg19[%swap3A_592, %swap3A_593] {strides = array<i32>} : memref<8x512xf32, #tpu.memory_space<vmem>>, vector<16xf32>,
          tpu.vector_store %arg19[%swap3A_592, %swap3A_593], %scan3A_401#31 {strides = array<i32>} : memref<8x512xf32, #tpu.memory_space<vmem>>, vector<16xf32>,
        }
        %scan3A_88 = arith.constant 8 : i32
        "tpu.region"() ({
          %run_scoped3A = tpu.sem_alloc : memref<!tpu.dma_semaphore, #tpu.memory_space<semaphore_mem>>
          %dma_start3A_92 = arith.constant 0 : i32
          %dma_start3A_93 = tpu.memref_slice %arg9[%add3A_51, %dma_start3A_92] : memref<391x8xi32, #tpu.memory_space<hbm>> -> memref<1x8xi32, #tpu.memory_space<hbm>>
          %dma_start3A_94 = tpu.memref_squeeze %dma_start3A_93 : memref<1x8xi32, #tpu.memory_space<hbm>> -> memref<8xi32, #tpu.memory_space<hbm>>
          %dma_start3A_95 = arith.constant 0 : i32
          %dma_start3A_96 = tpu.memref_slice %arg9[%add3A_51, %dma_start3A_95] : memref<391x8xi32, #tpu.memory_space<hbm>> -> memref<1x8xi32, #tpu.memory_space<hbm>>
          %dma_start3A_97 = tpu.memref_squeeze %dma_start3A_96 : memref<1x8xi32, #tpu.memory_space<hbm>> -> memref<8xi32, #tpu.memory_space<hbm>>
          tpu.enqueue_dma source(%dma_start3A_97 : memref<8xi32, #tpu.memory_space<hbm>>) target(%arg27 : memref<8xi32, #tpu.memory_space<vmem>>) target_semaphore(%run_scoped3A : memref<!tpu.dma_semaphore, #tpu.memory_space<semaphore_mem>>)
          %dma_wait3A_98 = arith.constant 0 : i32
          %dma_wait3A_99 = tpu.memref_slice %arg9[%add3A_51, %dma_wait3A_98] : memref<391x8xi32, #tpu.memory_space<hbm>> -> memref<1x8xi32, #tpu.memory_space<hbm>>
          %dma_wait3A_100 = tpu.memref_squeeze %dma_wait3A_99 : memref<1x8xi32, #tpu.memory_space<hbm>> -> memref<8xi32, #tpu.memory_space<hbm>>
          %dma_wait3A_101 = arith.constant 0 : i32
          %dma_wait3A_102 = tpu.memref_slice %arg9[%add3A_51, %dma_wait3A_101] : memref<391x8xi32, #tpu.memory_space<hbm>> -> memref<1x8xi32, #tpu.memory_space<hbm>>
          %dma_wait3A_103 = tpu.memref_squeeze %dma_wait3A_102 : memref<1x8xi32, #tpu.memory_space<hbm>> -> memref<8xi32, #tpu.memory_space<hbm>>
          tpu.wait_dma2 semaphore(%run_scoped3A : memref<!tpu.dma_semaphore, #tpu.memory_space<semaphore_mem>>) src(%dma_wait3A_103 : memref<8xi32, #tpu.memory_space<hbm>>) dst(%arg27 : memref<8xi32, #tpu.memory_space<vmem>>)
          tpu.yield
        }) : () -> ()
        %dma_start3A_89 = arith.constant 0 : i32
        %dma_start3A_90 = arith.constant 0 : i32
        %dma_start3A_91 = tpu.memref_slice %arg11[%dma_start3A_89, %dma_start3A_90] : memref<2048x512xf32, #tpu.memory_space<hbm>> -> memref<2048x512xf32, #tpu.memory_space<hbm>>
        tpu.enqueue_indirect_dma source(%arg19 : memref<8x512xf32, #tpu.memory_space<vmem>>) target(%dma_start3A_91 : memref<2048x512xf32, #tpu.memory_space<hbm>>) offsets(%arg27 : memref<8xi32, #tpu.memory_space<vmem>>) semaphore(%arg31 : memref<!tpu.dma_semaphore, #tpu.memory_space<semaphore_mem>>)
      } else {
      }
    }
    %scan3A_42 = arith.constant 13 : i32
    %dma_wait3A = arith.constant 0 : i32
    %dma_wait3A_43 = arith.constant 0 : i32
    %dma_wait3A_44 = tpu.memref_slice %arg10[%dma_wait3A, %dma_wait3A_43] : memref<2048x512xf32, #tpu.memory_space<hbm>> -> memref<2048x512xf32, #tpu.memory_space<hbm>>
    tpu.wait_indirect_dma semaphore(%arg30 : memref<!tpu.dma_semaphore, #tpu.memory_space<semaphore_mem>>) src(%arg18 : memref<8x512xf32, #tpu.memory_space<vmem>>) dst(%dma_wait3A_44 : memref<2048x512xf32, #tpu.memory_space<hbm>>)
    %dma_wait3A_45 = arith.constant 0 : i32
    %dma_wait3A_46 = arith.constant 0 : i32
    %dma_wait3A_47 = tpu.memref_slice %arg11[%dma_wait3A_45, %dma_wait3A_46] : memref<2048x512xf32, #tpu.memory_space<hbm>> -> memref<2048x512xf32, #tpu.memory_space<hbm>>
    tpu.wait_indirect_dma semaphore(%arg31 : memref<!tpu.dma_semaphore, #tpu.memory_space<semaphore_mem>>) src(%arg19 : memref<8x512xf32, #tpu.memory_space<vmem>>) dst(%dma_wait3A_47 : memref<2048x512xf32, #tpu.memory_space<hbm>>)
    return
  }
}

module attributes {stable_mosaic.version = 14 : i64} {
  func.func @_qkv_body(%arg0: i32, %arg1: i32, %arg2: i32, %arg3: memref<256x1024xf32, #tpu.memory_space<vmem>>, %arg4: memref<1024x256xf32, #tpu.memory_space<vmem>>, %arg5: memref<3x1024xf32, #tpu.memory_space<vmem>>, %arg6: memref<1x256x256xf32, #tpu.memory_space<vmem>>) attributes {dimension_semantics = [#tpu.dimension_semantics<arbitrary>, #tpu.dimension_semantics<arbitrary>, #tpu.dimension_semantics<arbitrary>], iteration_bounds = array<i64: 3, 8, 4>, scalar_prefetch = 0 : i64, scratch_operands = 0 : i64, tpu.core_type = #tpu.core_type<tc>, window_params = [{transform_indices = @transform_0, window_bounds = array<i64: 256, 1024>}, {transform_indices = @transform_1, window_bounds = array<i64: 1024, 256>}, {pipeline_mode = #tpu.pipeline_mode<synchronous>, transform_indices = @transform_2, window_bounds = array<i64: 3, 1024>}, {transform_indices = @transform_3, window_bounds = array<i64: 1, 256, 256>}]} {
    %get3A = arith.constant 0 : index
    %get3A_0 = arith.constant 0 : index
    %get3A_1 = vector.load %arg3[%get3A, %get3A_0] : memref<256x1024xf32, #tpu.memory_space<vmem>>, vector<256x1024xf32>
    %get3A_2 = arith.constant 0 : index
    %get3A_3 = arith.constant 0 : index
    %get3A_4 = vector.load %arg4[%get3A_2, %get3A_3] : memref<1024x256xf32, #tpu.memory_space<vmem>>, vector<1024x256xf32>
    %dot_general3A = arith.constant dense<0.000000e+00> : vector<256x256xf32>
    %dot_general3A_5 = tpu.matmul %get3A_1, %get3A_4, %dot_general3A {dimension_numbers = #tpu.dot_dimension_numbers<[1], [0], [0], [1], [0, 0, 1, 1], [], []>, transpose_lhs_hint = false} : vector<256x1024xf32>, vector<1024x256xf32>, vector<256x256xf32> -> vector<256x256xf32>
    %mul3A = arith.constant 256 : i32
    %mul3A_6 = arith.muli %arg2, %mul3A : i32
    %get3A_7 = arith.index_cast %arg0 : i32 to index
    %get3A_8 = arith.index_cast %mul3A_6 : i32 to index
    %get3A_9 = vector.load %arg5[%get3A_7, %get3A_8] : memref<3x1024xf32, #tpu.memory_space<vmem>>, vector<1x256xf32>
    %get3A_10 = vector.shape_cast %get3A_9 : vector<1x256xf32> to vector<256xf32>
    %broadcast_in_dim3A = vector.shape_cast %get3A_10 : vector<256xf32> to vector<1x256xf32>
    %add3A = vector.broadcast %broadcast_in_dim3A : vector<1x256xf32> to vector<256x256xf32>
    %add3A_11 = arith.addf %dot_general3A_5, %add3A : vector<256x256xf32>
    %eq3A = arith.constant 0 : i32
    %eq3A_12 = arith.cmpi eq, %arg0, %eq3A : i32
    %jit3A = arith.constant 1.250000e-01 : f32
    %jit3A_13 = arith.constant 1.000000e+00 : f32
    %select_n3A = arith.select %eq3A_12, %jit3A, %jit3A_13 : f32
    %mul3A_14 = vector.broadcast %select_n3A : f32 to vector<256x256xf32>
    %mul3A_15 = arith.mulf %add3A_11, %mul3A_14 : vector<256x256xf32>
    %broadcast_in_dim3A_16 = vector.shape_cast %mul3A_15 : vector<256x256xf32> to vector<1x256x256xf32>
    %swap3A = arith.constant 0 : index
    %swap3A_17 = arith.constant 0 : index
    %swap3A_18 = arith.constant 0 : index
    %swap3A_19 = vector.load %arg6[%swap3A, %swap3A_17, %swap3A_18] : memref<1x256x256xf32, #tpu.memory_space<vmem>>, vector<1x256x256xf32>
    tpu.vector_store %arg6[%swap3A, %swap3A_17, %swap3A_18], %broadcast_in_dim3A_16 {strides = array<i32>} : memref<1x256x256xf32, #tpu.memory_space<vmem>>, vector<1x256x256xf32>,
    return
  }
  func.func @transform_0(%arg0: i32, %arg1: i32, %arg2: i32) -> (i32, i32) {
    %c0_i32 = arith.constant 0 : i32
    %c0_i32_0 = arith.constant 0 : i32
    return %arg1, %c0_i32 : i32, i32
  }
  func.func @transform_1(%arg0: i32, %arg1: i32, %arg2: i32) -> (i32, i32) {
    %mul3A = arith.constant 4 : i32
    %mul3A_0 = arith.muli %arg0, %mul3A : i32
    %add3A = arith.addi %mul3A_0, %arg2 : i32
    %c0_i32 = arith.constant 0 : i32
    %c0_i32_1 = arith.constant 0 : i32
    return %c0_i32, %add3A : i32, i32
  }
  func.func @transform_2(%arg0: i32, %arg1: i32, %arg2: i32) -> (i32, i32) {
    %c0_i32 = arith.constant 0 : i32
    %c0_i32_0 = arith.constant 0 : i32
    %c0_i32_1 = arith.constant 0 : i32
    return %c0_i32, %c0_i32_0 : i32, i32
  }
  func.func @transform_3(%arg0: i32, %arg1: i32, %arg2: i32) -> (i32, i32, i32) {
    %mul3A = arith.constant 2 : i32
    %mul3A_0 = arith.muli %arg0, %mul3A : i32
    %jit3A = arith.constant 2 : i32
    %div3A = arith.divsi %arg2, %jit3A : i32
    %sign3A = arith.constant 0 : i32
    %sign3A_1 = arith.cmpi sgt, %arg2, %sign3A : i32
    %sign3A_2 = arith.extui %sign3A_1 : i1 to i32
    %sign3A_3 = arith.constant 0 : i32
    %sign3A_4 = arith.cmpi slt, %arg2, %sign3A_3 : i32
    %sign3A_5 = arith.extui %sign3A_4 : i1 to i32
    %sign3A_6 = arith.subi %sign3A_2, %sign3A_5 : i32
    %sign3A_7 = arith.constant 0 : i32
    %sign3A_8 = arith.cmpi sgt, %jit3A, %sign3A_7 : i32
    %sign3A_9 = arith.extui %sign3A_8 : i1 to i32
    %sign3A_10 = arith.constant 0 : i32
    %sign3A_11 = arith.cmpi slt, %jit3A, %sign3A_10 : i32
    %sign3A_12 = arith.extui %sign3A_11 : i1 to i32
    %sign3A_13 = arith.subi %sign3A_9, %sign3A_12 : i32
    %ne3A = arith.cmpi ne, %sign3A_6, %sign3A_13 : i32
    %rem3A = arith.remsi %arg2, %jit3A : i32
    %ne3A_14 = arith.constant 0 : i32
    %ne3A_15 = arith.cmpi ne, %rem3A, %ne3A_14 : i32
    %and3A = arith.andi %ne3A, %ne3A_15 : i1
    %sub3A = arith.constant 1 : i32
    %sub3A_16 = arith.subi %div3A, %sub3A : i32
    %select_n3A = arith.select %and3A, %sub3A_16, %div3A : i32
    %add3A = arith.addi %mul3A_0, %select_n3A : i32
    %jit3A_17 = arith.constant 2 : i32
    %eq3A = arith.constant 0 : i32
    %eq3A_18 = arith.cmpi eq, %jit3A_17, %eq3A : i32
    %jit3A_19 = arith.constant 1 : i32
    %select_n3A_20 = arith.select %eq3A_18, %jit3A_19, %jit3A_17 : i32
    %rem3A_21 = arith.remsi %arg2, %select_n3A_20 : i32
    %ne3A_22 = arith.constant 0 : i32
    %ne3A_23 = arith.cmpi ne, %rem3A_21, %ne3A_22 : i32
    %lt3A = arith.constant 0 : i32
    %lt3A_24 = arith.cmpi slt, %rem3A_21, %lt3A : i32
    %lt3A_25 = arith.constant 0 : i32
    %lt3A_26 = arith.cmpi slt, %select_n3A_20, %lt3A_25 : i32
    %ne3A_27 = arith.xori %lt3A_24, %lt3A_26 : i1
    %and3A_28 = arith.andi %ne3A_27, %ne3A_23 : i1
    %add3A_29 = arith.addi %rem3A_21, %select_n3A_20 : i32
    %select_n3A_30 = arith.select %and3A_28, %add3A_29, %rem3A_21 : i32
    %c0_i32 = arith.constant 0 : i32
    return %add3A, %arg1, %select_n3A_30 : i32, i32, i32
  }
}

module attributes {stable_mosaic.version = 14 : i64} {
  func.func @_proj_body(%arg0: i32, %arg1: i32, %arg2: memref<256x512xf32, #tpu.memory_space<vmem>>, %arg3: memref<256x512xf32, #tpu.memory_space<vmem>>, %arg4: memref<1024x256xf32, #tpu.memory_space<vmem>>, %arg5: memref<1x256xf32, #tpu.memory_space<vmem>>, %arg6: memref<256x256xf32, #tpu.memory_space<vmem>>) attributes {dimension_semantics = [#tpu.dimension_semantics<arbitrary>, #tpu.dimension_semantics<arbitrary>], iteration_bounds = array<i64: 8, 4>, scalar_prefetch = 0 : i64, scratch_operands = 0 : i64, tpu.core_type = #tpu.core_type<tc>, window_params = [{transform_indices = @transform_0, window_bounds = array<i64: 256, 512>}, {transform_indices = @transform_1, window_bounds = array<i64: 256, 512>}, {transform_indices = @transform_2, window_bounds = array<i64: 1024, 256>}, {transform_indices = @transform_3, window_bounds = array<i64: 1, 256>}, {transform_indices = @transform_4, window_bounds = array<i64: 256, 256>}]} {
    %get3A = arith.constant 0 : index
    %get3A_0 = arith.constant 0 : index
    %get3A_1 = vector.load %arg2[%get3A, %get3A_0] : memref<256x512xf32, #tpu.memory_space<vmem>>, vector<256x512xf32>
    %get3A_2 = arith.constant 0 : index
    %get3A_3 = arith.constant 0 : index
    %get3A_4 = vector.load %arg4[%get3A_2, %get3A_3] : memref<1024x256xf32, #tpu.memory_space<vmem>>, vector<512x256xf32>
    %dot_general3A = arith.constant dense<0.000000e+00> : vector<256x256xf32>
    %dot_general3A_5 = tpu.matmul %get3A_1, %get3A_4, %dot_general3A {dimension_numbers = #tpu.dot_dimension_numbers<[1], [0], [0], [1], [0, 0, 1, 1], [], []>, transpose_lhs_hint = false} : vector<256x512xf32>, vector<512x256xf32>, vector<256x256xf32> -> vector<256x256xf32>
    %get3A_6 = arith.constant 0 : index
    %get3A_7 = arith.constant 0 : index
    %get3A_8 = vector.load %arg3[%get3A_6, %get3A_7] : memref<256x512xf32, #tpu.memory_space<vmem>>, vector<256x512xf32>
    %get3A_9 = arith.constant 512 : index
    %get3A_10 = arith.constant 0 : index
    %get3A_11 = vector.load %arg4[%get3A_9, %get3A_10] : memref<1024x256xf32, #tpu.memory_space<vmem>>, vector<512x256xf32>
    %dot_general3A_12 = arith.constant dense<0.000000e+00> : vector<256x256xf32>
    %dot_general3A_13 = tpu.matmul %get3A_8, %get3A_11, %dot_general3A_12 {dimension_numbers = #tpu.dot_dimension_numbers<[1], [0], [0], [1], [0, 0, 1, 1], [], []>, transpose_lhs_hint = false} : vector<256x512xf32>, vector<512x256xf32>, vector<256x256xf32> -> vector<256x256xf32>
    %add3A = arith.addf %dot_general3A_5, %dot_general3A_13 : vector<256x256xf32>
    %get3A_14 = arith.constant 0 : index
    %get3A_15 = arith.constant 0 : index
    %get3A_16 = vector.load %arg5[%get3A_14, %get3A_15] : memref<1x256xf32, #tpu.memory_space<vmem>>, vector<1x256xf32>
    %add3A_17 = vector.broadcast %get3A_16 : vector<1x256xf32> to vector<256x256xf32>
    %add3A_18 = arith.addf %add3A, %add3A_17 : vector<256x256xf32>
    %swap3A = arith.constant 0 : index
    %swap3A_19 = arith.constant 0 : index
    %swap3A_20 = vector.load %arg6[%swap3A, %swap3A_19] : memref<256x256xf32, #tpu.memory_space<vmem>>, vector<256x256xf32>
    tpu.vector_store %arg6[%swap3A, %swap3A_19], %add3A_18 {strides = array<i32>} : memref<256x256xf32, #tpu.memory_space<vmem>>, vector<256x256xf32>,
    return
  }
  func.func @transform_0(%arg0: i32, %arg1: i32) -> (i32, i32) {
    %c0_i32 = arith.constant 0 : i32
    %c0_i32_0 = arith.constant 0 : i32
    return %arg0, %c0_i32 : i32, i32
  }
  func.func @transform_1(%arg0: i32, %arg1: i32) -> (i32, i32) {
    %c0_i32 = arith.constant 0 : i32
    %c0_i32_0 = arith.constant 0 : i32
    return %arg0, %c0_i32 : i32, i32
  }
  func.func @transform_2(%arg0: i32, %arg1: i32) -> (i32, i32) {
    %c0_i32 = arith.constant 0 : i32
    %c0_i32_0 = arith.constant 0 : i32
    return %c0_i32, %arg1 : i32, i32
  }
  func.func @transform_3(%arg0: i32, %arg1: i32) -> (i32, i32) {
    %c0_i32 = arith.constant 0 : i32
    %c0_i32_0 = arith.constant 0 : i32
    return %c0_i32, %arg1 : i32, i32
  }
  func.func @transform_4(%arg0: i32, %arg1: i32) -> (i32, i32) {
    %c0_i32 = arith.constant 0 : i32
    return %arg0, %arg1 : i32, i32
  }
}

</mosaic_0001>

<sc_bundles>
// kernel: kernel.5.cloned.1.call-start
scs
__scs_entry_jumppad:
0x0: {  	(pc) =	sbr.rel $0x88, $3  }
0x1: {  	(tag) =	ssettag $0x0;
	lr =	simm.s32 $0x1  }
0x2: {  	[smem:$0x3F9C] =	sst lr;
	_ =	strace $0xD0000000  }
0x3: {  	_ = 	snop  }
0x4: {  	_ = 	snop  }
0x5: {  	_ = 	snop  }
0x6: {  	_ = 	snop  }
0x7: {  	_ = 	snop  }
__scs_overlays_trampoline_lowered:
0x8: {  	[smem:$0x3FAB] =	sst s0  }
0x9: {  	[smem:$0x3FAC] =	sst s1  }
0xa: {  	[smem:$0x3FAD] =	sst s2  }
0xb: {  	[smem:$0x3FAE] =	sst s3  }
0xc: {  	[smem:$0x3FAF] =	sst s4  }
0xd: {  	[smem:$0x3FB0] =	sst s5  }
0xe: {  	[smem:$0x3FB1] =	sst s6  }
0xf: {  	[smem:$0x3FB2] =	sst s7  }
0x10: {  	[smem:$0x3FB3] =	sst s8  }
0x11: {  	[smem:$0x3FB4] =	sst s9;
	s0 =	simm.s32 @!p0 $0x0  }
0x12: {  	s1 =	sld [smem:$0x3F9A];
	s0 =	simm.s32 @p0 $0x1  }
0x13: {  	[smem:$0x3FB5] =	sst s0;
	s0 =	simm.s32 @!p1 $0x0  }
0x14: {  	s2 =	sld [smem:$0x3F99];
	s0 =	simm.s32 @p1 $0x1  }
0x15: {  	[smem:$0x3FB6] =	sst s0;
	s0 =	simm.s32 @!p2 $0x0  }
0x16: {  	s3 =	sld [smem:$0x3FDB];
	s0 =	simm.s32 @p2 $0x1  }
0x17: {  	s4 =	simm.s32 $0x1BF5;
	[smem:$0x3FB8] =	sst s0  }
0x18: {  	s0 =	sld [smem:$0x3F9B];
	_ =	swait.ge [sflag:s4], $0x0  }
0x19: {  	s7 =	sld [smem:$0x3F9C]  }
0x1a: {  	s8 =	sadd.s32 $0xFFFFE003, lr  }
0x1b: {  	s9 =	sadd.s32 $0xFFFFFEF7, lr;
	s5 =	simm.s32 $0xFFFFFFFF;
	p2 =	slt.u32 s8, $0xFFFFF086  }
0x1c: {  	p1 =	slt.u32 s9, $0xF7A;
	s5 =	simm.s32 @!p2 $0x0  }
0x1d: {  	s5 =	simm.s32 @p1 $0x1;
	p0 =	seq.s32 s7, s2  }
0x1e: {  	s7 =	smul.u32 @!p0 $0xF7A, s2;
	p2 =	seq.s32 @!p0 s5, $0x0  }
0x1f: {  	s9 =	smul.u32 $0xF7A, s1;
	s8 =	simm.s32 @!p0 $0x1BF5;
	p2 =	por !p2, p0  }
0x20: {  	[sflag:s8] =	ssyncset.s32 @!p0 $0xFFFFF086;
	s6 =	sadd.s32 @!p0 s3, s7;
	s7 =	simm.s32 @!p0 $0x108  }
0x21: {  	s3 =	sadd.s32 s3, s9;
	s6 =	sadd.s32 @!p0 $0x88, s6;
	s7 =	simm.s32 @p2 $0x1082  }
0x22: {  	[simem:s7], [sflag:s8] =	dma.local @!p0 [hbm:s6], $0xF7A  }
0x23: {  	s9 =	sor.u32 $0xD0000000, s2;
	s6 =	simm.s32 $0x108;
	_ =	swait.ge @!p0 [sflag:s8], $0x0  }
0x24: {  	s3 =	sadd.s32 $0x88, s3;
	s6 =	simm.s32 @!p1 $0x1082;
	[sflag:s4] =	ssyncset.s32 $0xFFFFF086  }
0x25: {  	[simem:s6], [sflag:s4] =	dma.local [hbm:s3], $0xF7A  }
0x26: {  	[smem:$0x3F9C] =	sst s1;
	(tag) =	ssettag s2;
	_ =	strace s9  }
0x27: {  	s1 =	sld [smem:$0x3FAC]  }
0x28: {  	s2 =	sld [smem:$0x3FAD]  }
0x29: {  	s4 =	sld [smem:$0x3FAF]  }
0x2a: {  	p0 =	seq.s32 s5, $0x0;
	s5 =	sld [smem:$0x3FB0]  }
0x2b: {  	s6 =	sld [smem:$0x3FB1]  }
0x2c: {  	s7 =	sld [smem:$0x3FB2]  }
0x2d: {  	s3 =	simm.s32 $0x108;
	s8 =	sld [smem:$0x3FB3]  }
0x2e: {  	s3 =	simm.s32 @!p0 $0x1082;
	s9 =	sld [smem:$0x3FB4]  }
0x2f: {  	lr =	sadd.s32 s0, s3;
	s0 =	sld [smem:$0x3FAB]  }
0x30: {  	s3 =	sld [smem:$0x3FAE]  }
0x31: {  	[smem:$0x3FB7] =	sst s10  }
0x32: {  	s10 =	sld [smem:$0x3FB5];
	_ =	sdelay $0x3  }
0x33: {  	p0 =	seq.s32 s10, $0x1;
	s10 =	sld [smem:$0x3FB7];
	_ =	sdelay $0x3  }
0x34: {  	[smem:$0x3FB7] =	sst s10  }
0x35: {  	s10 =	sld [smem:$0x3FB6];
	_ =	sdelay $0x3  }
0x36: {  	p1 =	seq.s32 s10, $0x1;
	s10 =	sld [smem:$0x3FB7];
	_ =	sdelay $0x3  }
0x37: {  	[smem:$0x3FB7] =	sst s10  }
0x38: {  	s10 =	sld [smem:$0x3FB8]  }
0x39: {  	_ = 	snop;
	(pc) =	sbr.ind lr, $3  }
0x3a: {  	_ = 	snop  }
0x3b: {  	_ = 	snop  }
0x3c: {  	p2 =	seq.s32 s10, $0x1;
	s10 =	sld [smem:$0x3FB7]  }
0x3d: {  	_ =	shalt  }
0x3e: {  	_ =	shalt  }
0x3f: {  	_ =	shalt  }
0x40: {  	_ =	shalt  }
0x41: {  	_ =	shalt  }
0x42: {  	_ =	shalt  }
0x43: {  	_ =	shalt  }
0x44: {  	_ =	shalt  }
0x45: {  	_ =	shalt  }
0x46: {  	_ =	shalt  }
0x47: {  	_ =	shalt  }
0x48: {  	_ =	shalt  }
0x49: {  	_ =	shalt  }
0x4a: {  	_ =	shalt  }
0x4b: {  	_ =	shalt  }
0x4c: {  	_ =	shalt  }
0x4d: {  	_ =	shalt  }
0x4e: {  	_ =	shalt  }
0x4f: {  	_ =	shalt  }
0x50: {  	_ =	shalt  }
0x51: {  	_ =	shalt  }
0x52: {  	_ =	shalt  }
0x53: {  	_ =	shalt  }
0x54: {  	_ =	shalt  }
0x55: {  	_ =	shalt  }
0x56: {  	_ =	shalt  }
0x57: {  	_ =	shalt  }
0x58: {  	_ =	shalt  }
0x59: {  	_ =	shalt  }
0x5a: {  	_ =	shalt  }
0x5b: {  	_ =	shalt  }
0x5c: {  	_ =	shalt  }
0x5d: {  	_ =	shalt  }
0x5e: {  	_ =	shalt  }
0x5f: {  	_ =	shalt  }
0x60: {  	_ =	shalt  }
0x61: {  	_ =	shalt  }
0x62: {  	_ =	shalt  }
0x63: {  	_ =	shalt  }
0x64: {  	_ =	shalt  }
0x65: {  	_ =	shalt  }
0x66: {  	_ =	shalt  }
0x67: {  	_ =	shalt  }
0x68: {  	_ =	shalt  }
0x69: {  	_ =	shalt  }
0x6a: {  	_ =	shalt  }
0x6b: {  	_ =	shalt  }
0x6c: {  	_ =	shalt  }
0x6d: {  	_ =	shalt  }
0x6e: {  	_ =	shalt  }
0x6f: {  	_ =	shalt  }
0x70: {  	_ =	shalt  }
0x71: {  	_ =	shalt  }
0x72: {  	_ =	shalt  }
0x73: {  	_ =	shalt  }
0x74: {  	_ =	shalt  }
0x75: {  	_ =	shalt  }
0x76: {  	_ =	shalt  }
0x77: {  	_ =	shalt  }
0x78: {  	_ =	shalt  }
0x79: {  	_ =	shalt  }
0x7a: {  	_ =	shalt  }
0x7b: {  	_ =	shalt  }
0x7c: {  	_ =	shalt  }
0x7d: {  	_ =	shalt  }
0x7e: {  	_ =	shalt  }
0x7f: {  	_ =	shalt  }
0x80: {  	_ =	shalt  }
0x81: {  	_ =	shalt  }
0x82: {  	_ =	shalt  }
0x83: {  	_ =	shalt  }
0x84: {  	_ =	shalt  }
0x85: {  	_ =	shalt  }
0x86: {  	_ =	shalt  }
0x87: {  	_ =	shalt  }
.Lfunc_end0:
.L_simem_size_0:
called_computation_lowered:
.L_overlay_start_0:
0x88: {  	s2 =	sld [smem:$0x3FD9]  }
0x89: {  	s3 =	sld [smem:$0x3FFE];
	_ =	sdelay $0x1  }
0x8a: {  	s1 =	srdreg.scid  }
0x8b: {  	s0 =	sand.u32 $0x1, s1  }
0x8c: {  	s17 =	sshll.u32 s0, $0xA;
	s2 =	sadd.s32 s3, s2  }
0x8d: {  	s2 =	sadd.s32 s2, s17  }
0x8e: {  	[smem:$0x3FC3] =	sst s2  }
0x8f: {  	_ = 	snop  }
0x90: {  	s2 =	sld [smem:$0x3FD0];
	(tm) =	ssettm $0x1  }
0x91: {  	s18 =	sld [smem:$0x3FFB];
	_ =	sdelay $0x3  }
0x92: {  	_ =	strace s18  }
0x93: {  	s3 =	sld [smem:$0x3FFC];
	_ =	sdelay $0x3  }
0x94: {  	_ =	strace s3  }
0x95: {  	s3 =	sld [smem:$0x3FFD];
	_ =	sdelay $0x3  }
0x96: {  	_ =	strace s3  }
0x97: {  	_ =	strace $0x8FFFFFFF  }
0x98: {  	s19 =	sld [smem:$0x3FDB];
	_ =	sdelay $0x1  }
0x99: {  	s4 =	simm.s32 $_scs_section_size  }
0x9a: {  	s5 =	simm.s32 $_size__tile_overlayer_lowered;
	s6 =	simm.s32 $_tile_overlayer_lowered  }
0x9b: {  	s22 =	simm.s32 $0x1BFF;
	s21 =	sshll.u32 s6, $0x1;
	s3 =	sadd.s32 s4, s19  }
0x9c: {  	s7 =	simm.s32 $0x0;
	s20 =	sshll.u32 s5, $0x1;
	s5 =	sadd.s32 s21, s3  }
0x9d: {  	[timem:s7], [sflag:s22] =	dma.local [hbm:s5], s20  }
0x9e: {  	_ =	swait.ge [sflag:s22], s20  }
0x9f: {  	s4 =	ssub.s32 $0x0, s20;
	[sflag:s22] =	ssyncset.done $0x0  }
0xa0: {  	[sflag:s22] =	ssyncadd.s32 s4;
	_ =	sdelay $0x1  }
0xa1: {  	s23 =	simm.s32 $0x1B8B  }
0xa2: {  	_ =	swait.ge [sflag:s23], $0x1  }
0xa3: {  	[sflag:s23] =	ssyncset.done $0x0  }
0xa4: {  	s25 =	simm.s32 $0x1B8E;
	s24 =	sld [smem:$0x3FFE];
	[sflag:s23] =	ssyncadd.s32 $0xFFFFFFFF  }
0xa5: {  	s26 =	simm.s32 $execute0_lowered;
	[smem:$0x3FD2] =	sst s25  }
0xa6: {  	s5 =	sshll.u32 s26, $0x1;
	_ =	strace $0x80000046;
	[dreg:$0x1] =	wrdreg $0xFFFFFFFF  }
0xa7: {  	s28 =	simm.s32 $_size_execute0_lowered;
	s3 =	sadd.s32 s3, s5;
	[dreg:$0x0] =	wrdreg $0x0  }
0xa8: {  	s5 =	sshll.u32 s28, $0x1;
	[dreg:$0x2] =	wrdreg s3  }
0xa9: {  	[dreg:$0x3] =	wrdreg s5  }
0xaa: {  	[dreg:$0x4] =	wrdreg $0xC0  }
0xab: {  	_ =	task [dreg:s7], $0x5FFFF  }
0xac: {  	[dreg:$0x1] =	wrdreg $0xFFFFFFFF  }
0xad: {  	[dreg:$0x0] =	wrdreg $0x60  }
0xae: {  	[dreg:$0x2] =	wrdreg s2  }
0xaf: {  	[dreg:$0x3] =	wrdreg s24  }
0xb0: {  	[dreg:$0x4] =	wrdreg $0x9  }
0xb1: {  	_ =	task.clear_ibuf [dreg:s7], $0x5FFFF;
	_ =	strace $0x90000046  }
0xb2: {  	s29 =	simm.s32 $0x9;
	_ =	strace $0x80000048  }
0xb3: {  	_ =	swait.ge [sflag:s29], $0x1  }
0xb4: {  	[sflag:s29] =	ssyncadd.s32 $0xFFFFFFFF  }
0xb5: {  	_ =	strace $0x90000048  }
0xb6: {  	_ =	sfence  }
0xb7: {  	s30 =	sld [smem:$0x0];
	_ =	sdelay $0x2  }
0xb8: {  	s31 =	sshll.u32 s1, $0xD;
	s1 =	sshrl.u32 s1, $0x2  }
0xb9: {  	s3 =	sand.u32 $0x4000, s31;
	s1 =	sadd.s32 s1, s30  }
0xba: {  	s0 =	sor.u32 s3, s0;
	s1 =	sshll.u32 s1, $0x11  }
0xbb: {  	s0 =	sor.u32 s1, s0  }
0xbc: {  	s0 =	sadd.s32 $0x8F2B, s0  }
0xbd: {  	[sflag:s0] =	ssyncadd.remote.s32 $0x1  }
0xbe: {  	_ =	sfence.sel $0xFFFF  }
0xbf: {  	[dreg:$0x0] =	wrdreg $0xFFFFFFFF;
	(pc) =	sbr.abs _section_cstart, $3  }
0xc0: {  	[dreg:$0x1] =	wrdreg $0xFFFFFFFF  }
0xc1: {  	_ =	task.clear_ibuf [dreg:s7], $0x2FFFF;
	_ =	strace $0x9FFFFFFF  }
0xc2: {  	(tm) =	ssettm $0x7FFFFFFF  }
0xc3: {  	_ =	shalt  }
tec
execute0_lowered:
.L_overlay_start_1:
0x0: {  	(tag) =	ssettag $0x1  }
0x1: {  	s1 =	rddreg [dreg:$0x0]  }
0x2: {  	s0 =	rddreg [dreg:$0x1]  }
0x3: {  	s2 =	simm.s32 $0x0;
	s24 =	srdreg.scid;
	s5 =	stileid.u32  }
0x4: {  	s19 =	simm.s32 $0x5;
	s21 =	simm.s32 $0x20;
	s31 =	simm.s32 $0x11000  }
0x5: {  	s20 =	simm.s32 $0x2;
	[smem:$0x7FF] =	sst s2;
	s3 =	sadd.s32 $0x81800, s0  }
0x6: {  	s4 =	sadd.s32 $0x61800, s0;
	s22 =	sadd.s32 $0x41800, s0;
	s6 =	sadd.s32 $0x21800, s0  }
0x7: {  	s23 =	sadd.s32 $0x1800, s0;
	_ =	strace $0x80000047;
	[dreg:$0x3] =	wrdreg s3  }
0x8: {  	s9 =	sadd.s32 $0xA1800, s0;
	s10 =	sadd.s32 $0xA2000, s0;
	[dreg:$0x4] =	wrdreg s22  }
0x9: {  	s7 =	sadd.s32 $0xC2200, s0;
	s5 =	sshll.u32 s5, $0x1;
	[dreg:$0x5] =	wrdreg s23  }
0xa: {  	s0 =	sadd.s32 $0xA2200, s0;
	[dreg:$0x6] =	wrdreg s7;
	s3 =	sand.u32 $0x1, s24  }
0xb: {  	[dreg:$0x7] =	wrdreg s0;
	s23 =	simm.s32 $0x8;
	s24 =	simm.s32 $0x10000  }
0xc: {  	s7 =	simm.s32 $0x0;
	s25 =	ssub.s32 $0x2, s3;
	s13 =	sor.u32 s3, s5  }
.Ltmp0:
0xd: {  	s26 =	sshrl.u32 s25, $0x1;
	s5 =	ssub.s32 $0x1A6, s13;
	(pc) =	sbr.rel .LBB2_1-.Ltmp0, $4  }
0xe: {  	s28 =	sshll.u32 s13, $0x2;
	s30 =	sadd.s32 s10, s13;
	s0 =	ssub.s32 s25, s26  }
0xf: {  	s14 =	sshrl.u32 s5, $0x5;
	s29 =	sadd.s32 s9, s28;
	[dreg:$0x9] =	wrdreg s30  }
0x10: {  	v0 =	vlaneseq.u32;
	s25 =	simm.s32 $0x1;
	[dreg:$0x8] =	wrdreg s29;
	s0 =	smax.u32 s0, $0x1  }
0x11: {  	v0 =	vmul.u32 $0x21, v0;
	s26 =	simm.s32 $0x18320;
	[dreg:$0xa] =	wrdreg s0;
	s0 =	simm.s32 $0x14000  }
.LBB2_23:
0x12: {  	s3 =	simm.s32 $0x3  }
0x13: {  	_ =	swait.ge [sflag:s3], $0x1000  }
0x14: {  	[sflag:s3] =	ssyncset.done $0x0  }
0x15: {  	s5 =	simm.s32 $0x4;
	[sflag:s3] =	ssyncadd.s32 $0xFFFFF000  }
0x16: {  	_ =	swait.ge [sflag:s5], $0x1000  }
0x17: {  	s7 =	rddreg [dreg:$0xb]  }
0x18: {  	s30 =	rddreg [dreg:$0xa];
	s7 =	sadd.s32 $0x1, s7  }
0x19: {  	p0 =	sne.s32 s7, s30  }
.Ltmp1:
0x1a: {  	_ = 	snop;
	(pc) =	sbr.rel @!p0 .LBB2_24-.Ltmp1, $3  }
0x1b: {  	_ =	sdelay $0x1  }
0x1c: {  	[sflag:s5] =	ssyncset.done $0x0  }
0x1d: {  	[sflag:s5] =	ssyncadd.s32 $0xFFFFF000  }
.LBB2_1:
0x1e: {  	[dreg:$0xb] =	wrdreg s7  }
0x1f: {  	s3 =	rddreg [dreg:$0x8];
	s5 =	simm.s32 $0x18300  }
0x20: {  	[tilespmem:s5], [sflag:$0x5] =	stream.linear.gather [hbm4b:s3+s2], $0x20, $0x38;
	[tilespmem:$0x18360] =	vst v63  }
0x21: {  	_ =	swait.ge [sflag:s19], $0x20  }
0x22: {  	[sflag:s19] =	ssyncset.done $0x0  }
0x23: {  	s29 =	simm.s32 $0x18340;
	s28 =	rddreg [dreg:$0x9];
	[sflag:s19] =	ssyncadd.s32 $0xFFFFFFE0  }
0x24: {  	[tilespmem:s29], [sflag:$0x5] =	stream.linear.gather [hbm4b:s28+s2], $0x8, $0x38;
	[tilespmem:$0x18360] =	vst v63  }
0x25: {  	_ =	swait.ge [sflag:s19], $0x8  }
0x26: {  	[sflag:s19] =	ssyncset.done $0x0  }
0x27: {  	[sflag:s19] =	ssyncadd.s32 $0xFFFFFFF8  }
0x28: {  	[tilespmem:s2], [sflag:$0x1] =	stream.indirect.gather [hbm4b:s4+s21], $0x200, s5, s21, $0xb8;
	[tilespmem:$0x18360] =	vst v63  }
.Ltmp2:
0x29: {  	_ = 	snop;
	(pc) =	sbr.rel .LBB2_2-.Ltmp2, $4  }
0x2a: {  	s30 =	simm.s32 $0x8000  }
0x2b: {  	[tilespmem:s30], [sflag:$0x1] =	stream.indirect.gather [hbm4b:s6+s21], $0x200, s5, s21, $0xb8;
	[tilespmem:$0x18360] =	vst v63  }
0x2c: {  	s17 =	simm.s32 $0x0  }
0x2d: {  	[tilespmem:s24], [sflag:$0x1] =	stream.indirect.gather [hbm4b:s1+s23], $0x200, s29, s23, $0xb8;
	[tilespmem:$0x18360] =	vst v63  }
.LBB2_22:
0x2e: {  	p0 =	sne.s32 s29, $0xD  }
.Ltmp3:
0x2f: {  	_ = 	snop;
	(pc) =	sbr.rel @!p0 .LBB2_23-.Ltmp3, $2  }
0x30: {  	_ =	sdelay $0x2  }
0x31: {  	s17 =	smov.u32 s29  }
.LBB2_2:
0x32: {  	p0 =	sge.u32 s17, s14  }
.Ltmp4:
0x33: {  	_ = 	snop;
	(pc) =	sbr.rel @p0 .LBB2_12-.Ltmp4, $3  }
0x34: {  	_ =	sdelay $0x1  }
0x35: {  	s3 =	sshll.u32 s17, $0x5  }
0x36: {  	s18 =	sor.u32 s13, s3  }
0x37: {  	_ =	swait.ge [sflag:s25], $0x4000  }
0x38: {  	[sflag:s25] =	ssyncset.done $0x0  }
0x39: {  	[sflag:s25] =	ssyncadd.s32 $0xFFFFC000  }
0x3a: {  	_ =	swait.ge [sflag:s25], $0x4000  }
0x3b: {  	[sflag:s25] =	ssyncset.done $0x0  }
0x3c: {  	[sflag:s25] =	ssyncadd.s32 $0xFFFFC000  }
0x3d: {  	_ =	swait.ge [sflag:s25], $0x1000  }
0x3e: {  	s3 =	sshll.u32 s18, $0x2;
	[sflag:s25] =	ssyncset.done $0x0  }
0x3f: {  	s3 =	sadd.s32 s9, s3;
	[sflag:s25] =	ssyncadd.s32 $0xFFFFF000  }
0x40: {  	[tilespmem:s26], [sflag:$0x5] =	stream.linear.gather [hbm4b:s3+s2], $0x20, $0x38;
	[tilespmem:$0x18360] =	vst v63  }
0x41: {  	_ =	swait.ge [sflag:s19], $0x20  }
0x42: {  	[sflag:s19] =	ssyncset.done $0x0  }
0x43: {  	s29 =	sadd.s32 s10, s18;
	s5 =	simm.s32 $0x18348;
	[sflag:s19] =	ssyncadd.s32 $0xFFFFFFE0  }
0x44: {  	[tilespmem:s5], [sflag:$0x5] =	stream.linear.gather [hbm4b:s29+s2], $0x8, $0x38;
	[tilespmem:$0x18360] =	vst v63  }
0x45: {  	_ =	swait.ge [sflag:s19], $0x8  }
0x46: {  	[sflag:s19] =	ssyncset.done $0x0  }
0x47: {  	s7 =	simm.s32 $0x4000;
	s15 =	rddreg [dreg:$0x4];
	[sflag:s19] =	ssyncadd.s32 $0xFFFFFFF8  }
0x48: {  	[tilespmem:s7], [sflag:$0x2] =	stream.indirect.gather [hbm4b:s15+s21], $0x200, s26, s21, $0xb8;
	[tilespmem:$0x18360] =	vst v63  }
0x49: {  	s22 =	simm.s32 $0xC000;
	p1 =	seq.s32 s17, $0x0;
	s16 =	rddreg [dreg:$0x5]  }
0x4a: {  	[tilespmem:s22], [sflag:$0x2] =	stream.indirect.gather [hbm4b:s16+s21], $0x200, s26, s21, $0xb8;
	[tilespmem:$0x18360] =	vst v63  }
0x4b: {  	s3 =	simm.s32 @!p1 $0x3;
	s28 =	rddreg [dreg:$0x3]  }
0x4c: {  	[tilespmem:s31], [sflag:$0x2] =	stream.indirect.gather [hbm4b:s28+s23], $0x200, s5, s23, $0xb8;
	[tilespmem:$0x18360] =	vst v63  }
0x4d: {  	_ =	swait.ge @!p1 [sflag:s3], $0x1000  }
0x4e: {  	[sflag:s3] =	ssyncset.done @!p1 $0x0  }
0x4f: {  	s30 =	simm.s32 $0x0;
	[sflag:s3] =	ssyncadd.s32 @!p1 $0xFFFFF000;
	s3 =	simm.s32 $0x100  }
0x50: {  	v2 =	vadd.s32 s30, v0;
	s16 =	simm.s32 $0x1;
	s5 =	simm.s32 $0x0;
	v1 =	vld [tilespmem:s3+$0xFFFFFF00]  }
.LBB2_4:
0x51: {  	p1 =	sne.s32 s16, $0x1F;
	_ =	sdelay $0x2  }
0x52: {  	s22 =	simm.s32 $0x14100  }
0x53: {  	s8 =	sadd.s32 $0x210, s5;
	[tilespmem:v2+s22+$0x0] =	vst.idx.msk $0xffff, v1  }
0x54: {  	v2 =	vadd.s32 s8, v0;
	v1 =	vld [tilespmem:s3+$0xFFFFFF10];
	_ =	sdelay $0x4  }
0x55: {  	s8 =	sadd.s32 $0x420, s5;
	[tilespmem:v2+s22+$0x0] =	vst.idx.msk $0xffff, v1  }
0x56: {  	v2 =	vadd.s32 s8, v0;
	v1 =	vld [tilespmem:s3+$0xFFFFFF20];
	_ =	sdelay $0x4  }
0x57: {  	s8 =	sadd.s32 $0x630, s5;
	[tilespmem:v2+s22+$0x0] =	vst.idx.msk $0xffff, v1  }
0x58: {  	v2 =	vadd.s32 s8, v0;
	v1 =	vld [tilespmem:s3+$0xFFFFFF30];
	_ =	sdelay $0x4  }
0x59: {  	s8 =	sadd.s32 $0x840, s5;
	[tilespmem:v2+s22+$0x0] =	vst.idx.msk $0xffff, v1  }
0x5a: {  	v2 =	vadd.s32 s8, v0;
	v1 =	vld [tilespmem:s3+$0xFFFFFF40];
	_ =	sdelay $0x4  }
0x5b: {  	s8 =	sadd.s32 $0xA50, s5;
	[tilespmem:v2+s22+$0x0] =	vst.idx.msk $0xffff, v1  }
0x5c: {  	v2 =	vadd.s32 s8, v0;
	v1 =	vld [tilespmem:s3+$0xFFFFFF50];
	_ =	sdelay $0x4  }
0x5d: {  	s8 =	sadd.s32 $0xC60, s5;
	[tilespmem:v2+s22+$0x0] =	vst.idx.msk $0xffff, v1  }
0x5e: {  	v2 =	vadd.s32 s8, v0;
	v1 =	vld [tilespmem:s3+$0xFFFFFF60];
	_ =	sdelay $0x4  }
0x5f: {  	s8 =	sadd.s32 $0xE70, s5;
	[tilespmem:v2+s22+$0x0] =	vst.idx.msk $0xffff, v1  }
0x60: {  	v2 =	vadd.s32 s8, v0;
	v1 =	vld [tilespmem:s3+$0xFFFFFF70];
	_ =	sdelay $0x4  }
0x61: {  	s8 =	sadd.s32 $0x1080, s5;
	[tilespmem:v2+s22+$0x0] =	vst.idx.msk $0xffff, v1  }
0x62: {  	v2 =	vadd.s32 s8, v0;
	v1 =	vld [tilespmem:s3+$0xFFFFFF80];
	_ =	sdelay $0x4  }
0x63: {  	s8 =	sadd.s32 $0x1290, s5;
	[tilespmem:v2+s22+$0x0] =	vst.idx.msk $0xffff, v1  }
0x64: {  	v2 =	vadd.s32 s8, v0;
	v1 =	vld [tilespmem:s3+$0xFFFFFF90];
	_ =	sdelay $0x4  }
0x65: {  	s8 =	sadd.s32 $0x14A0, s5;
	[tilespmem:v2+s22+$0x0] =	vst.idx.msk $0xffff, v1  }
0x66: {  	v2 =	vadd.s32 s8, v0;
	v1 =	vld [tilespmem:s3+$0xFFFFFFA0];
	_ =	sdelay $0x4  }
0x67: {  	s8 =	sadd.s32 $0x16B0, s5;
	[tilespmem:v2+s22+$0x0] =	vst.idx.msk $0xffff, v1  }
0x68: {  	v2 =	vadd.s32 s8, v0;
	v1 =	vld [tilespmem:s3+$0xFFFFFFB0];
	_ =	sdelay $0x4  }
0x69: {  	s8 =	sadd.s32 $0x18C0, s5;
	[tilespmem:v2+s22+$0x0] =	vst.idx.msk $0xffff, v1  }
0x6a: {  	v2 =	vadd.s32 s8, v0;
	v1 =	vld [tilespmem:s3+$0xFFFFFFC0];
	_ =	sdelay $0x4  }
0x6b: {  	s8 =	sadd.s32 $0x1AD0, s5;
	[tilespmem:v2+s22+$0x0] =	vst.idx.msk $0xffff, v1  }
0x6c: {  	v2 =	vadd.s32 s8, v0;
	v1 =	vld [tilespmem:s3+$0xFFFFFFD0];
	_ =	sdelay $0x4  }
0x6d: {  	s8 =	sadd.s32 $0x1CE0, s5;
	[tilespmem:v2+s22+$0x0] =	vst.idx.msk $0xffff, v1  }
0x6e: {  	v2 =	vadd.s32 s8, v0;
	v1 =	vld [tilespmem:s3+$0xFFFFFFE0];
	_ =	sdelay $0x4  }
0x6f: {  	s8 =	sadd.s32 $0x1EF0, s5;
	[tilespmem:v2+s22+$0x0] =	vst.idx.msk $0xffff, v1  }
0x70: {  	v2 =	vadd.s32 s8, v0;
	v1 =	vld [tilespmem:s3+$0xFFFFFFF0];
	_ =	sdelay $0x4  }
0x71: {  	s8 =	sadd.s32 $0x2100, s5;
	[tilespmem:v2+s22+$0x0] =	vst.idx.msk $0xffff, v1  }
0x72: {  	v2 =	vadd.s32 s8, v0;
	v1 =	vld [tilespmem:s3+$0x0];
	_ =	sdelay $0x4  }
0x73: {  	s8 =	sadd.s32 $0x2310, s5;
	[tilespmem:v2+s22+$0x0] =	vst.idx.msk $0xffff, v1  }
0x74: {  	v2 =	vadd.s32 s8, v0;
	v1 =	vld [tilespmem:s3+$0x10];
	_ =	sdelay $0x4  }
0x75: {  	s8 =	sadd.s32 $0x2520, s5;
	[tilespmem:v2+s22+$0x0] =	vst.idx.msk $0xffff, v1  }
0x76: {  	v2 =	vadd.s32 s8, v0;
	v1 =	vld [tilespmem:s3+$0x20];
	_ =	sdelay $0x4  }
0x77: {  	s8 =	sadd.s32 $0x2730, s5;
	[tilespmem:v2+s22+$0x0] =	vst.idx.msk $0xffff, v1  }
0x78: {  	v2 =	vadd.s32 s8, v0;
	v1 =	vld [tilespmem:s3+$0x30];
	_ =	sdelay $0x4  }
0x79: {  	s8 =	sadd.s32 $0x2940, s5;
	[tilespmem:v2+s22+$0x0] =	vst.idx.msk $0xffff, v1  }
0x7a: {  	v2 =	vadd.s32 s8, v0;
	v1 =	vld [tilespmem:s3+$0x40];
	_ =	sdelay $0x4  }
0x7b: {  	s8 =	sadd.s32 $0x2B50, s5;
	[tilespmem:v2+s22+$0x0] =	vst.idx.msk $0xffff, v1  }
0x7c: {  	v2 =	vadd.s32 s8, v0;
	v1 =	vld [tilespmem:s3+$0x50];
	_ =	sdelay $0x4  }
0x7d: {  	s8 =	sadd.s32 $0x2D60, s5;
	[tilespmem:v2+s22+$0x0] =	vst.idx.msk $0xffff, v1  }
0x7e: {  	v2 =	vadd.s32 s8, v0;
	v1 =	vld [tilespmem:s3+$0x60];
	_ =	sdelay $0x4  }
0x7f: {  	s8 =	sadd.s32 $0x2F70, s5;
	[tilespmem:v2+s22+$0x0] =	vst.idx.msk $0xffff, v1  }
0x80: {  	v2 =	vadd.s32 s8, v0;
	v1 =	vld [tilespmem:s3+$0x70];
	_ =	sdelay $0x4  }
0x81: {  	s8 =	sadd.s32 $0x3180, s5;
	[tilespmem:v2+s22+$0x0] =	vst.idx.msk $0xffff, v1  }
0x82: {  	v2 =	vadd.s32 s8, v0;
	v1 =	vld [tilespmem:s3+$0x80];
	_ =	sdelay $0x4  }
0x83: {  	s8 =	sadd.s32 $0x3390, s5;
	[tilespmem:v2+s22+$0x0] =	vst.idx.msk $0xffff, v1  }
0x84: {  	v2 =	vadd.s32 s8, v0;
	v1 =	vld [tilespmem:s3+$0x90];
	_ =	sdelay $0x4  }
0x85: {  	s8 =	sadd.s32 $0x35A0, s5;
	[tilespmem:v2+s22+$0x0] =	vst.idx.msk $0xffff, v1  }
0x86: {  	v2 =	vadd.s32 s8, v0;
	v1 =	vld [tilespmem:s3+$0xA0];
	_ =	sdelay $0x4  }
0x87: {  	s8 =	sadd.s32 $0x37B0, s5;
	[tilespmem:v2+s22+$0x0] =	vst.idx.msk $0xffff, v1  }
0x88: {  	v2 =	vadd.s32 s8, v0;
	v1 =	vld [tilespmem:s3+$0xB0];
	_ =	sdelay $0x4  }
0x89: {  	s8 =	sadd.s32 $0x39C0, s5;
	[tilespmem:v2+s22+$0x0] =	vst.idx.msk $0xffff, v1  }
0x8a: {  	v2 =	vadd.s32 s8, v0;
	v1 =	vld [tilespmem:s3+$0xC0];
	_ =	sdelay $0x4  }
0x8b: {  	s8 =	sadd.s32 $0x3BD0, s5;
	[tilespmem:v2+s22+$0x0] =	vst.idx.msk $0xffff, v1  }
0x8c: {  	v2 =	vadd.s32 s8, v0;
	v1 =	vld [tilespmem:s3+$0xD0];
	_ =	sdelay $0x4  }
0x8d: {  	s8 =	sadd.s32 $0x3DE0, s5;
	[tilespmem:v2+s22+$0x0] =	vst.idx.msk $0xffff, v1  }
0x8e: {  	v2 =	vadd.s32 s8, v0;
	v1 =	vld [tilespmem:s3+$0xE0];
	_ =	sdelay $0x4  }
0x8f: {  	s8 =	sadd.s32 $0x3FF0, s5;
	s5 =	smov.u32 s16;
	[tilespmem:v2+s22+$0x0] =	vst.idx.msk $0xffff, v1  }
0x90: {  	v2 =	vadd.s32 s8, v0;
	v1 =	vld [tilespmem:s3+$0xF0];
	_ =	sdelay $0x1  }
.Ltmp5:
0x91: {  	(pc) =	sbr.rel @p1 .LBB2_4-.Ltmp5, $3  }
0x92: {  	_ =	sdelay $0x1  }
0x93: {  	s3 =	sadd.s32 $0x200, s3;
	[tilespmem:v2+s22+$0x0] =	vst.idx.msk $0xffff, v1  }
0x94: {  	s16 =	sadd.s32 $0x1, s16;
	v2 =	vadd.s32 s5, v0;
	v1 =	vld [tilespmem:s3+$0xFFFFFF00]  }
0x95: {  	_ =	sdelay $0x3  }
0x96: {  	s8 =	sadd.s32 $0x210, s5;
	[tilespmem:v2+s22+$0x0] =	vst.idx.msk $0xffff, v1  }
0x97: {  	v2 =	vadd.s32 s8, v0;
	v1 =	vld [tilespmem:s3+$0xFFFFFF10];
	_ =	sdelay $0x4  }
0x98: {  	s7 =	sadd.s32 $0x420, s5;
	[tilespmem:v2+s22+$0x0] =	vst.idx.msk $0xffff, v1  }
0x99: {  	v2 =	vadd.s32 s7, v0;
	v1 =	vld [tilespmem:s3+$0xFFFFFF20];
	_ =	sdelay $0x4  }
0x9a: {  	s11 =	sadd.s32 $0x630, s5;
	[tilespmem:v2+s22+$0x0] =	vst.idx.msk $0xffff, v1  }
0x9b: {  	v2 =	vadd.s32 s11, v0;
	v1 =	vld [tilespmem:s3+$0xFFFFFF30];
	_ =	sdelay $0x4  }
0x9c: {  	s12 =	sadd.s32 $0x840, s5;
	[tilespmem:v2+s22+$0x0] =	vst.idx.msk $0xffff, v1  }
0x9d: {  	v2 =	vadd.s32 s12, v0;
	v1 =	vld [tilespmem:s3+$0xFFFFFF40];
	_ =	sdelay $0x4  }
0x9e: {  	s15 =	sadd.s32 $0xA50, s5;
	[tilespmem:v2+s22+$0x0] =	vst.idx.msk $0xffff, v1  }
0x9f: {  	v2 =	vadd.s32 s15, v0;
	v1 =	vld [tilespmem:s3+$0xFFFFFF50];
	_ =	sdelay $0x4  }
0xa0: {  	s16 =	sadd.s32 $0xC60, s5;
	[tilespmem:v2+s22+$0x0] =	vst.idx.msk $0xffff, v1  }
0xa1: {  	v2 =	vadd.s32 s16, v0;
	v1 =	vld [tilespmem:s3+$0xFFFFFF60];
	_ =	sdelay $0x4  }
0xa2: {  	s28 =	sadd.s32 $0xE70, s5;
	[tilespmem:v2+s22+$0x0] =	vst.idx.msk $0xffff, v1  }
0xa3: {  	v2 =	vadd.s32 s28, v0;
	v1 =	vld [tilespmem:s3+$0xFFFFFF70];
	_ =	sdelay $0x4  }
0xa4: {  	s7 =	sadd.s32 $0x1080, s5;
	[tilespmem:v2+s22+$0x0] =	vst.idx.msk $0xffff, v1  }
0xa5: {  	v2 =	vadd.s32 s7, v0;
	v1 =	vld [tilespmem:s3+$0xFFFFFF80];
	_ =	sdelay $0x4  }
0xa6: {  	s11 =	sadd.s32 $0x1290, s5;
	[tilespmem:v2+s22+$0x0] =	vst.idx.msk $0xffff, v1  }
0xa7: {  	v2 =	vadd.s32 s11, v0;
	v1 =	vld [tilespmem:s3+$0xFFFFFF90];
	_ =	sdelay $0x4  }
0xa8: {  	s12 =	sadd.s32 $0x14A0, s5;
	[tilespmem:v2+s22+$0x0] =	vst.idx.msk $0xffff, v1  }
0xa9: {  	v2 =	vadd.s32 s12, v0;
	v1 =	vld [tilespmem:s3+$0xFFFFFFA0];
	_ =	sdelay $0x4  }
0xaa: {  	s15 =	sadd.s32 $0x16B0, s5;
	[tilespmem:v2+s22+$0x0] =	vst.idx.msk $0xffff, v1  }
0xab: {  	v2 =	vadd.s32 s15, v0;
	v1 =	vld [tilespmem:s3+$0xFFFFFFB0];
	_ =	sdelay $0x4  }
0xac: {  	s16 =	sadd.s32 $0x18C0, s5;
	[tilespmem:v2+s22+$0x0] =	vst.idx.msk $0xffff, v1  }
0xad: {  	v2 =	vadd.s32 s16, v0;
	v1 =	vld [tilespmem:s3+$0xFFFFFFC0];
	_ =	sdelay $0x4  }
0xae: {  	s28 =	sadd.s32 $0x1AD0, s5;
	[tilespmem:v2+s22+$0x0] =	vst.idx.msk $0xffff, v1  }
0xaf: {  	v2 =	vadd.s32 s28, v0;
	v1 =	vld [tilespmem:s3+$0xFFFFFFD0];
	_ =	sdelay $0x4  }
0xb0: {  	s7 =	sadd.s32 $0x1CE0, s5;
	[tilespmem:v2+s22+$0x0] =	vst.idx.msk $0xffff, v1  }
0xb1: {  	v2 =	vadd.s32 s7, v0;
	v1 =	vld [tilespmem:s3+$0xFFFFFFE0];
	_ =	sdelay $0x4  }
0xb2: {  	s11 =	sadd.s32 $0x1EF0, s5;
	[tilespmem:v2+s22+$0x0] =	vst.idx.msk $0xffff, v1  }
0xb3: {  	v2 =	vadd.s32 s11, v0;
	v1 =	vld [tilespmem:s3+$0xFFFFFFF0];
	_ =	sdelay $0x4  }
0xb4: {  	s12 =	sadd.s32 $0x2100, s5;
	[tilespmem:v2+s22+$0x0] =	vst.idx.msk $0xffff, v1  }
0xb5: {  	v2 =	vadd.s32 s12, v0;
	v1 =	vld [tilespmem:s3+$0x0];
	_ =	sdelay $0x4  }
0xb6: {  	s15 =	sadd.s32 $0x2310, s5;
	[tilespmem:v2+s22+$0x0] =	vst.idx.msk $0xffff, v1  }
0xb7: {  	v2 =	vadd.s32 s15, v0;
	v1 =	vld [tilespmem:s3+$0x10];
	_ =	sdelay $0x4  }
0xb8: {  	s16 =	sadd.s32 $0x2520, s5;
	[tilespmem:v2+s22+$0x0] =	vst.idx.msk $0xffff, v1  }
0xb9: {  	v2 =	vadd.s32 s16, v0;
	v1 =	vld [tilespmem:s3+$0x20];
	_ =	sdelay $0x4  }
0xba: {  	s28 =	sadd.s32 $0x2730, s5;
	[tilespmem:v2+s22+$0x0] =	vst.idx.msk $0xffff, v1  }
0xbb: {  	v2 =	vadd.s32 s28, v0;
	v1 =	vld [tilespmem:s3+$0x30];
	_ =	sdelay $0x4  }
0xbc: {  	s7 =	sadd.s32 $0x2940, s5;
	[tilespmem:v2+s22+$0x0] =	vst.idx.msk $0xffff, v1  }
0xbd: {  	v2 =	vadd.s32 s7, v0;
	v1 =	vld [tilespmem:s3+$0x40];
	_ =	sdelay $0x4  }
0xbe: {  	s11 =	sadd.s32 $0x2B50, s5;
	[tilespmem:v2+s22+$0x0] =	vst.idx.msk $0xffff, v1  }
0xbf: {  	v2 =	vadd.s32 s11, v0;
	v1 =	vld [tilespmem:s3+$0x50];
	_ =	sdelay $0x4  }
0xc0: {  	s12 =	sadd.s32 $0x2D60, s5;
	[tilespmem:v2+s22+$0x0] =	vst.idx.msk $0xffff, v1  }
0xc1: {  	v2 =	vadd.s32 s12, v0;
	v1 =	vld [tilespmem:s3+$0x60];
	_ =	sdelay $0x4  }
0xc2: {  	s15 =	sadd.s32 $0x2F70, s5;
	[tilespmem:v2+s22+$0x0] =	vst.idx.msk $0xffff, v1  }
0xc3: {  	v2 =	vadd.s32 s15, v0;
	v1 =	vld [tilespmem:s3+$0x70];
	_ =	sdelay $0x4  }
0xc4: {  	s16 =	sadd.s32 $0x3180, s5;
	[tilespmem:v2+s22+$0x0] =	vst.idx.msk $0xffff, v1  }
0xc5: {  	v2 =	vadd.s32 s16, v0;
	v1 =	vld [tilespmem:s3+$0x80];
	_ =	sdelay $0x4  }
0xc6: {  	s28 =	sadd.s32 $0x3390, s5;
	[tilespmem:v2+s22+$0x0] =	vst.idx.msk $0xffff, v1  }
0xc7: {  	v2 =	vadd.s32 s28, v0;
	v1 =	vld [tilespmem:s3+$0x90];
	_ =	sdelay $0x4  }
0xc8: {  	s7 =	sadd.s32 $0x35A0, s5;
	[tilespmem:v2+s22+$0x0] =	vst.idx.msk $0xffff, v1  }
0xc9: {  	v2 =	vadd.s32 s7, v0;
	v1 =	vld [tilespmem:s3+$0xA0];
	_ =	sdelay $0x4  }
0xca: {  	s11 =	sadd.s32 $0x37B0, s5;
	[tilespmem:v2+s22+$0x0] =	vst.idx.msk $0xffff, v1  }
0xcb: {  	v2 =	vadd.s32 s11, v0;
	v1 =	vld [tilespmem:s3+$0xB0];
	_ =	sdelay $0x4  }
0xcc: {  	s12 =	sadd.s32 $0x39C0, s5;
	[tilespmem:v2+s22+$0x0] =	vst.idx.msk $0xffff, v1  }
0xcd: {  	v2 =	vadd.s32 s12, v0;
	v1 =	vld [tilespmem:s3+$0xC0];
	_ =	sdelay $0x4  }
0xce: {  	s15 =	sadd.s32 $0x3BD0, s5;
	[tilespmem:v2+s22+$0x0] =	vst.idx.msk $0xffff, v1  }
0xcf: {  	v2 =	vadd.s32 s15, v0;
	v1 =	vld [tilespmem:s3+$0xD0];
	_ =	sdelay $0x4  }
0xd0: {  	s16 =	sadd.s32 $0x3DE0, s5;
	[tilespmem:v2+s22+$0x0] =	vst.idx.msk $0xffff, v1  }
0xd1: {  	v2 =	vadd.s32 s16, v0;
	v1 =	vld [tilespmem:s3+$0xE0];
	_ =	sdelay $0x4  }
0xd2: {  	s28 =	sadd.s32 $0x3FF0, s5;
	[tilespmem:v2+s22+$0x0] =	vst.idx.msk $0xffff, v1  }
0xd3: {  	v2 =	vadd.s32 s28, v0;
	v1 =	vld [tilespmem:s3+$0xF0];
	_ =	sdelay $0x4  }
0xd4: {  	s11 =	simm.s32 $0x8020;
	s3 =	simm.s32 $0x0;
	[tilespmem:v2+s22+$0x0] =	vst.idx.msk $0xffff, v1  }
.LBB2_6:
0xd5: {  	v1 =	vmov s30  }
0xd6: {  	v10 =	vmov s22;
	s8 =	smul.u32 $0x840, s3;
	v2 =	vand.u32 $0x1FF, v1  }
0xd7: {  	v5 =	vor.u32 $0x200, v2  }
0xd8: {  	s5 =	sand.u32 $0x7FFFFFFF, s8;
	v6 =	vor.u32 $0x600, v2  }
0xd9: {  	v7 =	vor.u32 $0xA00, v2;
	v4 =	vld [tilespmem:s5+$0x14110]  }
0xda: {  	s12 =	simm.s32 $0x0;
	v9 =	vor.u32 $0xC00, v2;
	v1 =	vld.idx.msk [tilespmem:v1+s24+$0x0], $0xffff  }
0xdb: {  	v21 =	vimm.f32 $0.0e+00;
	v22 =	vimm.f32 $0.0e+00;
	v12 =	vor.u32 $0x400, v2;
	v3 =	vld.idx.msk [tilespmem:v10+s12+$0x0 ss:$0x1], $0xffff  }
0xdc: {  	v20 =	vimm.f32 $0.0e+00;
	v19 =	vimm.f32 $0.0e+00;
	v14 =	vor.u32 $0xE00, v2;
	v5 =	vld.idx.msk [tilespmem:v5+s24+$0x0], $0xffff  }
0xdd: {  	s16 =	sadd.s32 $0x1, s30;
	v18 =	vimm.f32 $0.0e+00;
	v17 =	vimm.f32 $0.0e+00;
	v8 =	vor.u32 $0x800, v2;
	v23 =	vld.idx.msk [tilespmem:v6+s24+$0x0], $0xffff  }
0xde: {  	v15 =	vimm.f32 $0.0e+00;
	v13 =	vimm.f32 $0.0e+00;
	v27 =	vmov s16;
	v16 =	vld.idx.msk [tilespmem:v7+s24+$0x0], $0xffff  }
0xdf: {  	v2 =	vimm.f32 $0.0e+00;
	v24 =	vld.idx.msk [tilespmem:v9+s24+$0x0], $0xffff;
	v7 =	vimm.f32 $0.0e+00;
	v11 =	vmul.f32 v1, v4  }
0xe0: {  	v25 =	vld.idx.msk [tilespmem:v12+s24+$0x0], $0xffff;
	v9 =	vimm.f32 $0.0e+00;
	v12 =	vimm.f32 $0.0e+00;
	v29 =	vmul.f32 v1, v3  }
0xe1: {  	v14 =	vld.idx.msk [tilespmem:v14+s24+$0x0], $0xffff;
	v1 =	vimm.f32 $0.0e+00;
	v6 =	vadd.f32 v11, v21;
	v28 =	vmul.f32 v5, v3  }
0xe2: {  	s28 =	simm.s32 $0x108;
	s5 =	sshll.u32 s3, $0x6;
	s12 =	simm.s32 $0x84;
	v26 =	vmul.f32 v5, v4;
	v11 =	vld.idx.msk [tilespmem:v8+s24+$0x0], $0xffff;
	v8 =	vimm.f32 $0.0e+00;
	v5 =	vimm.f32 $0.0e+00  }
.LBB2_7:
0xe3: {  	p1 =	sne.s32 s28, $0x207C  }
0xe4: {  	v30 =	vand.u32 $0x1FF, v27;
	s8 =	sadd.s32 $0x21, s8;
	v21 =	vadd.f32 v29, v21;
	v29 =	vmul.f32 v23, v3;
	v31 =	vmovc v23;
	s7 =	smov.u32 s28;
	s28 =	sadd.s32 $0x84, s28  }
0xe5: {  	v33 =	vmul.f32 v16, v3;
	v23 =	vor.u32 $0x200, v30;
	v32 =	vor.u32 $0x400, v30  }
0xe6: {  	v34 =	vor.u32 $0x600, v30;
	v35 =	vor.u32 $0x800, v30;
	v22 =	vadd.f32 v28, v22  }
0xe7: {  	s15 =	sshra.s32 s12, $0x2;
	v28 =	vor.u32 $0xA00, v30;
	v36 =	vor.u32 $0xC00, v30;
	v20 =	vadd.f32 v26, v20;
	s12 =	smov.u32 s7  }
0xe8: {  	s7 =	sand.u32 $0x7FFFFFFF, s8;
	v19 =	vadd.f32 v29, v19;
	v29 =	vmul.f32 v24, v4;
	v26 =	vld.idx.msk [tilespmem:v27+s24+$0x0], $0xffff;
	v27 =	vmul.f32 v25, v3  }
0xe9: {  	v30 =	vor.u32 $0xE00, v30;
	v24 =	vmul.f32 v24, v3;
	v38 =	vmul.f32 v14, v4;
	v37 =	vld [tilespmem:s7+$0x14110]  }
0xea: {  	v18 =	vadd.f32 v33, v18;
	v40 =	vmul.f32 v25, v4;
	v17 =	vadd.f32 v29, v17;
	v39 =	vld.idx.msk [tilespmem:v10+s15+$0x0 ss:$0x1], $0xffff  }
0xeb: {  	v25 =	vmul.f32 v11, v3;
	v29 =	vmul.f32 v16, v4;
	v15 =	vadd.f32 v24, v15;
	v33 =	vld.idx.msk [tilespmem:v23+s24+$0x0], $0xffff  }
0xec: {  	v24 =	vmul.f32 v11, v4;
	v3 =	vmul.f32 v14, v3;
	v13 =	vadd.f32 v27, v13;
	v23 =	vld.idx.msk [tilespmem:v34+s24+$0x0], $0xffff  }
.Ltmp6:
0xed: {  	v27 =	vmul.f32 v31, v4;
	v8 =	vadd.f32 v25, v8;
	v7 =	vadd.f32 v29, v7;
	v16 =	vld.idx.msk [tilespmem:v28+s24+$0x0], $0xffff;
	(pc) =	sbr.rel @p1 .LBB2_7-.Ltmp6, $4  }
0xee: {  	v5 =	vadd.f32 v24, v5;
	v2 =	vadd.f32 v3, v2;
	v14 =	vmul.f32 v26, v37;
	v11 =	vld.idx.msk [tilespmem:v35+s24+$0x0], $0xffff  }
0xef: {  	v1 =	vadd.f32 v38, v1;
	v9 =	vadd.f32 v27, v9;
	v4 =	vmov v37;
	v24 =	vld.idx.msk [tilespmem:v36+s24+$0x0], $0xffff  }
0xf0: {  	s16 =	sadd.s32 $0x1, s16;
	v12 =	vadd.f32 v40, v12;
	v29 =	vmul.f32 v26, v39;
	v6 =	vadd.f32 v14, v6;
	v25 =	vld.idx.msk [tilespmem:v32+s24+$0x0], $0xffff  }
0xf1: {  	v27 =	vmov s16;
	v3 =	vmovc v39;
	v28 =	vmul.f32 v33, v39;
	v26 =	vmul.f32 v33, v4;
	v14 =	vld.idx.msk [tilespmem:v30+s24+$0x0], $0xffff  }
0xf2: {  	_ = 	snop  }
0xf3: {  	v30 =	vand.u32 $0x1FF, v27  }
0xf4: {  	v31 =	vor.u32 $0x200, v30;
	_ =	sdelay $0x1  }
0xf5: {  	s7 =	sadd.s32 $0x21, s8;
	v21 =	vadd.f32 v29, v21;
	s28 =	sshra.s32 s12, $0x2;
	v27 =	vld.idx.msk [tilespmem:v27+s24+$0x0], $0xffff;
	v29 =	vmul.f32 v23, v3;
	v33 =	vmul.f32 v16, v3  }
0xf6: {  	v16 =	vmul.f32 v16, v4;
	v32 =	vor.u32 $0x400, v30;
	s7 =	sand.u32 $0x7FFFFFFF, s7;
	v10 =	vld.idx.msk [tilespmem:v10+s28+$0x0 ss:$0x1], $0xffff;
	v34 =	vor.u32 $0x600, v30  }
0xf7: {  	v35 =	vor.u32 $0x800, v30;
	v22 =	vadd.f32 v28, v22;
	v36 =	vor.u32 $0xA00, v30;
	v28 =	vld [tilespmem:s7+$0x14110]  }
0xf8: {  	v37 =	vor.u32 $0xC00, v30;
	v62 =	vmul.f32 v11, v3;
	v11 =	vmul.f32 v11, v4;
	v31 =	vld.idx.msk [tilespmem:v31+s24+$0x0], $0xffff  }
0xf9: {  	v20 =	vadd.f32 v26, v20;
	v26 =	vmul.f32 v24, v4;
	v24 =	vmul.f32 v24, v3  }
0xfa: {  	v19 =	vadd.f32 v29, v19;
	v18 =	vadd.f32 v33, v18;
	v38 =	vmul.f32 v25, v3  }
0xfb: {  	v7 =	vadd.f32 v16, v7;
	v25 =	vmul.f32 v25, v4;
	v39 =	vmul.f32 v27, v10;
	v32 =	vld.idx.msk [tilespmem:v32+s24+$0x0], $0xffff  }
0xfc: {  	v17 =	vadd.f32 v26, v17;
	v15 =	vadd.f32 v24, v15;
	v24 =	vld.idx.msk [tilespmem:v34+s24+$0x0], $0xffff;
	v26 =	vmul.f32 v27, v28  }
0xfd: {  	v29 =	vmul.f32 v14, v4;
	v21 =	vadd.f32 v39, v21;
	v27 =	vmul.f32 v31, v10  }
0xfe: {  	v4 =	vmul.f32 v23, v4;
	v6 =	vadd.f32 v26, v6;
	v26 =	vmul.f32 v31, v28  }
0xff: {  	v30 =	vor.u32 $0xE00, v30;
	v13 =	vadd.f32 v38, v13;
	(xrf0) =	vmax.scan.msk.f32 $0xffff, v21;
	v31 =	vld.idx.msk [tilespmem:v35+s24+$0x0], $0xffff;
	v22 =	vadd.f32 v27, v22  }
0x100: {  	v12 =	vadd.f32 v25, v12;
	v23 =	vmul.f32 v32, v10;
	(xrf0) =	vmax.scan.msk.f32 $0xffff, v6;
	v20 =	vadd.f32 v26, v20  }
0x101: {  	v4 =	vadd.f32 v4, v9;
	v25 =	vmul.f32 v32, v28;
	v9 =	vmul.f32 v24, v28;
	(xrf0) =	vmax.scan.msk.f32 $0xffff, v22  }
0x102: {  	v63 =	vld.idx.msk [tilespmem:v36+s24+$0x0], $0xffff;
	v16 =	vmul.f32 v24, v10;
	v13 =	vadd.f32 v23, v13;
	(xrf0) =	vmax.scan.msk.f32 $0xffff, v20  }
0x103: {  	v8 =	vadd.f32 v62, v8;
	v12 =	vadd.f32 v25, v12  }
0x104: {  	v23 =	vld.idx.msk [tilespmem:v37+s24+$0x0], $0xffff;
	v16 =	vadd.f32 v16, v19;
	v19 =	vmul.f32 v31, v10;
	(xrf0) =	vmax.scan.msk.f32 $0xffff, v13  }
0x105: {  	v5 =	vadd.f32 v11, v5;
	v4 =	vadd.f32 v9, v4;
	v11 =	vmul.f32 v31, v28;
	v9, _, _ =	vpop (xrf0);
	(xrf0) =	vmax.scan.msk.f32 $0xffff, v12  }
0x106: {  	v3 =	vmul.f32 v14, v3;
	v14 =	vld.idx.msk [tilespmem:v30+s24+$0x0], $0xffff;
	(v2sf) =	vpush v9, $0xF;
	v9, _, _ =	vpop (xrf0);
	v8 =	vadd.f32 v19, v8;
	(xrf0) =	vmax.scan.msk.f32 $0xffff, v16  }
0x107: {  	v19 =	vmul.f32 v63, v10;
	v5 =	vadd.f32 v11, v5;
	(v2sf) =	vpush v9, $0xF;
	v9, _, _ =	vpop (xrf0);
	(xrf0) =	vmax.scan.msk.f32 $0xffff, v4  }
0x108: {  	v2 =	vadd.f32 v3, v2;
	v3 =	vmul.f32 v63, v28;
	(v2sf) =	vpush v9, $0xF;
	v9, _, _ =	vpop (xrf0);
	(xrf0) =	vmax.scan.msk.f32 $0xffff, v8  }
0x109: {  	v11 =	vmul.f32 v23, v10;
	v18 =	vadd.f32 v19, v18;
	(v2sf) =	vpush v9, $0xF;
	(xrf0) =	vmax.scan.msk.f32 $0xffff, v5  }
0x10a: {  	v1 =	vadd.f32 v29, v1;
	v3 =	vadd.f32 v3, v7;
	v9 =	vmul.f32 v23, v28;
	v7, _, _ =	vpop (xrf0)  }
0x10b: {  	v10 =	vmul.f32 v14, v10;
	v11 =	vadd.f32 v11, v15;
	(v2sf) =	vpush v7, $0xF;
	v7, _, _ =	vpop (xrf0);
	(xrf0) =	vmax.scan.msk.f32 $0xffff, v18  }
0x10c: {  	v14 =	vmul.f32 v14, v28;
	v9 =	vadd.f32 v9, v17;
	(v2sf) =	vpush v7, $0xF;
	v7, _, _ =	vpop (xrf0);
	(xrf0) =	vmax.scan.msk.f32 $0xffff, v3  }
0x10d: {  	v2 =	vadd.f32 v10, v2;
	(v2sf) =	vpush v7, $0xF;
	v7, _, _ =	vpop (xrf0);
	(xrf0) =	vmax.scan.msk.f32 $0xffff, v11  }
0x10e: {  	v1 =	vadd.f32 v14, v1;
	(v2sf) =	vpush v7, $0xF;
	v7, _, _ =	vpop (xrf0);
	(xrf0) =	vmax.scan.msk.f32 $0xffff, v9  }
0x10f: {  	(v2sf) =	vpush v7, $0xF;
	v7, _, _ =	vpop (xrf0);
	(xrf0) =	vmax.scan.msk.f32 $0xffff, v2  }
0x110: {  	(v2sf) =	vpush v7, $0xF;
	(xrf0) =	vmax.scan.msk.f32 $0xffff, v1  }
0x111: {  	v7, _, _ =	vpop (xrf0)  }
0x112: {  	v10, _, _ =	vpop (xrf0);
	(v2sf) =	vpush v7, $0xF  }
0x113: {  	(v2sf) =	vpush v10, $0xF;
	v7, _, _ =	vpop (xrf0)  }
0x114: {  	v10, _, _ =	vpop (xrf0);
	(v2sf) =	vpush v7, $0xF  }
0x115: {  	s12 =	spop (v2sf);
	v7, _, _ =	vpop (xrf0);
	(v2sf) =	vpush v10, $0xF  }
0x116: {  	s15 =	spop (v2sf);
	(v2sf) =	vpush v7, $0xF;
	v7, _, _ =	vpop (xrf0)  }
0x117: {  	s7 =	smax.f32 s12, s15;
	s16 =	spop (v2sf);
	(v2sf) =	vpush v7, $0xF  }
0x118: {  	v7 =	vmov s7;
	s28 =	spop (v2sf)  }
0x119: {  	v10 =	vsub.f32 v21, v7;
	s8 =	smax.f32 s16, s28  }
0x11a: {  	v6 =	vsub.f32 v6, v7;
	s12 =	spop (v2sf);
	v7 =	vmov s8  }
0x11b: {  	s15 =	spop (v2sf);
	v10 =	vmul.f32 $1.442695020e+00, v10;
	v14 =	vsub.f32 v22, v7  }
0x11c: {  	v6 =	vmul.f32 $1.442695020e+00, v6;
	s7 =	smax.f32 s12, s15;
	s16 =	spop (v2sf);
	v7 =	vsub.f32 v20, v7  }
0x11d: {  	(erf) = vpow2.f32 v10;
	s28 =	spop (v2sf);
	v10 =	vmul.f32 $1.442695020e+00, v14;
	v14 =	vmov s7  }
0x11e: {  	(erf) = vpow2.f32 v6;
	v6 =	vmul.f32 $1.442695020e+00, v7;
	s15 =	smax.f32 s16, s28;
	s16 =	spop (v2sf);
	v7 =	vsub.f32 v13, v14  }
0x11f: {  	s28 =	spop (v2sf);
	(erf) = vpow2.f32 v10;
	v10 =	vsub.f32 v12, v14;
	v12 =	vmov s15  }
0x120: {  	s8 =	smax.f32 s16, s28;
	(erf) = vpow2.f32 v6;
	v6 =	vmul.f32 $1.442695020e+00, v7;
	v7 =	vsub.f32 v16, v12  }
0x121: {  	s12 =	spop (v2sf);
	v4 =	vsub.f32 v4, v12;
	v10 =	vmul.f32 $1.442695020e+00, v10;
	v12 =	vmov s8  }
0x122: {  	s15 =	spop (v2sf);
	(erf) = vpow2.f32 v6;
	v6 =	vmul.f32 $1.442695020e+00, v7;
	v7 =	vsub.f32 v8, v12  }
0x123: {  	s7 =	smax.f32 s12, s15;
	v4 =	vmul.f32 $1.442695020e+00, v4;
	v5 =	vsub.f32 v5, v12;
	s16 =	spop (v2sf);
	(erf) = vpow2.f32 v10  }
0x124: {  	s28 =	spop (v2sf);
	(erf) = vpow2.f32 v6;
	v6 =	vmul.f32 $1.442695020e+00, v7;
	v7 =	vmov s7  }
0x125: {  	s15 =	smax.f32 s16, s28;
	s16 =	spop (v2sf);
	(erf) = vpow2.f32 v4;
	v4 =	vmul.f32 $1.442695020e+00, v5;
	v5 =	vsub.f32 v18, v7  }
0x126: {  	v3 =	vsub.f32 v3, v7;
	s28 =	spop (v2sf);
	(erf) = vpow2.f32 v6;
	v6 =	vmov s15  }
0x127: {  	s12 =	smax.f32 s16, s28;
	(erf) = vpow2.f32 v4;
	v4 =	vmul.f32 $1.442695020e+00, v5;
	v5 =	vsub.f32 v11, v6  }
0x128: {  	v7 =	vpop (erf);
	v3 =	vmul.f32 $1.442695020e+00, v3;
	v6 =	vsub.f32 v9, v6;
	v8 =	vmov s12  }
0x129: {  	(xrf2) =	vadd.scan.msk.f32 $0xffff, v7;
	(erf) = vpow2.f32 v4;
	v4 =	vmul.f32 $1.442695020e+00, v5;
	v2 =	vsub.f32 v2, v8  }
0x12a: {  	v9 =	vpop (erf);
	v1 =	vsub.f32 v1, v8;
	(erf) = vpow2.f32 v3;
	v3 =	vmul.f32 $1.442695020e+00, v6  }
0x12b: {  	(xrf2) =	vadd.scan.msk.f32 $0xffff, v9;
	v5 =	vpop (erf);
	v2 =	vmul.f32 $1.442695020e+00, v2  }
0x12c: {  	v1 =	vmul.f32 $1.442695020e+00, v1;
	v6 =	vpop (erf)  }
0x12d: {  	(erf) = vpow2.f32 v4;
	v4 =	vpop (erf)  }
0x12e: {  	(erf) = vpow2.f32 v3;
	v3 =	vpop (erf)  }
0x12f: {  	(xrf2) =	vadd.scan.msk.f32 $0xffff, v5;
	(erf) = vpow2.f32 v2;
	v2 =	vpop (erf)  }
0x130: {  	(erf) = vpow2.f32 v1;
	v1 =	vpop (erf)  }
0x131: {  	(xrf2) =	vadd.scan.msk.f32 $0xffff, v6;
	v8 =	vpop (erf)  }
0x132: {  	v10 =	vpop (erf)  }
0x133: {  	(xrf2) =	vadd.scan.msk.f32 $0xffff, v4;
	v17, _, _ =	vpop (xrf2)  }
0x134: {  	(xrf2) =	vadd.scan.msk.f32 $0xffff, v3;
	v11 =	vpop (erf)  }
0x135: {  	(xrf2) =	vadd.scan.msk.f32 $0xffff, v2;
	(v2sf) =	vpush v17, $0xF;
	v17, _, _ =	vpop (xrf2)  }
0x136: {  	(xrf2) =	vadd.scan.msk.f32 $0xffff, v1;
	v12 =	vpop (erf)  }
0x137: {  	(xrf2) =	vadd.scan.msk.f32 $0xffff, v8;
	v13 =	vpop (erf)  }
0x138: {  	(xrf2) =	vadd.scan.msk.f32 $0xffff, v10;
	v14 =	vpop (erf)  }
0x139: {  	(v2sf) =	vpush v17, $0xF;
	v17, _, _ =	vpop (xrf2)  }
0x13a: {  	(xrf2) =	vadd.scan.msk.f32 $0xffff, v11;
	v15 =	vpop (erf)  }
0x13b: {  	(xrf2) =	vadd.scan.msk.f32 $0xffff, v12;
	(v2sf) =	vpush v17, $0xF;
	v17, _, _ =	vpop (xrf2)  }
0x13c: {  	v16 =	vpop (erf)  }
0x13d: {  	(v2sf) =	vpush v17, $0xF;
	v17, _, _ =	vpop (xrf2)  }
0x13e: {  	(xrf2) =	vadd.scan.msk.f32 $0xffff, v13;
	(v2sf) =	vpush v17, $0xF;
	v17, _, _ =	vpop (xrf2)  }
0x13f: {  	(xrf2) =	vadd.scan.msk.f32 $0xffff, v14;
	v18, _, _ =	vpop (xrf2);
	(v2sf) =	vpush v17, $0xF  }
0x140: {  	(xrf2) =	vadd.scan.msk.f32 $0xffff, v15;
	v17, _, _ =	vpop (xrf2);
	(v2sf) =	vpush v18, $0xF  }
0x141: {  	(xrf2) =	vadd.scan.msk.f32 $0xffff, v16;
	v18, _, _ =	vpop (xrf2);
	(v2sf) =	vpush v17, $0xF  }
0x142: {  	v17, _, _ =	vpop (xrf2);
	(v2sf) =	vpush v18, $0xF  }
0x143: {  	(v2sf) =	vpush v17, $0xF  }
0x144: {  	v18, _, _ =	vpop (xrf2)  }
0x145: {  	v17, _, _ =	vpop (xrf2);
	(v2sf) =	vpush v18, $0xF  }
0x146: {  	(v2sf) =	vpush v17, $0xF;
	_ =	sdelay $0x1  }
0x147: {  	v18, _, _ =	vpop (xrf2)  }
0x148: {  	v17, _, _ =	vpop (xrf2);
	(v2sf) =	vpush v18, $0xF;
	s15 =	spop (v2sf)  }
0x149: {  	v18, _, _ =	vpop (xrf2);
	(v2sf) =	vpush v17, $0xF;
	s16 =	spop (v2sf)  }
0x14a: {  	(v2sf) =	vpush v18, $0xF;
	v17, _, _ =	vpop (xrf2);
	s28 =	spop (v2sf)  }
0x14b: {  	(v2sf) =	vpush v17, $0xF;
	s7 =	sadd.f32 s16, s15;
	s16 =	spop (v2sf)  }
0x14c: {  	s15 =	spop (v2sf)  }
0x14d: {  	v17 =	vmov s7;
	s8 =	sadd.f32 s16, s28;
	s28 =	spop (v2sf)  }
0x14e: {  	(erf) = vrcp.f32 v17;
	s12 =	spop (v2sf)  }
0x14f: {  	s16 =	spop (v2sf)  }
0x150: {  	s7 =	sadd.f32 s28, s15;
	v17 =	vmov s8;
	s28 =	spop (v2sf)  }
0x151: {  	(erf) = vrcp.f32 v17;
	s8 =	sadd.f32 s16, s12;
	s12 =	spop (v2sf)  }
0x152: {  	v17 =	vmov s7;
	s7 =	sadd.f32 s12, s28  }
0x153: {  	(erf) = vrcp.f32 v17;
	s16 =	spop (v2sf);
	v17 =	vmov s8  }
0x154: {  	s28 =	spop (v2sf);
	(erf) = vrcp.f32 v17;
	v17 =	vmov s7  }
0x155: {  	s8 =	sadd.f32 s28, s16;
	_ =	sdelay $0x1  }
0x156: {  	s15 =	spop (v2sf);
	(erf) = vrcp.f32 v17;
	v18 =	vmov s8;
	v17 =	vpop (erf)  }
0x157: {  	s16 =	spop (v2sf);
	v7 =	vmul.f32 v17, v7  }
0x158: {  	s28 =	spop (v2sf);
	s7 =	sadd.f32 s16, s15  }
0x159: {  	s16 =	spop (v2sf);
	(erf) = vrcp.f32 v18;
	v18 =	vpop (erf)  }
0x15a: {  	s8 =	sadd.f32 s16, s28;
	v19 =	vmov s7;
	v9 =	vmul.f32 v17, v9;
	v5 =	vmul.f32 v18, v5  }
0x15b: {  	(erf) = vrcp.f32 v19;
	[tilespmem:$0x14000] =	vst v7;
	v7 =	vpop (erf)  }
0x15c: {  	v17 =	vmov s8;
	[tilespmem:$0x14010] =	vst v9;
	v6 =	vmul.f32 v18, v6;
	v4 =	vmul.f32 v7, v4  }
0x15d: {  	(erf) = vrcp.f32 v17;
	[tilespmem:$0x14020] =	vst v5  }
0x15e: {  	[tilespmem:$0x14030] =	vst v6;
	v3 =	vmul.f32 v7, v3;
	v5 =	vpop (erf)  }
0x15f: {  	[tilespmem:$0x14040] =	vst v4;
	v2 =	vmul.f32 v5, v2  }
0x160: {  	[tilespmem:$0x14050] =	vst v3;
	v1 =	vmul.f32 v5, v1;
	v4 =	vpop (erf)  }
0x161: {  	[tilespmem:$0x14060] =	vst v2;
	v2 =	vmul.f32 v4, v8  }
0x162: {  	[tilespmem:$0x14070] =	vst v1;
	v3 =	vpop (erf);
	v1 =	vmul.f32 v4, v10  }
0x163: {  	[tilespmem:$0x14080] =	vst v2;
	v2 =	vmul.f32 v3, v11  }
0x164: {  	v4 =	vpop (erf);
	[tilespmem:$0x14090] =	vst v1;
	v1 =	vmul.f32 v3, v12  }
0x165: {  	[tilespmem:$0x140A0] =	vst v2;
	v2 =	vmul.f32 v4, v13  }
0x166: {  	v3 =	vpop (erf);
	[tilespmem:$0x140B0] =	vst v1;
	v1 =	vmul.f32 v4, v14  }
0x167: {  	[tilespmem:$0x140C0] =	vst v2;
	v2 =	vmul.f32 v3, v15  }
0x168: {  	s28 =	simm.s32 $0x0;
	[tilespmem:$0x140D0] =	vst v1;
	v1 =	vmul.f32 v3, v16  }
0x169: {  	v38 =	vimm.f32 $0.0e+00;
	v36 =	vimm.f32 $0.0e+00;
	v3 =	vmov s28;
	[tilespmem:$0x140E0] =	vst v2  }
0x16a: {  	v39 =	vimm.f32 $0.0e+00;
	v24 =	vimm.f32 $0.0e+00;
	v5 =	vand.u32 $0x1F, v3;
	[tilespmem:$0x140F0] =	vst v1  }
0x16b: {  	v35 =	vimm.f32 $0.0e+00;
	v32 =	vimm.f32 $0.0e+00;
	v6 =	vor.u32 $0x20, v5;
	v2 =	vld [tilespmem:s11+$0x10]  }
0x16c: {  	v37 =	vimm.f32 $0.0e+00;
	v27 =	vimm.f32 $0.0e+00;
	v8 =	vor.u32 $0x60, v5;
	v4 =	vld [tilespmem:s11+$0xFFFFFFE0]  }
0x16d: {  	v25 =	vimm.f32 $0.0e+00;
	v26 =	vimm.f32 $0.0e+00;
	v14 =	vor.u32 $0xA0, v5;
	v7 =	vld [tilespmem:s11+$0xFFFFFFF0]  }
0x16e: {  	v31 =	vimm.f32 $0.0e+00;
	v23 =	vimm.f32 $0.0e+00;
	v11 =	vor.u32 $0x80, v5;
	v3 =	vld.idx.msk [tilespmem:v3+s0+$0x0], $0xffff  }
0x16f: {  	v21 =	vimm.f32 $0.0e+00;
	v22 =	vimm.f32 $0.0e+00;
	v12 =	vor.u32 $0xC0, v5;
	v1 =	vld [tilespmem:s11+$0x0]  }
0x170: {  	v20 =	vimm.f32 $0.0e+00;
	v19 =	vimm.f32 $0.0e+00;
	v18 =	vimm.f32 $0.0e+00;
	v43 =	vld.idx.msk [tilespmem:v6+s0+$0x0], $0xffff  }
0x171: {  	v17 =	vimm.f32 $0.0e+00;
	v13 =	vimm.f32 $0.0e+00;
	v16 =	vimm.f32 $0.0e+00;
	v41 =	vld.idx.msk [tilespmem:v8+s0+$0x0], $0xffff  }
0x172: {  	v15 =	vimm.f32 $0.0e+00;
	v9 =	vor.u32 $0xE0, v5;
	v6 =	vor.u32 $0x40, v5;
	v28 =	vld.idx.msk [tilespmem:v14+s0+$0x0], $0xffff  }
0x173: {  	v14 =	vimm.f32 $0.0e+00;
	v40 =	vld.idx.msk [tilespmem:v11+s0+$0x0], $0xffff;
	v11 =	vimm.f32 $0.0e+00;
	v8 =	vmul.f32 v3, v4  }
0x174: {  	v29 =	vld.idx.msk [tilespmem:v12+s0+$0x0], $0xffff;
	v12 =	vimm.f32 $0.0e+00;
	v5 =	vmul.f32 v3, v7;
	v10 =	vmul.f32 v3, v1  }
0x175: {  	v46 =	vmul.f32 v3, v2;
	v3 =	vimm.f32 $0.0e+00;
	v33 =	vadd.f32 v8, v24  }
0x176: {  	v47 =	vmul.f32 v43, v4;
	v45 =	vmul.f32 v43, v7;
	v34 =	vadd.f32 v5, v24  }
0x177: {  	v30 =	vadd.f32 v10, v24;
	v44 =	vmul.f32 v41, v4;
	v8 =	vimm.f32 $0.0e+00;
	v5 =	vld.idx.msk [tilespmem:v9+s0+$0x0], $0xffff  }
0x178: {  	s16 =	smov.u32 s11;
	s8 =	simm.s32 $0x1;
	v10 =	vimm.f32 $0.0e+00;
	v42 =	vld.idx.msk [tilespmem:v6+s0+$0x0], $0xffff;
	v6 =	vimm.f32 $0.0e+00;
	v9 =	vimm.f32 $0.0e+00  }
.LBB2_9:
0x179: {  	p1 =	sne.s32 s8, $0x1F  }
0x17a: {  	v24 =	vadd.f32 v47, v24;
	v47 =	vmul.f32 v43, v1;
	v48 =	vmul.f32 v41, v7;
	s16 =	sadd.s32 $0x200, s16;
	s7 =	smov.u32 s8;
	s8 =	sadd.s32 $0x1, s8  }
0x17b: {  	v37 =	vadd.f32 v46, v37;
	v22 =	vadd.f32 v44, v22;
	v44 =	vmul.f32 v41, v1  }
0x17c: {  	v43 =	vmul.f32 v43, v2;
	v46 =	vmul.f32 v5, v2;
	v21 =	vadd.f32 v48, v21  }
0x17d: {  	v35 =	vadd.f32 v45, v35;
	v19 =	vadd.f32 v44, v19;
	v44 =	vmul.f32 v40, v7  }
0x17e: {  	v41 =	vmul.f32 v41, v2;
	v3 =	vadd.f32 v46, v3;
	v45 =	vmul.f32 v29, v7  }
0x17f: {  	v31 =	vadd.f32 v43, v31;
	v43 =	vmul.f32 v42, v1;
	v17 =	vadd.f32 v44, v17  }
0x180: {  	v20 =	vadd.f32 v41, v20;
	v41 =	vmul.f32 v40, v2;
	v8 =	vadd.f32 v45, v8  }
0x181: {  	v27 =	vadd.f32 v43, v27;
	v43 =	vmul.f32 v29, v4;
	v44 =	vmul.f32 v42, v7  }
0x182: {  	v38 =	vadd.f32 v47, v38;
	v16 =	vadd.f32 v41, v16;
	v41 =	vmul.f32 v28, v7  }
0x183: {  	v46 =	vmul.f32 v28, v2;
	v45 =	vmul.f32 v42, v2;
	v10 =	vadd.f32 v43, v10  }
0x184: {  	v43 =	vmov s7;
	v36 =	vadd.f32 v44, v36;
	v44 =	vmul.f32 v5, v1  }
0x185: {  	v48 =	vmul.f32 v5, v4;
	v47 =	vand.u32 $0x1F, v43;
	v13 =	vadd.f32 v41, v13  }
0x186: {  	v51 =	vmul.f32 v28, v1;
	v41 =	vor.u32 $0x20, v47;
	v50 =	vor.u32 $0x40, v47;
	v49 =	vld [tilespmem:s16+$0x10]  }
0x187: {  	v42 =	vmul.f32 v42, v4;
	v53 =	vor.u32 $0x60, v47;
	v54 =	vor.u32 $0x80, v47;
	v52 =	vld [tilespmem:s16+$0x0]  }
0x188: {  	v58 =	vmul.f32 v40, v1;
	v56 =	vor.u32 $0xC0, v47;
	v57 =	vor.u32 $0xE0, v47;
	v55 =	vld [tilespmem:s16+$0xFFFFFFE0]  }
0x189: {  	v2 =	vmul.f32 v29, v2;
	v32 =	vadd.f32 v45, v32;
	v6 =	vadd.f32 v44, v6;
	v59 =	vld.idx.msk [tilespmem:v43+s0+$0x0], $0xffff  }
0x18a: {  	v14 =	vadd.f32 v46, v14;
	v39 =	vadd.f32 v42, v39;
	v44 =	vor.u32 $0xA0, v47;
	v60 =	vld [tilespmem:s16+$0xFFFFFFF0]  }
0x18b: {  	v40 =	vmul.f32 v40, v4;
	v18 =	vadd.f32 v51, v18;
	v45 =	vmul.f32 v28, v4;
	v43 =	vld.idx.msk [tilespmem:v41+s0+$0x0], $0xffff  }
0x18c: {  	v9 =	vadd.f32 v48, v9;
	v7 =	vmul.f32 v5, v7;
	v28 =	vmul.f32 v29, v1;
	v41 =	vld.idx.msk [tilespmem:v53+s0+$0x0], $0xffff  }
0x18d: {  	v25 =	vadd.f32 v40, v25;
	v11 =	vadd.f32 v2, v11;
	v2 =	vmovc v49;
	v1 =	vmov v52;
	v5 =	vld.idx.msk [tilespmem:v57+s0+$0x0], $0xffff  }
.Ltmp7:
0x18e: {  	v23 =	vadd.f32 v45, v23;
	v15 =	vadd.f32 v28, v15;
	v4 =	vmov v55;
	v42 =	vld.idx.msk [tilespmem:v50+s0+$0x0], $0xffff;
	(pc) =	sbr.rel @p1 .LBB2_9-.Ltmp7, $4  }
0x18f: {  	v26 =	vadd.f32 v58, v26;
	v29 =	vmul.f32 v59, v4;
	v48 =	vmul.f32 v59, v60;
	v28 =	vld.idx.msk [tilespmem:v44+s0+$0x0], $0xffff  }
0x190: {  	v12 =	vadd.f32 v7, v12;
	v46 =	vmul.f32 v59, v2;
	v44 =	vmul.f32 v59, v1;
	v40 =	vld.idx.msk [tilespmem:v54+s0+$0x0], $0xffff  }
0x191: {  	v33 =	vadd.f32 v29, v33;
	v47 =	vmul.f32 v43, v4;
	v45 =	vmul.f32 v43, v60;
	v29 =	vld.idx.msk [tilespmem:v56+s0+$0x0], $0xffff  }
0x192: {  	v7 =	vmovc v60;
	v34 =	vadd.f32 v48, v34;
	v30 =	vadd.f32 v44, v30;
	v44 =	vmul.f32 v41, v4  }
0x193: {  	[tilespmem:s5+$0x12000] =	vst v33  }
0x194: {  	v57 =	vadd.f32 v46, v37;
	[tilespmem:s5+$0x12010] =	vst v34  }
0x195: {  	v24 =	vadd.f32 v47, v24;
	[tilespmem:s5+$0x12020] =	vst v30  }
0x196: {  	v58 =	vmul.f32 v43, v1;
	v35 =	vadd.f32 v45, v35;
	[tilespmem:s5+$0x12030] =	vst v57  }
0x197: {  	v59 =	vmul.f32 v43, v2;
	v22 =	vadd.f32 v44, v22;
	[tilespmem:s5+$0x12200] =	vst v24  }
0x198: {  	v61 =	vmul.f32 v42, v4;
	v60 =	vadd.f32 v58, v38;
	[tilespmem:s5+$0x12210] =	vst v35  }
0x199: {  	v63 =	vmul.f32 v42, v7;
	v62 =	vadd.f32 v59, v31;
	[tilespmem:s5+$0x12600] =	vst v22  }
0x19a: {  	v37 =	vmul.f32 v42, v1;
	v34 =	vadd.f32 v61, v39;
	[tilespmem:s5+$0x12220] =	vst v60  }
0x19b: {  	v45 =	vmul.f32 v41, v1;
	v30 =	vadd.f32 v63, v36;
	[tilespmem:s5+$0x12230] =	vst v62  }
0x19c: {  	v46 =	vmul.f32 v41, v2;
	v39 =	vadd.f32 v37, v27;
	[tilespmem:s5+$0x12400] =	vst v34  }
0x19d: {  	v53 =	vmul.f32 v28, v7;
	v19 =	vadd.f32 v45, v19;
	[tilespmem:s5+$0x12410] =	vst v30  }
0x19e: {  	v55 =	vmul.f32 v28, v2;
	v20 =	vadd.f32 v46, v20;
	[tilespmem:s5+$0x12420] =	vst v39  }
0x19f: {  	v38 =	vmul.f32 v42, v2;
	v13 =	vadd.f32 v53, v13;
	[tilespmem:s5+$0x12620] =	vst v19  }
0x1a0: {  	v42 =	vmul.f32 v41, v7;
	v14 =	vadd.f32 v55, v14;
	[tilespmem:s5+$0x12630] =	vst v20  }
0x1a1: {  	v47 =	vmul.f32 v40, v4;
	v43 =	vadd.f32 v38, v32;
	[tilespmem:s5+$0x12A10] =	vst v13  }
0x1a2: {  	v48 =	vmul.f32 v40, v7;
	v21 =	vadd.f32 v42, v21;
	[tilespmem:s5+$0x12A30] =	vst v14  }
0x1a3: {  	v51 =	vmul.f32 v40, v2;
	v50 =	vadd.f32 v47, v25;
	[tilespmem:s5+$0x12430] =	vst v43  }
0x1a4: {  	v52 =	vmul.f32 v28, v4;
	v17 =	vadd.f32 v48, v17;
	[tilespmem:s5+$0x12610] =	vst v21  }
0x1a5: {  	v61 =	vmul.f32 v5, v7;
	v16 =	vadd.f32 v51, v16;
	[tilespmem:s5+$0x12800] =	vst v50  }
0x1a6: {  	v56 =	vmul.f32 v29, v4;
	v20 =	vadd.f32 v52, v23;
	[tilespmem:s5+$0x12810] =	vst v17  }
0x1a7: {  	v57 =	vmul.f32 v29, v7;
	v63 =	vadd.f32 v61, v12;
	[tilespmem:s5+$0x12830] =	vst v16  }
0x1a8: {  	v58 =	vmul.f32 v29, v1;
	v10 =	vadd.f32 v56, v10;
	[tilespmem:s5+$0x12A00] =	vst v20  }
0x1a9: {  	v54 =	vmul.f32 v28, v1;
	v59 =	vmul.f32 v29, v2;
	v8 =	vadd.f32 v57, v8;
	[tilespmem:s5+$0x12E10] =	vst v63  }
0x1aa: {  	v49 =	vmul.f32 v40, v1;
	v1 =	vmul.f32 v5, v1;
	v13 =	vadd.f32 v58, v15;
	[tilespmem:s5+$0x12C00] =	vst v10  }
0x1ab: {  	v2 =	vmul.f32 v5, v2;
	v62 =	vadd.f32 v59, v11;
	[tilespmem:s5+$0x12C10] =	vst v8  }
0x1ac: {  	s3 =	sadd.s32 $0x1, s3;
	v1 =	vadd.f32 v1, v6;
	[tilespmem:s5+$0x12C20] =	vst v13  }
0x1ad: {  	p1 =	sne.s32 s3, $0x8;
	v2 =	vadd.f32 v2, v3;
	[tilespmem:s5+$0x12C30] =	vst v62  }
.Ltmp8:
0x1ae: {  	v60 =	vmul.f32 v5, v4;
	v21 =	vadd.f32 v49, v26;
	[tilespmem:s5+$0x12E20] =	vst v1;
	(pc) =	sbr.rel @p1 .LBB2_6-.Ltmp8, $4  }
0x1af: {  	v17 =	vadd.f32 v54, v18;
	[tilespmem:s5+$0x12E30] =	vst v2  }
0x1b0: {  	v4 =	vadd.f32 v60, v9;
	[tilespmem:s5+$0x12820] =	vst v21  }
0x1b1: {  	[tilespmem:s5+$0x12A20] =	vst v17  }
0x1b2: {  	s22 =	sadd.s32 $0x840, s22;
	s30 =	sadd.s32 $0x40, s30;
	s11 =	sadd.s32 $0x40, s11;
	[tilespmem:s5+$0x12E00] =	vst v4  }
0x1b3: {  	s5 =	simm.s32 $0x18350  }
0x1b4: {  	[tilespmem:s5], [sflag:$0x5] =	stream.linear.gather [hbm4b:s29+s2], $0x8, $0x38;
	[tilespmem:$0x18360] =	vst v63  }
0x1b5: {  	_ =	swait.ge [sflag:s19], $0x8  }
0x1b6: {  	[sflag:s19] =	ssyncset.done $0x0  }
0x1b7: {  	s7 =	simm.s32 $0x12000;
	s3 =	rddreg [dreg:$0x6];
	[sflag:s19] =	ssyncadd.s32 $0xFFFFFFF8  }
0x1b8: {  	[hbm4b:s3+s23] =	stream.indirect.scatter [tilespmem:s7], [sflag:$0x3], $0x200, s5, s23, $0xb8;
	[tilespmem:$0x18360] =	vst v63  }
0x1b9: {  	_ =	swait.ge [sflag:s20], $0x4000  }
0x1ba: {  	[sflag:s20] =	ssyncset.done $0x0  }
0x1bb: {  	[sflag:s20] =	ssyncadd.s32 $0xFFFFC000  }
0x1bc: {  	_ =	swait.ge [sflag:s20], $0x4000  }
0x1bd: {  	[sflag:s20] =	ssyncset.done $0x0  }
0x1be: {  	[sflag:s20] =	ssyncadd.s32 $0xFFFFC000  }
0x1bf: {  	_ =	swait.ge [sflag:s20], $0x1000  }
0x1c0: {  	[sflag:s20] =	ssyncset.done $0x0  }
0x1c1: {  	[sflag:s20] =	ssyncadd.s32 $0xFFFFF000  }
.LBB2_12:
0x1c2: {  	s29 =	sadd.s32 $0x1, s17  }
0x1c3: {  	s3 =	sadd.s32 $0x20, s18;
	p1 =	sge.u32 s29, s14  }
0x1c4: {  	s5 =	sshll.u32 @!p1 s3, $0x2  }
0x1c5: {  	s5 =	sand.u32 @!p1 $0x1FFFFFFC, s5  }
0x1c6: {  	s7 =	simm.s32 @!p1 $0x0;
	s8 =	simm.s32 @!p1 $0x18300;
	s5 =	sadd.s32 @!p1 s9, s5  }
0x1c7: {  	[tilespmem:s8], [sflag:$0x5] =	stream.linear.gather @!p1 [hbm4b:s5+s7], $0x20, $0x38;
	[tilespmem:$0x18360] =	vst v63  }
0x1c8: {  	s5 =	simm.s32 @!p1 $0x5  }
0x1c9: {  	_ =	swait.ge @!p1 [sflag:s5], $0x20  }
0x1ca: {  	[sflag:s5] =	ssyncset.done @!p1 $0x0  }
0x1cb: {  	s3 =	sadd.s32 @!p1 s10, s3;
	s11 =	simm.s32 @!p1 $0x18340;
	[sflag:s5] =	ssyncadd.s32 @!p1 $0xFFFFFFE0  }
0x1cc: {  	[tilespmem:s11], [sflag:$0x5] =	stream.linear.gather @!p1 [hbm4b:s3+s7], $0x8, $0x38;
	[tilespmem:$0x18360] =	vst v63  }
0x1cd: {  	_ =	swait.ge @!p1 [sflag:s5], $0x8  }
0x1ce: {  	[sflag:s5] =	ssyncset.done @!p1 $0x0  }
0x1cf: {  	s3 =	simm.s32 @!p1 $0x20;
	[sflag:s5] =	ssyncadd.s32 @!p1 $0xFFFFFFF8  }
0x1d0: {  	[tilespmem:s7], [sflag:$0x1] =	stream.indirect.gather @!p1 [hbm4b:s4+s3], $0x200, s8, s3, $0xb8;
	[tilespmem:$0x18360] =	vst v63  }
.Ltmp9:
0x1d1: {  	_ = 	snop;
	(pc) =	sbr.rel @p0 .LBB2_22-.Ltmp9, $4  }
0x1d2: {  	s5 =	simm.s32 @!p1 $0x8000  }
0x1d3: {  	[tilespmem:s5], [sflag:$0x1] =	stream.indirect.gather @!p1 [hbm4b:s6+s3], $0x200, s8, s3, $0xb8;
	[tilespmem:$0x18360] =	vst v63  }
0x1d4: {  	s3 =	simm.s32 @!p1 $0x8;
	s5 =	simm.s32 @!p1 $0x10000  }
0x1d5: {  	[tilespmem:s5], [sflag:$0x1] =	stream.indirect.gather @!p1 [hbm4b:s1+s3], $0x200, s11, s3, $0xb8;
	[tilespmem:$0x18360] =	vst v63  }
0x1d6: {  	p0 =	seq.s32 s17, $0x0  }
0x1d7: {  	s3 =	simm.s32 @!p0 $0x4  }
0x1d8: {  	_ =	swait.ge @!p0 [sflag:s3], $0x1000  }
0x1d9: {  	[sflag:s3] =	ssyncset.done @!p0 $0x0  }
0x1da: {  	s17 =	simm.s32 $0x0;
	[sflag:s3] =	ssyncadd.s32 @!p0 $0xFFFFF000;
	s3 =	simm.s32 $0x4100  }
0x1db: {  	s16 =	simm.s32 $0x1;
	s5 =	simm.s32 $0x0;
	v2 =	vadd.s32 s17, v0;
	v1 =	vld [tilespmem:s3+$0xFFFFFF00]  }
.LBB2_14:
0x1dc: {  	p0 =	sne.s32 s16, $0x1F;
	_ =	sdelay $0x2  }
0x1dd: {  	s22 =	simm.s32 $0x14100  }
0x1de: {  	s7 =	sadd.s32 $0x210, s5;
	[tilespmem:v2+s22+$0x0] =	vst.idx.msk $0xffff, v1  }
0x1df: {  	v2 =	vadd.s32 s7, v0;
	v1 =	vld [tilespmem:s3+$0xFFFFFF10];
	_ =	sdelay $0x4  }
0x1e0: {  	s7 =	sadd.s32 $0x420, s5;
	[tilespmem:v2+s22+$0x0] =	vst.idx.msk $0xffff, v1  }
0x1e1: {  	v2 =	vadd.s32 s7, v0;
	v1 =	vld [tilespmem:s3+$0xFFFFFF20];
	_ =	sdelay $0x4  }
0x1e2: {  	s7 =	sadd.s32 $0x630, s5;
	[tilespmem:v2+s22+$0x0] =	vst.idx.msk $0xffff, v1  }
0x1e3: {  	v2 =	vadd.s32 s7, v0;
	v1 =	vld [tilespmem:s3+$0xFFFFFF30];
	_ =	sdelay $0x4  }
0x1e4: {  	s7 =	sadd.s32 $0x840, s5;
	[tilespmem:v2+s22+$0x0] =	vst.idx.msk $0xffff, v1  }
0x1e5: {  	v2 =	vadd.s32 s7, v0;
	v1 =	vld [tilespmem:s3+$0xFFFFFF40];
	_ =	sdelay $0x4  }
0x1e6: {  	s7 =	sadd.s32 $0xA50, s5;
	[tilespmem:v2+s22+$0x0] =	vst.idx.msk $0xffff, v1  }
0x1e7: {  	v2 =	vadd.s32 s7, v0;
	v1 =	vld [tilespmem:s3+$0xFFFFFF50];
	_ =	sdelay $0x4  }
0x1e8: {  	s7 =	sadd.s32 $0xC60, s5;
	[tilespmem:v2+s22+$0x0] =	vst.idx.msk $0xffff, v1  }
0x1e9: {  	v2 =	vadd.s32 s7, v0;
	v1 =	vld [tilespmem:s3+$0xFFFFFF60];
	_ =	sdelay $0x4  }
0x1ea: {  	s7 =	sadd.s32 $0xE70, s5;
	[tilespmem:v2+s22+$0x0] =	vst.idx.msk $0xffff, v1  }
0x1eb: {  	v2 =	vadd.s32 s7, v0;
	v1 =	vld [tilespmem:s3+$0xFFFFFF70];
	_ =	sdelay $0x4  }
0x1ec: {  	s7 =	sadd.s32 $0x1080, s5;
	[tilespmem:v2+s22+$0x0] =	vst.idx.msk $0xffff, v1  }
0x1ed: {  	v2 =	vadd.s32 s7, v0;
	v1 =	vld [tilespmem:s3+$0xFFFFFF80];
	_ =	sdelay $0x4  }
0x1ee: {  	s7 =	sadd.s32 $0x1290, s5;
	[tilespmem:v2+s22+$0x0] =	vst.idx.msk $0xffff, v1  }
0x1ef: {  	v2 =	vadd.s32 s7, v0;
	v1 =	vld [tilespmem:s3+$0xFFFFFF90];
	_ =	sdelay $0x4  }
0x1f0: {  	s7 =	sadd.s32 $0x14A0, s5;
	[tilespmem:v2+s22+$0x0] =	vst.idx.msk $0xffff, v1  }
0x1f1: {  	v2 =	vadd.s32 s7, v0;
	v1 =	vld [tilespmem:s3+$0xFFFFFFA0];
	_ =	sdelay $0x4  }
0x1f2: {  	s7 =	sadd.s32 $0x16B0, s5;
	[tilespmem:v2+s22+$0x0] =	vst.idx.msk $0xffff, v1  }
0x1f3: {  	v2 =	vadd.s32 s7, v0;
	v1 =	vld [tilespmem:s3+$0xFFFFFFB0];
	_ =	sdelay $0x4  }
0x1f4: {  	s7 =	sadd.s32 $0x18C0, s5;
	[tilespmem:v2+s22+$0x0] =	vst.idx.msk $0xffff, v1  }
0x1f5: {  	v2 =	vadd.s32 s7, v0;
	v1 =	vld [tilespmem:s3+$0xFFFFFFC0];
	_ =	sdelay $0x4  }
0x1f6: {  	s7 =	sadd.s32 $0x1AD0, s5;
	[tilespmem:v2+s22+$0x0] =	vst.idx.msk $0xffff, v1  }
0x1f7: {  	v2 =	vadd.s32 s7, v0;
	v1 =	vld [tilespmem:s3+$0xFFFFFFD0];
	_ =	sdelay $0x4  }
0x1f8: {  	s7 =	sadd.s32 $0x1CE0, s5;
	[tilespmem:v2+s22+$0x0] =	vst.idx.msk $0xffff, v1  }
0x1f9: {  	v2 =	vadd.s32 s7, v0;
	v1 =	vld [tilespmem:s3+$0xFFFFFFE0];
	_ =	sdelay $0x4  }
0x1fa: {  	s7 =	sadd.s32 $0x1EF0, s5;
	[tilespmem:v2+s22+$0x0] =	vst.idx.msk $0xffff, v1  }
0x1fb: {  	v2 =	vadd.s32 s7, v0;
	v1 =	vld [tilespmem:s3+$0xFFFFFFF0];
	_ =	sdelay $0x4  }
0x1fc: {  	s7 =	sadd.s32 $0x2100, s5;
	[tilespmem:v2+s22+$0x0] =	vst.idx.msk $0xffff, v1  }
0x1fd: {  	v2 =	vadd.s32 s7, v0;
	v1 =	vld [tilespmem:s3+$0x0];
	_ =	sdelay $0x4  }
0x1fe: {  	s7 =	sadd.s32 $0x2310, s5;
	[tilespmem:v2+s22+$0x0] =	vst.idx.msk $0xffff, v1  }
0x1ff: {  	v2 =	vadd.s32 s7, v0;
	v1 =	vld [tilespmem:s3+$0x10];
	_ =	sdelay $0x4  }
0x200: {  	s7 =	sadd.s32 $0x2520, s5;
	[tilespmem:v2+s22+$0x0] =	vst.idx.msk $0xffff, v1  }
0x201: {  	v2 =	vadd.s32 s7, v0;
	v1 =	vld [tilespmem:s3+$0x20];
	_ =	sdelay $0x4  }
0x202: {  	s7 =	sadd.s32 $0x2730, s5;
	[tilespmem:v2+s22+$0x0] =	vst.idx.msk $0xffff, v1  }
0x203: {  	v2 =	vadd.s32 s7, v0;
	v1 =	vld [tilespmem:s3+$0x30];
	_ =	sdelay $0x4  }
0x204: {  	s7 =	sadd.s32 $0x2940, s5;
	[tilespmem:v2+s22+$0x0] =	vst.idx.msk $0xffff, v1  }
0x205: {  	v2 =	vadd.s32 s7, v0;
	v1 =	vld [tilespmem:s3+$0x40];
	_ =	sdelay $0x4  }
0x206: {  	s7 =	sadd.s32 $0x2B50, s5;
	[tilespmem:v2+s22+$0x0] =	vst.idx.msk $0xffff, v1  }
0x207: {  	v2 =	vadd.s32 s7, v0;
	v1 =	vld [tilespmem:s3+$0x50];
	_ =	sdelay $0x4  }
0x208: {  	s7 =	sadd.s32 $0x2D60, s5;
	[tilespmem:v2+s22+$0x0] =	vst.idx.msk $0xffff, v1  }
0x209: {  	v2 =	vadd.s32 s7, v0;
	v1 =	vld [tilespmem:s3+$0x60];
	_ =	sdelay $0x4  }
0x20a: {  	s7 =	sadd.s32 $0x2F70, s5;
	[tilespmem:v2+s22+$0x0] =	vst.idx.msk $0xffff, v1  }
0x20b: {  	v2 =	vadd.s32 s7, v0;
	v1 =	vld [tilespmem:s3+$0x70];
	_ =	sdelay $0x4  }
0x20c: {  	s7 =	sadd.s32 $0x3180, s5;
	[tilespmem:v2+s22+$0x0] =	vst.idx.msk $0xffff, v1  }
0x20d: {  	v2 =	vadd.s32 s7, v0;
	v1 =	vld [tilespmem:s3+$0x80];
	_ =	sdelay $0x4  }
0x20e: {  	s7 =	sadd.s32 $0x3390, s5;
	[tilespmem:v2+s22+$0x0] =	vst.idx.msk $0xffff, v1  }
0x20f: {  	v2 =	vadd.s32 s7, v0;
	v1 =	vld [tilespmem:s3+$0x90];
	_ =	sdelay $0x4  }
0x210: {  	s7 =	sadd.s32 $0x35A0, s5;
	[tilespmem:v2+s22+$0x0] =	vst.idx.msk $0xffff, v1  }
0x211: {  	v2 =	vadd.s32 s7, v0;
	v1 =	vld [tilespmem:s3+$0xA0];
	_ =	sdelay $0x4  }
0x212: {  	s7 =	sadd.s32 $0x37B0, s5;
	[tilespmem:v2+s22+$0x0] =	vst.idx.msk $0xffff, v1  }
0x213: {  	v2 =	vadd.s32 s7, v0;
	v1 =	vld [tilespmem:s3+$0xB0];
	_ =	sdelay $0x4  }
0x214: {  	s7 =	sadd.s32 $0x39C0, s5;
	[tilespmem:v2+s22+$0x0] =	vst.idx.msk $0xffff, v1  }
0x215: {  	v2 =	vadd.s32 s7, v0;
	v1 =	vld [tilespmem:s3+$0xC0];
	_ =	sdelay $0x4  }
0x216: {  	s7 =	sadd.s32 $0x3BD0, s5;
	[tilespmem:v2+s22+$0x0] =	vst.idx.msk $0xffff, v1  }
0x217: {  	v2 =	vadd.s32 s7, v0;
	v1 =	vld [tilespmem:s3+$0xD0];
	_ =	sdelay $0x4  }
0x218: {  	s7 =	sadd.s32 $0x3DE0, s5;
	[tilespmem:v2+s22+$0x0] =	vst.idx.msk $0xffff, v1  }
0x219: {  	v2 =	vadd.s32 s7, v0;
	v1 =	vld [tilespmem:s3+$0xE0];
	_ =	sdelay $0x4  }
0x21a: {  	s7 =	sadd.s32 $0x3FF0, s5;
	s5 =	smov.u32 s16;
	[tilespmem:v2+s22+$0x0] =	vst.idx.msk $0xffff, v1  }
0x21b: {  	v2 =	vadd.s32 s7, v0;
	v1 =	vld [tilespmem:s3+$0xF0];
	_ =	sdelay $0x1  }
.Ltmp10:
0x21c: {  	(pc) =	sbr.rel @p0 .LBB2_14-.Ltmp10, $3  }
0x21d: {  	_ =	sdelay $0x1  }
0x21e: {  	s3 =	sadd.s32 $0x200, s3;
	[tilespmem:v2+s22+$0x0] =	vst.idx.msk $0xffff, v1  }
0x21f: {  	s16 =	sadd.s32 $0x1, s16;
	v2 =	vadd.s32 s5, v0;
	v1 =	vld [tilespmem:s3+$0xFFFFFF00]  }
0x220: {  	_ =	sdelay $0x3  }
0x221: {  	s7 =	sadd.s32 $0x210, s5;
	[tilespmem:v2+s22+$0x0] =	vst.idx.msk $0xffff, v1  }
0x222: {  	v2 =	vadd.s32 s7, v0;
	v1 =	vld [tilespmem:s3+$0xFFFFFF10];
	_ =	sdelay $0x4  }
0x223: {  	s28 =	sadd.s32 $0x420, s5;
	[tilespmem:v2+s22+$0x0] =	vst.idx.msk $0xffff, v1  }
0x224: {  	v2 =	vadd.s32 s28, v0;
	v1 =	vld [tilespmem:s3+$0xFFFFFF20];
	_ =	sdelay $0x4  }
0x225: {  	s30 =	sadd.s32 $0x630, s5;
	[tilespmem:v2+s22+$0x0] =	vst.idx.msk $0xffff, v1  }
0x226: {  	v2 =	vadd.s32 s30, v0;
	v1 =	vld [tilespmem:s3+$0xFFFFFF30];
	_ =	sdelay $0x4  }
0x227: {  	s8 =	sadd.s32 $0x840, s5;
	[tilespmem:v2+s22+$0x0] =	vst.idx.msk $0xffff, v1  }
0x228: {  	v2 =	vadd.s32 s8, v0;
	v1 =	vld [tilespmem:s3+$0xFFFFFF40];
	_ =	sdelay $0x4  }
0x229: {  	s11 =	sadd.s32 $0xA50, s5;
	[tilespmem:v2+s22+$0x0] =	vst.idx.msk $0xffff, v1  }
0x22a: {  	v2 =	vadd.s32 s11, v0;
	v1 =	vld [tilespmem:s3+$0xFFFFFF50];
	_ =	sdelay $0x4  }
0x22b: {  	s12 =	sadd.s32 $0xC60, s5;
	[tilespmem:v2+s22+$0x0] =	vst.idx.msk $0xffff, v1  }
0x22c: {  	v2 =	vadd.s32 s12, v0;
	v1 =	vld [tilespmem:s3+$0xFFFFFF60];
	_ =	sdelay $0x4  }
0x22d: {  	s15 =	sadd.s32 $0xE70, s5;
	[tilespmem:v2+s22+$0x0] =	vst.idx.msk $0xffff, v1  }
0x22e: {  	v2 =	vadd.s32 s15, v0;
	v1 =	vld [tilespmem:s3+$0xFFFFFF70];
	_ =	sdelay $0x4  }
0x22f: {  	s16 =	sadd.s32 $0x1080, s5;
	[tilespmem:v2+s22+$0x0] =	vst.idx.msk $0xffff, v1  }
0x230: {  	v2 =	vadd.s32 s16, v0;
	v1 =	vld [tilespmem:s3+$0xFFFFFF80];
	_ =	sdelay $0x4  }
0x231: {  	s28 =	sadd.s32 $0x1290, s5;
	[tilespmem:v2+s22+$0x0] =	vst.idx.msk $0xffff, v1  }
0x232: {  	v2 =	vadd.s32 s28, v0;
	v1 =	vld [tilespmem:s3+$0xFFFFFF90];
	_ =	sdelay $0x4  }
0x233: {  	s30 =	sadd.s32 $0x14A0, s5;
	[tilespmem:v2+s22+$0x0] =	vst.idx.msk $0xffff, v1  }
0x234: {  	v2 =	vadd.s32 s30, v0;
	v1 =	vld [tilespmem:s3+$0xFFFFFFA0];
	_ =	sdelay $0x4  }
0x235: {  	s8 =	sadd.s32 $0x16B0, s5;
	[tilespmem:v2+s22+$0x0] =	vst.idx.msk $0xffff, v1  }
0x236: {  	v2 =	vadd.s32 s8, v0;
	v1 =	vld [tilespmem:s3+$0xFFFFFFB0];
	_ =	sdelay $0x4  }
0x237: {  	s11 =	sadd.s32 $0x18C0, s5;
	[tilespmem:v2+s22+$0x0] =	vst.idx.msk $0xffff, v1  }
0x238: {  	v2 =	vadd.s32 s11, v0;
	v1 =	vld [tilespmem:s3+$0xFFFFFFC0];
	_ =	sdelay $0x4  }
0x239: {  	s12 =	sadd.s32 $0x1AD0, s5;
	[tilespmem:v2+s22+$0x0] =	vst.idx.msk $0xffff, v1  }
0x23a: {  	v2 =	vadd.s32 s12, v0;
	v1 =	vld [tilespmem:s3+$0xFFFFFFD0];
	_ =	sdelay $0x4  }
0x23b: {  	s15 =	sadd.s32 $0x1CE0, s5;
	[tilespmem:v2+s22+$0x0] =	vst.idx.msk $0xffff, v1  }
0x23c: {  	v2 =	vadd.s32 s15, v0;
	v1 =	vld [tilespmem:s3+$0xFFFFFFE0];
	_ =	sdelay $0x4  }
0x23d: {  	s16 =	sadd.s32 $0x1EF0, s5;
	[tilespmem:v2+s22+$0x0] =	vst.idx.msk $0xffff, v1  }
0x23e: {  	v2 =	vadd.s32 s16, v0;
	v1 =	vld [tilespmem:s3+$0xFFFFFFF0];
	_ =	sdelay $0x4  }
0x23f: {  	s28 =	sadd.s32 $0x2100, s5;
	[tilespmem:v2+s22+$0x0] =	vst.idx.msk $0xffff, v1  }
0x240: {  	v2 =	vadd.s32 s28, v0;
	v1 =	vld [tilespmem:s3+$0x0];
	_ =	sdelay $0x4  }
0x241: {  	s30 =	sadd.s32 $0x2310, s5;
	[tilespmem:v2+s22+$0x0] =	vst.idx.msk $0xffff, v1  }
0x242: {  	v2 =	vadd.s32 s30, v0;
	v1 =	vld [tilespmem:s3+$0x10];
	_ =	sdelay $0x4  }
0x243: {  	s8 =	sadd.s32 $0x2520, s5;
	[tilespmem:v2+s22+$0x0] =	vst.idx.msk $0xffff, v1  }
0x244: {  	v2 =	vadd.s32 s8, v0;
	v1 =	vld [tilespmem:s3+$0x20];
	_ =	sdelay $0x4  }
0x245: {  	s11 =	sadd.s32 $0x2730, s5;
	[tilespmem:v2+s22+$0x0] =	vst.idx.msk $0xffff, v1  }
0x246: {  	v2 =	vadd.s32 s11, v0;
	v1 =	vld [tilespmem:s3+$0x30];
	_ =	sdelay $0x4  }
0x247: {  	s12 =	sadd.s32 $0x2940, s5;
	[tilespmem:v2+s22+$0x0] =	vst.idx.msk $0xffff, v1  }
0x248: {  	v2 =	vadd.s32 s12, v0;
	v1 =	vld [tilespmem:s3+$0x40];
	_ =	sdelay $0x4  }
0x249: {  	s15 =	sadd.s32 $0x2B50, s5;
	[tilespmem:v2+s22+$0x0] =	vst.idx.msk $0xffff, v1  }
0x24a: {  	v2 =	vadd.s32 s15, v0;
	v1 =	vld [tilespmem:s3+$0x50];
	_ =	sdelay $0x4  }
0x24b: {  	s16 =	sadd.s32 $0x2D60, s5;
	[tilespmem:v2+s22+$0x0] =	vst.idx.msk $0xffff, v1  }
0x24c: {  	v2 =	vadd.s32 s16, v0;
	v1 =	vld [tilespmem:s3+$0x60];
	_ =	sdelay $0x4  }
0x24d: {  	s28 =	sadd.s32 $0x2F70, s5;
	[tilespmem:v2+s22+$0x0] =	vst.idx.msk $0xffff, v1  }
0x24e: {  	v2 =	vadd.s32 s28, v0;
	v1 =	vld [tilespmem:s3+$0x70];
	_ =	sdelay $0x4  }
0x24f: {  	s30 =	sadd.s32 $0x3180, s5;
	[tilespmem:v2+s22+$0x0] =	vst.idx.msk $0xffff, v1  }
0x250: {  	v2 =	vadd.s32 s30, v0;
	v1 =	vld [tilespmem:s3+$0x80];
	_ =	sdelay $0x4  }
0x251: {  	s8 =	sadd.s32 $0x3390, s5;
	[tilespmem:v2+s22+$0x0] =	vst.idx.msk $0xffff, v1  }
0x252: {  	v2 =	vadd.s32 s8, v0;
	v1 =	vld [tilespmem:s3+$0x90];
	_ =	sdelay $0x4  }
0x253: {  	s11 =	sadd.s32 $0x35A0, s5;
	[tilespmem:v2+s22+$0x0] =	vst.idx.msk $0xffff, v1  }
0x254: {  	v2 =	vadd.s32 s11, v0;
	v1 =	vld [tilespmem:s3+$0xA0];
	_ =	sdelay $0x4  }
0x255: {  	s12 =	sadd.s32 $0x37B0, s5;
	[tilespmem:v2+s22+$0x0] =	vst.idx.msk $0xffff, v1  }
0x256: {  	v2 =	vadd.s32 s12, v0;
	v1 =	vld [tilespmem:s3+$0xB0];
	_ =	sdelay $0x4  }
0x257: {  	s15 =	sadd.s32 $0x39C0, s5;
	[tilespmem:v2+s22+$0x0] =	vst.idx.msk $0xffff, v1  }
0x258: {  	v2 =	vadd.s32 s15, v0;
	v1 =	vld [tilespmem:s3+$0xC0];
	_ =	sdelay $0x4  }
0x259: {  	s16 =	sadd.s32 $0x3BD0, s5;
	[tilespmem:v2+s22+$0x0] =	vst.idx.msk $0xffff, v1  }
0x25a: {  	v2 =	vadd.s32 s16, v0;
	v1 =	vld [tilespmem:s3+$0xD0];
	_ =	sdelay $0x4  }
0x25b: {  	s28 =	sadd.s32 $0x3DE0, s5;
	[tilespmem:v2+s22+$0x0] =	vst.idx.msk $0xffff, v1  }
0x25c: {  	v2 =	vadd.s32 s28, v0;
	v1 =	vld [tilespmem:s3+$0xE0];
	_ =	sdelay $0x4  }
0x25d: {  	s30 =	sadd.s32 $0x3FF0, s5;
	[tilespmem:v2+s22+$0x0] =	vst.idx.msk $0xffff, v1  }
0x25e: {  	v2 =	vadd.s32 s30, v0;
	v1 =	vld [tilespmem:s3+$0xF0];
	_ =	sdelay $0x4  }
0x25f: {  	s16 =	simm.s32 $0xC020;
	s3 =	simm.s32 $0x0;
	[tilespmem:v2+s22+$0x0] =	vst.idx.msk $0xffff, v1  }
.LBB2_16:
0x260: {  	v1 =	vmov s17  }
0x261: {  	v10 =	vmov s22;
	s8 =	smul.u32 $0x840, s3;
	v2 =	vand.u32 $0x1FF, v1  }
0x262: {  	v5 =	vor.u32 $0x200, v2  }
0x263: {  	s5 =	sand.u32 $0x7FFFFFFF, s8;
	v6 =	vor.u32 $0x600, v2  }
0x264: {  	v7 =	vor.u32 $0xA00, v2;
	v4 =	vld [tilespmem:s5+$0x14110]  }
0x265: {  	s7 =	simm.s32 $0x0;
	v9 =	vor.u32 $0xC00, v2;
	v1 =	vld.idx.msk [tilespmem:v1+s31+$0x0], $0xffff  }
0x266: {  	v21 =	vimm.f32 $0.0e+00;
	v22 =	vimm.f32 $0.0e+00;
	v12 =	vor.u32 $0x400, v2;
	v3 =	vld.idx.msk [tilespmem:v10+s7+$0x0 ss:$0x1], $0xffff  }
0x267: {  	v20 =	vimm.f32 $0.0e+00;
	v19 =	vimm.f32 $0.0e+00;
	v14 =	vor.u32 $0xE00, v2;
	v5 =	vld.idx.msk [tilespmem:v5+s31+$0x0], $0xffff  }
0x268: {  	s11 =	sadd.s32 $0x1, s17;
	v18 =	vimm.f32 $0.0e+00;
	v17 =	vimm.f32 $0.0e+00;
	v8 =	vor.u32 $0x800, v2;
	v23 =	vld.idx.msk [tilespmem:v6+s31+$0x0], $0xffff  }
0x269: {  	v15 =	vimm.f32 $0.0e+00;
	v13 =	vimm.f32 $0.0e+00;
	v27 =	vmov s11;
	v16 =	vld.idx.msk [tilespmem:v7+s31+$0x0], $0xffff  }
0x26a: {  	v2 =	vimm.f32 $0.0e+00;
	v24 =	vld.idx.msk [tilespmem:v9+s31+$0x0], $0xffff;
	v7 =	vimm.f32 $0.0e+00;
	v11 =	vmul.f32 v1, v4  }
0x26b: {  	v25 =	vld.idx.msk [tilespmem:v12+s31+$0x0], $0xffff;
	v9 =	vimm.f32 $0.0e+00;
	v12 =	vimm.f32 $0.0e+00;
	v29 =	vmul.f32 v1, v3  }
0x26c: {  	v14 =	vld.idx.msk [tilespmem:v14+s31+$0x0], $0xffff;
	v1 =	vimm.f32 $0.0e+00;
	v6 =	vadd.f32 v11, v21;
	v28 =	vmul.f32 v5, v3  }
0x26d: {  	s12 =	simm.s32 $0x84;
	s28 =	simm.s32 $0x108;
	s5 =	sshll.u32 s3, $0x6;
	v26 =	vmul.f32 v5, v4;
	v11 =	vld.idx.msk [tilespmem:v8+s31+$0x0], $0xffff;
	v8 =	vimm.f32 $0.0e+00;
	v5 =	vimm.f32 $0.0e+00  }
.LBB2_17:
0x26e: {  	p0 =	sne.s32 s28, $0x207C  }
0x26f: {  	v30 =	vand.u32 $0x1FF, v27;
	s8 =	sadd.s32 $0x21, s8;
	v21 =	vadd.f32 v29, v21;
	v29 =	vmul.f32 v23, v3;
	v31 =	vmovc v23;
	s7 =	smov.u32 s28;
	s28 =	sadd.s32 $0x84, s28  }
0x270: {  	v33 =	vmul.f32 v16, v3;
	v23 =	vor.u32 $0x200, v30;
	v32 =	vor.u32 $0x400, v30  }
0x271: {  	v34 =	vor.u32 $0x600, v30;
	v35 =	vor.u32 $0x800, v30;
	v22 =	vadd.f32 v28, v22  }
0x272: {  	s15 =	sshra.s32 s12, $0x2;
	v28 =	vor.u32 $0xA00, v30;
	v36 =	vor.u32 $0xC00, v30;
	v20 =	vadd.f32 v26, v20;
	s12 =	smov.u32 s7  }
0x273: {  	s7 =	sand.u32 $0x7FFFFFFF, s8;
	v19 =	vadd.f32 v29, v19;
	v29 =	vmul.f32 v24, v4;
	v26 =	vld.idx.msk [tilespmem:v27+s31+$0x0], $0xffff;
	v27 =	vmul.f32 v25, v3  }
0x274: {  	v30 =	vor.u32 $0xE00, v30;
	v24 =	vmul.f32 v24, v3;
	v38 =	vmul.f32 v14, v4;
	v37 =	vld [tilespmem:s7+$0x14110]  }
0x275: {  	v18 =	vadd.f32 v33, v18;
	v40 =	vmul.f32 v25, v4;
	v17 =	vadd.f32 v29, v17;
	v39 =	vld.idx.msk [tilespmem:v10+s15+$0x0 ss:$0x1], $0xffff  }
0x276: {  	v25 =	vmul.f32 v11, v3;
	v29 =	vmul.f32 v16, v4;
	v15 =	vadd.f32 v24, v15;
	v33 =	vld.idx.msk [tilespmem:v23+s31+$0x0], $0xffff  }
0x277: {  	v24 =	vmul.f32 v11, v4;
	v3 =	vmul.f32 v14, v3;
	v13 =	vadd.f32 v27, v13;
	v23 =	vld.idx.msk [tilespmem:v34+s31+$0x0], $0xffff  }
.Ltmp11:
0x278: {  	v27 =	vmul.f32 v31, v4;
	v8 =	vadd.f32 v25, v8;
	v7 =	vadd.f32 v29, v7;
	v16 =	vld.idx.msk [tilespmem:v28+s31+$0x0], $0xffff;
	(pc) =	sbr.rel @p0 .LBB2_17-.Ltmp11, $4  }
0x279: {  	v5 =	vadd.f32 v24, v5;
	v2 =	vadd.f32 v3, v2;
	v14 =	vmul.f32 v26, v37;
	v11 =	vld.idx.msk [tilespmem:v35+s31+$0x0], $0xffff  }
0x27a: {  	v1 =	vadd.f32 v38, v1;
	v9 =	vadd.f32 v27, v9;
	v4 =	vmov v37;
	v24 =	vld.idx.msk [tilespmem:v36+s31+$0x0], $0xffff  }
0x27b: {  	s11 =	sadd.s32 $0x1, s11;
	v12 =	vadd.f32 v40, v12;
	v29 =	vmul.f32 v26, v39;
	v6 =	vadd.f32 v14, v6;
	v25 =	vld.idx.msk [tilespmem:v32+s31+$0x0], $0xffff  }
0x27c: {  	v27 =	vmov s11;
	v3 =	vmovc v39;
	v28 =	vmul.f32 v33, v39;
	v26 =	vmul.f32 v33, v4;
	v14 =	vld.idx.msk [tilespmem:v30+s31+$0x0], $0xffff  }
0x27d: {  	_ = 	snop  }
0x27e: {  	v30 =	vand.u32 $0x1FF, v27  }
0x27f: {  	v31 =	vor.u32 $0x200, v30;
	_ =	sdelay $0x1  }
0x280: {  	s7 =	sadd.s32 $0x21, s8;
	v21 =	vadd.f32 v29, v21;
	s12 =	sshra.s32 s12, $0x2;
	v27 =	vld.idx.msk [tilespmem:v27+s31+$0x0], $0xffff;
	v29 =	vmul.f32 v23, v3;
	v33 =	vmul.f32 v16, v3  }
0x281: {  	v16 =	vmul.f32 v16, v4;
	v32 =	vor.u32 $0x400, v30;
	s7 =	sand.u32 $0x7FFFFFFF, s7;
	v10 =	vld.idx.msk [tilespmem:v10+s12+$0x0 ss:$0x1], $0xffff;
	v34 =	vor.u32 $0x600, v30  }
0x282: {  	v35 =	vor.u32 $0x800, v30;
	v22 =	vadd.f32 v28, v22;
	v36 =	vor.u32 $0xA00, v30;
	v28 =	vld [tilespmem:s7+$0x14110]  }
0x283: {  	v37 =	vor.u32 $0xC00, v30;
	v62 =	vmul.f32 v11, v3;
	v11 =	vmul.f32 v11, v4;
	v31 =	vld.idx.msk [tilespmem:v31+s31+$0x0], $0xffff  }
0x284: {  	v20 =	vadd.f32 v26, v20;
	v26 =	vmul.f32 v24, v4;
	v24 =	vmul.f32 v24, v3  }
0x285: {  	v19 =	vadd.f32 v29, v19;
	v18 =	vadd.f32 v33, v18;
	v38 =	vmul.f32 v25, v3  }
0x286: {  	v7 =	vadd.f32 v16, v7;
	v25 =	vmul.f32 v25, v4;
	v39 =	vmul.f32 v27, v10;
	v32 =	vld.idx.msk [tilespmem:v32+s31+$0x0], $0xffff  }
0x287: {  	v17 =	vadd.f32 v26, v17;
	v15 =	vadd.f32 v24, v15;
	v24 =	vld.idx.msk [tilespmem:v34+s31+$0x0], $0xffff;
	v26 =	vmul.f32 v27, v28  }
0x288: {  	v29 =	vmul.f32 v14, v4;
	v21 =	vadd.f32 v39, v21;
	v27 =	vmul.f32 v31, v10  }
0x289: {  	v4 =	vmul.f32 v23, v4;
	v6 =	vadd.f32 v26, v6;
	v26 =	vmul.f32 v31, v28  }
0x28a: {  	v30 =	vor.u32 $0xE00, v30;
	v13 =	vadd.f32 v38, v13;
	(xrf0) =	vmax.scan.msk.f32 $0xffff, v21;
	v31 =	vld.idx.msk [tilespmem:v35+s31+$0x0], $0xffff;
	v22 =	vadd.f32 v27, v22  }
0x28b: {  	v12 =	vadd.f32 v25, v12;
	v23 =	vmul.f32 v32, v10;
	(xrf0) =	vmax.scan.msk.f32 $0xffff, v6;
	v20 =	vadd.f32 v26, v20  }
0x28c: {  	v4 =	vadd.f32 v4, v9;
	v25 =	vmul.f32 v32, v28;
	v9 =	vmul.f32 v24, v28;
	(xrf0) =	vmax.scan.msk.f32 $0xffff, v22  }
0x28d: {  	v63 =	vld.idx.msk [tilespmem:v36+s31+$0x0], $0xffff;
	v16 =	vmul.f32 v24, v10;
	v13 =	vadd.f32 v23, v13;
	(xrf0) =	vmax.scan.msk.f32 $0xffff, v20  }
0x28e: {  	v8 =	vadd.f32 v62, v8;
	v12 =	vadd.f32 v25, v12  }
0x28f: {  	v23 =	vld.idx.msk [tilespmem:v37+s31+$0x0], $0xffff;
	v16 =	vadd.f32 v16, v19;
	v19 =	vmul.f32 v31, v10;
	(xrf0) =	vmax.scan.msk.f32 $0xffff, v13  }
0x290: {  	v5 =	vadd.f32 v11, v5;
	v4 =	vadd.f32 v9, v4;
	v11 =	vmul.f32 v31, v28;
	v9, _, _ =	vpop (xrf0);
	(xrf0) =	vmax.scan.msk.f32 $0xffff, v12  }
0x291: {  	v3 =	vmul.f32 v14, v3;
	v14 =	vld.idx.msk [tilespmem:v30+s31+$0x0], $0xffff;
	(v2sf) =	vpush v9, $0xF;
	v9, _, _ =	vpop (xrf0);
	v8 =	vadd.f32 v19, v8;
	(xrf0) =	vmax.scan.msk.f32 $0xffff, v16  }
0x292: {  	v19 =	vmul.f32 v63, v10;
	v5 =	vadd.f32 v11, v5;
	(v2sf) =	vpush v9, $0xF;
	v9, _, _ =	vpop (xrf0);
	(xrf0) =	vmax.scan.msk.f32 $0xffff, v4  }
0x293: {  	v2 =	vadd.f32 v3, v2;
	v3 =	vmul.f32 v63, v28;
	(v2sf) =	vpush v9, $0xF;
	v9, _, _ =	vpop (xrf0);
	(xrf0) =	vmax.scan.msk.f32 $0xffff, v8  }
0x294: {  	v11 =	vmul.f32 v23, v10;
	v18 =	vadd.f32 v19, v18;
	(v2sf) =	vpush v9, $0xF;
	(xrf0) =	vmax.scan.msk.f32 $0xffff, v5  }
0x295: {  	v1 =	vadd.f32 v29, v1;
	v3 =	vadd.f32 v3, v7;
	v9 =	vmul.f32 v23, v28;
	v7, _, _ =	vpop (xrf0)  }
0x296: {  	v10 =	vmul.f32 v14, v10;
	v11 =	vadd.f32 v11, v15;
	(v2sf) =	vpush v7, $0xF;
	v7, _, _ =	vpop (xrf0);
	(xrf0) =	vmax.scan.msk.f32 $0xffff, v18  }
0x297: {  	v14 =	vmul.f32 v14, v28;
	v9 =	vadd.f32 v9, v17;
	(v2sf) =	vpush v7, $0xF;
	v7, _, _ =	vpop (xrf0);
	(xrf0) =	vmax.scan.msk.f32 $0xffff, v3  }
0x298: {  	v2 =	vadd.f32 v10, v2;
	(v2sf) =	vpush v7, $0xF;
	v7, _, _ =	vpop (xrf0);
	(xrf0) =	vmax.scan.msk.f32 $0xffff, v11  }
0x299: {  	v1 =	vadd.f32 v14, v1;
	(v2sf) =	vpush v7, $0xF;
	v7, _, _ =	vpop (xrf0);
	(xrf0) =	vmax.scan.msk.f32 $0xffff, v9  }
0x29a: {  	(v2sf) =	vpush v7, $0xF;
	v7, _, _ =	vpop (xrf0);
	(xrf0) =	vmax.scan.msk.f32 $0xffff, v2  }
0x29b: {  	(v2sf) =	vpush v7, $0xF;
	(xrf0) =	vmax.scan.msk.f32 $0xffff, v1  }
0x29c: {  	v7, _, _ =	vpop (xrf0)  }
0x29d: {  	v10, _, _ =	vpop (xrf0);
	(v2sf) =	vpush v7, $0xF  }
0x29e: {  	(v2sf) =	vpush v10, $0xF;
	v7, _, _ =	vpop (xrf0)  }
0x29f: {  	v10, _, _ =	vpop (xrf0);
	(v2sf) =	vpush v7, $0xF  }
0x2a0: {  	s15 =	spop (v2sf);
	v7, _, _ =	vpop (xrf0);
	(v2sf) =	vpush v10, $0xF  }
0x2a1: {  	s28 =	spop (v2sf);
	(v2sf) =	vpush v7, $0xF;
	v7, _, _ =	vpop (xrf0)  }
0x2a2: {  	s7 =	smax.f32 s15, s28;
	s30 =	spop (v2sf);
	(v2sf) =	vpush v7, $0xF  }
0x2a3: {  	v7 =	vmov s7;
	s11 =	spop (v2sf)  }
0x2a4: {  	v10 =	vsub.f32 v21, v7;
	s11 =	smax.f32 s30, s11  }
0x2a5: {  	v6 =	vsub.f32 v6, v7;
	s12 =	spop (v2sf);
	v7 =	vmov s11  }
0x2a6: {  	s15 =	spop (v2sf);
	v10 =	vmul.f32 $1.442695020e+00, v10;
	v14 =	vsub.f32 v22, v7  }
0x2a7: {  	v6 =	vmul.f32 $1.442695020e+00, v6;
	s7 =	smax.f32 s12, s15;
	s28 =	spop (v2sf);
	v7 =	vsub.f32 v20, v7  }
0x2a8: {  	(erf) = vpow2.f32 v10;
	s30 =	spop (v2sf);
	v10 =	vmul.f32 $1.442695020e+00, v14;
	v14 =	vmov s7  }
0x2a9: {  	(erf) = vpow2.f32 v6;
	v6 =	vmul.f32 $1.442695020e+00, v7;
	s8 =	smax.f32 s28, s30;
	s11 =	spop (v2sf);
	v7 =	vsub.f32 v13, v14  }
0x2aa: {  	s12 =	spop (v2sf);
	(erf) = vpow2.f32 v10;
	v10 =	vsub.f32 v12, v14;
	v12 =	vmov s8  }
0x2ab: {  	s15 =	smax.f32 s11, s12;
	(erf) = vpow2.f32 v6;
	v6 =	vmul.f32 $1.442695020e+00, v7;
	v7 =	vsub.f32 v16, v12  }
0x2ac: {  	s28 =	spop (v2sf);
	v4 =	vsub.f32 v4, v12;
	v10 =	vmul.f32 $1.442695020e+00, v10;
	v12 =	vmov s15  }
0x2ad: {  	s30 =	spop (v2sf);
	(erf) = vpow2.f32 v6;
	v6 =	vmul.f32 $1.442695020e+00, v7;
	v7 =	vsub.f32 v8, v12  }
0x2ae: {  	s7 =	smax.f32 s28, s30;
	v4 =	vmul.f32 $1.442695020e+00, v4;
	v5 =	vsub.f32 v5, v12;
	s11 =	spop (v2sf);
	(erf) = vpow2.f32 v10  }
0x2af: {  	s12 =	spop (v2sf);
	(erf) = vpow2.f32 v6;
	v6 =	vmul.f32 $1.442695020e+00, v7;
	v7 =	vmov s7  }
0x2b0: {  	s15 =	smax.f32 s11, s12;
	s28 =	spop (v2sf);
	(erf) = vpow2.f32 v4;
	v4 =	vmul.f32 $1.442695020e+00, v5;
	v5 =	vsub.f32 v18, v7  }
0x2b1: {  	v3 =	vsub.f32 v3, v7;
	s30 =	spop (v2sf);
	(erf) = vpow2.f32 v6;
	v6 =	vmov s15  }
0x2b2: {  	s8 =	smax.f32 s28, s30;
	(erf) = vpow2.f32 v4;
	v4 =	vmul.f32 $1.442695020e+00, v5;
	v5 =	vsub.f32 v11, v6  }
0x2b3: {  	v7 =	vpop (erf);
	v3 =	vmul.f32 $1.442695020e+00, v3;
	v6 =	vsub.f32 v9, v6;
	v8 =	vmov s8  }
0x2b4: {  	(xrf2) =	vadd.scan.msk.f32 $0xffff, v7;
	(erf) = vpow2.f32 v4;
	v4 =	vmul.f32 $1.442695020e+00, v5;
	v2 =	vsub.f32 v2, v8  }
0x2b5: {  	v9 =	vpop (erf);
	v1 =	vsub.f32 v1, v8;
	(erf) = vpow2.f32 v3;
	v3 =	vmul.f32 $1.442695020e+00, v6  }
0x2b6: {  	(xrf2) =	vadd.scan.msk.f32 $0xffff, v9;
	v5 =	vpop (erf);
	v2 =	vmul.f32 $1.442695020e+00, v2  }
0x2b7: {  	v1 =	vmul.f32 $1.442695020e+00, v1;
	v6 =	vpop (erf)  }
0x2b8: {  	(erf) = vpow2.f32 v4;
	v4 =	vpop (erf)  }
0x2b9: {  	(erf) = vpow2.f32 v3;
	v3 =	vpop (erf)  }
0x2ba: {  	(xrf2) =	vadd.scan.msk.f32 $0xffff, v5;
	(erf) = vpow2.f32 v2;
	v2 =	vpop (erf)  }
0x2bb: {  	(erf) = vpow2.f32 v1;
	v1 =	vpop (erf)  }
0x2bc: {  	(xrf2) =	vadd.scan.msk.f32 $0xffff, v6;
	v8 =	vpop (erf)  }
0x2bd: {  	v10 =	vpop (erf)  }
0x2be: {  	(xrf2) =	vadd.scan.msk.f32 $0xffff, v4;
	v17, _, _ =	vpop (xrf2)  }
0x2bf: {  	(xrf2) =	vadd.scan.msk.f32 $0xffff, v3;
	v11 =	vpop (erf)  }
0x2c0: {  	(xrf2) =	vadd.scan.msk.f32 $0xffff, v2;
	(v2sf) =	vpush v17, $0xF;
	v17, _, _ =	vpop (xrf2)  }
0x2c1: {  	(xrf2) =	vadd.scan.msk.f32 $0xffff, v1;
	v12 =	vpop (erf)  }
0x2c2: {  	(xrf2) =	vadd.scan.msk.f32 $0xffff, v8;
	v13 =	vpop (erf)  }
0x2c3: {  	(xrf2) =	vadd.scan.msk.f32 $0xffff, v10;
	v14 =	vpop (erf)  }
0x2c4: {  	(v2sf) =	vpush v17, $0xF;
	v17, _, _ =	vpop (xrf2)  }
0x2c5: {  	(xrf2) =	vadd.scan.msk.f32 $0xffff, v11;
	v15 =	vpop (erf)  }
0x2c6: {  	(xrf2) =	vadd.scan.msk.f32 $0xffff, v12;
	(v2sf) =	vpush v17, $0xF;
	v17, _, _ =	vpop (xrf2)  }
0x2c7: {  	v16 =	vpop (erf)  }
0x2c8: {  	(v2sf) =	vpush v17, $0xF;
	v17, _, _ =	vpop (xrf2)  }
0x2c9: {  	(xrf2) =	vadd.scan.msk.f32 $0xffff, v13;
	(v2sf) =	vpush v17, $0xF;
	v17, _, _ =	vpop (xrf2)  }
0x2ca: {  	(xrf2) =	vadd.scan.msk.f32 $0xffff, v14;
	v18, _, _ =	vpop (xrf2);
	(v2sf) =	vpush v17, $0xF  }
0x2cb: {  	(xrf2) =	vadd.scan.msk.f32 $0xffff, v15;
	v17, _, _ =	vpop (xrf2);
	(v2sf) =	vpush v18, $0xF  }
0x2cc: {  	(xrf2) =	vadd.scan.msk.f32 $0xffff, v16;
	v18, _, _ =	vpop (xrf2);
	(v2sf) =	vpush v17, $0xF  }
0x2cd: {  	v17, _, _ =	vpop (xrf2);
	(v2sf) =	vpush v18, $0xF  }
0x2ce: {  	(v2sf) =	vpush v17, $0xF  }
0x2cf: {  	v18, _, _ =	vpop (xrf2)  }
0x2d0: {  	v17, _, _ =	vpop (xrf2);
	(v2sf) =	vpush v18, $0xF  }
0x2d1: {  	(v2sf) =	vpush v17, $0xF;
	_ =	sdelay $0x1  }
0x2d2: {  	v18, _, _ =	vpop (xrf2)  }
0x2d3: {  	v17, _, _ =	vpop (xrf2);
	(v2sf) =	vpush v18, $0xF;
	s11 =	spop (v2sf)  }
0x2d4: {  	v18, _, _ =	vpop (xrf2);
	(v2sf) =	vpush v17, $0xF;
	s12 =	spop (v2sf)  }
0x2d5: {  	(v2sf) =	vpush v18, $0xF;
	v17, _, _ =	vpop (xrf2);
	s15 =	spop (v2sf)  }
0x2d6: {  	(v2sf) =	vpush v17, $0xF;
	s7 =	sadd.f32 s12, s11;
	s28 =	spop (v2sf)  }
0x2d7: {  	s30 =	spop (v2sf)  }
0x2d8: {  	v17 =	vmov s7;
	s11 =	spop (v2sf)  }
0x2d9: {  	(erf) = vrcp.f32 v17;
	s8 =	sadd.f32 s28, s15;
	s15 =	spop (v2sf)  }
0x2da: {  	s28 =	spop (v2sf)  }
0x2db: {  	s7 =	sadd.f32 s11, s30;
	v17 =	vmov s8;
	s30 =	spop (v2sf)  }
0x2dc: {  	(erf) = vrcp.f32 v17;
	s8 =	sadd.f32 s28, s15;
	s11 =	spop (v2sf)  }
0x2dd: {  	v17 =	vmov s7;
	s7 =	sadd.f32 s11, s30  }
0x2de: {  	(erf) = vrcp.f32 v17;
	s15 =	spop (v2sf);
	v17 =	vmov s8  }
0x2df: {  	s28 =	spop (v2sf);
	(erf) = vrcp.f32 v17;
	v17 =	vmov s7  }
0x2e0: {  	s8 =	sadd.f32 s28, s15;
	_ =	sdelay $0x1  }
0x2e1: {  	s30 =	spop (v2sf);
	(erf) = vrcp.f32 v17;
	v18 =	vmov s8;
	v17 =	vpop (erf)  }
0x2e2: {  	s11 =	spop (v2sf);
	v7 =	vmul.f32 v17, v7  }
0x2e3: {  	s15 =	spop (v2sf);
	s7 =	sadd.f32 s11, s30  }
0x2e4: {  	s28 =	spop (v2sf);
	(erf) = vrcp.f32 v18;
	v18 =	vpop (erf)  }
0x2e5: {  	s8 =	sadd.f32 s28, s15;
	v19 =	vmov s7;
	v9 =	vmul.f32 v17, v9;
	v5 =	vmul.f32 v18, v5  }
0x2e6: {  	(erf) = vrcp.f32 v19;
	[tilespmem:$0x14000] =	vst v7;
	v7 =	vpop (erf)  }
0x2e7: {  	v17 =	vmov s8;
	[tilespmem:$0x14010] =	vst v9;
	v6 =	vmul.f32 v18, v6;
	v4 =	vmul.f32 v7, v4  }
0x2e8: {  	(erf) = vrcp.f32 v17;
	[tilespmem:$0x14020] =	vst v5  }
0x2e9: {  	[tilespmem:$0x14030] =	vst v6;
	v3 =	vmul.f32 v7, v3;
	v5 =	vpop (erf)  }
0x2ea: {  	[tilespmem:$0x14040] =	vst v4;
	v2 =	vmul.f32 v5, v2  }
0x2eb: {  	[tilespmem:$0x14050] =	vst v3;
	v1 =	vmul.f32 v5, v1;
	v4 =	vpop (erf)  }
0x2ec: {  	[tilespmem:$0x14060] =	vst v2;
	v2 =	vmul.f32 v4, v8  }
0x2ed: {  	[tilespmem:$0x14070] =	vst v1;
	v3 =	vpop (erf);
	v1 =	vmul.f32 v4, v10  }
0x2ee: {  	[tilespmem:$0x14080] =	vst v2;
	v2 =	vmul.f32 v3, v11  }
0x2ef: {  	v4 =	vpop (erf);
	[tilespmem:$0x14090] =	vst v1;
	v1 =	vmul.f32 v3, v12  }
0x2f0: {  	[tilespmem:$0x140A0] =	vst v2;
	v2 =	vmul.f32 v4, v13  }
0x2f1: {  	v3 =	vpop (erf);
	[tilespmem:$0x140B0] =	vst v1;
	v1 =	vmul.f32 v4, v14  }
0x2f2: {  	[tilespmem:$0x140C0] =	vst v2;
	v2 =	vmul.f32 v3, v15  }
0x2f3: {  	s30 =	simm.s32 $0x0;
	[tilespmem:$0x140D0] =	vst v1;
	v1 =	vmul.f32 v3, v16  }
0x2f4: {  	v38 =	vimm.f32 $0.0e+00;
	v36 =	vimm.f32 $0.0e+00;
	v3 =	vmov s30;
	[tilespmem:$0x140E0] =	vst v2  }
0x2f5: {  	v39 =	vimm.f32 $0.0e+00;
	v24 =	vimm.f32 $0.0e+00;
	v5 =	vand.u32 $0x1F, v3;
	[tilespmem:$0x140F0] =	vst v1  }
0x2f6: {  	v35 =	vimm.f32 $0.0e+00;
	v32 =	vimm.f32 $0.0e+00;
	v6 =	vor.u32 $0x20, v5;
	v2 =	vld [tilespmem:s16+$0x10]  }
0x2f7: {  	v37 =	vimm.f32 $0.0e+00;
	v27 =	vimm.f32 $0.0e+00;
	v8 =	vor.u32 $0x60, v5;
	v4 =	vld [tilespmem:s16+$0xFFFFFFE0]  }
0x2f8: {  	v25 =	vimm.f32 $0.0e+00;
	v26 =	vimm.f32 $0.0e+00;
	v14 =	vor.u32 $0xA0, v5;
	v7 =	vld [tilespmem:s16+$0xFFFFFFF0]  }
0x2f9: {  	v31 =	vimm.f32 $0.0e+00;
	v23 =	vimm.f32 $0.0e+00;
	v11 =	vor.u32 $0x80, v5;
	v3 =	vld.idx.msk [tilespmem:v3+s0+$0x0], $0xffff  }
0x2fa: {  	v21 =	vimm.f32 $0.0e+00;
	v22 =	vimm.f32 $0.0e+00;
	v12 =	vor.u32 $0xC0, v5;
	v1 =	vld [tilespmem:s16+$0x0]  }
0x2fb: {  	v20 =	vimm.f32 $0.0e+00;
	v19 =	vimm.f32 $0.0e+00;
	v18 =	vimm.f32 $0.0e+00;
	v43 =	vld.idx.msk [tilespmem:v6+s0+$0x0], $0xffff  }
0x2fc: {  	v17 =	vimm.f32 $0.0e+00;
	v13 =	vimm.f32 $0.0e+00;
	v16 =	vimm.f32 $0.0e+00;
	v41 =	vld.idx.msk [tilespmem:v8+s0+$0x0], $0xffff  }
0x2fd: {  	v15 =	vimm.f32 $0.0e+00;
	v9 =	vor.u32 $0xE0, v5;
	v6 =	vor.u32 $0x40, v5;
	v28 =	vld.idx.msk [tilespmem:v14+s0+$0x0], $0xffff  }
0x2fe: {  	v14 =	vimm.f32 $0.0e+00;
	v40 =	vld.idx.msk [tilespmem:v11+s0+$0x0], $0xffff;
	v11 =	vimm.f32 $0.0e+00;
	v8 =	vmul.f32 v3, v4  }
0x2ff: {  	v29 =	vld.idx.msk [tilespmem:v12+s0+$0x0], $0xffff;
	v12 =	vimm.f32 $0.0e+00;
	v5 =	vmul.f32 v3, v7;
	v10 =	vmul.f32 v3, v1  }
0x300: {  	v46 =	vmul.f32 v3, v2;
	v3 =	vimm.f32 $0.0e+00;
	v33 =	vadd.f32 v8, v24  }
0x301: {  	v47 =	vmul.f32 v43, v4;
	v45 =	vmul.f32 v43, v7;
	v34 =	vadd.f32 v5, v24  }
0x302: {  	v30 =	vadd.f32 v10, v24;
	v44 =	vmul.f32 v41, v4;
	v8 =	vimm.f32 $0.0e+00;
	v5 =	vld.idx.msk [tilespmem:v9+s0+$0x0], $0xffff  }
0x303: {  	s11 =	smov.u32 s16;
	s8 =	simm.s32 $0x1;
	v10 =	vimm.f32 $0.0e+00;
	v42 =	vld.idx.msk [tilespmem:v6+s0+$0x0], $0xffff;
	v6 =	vimm.f32 $0.0e+00;
	v9 =	vimm.f32 $0.0e+00  }
.LBB2_19:
0x304: {  	p0 =	sne.s32 s8, $0x1F  }
0x305: {  	v24 =	vadd.f32 v47, v24;
	v47 =	vmul.f32 v43, v1;
	v48 =	vmul.f32 v41, v7;
	s11 =	sadd.s32 $0x200, s11;
	s7 =	smov.u32 s8;
	s8 =	sadd.s32 $0x1, s8  }
0x306: {  	v37 =	vadd.f32 v46, v37;
	v22 =	vadd.f32 v44, v22;
	v44 =	vmul.f32 v41, v1  }
0x307: {  	v43 =	vmul.f32 v43, v2;
	v46 =	vmul.f32 v5, v2;
	v21 =	vadd.f32 v48, v21  }
0x308: {  	v35 =	vadd.f32 v45, v35;
	v19 =	vadd.f32 v44, v19;
	v44 =	vmul.f32 v40, v7  }
0x309: {  	v41 =	vmul.f32 v41, v2;
	v3 =	vadd.f32 v46, v3;
	v45 =	vmul.f32 v29, v7  }
0x30a: {  	v31 =	vadd.f32 v43, v31;
	v43 =	vmul.f32 v42, v1;
	v17 =	vadd.f32 v44, v17  }
0x30b: {  	v20 =	vadd.f32 v41, v20;
	v41 =	vmul.f32 v40, v2;
	v8 =	vadd.f32 v45, v8  }
0x30c: {  	v27 =	vadd.f32 v43, v27;
	v43 =	vmul.f32 v29, v4;
	v44 =	vmul.f32 v42, v7  }
0x30d: {  	v38 =	vadd.f32 v47, v38;
	v16 =	vadd.f32 v41, v16;
	v41 =	vmul.f32 v28, v7  }
0x30e: {  	v46 =	vmul.f32 v28, v2;
	v45 =	vmul.f32 v42, v2;
	v10 =	vadd.f32 v43, v10  }
0x30f: {  	v43 =	vmov s7;
	v36 =	vadd.f32 v44, v36;
	v44 =	vmul.f32 v5, v1  }
0x310: {  	v48 =	vmul.f32 v5, v4;
	v47 =	vand.u32 $0x1F, v43;
	v13 =	vadd.f32 v41, v13  }
0x311: {  	v51 =	vmul.f32 v28, v1;
	v41 =	vor.u32 $0x20, v47;
	v50 =	vor.u32 $0x40, v47;
	v49 =	vld [tilespmem:s11+$0x10]  }
0x312: {  	v42 =	vmul.f32 v42, v4;
	v53 =	vor.u32 $0x60, v47;
	v54 =	vor.u32 $0x80, v47;
	v52 =	vld [tilespmem:s11+$0x0]  }
0x313: {  	v58 =	vmul.f32 v40, v1;
	v56 =	vor.u32 $0xC0, v47;
	v57 =	vor.u32 $0xE0, v47;
	v55 =	vld [tilespmem:s11+$0xFFFFFFE0]  }
0x314: {  	v2 =	vmul.f32 v29, v2;
	v32 =	vadd.f32 v45, v32;
	v6 =	vadd.f32 v44, v6;
	v59 =	vld.idx.msk [tilespmem:v43+s0+$0x0], $0xffff  }
0x315: {  	v14 =	vadd.f32 v46, v14;
	v39 =	vadd.f32 v42, v39;
	v44 =	vor.u32 $0xA0, v47;
	v60 =	vld [tilespmem:s11+$0xFFFFFFF0]  }
0x316: {  	v40 =	vmul.f32 v40, v4;
	v18 =	vadd.f32 v51, v18;
	v45 =	vmul.f32 v28, v4;
	v43 =	vld.idx.msk [tilespmem:v41+s0+$0x0], $0xffff  }
0x317: {  	v9 =	vadd.f32 v48, v9;
	v7 =	vmul.f32 v5, v7;
	v28 =	vmul.f32 v29, v1;
	v41 =	vld.idx.msk [tilespmem:v53+s0+$0x0], $0xffff  }
0x318: {  	v25 =	vadd.f32 v40, v25;
	v11 =	vadd.f32 v2, v11;
	v2 =	vmovc v49;
	v1 =	vmov v52;
	v5 =	vld.idx.msk [tilespmem:v57+s0+$0x0], $0xffff  }
.Ltmp12:
0x319: {  	v23 =	vadd.f32 v45, v23;
	v15 =	vadd.f32 v28, v15;
	v4 =	vmov v55;
	v42 =	vld.idx.msk [tilespmem:v50+s0+$0x0], $0xffff;
	(pc) =	sbr.rel @p0 .LBB2_19-.Ltmp12, $4  }
0x31a: {  	v26 =	vadd.f32 v58, v26;
	v29 =	vmul.f32 v59, v4;
	v48 =	vmul.f32 v59, v60;
	v28 =	vld.idx.msk [tilespmem:v44+s0+$0x0], $0xffff  }
0x31b: {  	v12 =	vadd.f32 v7, v12;
	v46 =	vmul.f32 v59, v2;
	v44 =	vmul.f32 v59, v1;
	v40 =	vld.idx.msk [tilespmem:v54+s0+$0x0], $0xffff  }
0x31c: {  	v33 =	vadd.f32 v29, v33;
	v47 =	vmul.f32 v43, v4;
	v45 =	vmul.f32 v43, v60;
	v29 =	vld.idx.msk [tilespmem:v56+s0+$0x0], $0xffff  }
0x31d: {  	v7 =	vmovc v60;
	v34 =	vadd.f32 v48, v34;
	v30 =	vadd.f32 v44, v30;
	v44 =	vmul.f32 v41, v4  }
0x31e: {  	[tilespmem:s5+$0x13000] =	vst v33  }
0x31f: {  	v57 =	vadd.f32 v46, v37;
	[tilespmem:s5+$0x13010] =	vst v34  }
0x320: {  	v24 =	vadd.f32 v47, v24;
	[tilespmem:s5+$0x13020] =	vst v30  }
0x321: {  	v58 =	vmul.f32 v43, v1;
	v35 =	vadd.f32 v45, v35;
	[tilespmem:s5+$0x13030] =	vst v57  }
0x322: {  	v59 =	vmul.f32 v43, v2;
	v22 =	vadd.f32 v44, v22;
	[tilespmem:s5+$0x13200] =	vst v24  }
0x323: {  	v61 =	vmul.f32 v42, v4;
	v60 =	vadd.f32 v58, v38;
	[tilespmem:s5+$0x13210] =	vst v35  }
0x324: {  	v63 =	vmul.f32 v42, v7;
	v62 =	vadd.f32 v59, v31;
	[tilespmem:s5+$0x13600] =	vst v22  }
0x325: {  	v37 =	vmul.f32 v42, v1;
	v34 =	vadd.f32 v61, v39;
	[tilespmem:s5+$0x13220] =	vst v60  }
0x326: {  	v45 =	vmul.f32 v41, v1;
	v30 =	vadd.f32 v63, v36;
	[tilespmem:s5+$0x13230] =	vst v62  }
0x327: {  	v46 =	vmul.f32 v41, v2;
	v39 =	vadd.f32 v37, v27;
	[tilespmem:s5+$0x13400] =	vst v34  }
0x328: {  	v53 =	vmul.f32 v28, v7;
	v19 =	vadd.f32 v45, v19;
	[tilespmem:s5+$0x13410] =	vst v30  }
0x329: {  	v55 =	vmul.f32 v28, v2;
	v20 =	vadd.f32 v46, v20;
	[tilespmem:s5+$0x13420] =	vst v39  }
0x32a: {  	v38 =	vmul.f32 v42, v2;
	v13 =	vadd.f32 v53, v13;
	[tilespmem:s5+$0x13620] =	vst v19  }
0x32b: {  	v42 =	vmul.f32 v41, v7;
	v14 =	vadd.f32 v55, v14;
	[tilespmem:s5+$0x13630] =	vst v20  }
0x32c: {  	v47 =	vmul.f32 v40, v4;
	v43 =	vadd.f32 v38, v32;
	[tilespmem:s5+$0x13A10] =	vst v13  }
0x32d: {  	v48 =	vmul.f32 v40, v7;
	v21 =	vadd.f32 v42, v21;
	[tilespmem:s5+$0x13A30] =	vst v14  }
0x32e: {  	v51 =	vmul.f32 v40, v2;
	v50 =	vadd.f32 v47, v25;
	[tilespmem:s5+$0x13430] =	vst v43  }
0x32f: {  	v52 =	vmul.f32 v28, v4;
	v17 =	vadd.f32 v48, v17;
	[tilespmem:s5+$0x13610] =	vst v21  }
0x330: {  	v61 =	vmul.f32 v5, v7;
	v16 =	vadd.f32 v51, v16;
	[tilespmem:s5+$0x13800] =	vst v50  }
0x331: {  	v56 =	vmul.f32 v29, v4;
	v20 =	vadd.f32 v52, v23;
	[tilespmem:s5+$0x13810] =	vst v17  }
0x332: {  	v57 =	vmul.f32 v29, v7;
	v63 =	vadd.f32 v61, v12;
	[tilespmem:s5+$0x13830] =	vst v16  }
0x333: {  	v58 =	vmul.f32 v29, v1;
	v10 =	vadd.f32 v56, v10;
	[tilespmem:s5+$0x13A00] =	vst v20  }
0x334: {  	v54 =	vmul.f32 v28, v1;
	v59 =	vmul.f32 v29, v2;
	v8 =	vadd.f32 v57, v8;
	[tilespmem:s5+$0x13E10] =	vst v63  }
0x335: {  	v49 =	vmul.f32 v40, v1;
	v1 =	vmul.f32 v5, v1;
	v13 =	vadd.f32 v58, v15;
	[tilespmem:s5+$0x13C00] =	vst v10  }
0x336: {  	v2 =	vmul.f32 v5, v2;
	v62 =	vadd.f32 v59, v11;
	[tilespmem:s5+$0x13C10] =	vst v8  }
0x337: {  	s3 =	sadd.s32 $0x1, s3;
	v1 =	vadd.f32 v1, v6;
	[tilespmem:s5+$0x13C20] =	vst v13  }
0x338: {  	p0 =	sne.s32 s3, $0x8;
	v2 =	vadd.f32 v2, v3;
	[tilespmem:s5+$0x13C30] =	vst v62  }
.Ltmp13:
0x339: {  	v60 =	vmul.f32 v5, v4;
	v21 =	vadd.f32 v49, v26;
	[tilespmem:s5+$0x13E20] =	vst v1;
	(pc) =	sbr.rel @p0 .LBB2_16-.Ltmp13, $4  }
0x33a: {  	v17 =	vadd.f32 v54, v18;
	[tilespmem:s5+$0x13E30] =	vst v2  }
0x33b: {  	v4 =	vadd.f32 v60, v9;
	[tilespmem:s5+$0x13820] =	vst v21  }
0x33c: {  	[tilespmem:s5+$0x13A20] =	vst v17  }
0x33d: {  	s22 =	sadd.s32 $0x840, s22;
	s17 =	sadd.s32 $0x40, s17;
	s16 =	sadd.s32 $0x40, s16;
	[tilespmem:s5+$0x13E00] =	vst v4  }
0x33e: {  	s3 =	sadd.s32 s10, s18;
	s5 =	simm.s32 $0x18358  }
0x33f: {  	[tilespmem:s5], [sflag:$0x5] =	stream.linear.gather [hbm4b:s3+s2], $0x8, $0x38;
	[tilespmem:$0x18360] =	vst v63  }
.Ltmp14:
0x340: {  	_ = 	snop;
	(pc) =	sbr.rel .LBB2_22-.Ltmp14, $4  }
0x341: {  	_ =	swait.ge [sflag:s19], $0x8  }
0x342: {  	[sflag:s19] =	ssyncset.done $0x0  }
0x343: {  	s7 =	simm.s32 $0x13000;
	s30 =	rddreg [dreg:$0x7];
	[sflag:s19] =	ssyncadd.s32 $0xFFFFFFF8  }
0x344: {  	[hbm4b:s30+s23] =	stream.indirect.scatter [tilespmem:s7], [sflag:$0x4], $0x200, s5, s23, $0xb8;
	[tilespmem:$0x18360] =	vst v63  }
.LBB2_24:
0x345: {  	_ =	sfence.sel $0x180000  }
0x346: {  	[bflag:$0x0] =	sbarrier.arrive $0xFFFF  }
0x347: {  	_ =	strace $0x90000047  }
0x348: {  	s0 =	stileid.u32;
	[bflag:$0x2] =	sbarrier.arrive $0xFFFF  }
0x349: {  	p0 =	sne.s32 s0, $0x0;
	s0 =	rddreg [dreg:$0x2]  }
0x34a: {  	s0 =	sadd.s32 @!p0 $0x100000, s0  }
0x34b: {  	[sflag:s0] =	ssyncadd.tile.s32 @!p0 $0x1;
	_ =	shalt  }
.Lfunc_end2:
_tile_overlayer_lowered:
.L_overlay_start_2:
0x34c: {  	(tag) =	ssettag $0x2  }
0x34d: {  	s0 =	rddreg [dreg:$0x0];
	s2 =	stileid.u32  }
0x34e: {  	s1 =	rddreg [dreg:$0x1];
	p0 =	sne.s32 s2, $0x0  }
0x34f: {  	s3 =	rddreg [dreg:$0x2];
	[bflag:$0x3] =	sbarrier.arrive $0xFFFF;
	s2 =	simm.s32 @!p0 $0x1C05  }
0x350: {  	[timem:s3], [sflag:s2] =	dma.local @!p0 [hbm:s0], s1  }
0x351: {  	s0 =	simm.s32 @!p0 $0x5  }
0x352: {  	_ =	swait.ge @!p0 [sflag:s0], s1  }
0x353: {  	s1 =	ssub.s32 @!p0 $0x0, s1;
	[sflag:s0] =	ssyncset.done @!p0 $0x0  }
0x354: {  	[sflag:s0] =	ssyncadd.s32 @!p0 s1  }
0x355: {  	[bflag:$0x3] =	sbarrier.arrive $0xFFFF  }
0x356: {  	_ =	shalt  }

</sc_bundles>
